<compile_context>
chip_gen: v7x
topology: tpu7x:2x2x1
jax: 0.10.2.dev20260603
libtpu: 0.0.44.dev20260713+nightly
codegen_flags: <defaults>
</compile_context>

<pallas_src>
import functools
import math

import jax
import jax.numpy as jnp
from jax import lax
from jax.experimental import pallas as pl
from jax.experimental.pallas import tpu as pltpu
from jax.experimental.pallas import tpu_sc as plsc

N_NODES = 50000
N_EDGES = 800000
HID = 64
N_GRAPHS = 64

NC = 2
NS = 16
R = 25024
NPAD = NC * R
ACC_ROWS = 25160
TRASH = R
CHUNK = 128
IDXCH = 12
SUP = 3
NIG = 33
NCH = IDXCH * NIG
EPAD = NS * NCH * CHUNK
EROWS = EPAD // CHUNK
NCHP = NCH + IDXCH
LROWS = NS * NCHP
ZROWS = R // NS

_BN_S = 1.0 / math.sqrt(1.0 + 1e-5)



def _sc_mesh():
    return plsc.VectorSubcoreMesh(core_axis_name="c", subcore_axis_name="s")


def _remap_dst(dstb, base):
    for r in range(IDXCH):
        def remap(i, _, r=r):
            c = i * 16
            d = dstb[r, pl.ds(c, 16)]
            ok = (d >= base) & (d < base + R)
            dstb[r, pl.ds(c, 16)] = jnp.where(ok, d - base,
                                              TRASH + (d & 127))
            return 0

        lax.fori_loop(0, CHUNK // 16, remap, 0)


def _copy_out_stripes(sid, base, srcs_dsts):
    big = 1568

    @pl.when(sid < NS - 1)
    def _copy_big():
        for s, d in srcs_dsts:
            pltpu.sync_copy(s.at[pl.ds(sid * big, big)],
                            d.at[pl.ds(base + sid * big, big)])

    @pl.when(sid == NS - 1)
    def _copy_last():
        last = R - (NS - 1) * big
        for s, d in srcs_dsts:
            pltpu.sync_copy(s.at[pl.ds((NS - 1) * big, last)],
                            d.at[pl.ds(base + (NS - 1) * big, last)])


def _sc_spmv_body(h_hbm, src2d_hbm, dstloc_hbm, z64_hbm, ah_out,
                  srcb, dstb, rows, acc, gsem, ssem):
    cid = lax.axis_index("c")
    sid = lax.axis_index("s")
    base = cid * R

    pltpu.sync_copy(z64_hbm, acc.at[pl.ds(sid * ZROWS, ZROWS)])
    plsc.subcore_barrier()

    def group_body(g, _):
        row0 = sid * NCH + g * IDXCH
        ld0 = pltpu.async_copy(src2d_hbm.at[pl.ds(row0, IDXCH)], srcb,
                               gsem)
        ld1 = pltpu.async_copy(dstloc_hbm.at[cid, pl.ds(row0, IDXCH)],
                               dstb, gsem)
        ld0.wait()
        ld1.wait()
        gd = [None] * IDXCH
        sd = [None] * IDXCH
        for j in range(IDXCH):
            if j >= SUP:
                sd[j - SUP].wait()
            gd[j] = pltpu.async_copy(h_hbm.at[srcb.at[j]],
                                     rows.at[j % SUP], gsem)
            if j >= 1:
                gd[j - 1].wait()
                sd[j - 1] = pltpu.async_copy(rows.at[(j - 1) % SUP],
                                             acc.at[dstb.at[j - 1]], ssem,
                                             add=True)
        gd[IDXCH - 1].wait()
        sd[IDXCH - 1] = pltpu.async_copy(rows.at[(IDXCH - 1) % SUP],
                                         acc.at[dstb.at[IDXCH - 1]], ssem,
                                         add=True)
        for j in range(IDXCH - SUP, IDXCH):
            sd[j].wait()
        return 0

    lax.fori_loop(0, NIG, group_body, 0)
    plsc.subcore_barrier()
    _copy_out_stripes(sid, base, [(acc, ah_out)])


_sc_spmv = pl.kernel(
    _sc_spmv_body,
    mesh=_sc_mesh(),
    out_type=jax.ShapeDtypeStruct((NPAD, HID), jnp.float32),
    scratch_types=[
        pltpu.VMEM((IDXCH, CHUNK), jnp.int32),
        pltpu.VMEM((IDXCH, CHUNK), jnp.int32),
        pltpu.VMEM((SUP, CHUNK, HID), jnp.float32),
        pltpu.VMEM_SHARED((ACC_ROWS, HID), jnp.float32),
        pltpu.SemaphoreType.DMA,
        pltpu.SemaphoreType.DMA,
    ],
    compiler_params=pltpu.CompilerParams(use_tc_tiling_on_sc=False),
)


def _sc_deg_body(dst2d_hbm, z16_hbm, one16_hbm, deg_out, dstloc_out,
                 dstb, onesb, dacc, ssem):
    cid = lax.axis_index("c")
    sid = lax.axis_index("s")
    base = cid * R

    pltpu.sync_copy(z16_hbm, dacc.at[pl.ds(sid * ZROWS, ZROWS)])
    pltpu.sync_copy(one16_hbm, onesb)
    plsc.subcore_barrier()

    def group_body(g, _):
        row0 = sid * NCH + g * IDXCH
        pltpu.sync_copy(dst2d_hbm.at[pl.ds(row0, IDXCH)], dstb)
        _remap_dst(dstb, base)
        pltpu.sync_copy(dstb, dstloc_out.at[cid, pl.ds(row0, IDXCH)])
        sd = [pltpu.async_copy(onesb, dacc.at[dstb.at[b]], ssem, add=True)
              for b in range(IDXCH)]
        for d in sd:
            d.wait()
        return 0

    lax.fori_loop(0, NIG, group_body, 0)
    plsc.subcore_barrier()
    _copy_out_stripes(sid, base, [(dacc, deg_out)])


_sc_deg = pl.kernel(
    _sc_deg_body,
    mesh=_sc_mesh(),
    out_type=[
        jax.ShapeDtypeStruct((NPAD, 16), jnp.float32),
        jax.ShapeDtypeStruct((NC, EROWS, CHUNK), jnp.int32),
    ],
    scratch_types=[
        pltpu.VMEM((IDXCH, CHUNK), jnp.int32),
        pltpu.VMEM((CHUNK, 16), jnp.float32),
        pltpu.VMEM_SHARED((ACC_ROWS, 16), jnp.float32),
        pltpu.SemaphoreType.DMA,
    ],
    compiler_params=pltpu.CompilerParams(use_tc_tiling_on_sc=False),
)



NB = 3128
NBLK = NPAD // NB


def _tc_dense1_body(h_ref, w_ref, b_ref, a_ref, be_ref, o_ref):
    z = jnp.dot(h_ref[...], w_ref[...], preferred_element_type=jnp.float32)
    z = jax.nn.relu(z + b_ref[...])
    o_ref[...] = z * a_ref[...] + be_ref[...]


def _tc_dense1(hp, wT, b, a, be):
    return pl.pallas_call(
        _tc_dense1_body,
        grid=(NBLK,),
        in_specs=[
            pl.BlockSpec((NB, hp.shape[1]), lambda i: (i, 0)),
            pl.BlockSpec(wT.shape, lambda i: (0, 0)),
            pl.BlockSpec((1, HID), lambda i: (0, 0)),
            pl.BlockSpec((1, HID), lambda i: (0, 0)),
            pl.BlockSpec((1, HID), lambda i: (0, 0)),
        ],
        out_specs=pl.BlockSpec((NB, HID), lambda i: (i, 0)),
        out_shape=jax.ShapeDtypeStruct((NPAD, HID), jnp.float32),
    )(hp, wT, b, a, be)


def _tc_mid_body(t_ref, ah_ref, deg_ref, w2a_ref, w2b_ref, b2_ref, a2_ref,
                 be2_ref, w1_ref, b1_ref, a1_ref, be1_ref, o_ref):
    t = t_ref[...]
    deg = deg_ref[...][:, 0:1]
    u = jnp.dot(t * deg, w2a_ref[...], preferred_element_type=jnp.float32)
    u = u + jnp.dot(ah_ref[...], w2b_ref[...],
                    preferred_element_type=jnp.float32)
    u = jax.nn.relu(u + b2_ref[...])
    z = u * a2_ref[...] + be2_ref[...]
    r = jax.nn.relu(z)
    v = jnp.dot(r, w1_ref[...], preferred_element_type=jnp.float32)
    v = jax.nn.relu(v + b1_ref[...])
    o_ref[...] = v * a1_ref[...] + be1_ref[...]


def _tc_mid(t, ah, deg16, w2aT, w2bT, b2, a2, be2, w1T, b1, a1, be1):
    vec = pl.BlockSpec((1, HID), lambda i: (0, 0))
    return pl.pallas_call(
        _tc_mid_body,
        grid=(NBLK,),
        in_specs=[
            pl.BlockSpec((NB, HID), lambda i: (i, 0)),
            pl.BlockSpec((NB, HID), lambda i: (i, 0)),
            pl.BlockSpec((NB, 16), lambda i: (i, 0)),
            pl.BlockSpec((HID, HID), lambda i: (0, 0)),
            pl.BlockSpec((HID, HID), lambda i: (0, 0)),
            vec, vec, vec,
            pl.BlockSpec((HID, HID), lambda i: (0, 0)),
            vec, vec, vec,
        ],
        out_specs=pl.BlockSpec((NB, HID), lambda i: (i, 0)),
        out_shape=jax.ShapeDtypeStruct((NPAD, HID), jnp.float32),
    )(t, ah, deg16, w2aT, w2bT, b2, a2, be2, w1T, b1, a1, be1)


def _tc_final_body(t_ref, ah_ref, deg_ref, batch_ref, w2a_ref, w2b_ref,
                   b2_ref, a2_ref, be2_ref, wc1_ref, bc1_ref, ac_ref,
                   bec_ref, wc2_ref, bc2_ref, o_ref, pool_acc, cnt_acc):
    i = pl.program_id(0)

    @pl.when(i == 0)
    def _init():
        pool_acc[...] = jnp.zeros_like(pool_acc)
        cnt_acc[...] = jnp.zeros_like(cnt_acc)

    t = t_ref[...]
    deg = deg_ref[...][:, 0:1]
    u = jnp.dot(t * deg, w2a_ref[...], preferred_element_type=jnp.float32)
    u = u + jnp.dot(ah_ref[...], w2b_ref[...],
                    preferred_element_type=jnp.float32)
    u = jax.nn.relu(u + b2_ref[...])
    u = u * a2_ref[...] + be2_ref[...]

    gids = lax.broadcasted_iota(jnp.int32, (1, N_GRAPHS), 1)
    oh = (batch_ref[...] == gids).astype(jnp.float32)
    dn = (((0,), (0,)), ((), ()))
    pool_acc[...] += lax.dot_general(oh, u, dn,
                                     preferred_element_type=jnp.float32)
    ones = jnp.ones((NB, 8), jnp.float32)
    cnt_acc[...] += lax.dot_general(oh, ones, dn,
                                    preferred_element_type=jnp.float32)

    @pl.when(i == NBLK - 1)
    def _finish():
        cnt = jnp.maximum(cnt_acc[...][:, 0:1], 1.0)
        pooled = pool_acc[...] / cnt
        c = jnp.dot(pooled, wc1_ref[...], preferred_element_type=jnp.float32)
        c = jax.nn.relu(c + bc1_ref[...])
        c = c * ac_ref[...] + bec_ref[...]
        lg = jnp.dot(c, wc2_ref[...], preferred_element_type=jnp.float32)
        lg = lg + bc2_ref[...]
        m = jnp.max(lg, axis=1, keepdims=True)
        lse = m + jnp.log(jnp.sum(jnp.exp(lg - m), axis=1, keepdims=True))
        o_ref[...] = lg - lse


def _tc_final(t, ah, deg16, batch2d, w2aT, w2bT, b2, a2, be2,
              wc1T, bc1, ac, bec, wc2T, bc2):
    vec = pl.BlockSpec((1, HID), lambda i: (0, 0))
    return pl.pallas_call(
        _tc_final_body,
        grid=(NBLK,),
        in_specs=[
            pl.BlockSpec((NB, HID), lambda i: (i, 0)),
            pl.BlockSpec((NB, HID), lambda i: (i, 0)),
            pl.BlockSpec((NB, 16), lambda i: (i, 0)),
            pl.BlockSpec((NB, 1), lambda i: (i, 0)),
            pl.BlockSpec((HID, HID), lambda i: (0, 0)),
            pl.BlockSpec((HID, HID), lambda i: (0, 0)),
            vec, vec, vec,
            pl.BlockSpec((HID, HID), lambda i: (0, 0)),
            vec, vec, vec,
            pl.BlockSpec((HID, 16), lambda i: (0, 0)),
            pl.BlockSpec((1, 16), lambda i: (0, 0)),
        ],
        out_specs=pl.BlockSpec((N_GRAPHS, 16), lambda i: (0, 0)),
        out_shape=jax.ShapeDtypeStruct((N_GRAPHS, 16), jnp.float32),
        scratch_shapes=[
            pltpu.VMEM((N_GRAPHS, HID), jnp.float32),
            pltpu.VMEM((N_GRAPHS, 8), jnp.float32),
        ],
    )(t, ah, deg16, batch2d, w2aT, w2bT, b2, a2, be2,
      wc1T, bc1, ac, bec, wc2T, bc2)



def _row(v):
    return jnp.reshape(v, (1, -1)).astype(jnp.float32)


def kernel(x, pos_enc, edge_index, batch, params):
    p = params
    f32 = jnp.float32

    h0 = jnp.concatenate([x, pos_enc], axis=-1).astype(f32)
    h0p = jnp.zeros((NPAD, 16), f32).at[:N_NODES, :h0.shape[1]].set(h0)

    src = edge_index[0].astype(jnp.int32)
    dst = edge_index[1].astype(jnp.int32)
    pad_e = EPAD - N_EDGES
    srcp = jnp.concatenate(
        [src, jnp.zeros((pad_e,), jnp.int32)]).reshape(EROWS, CHUNK)
    dstp = jnp.concatenate(
        [dst, jnp.full((pad_e,), 1 << 29, jnp.int32)]).reshape(EROWS, CHUNK)

    batchp = jnp.concatenate(
        [batch.astype(jnp.int32), jnp.full((NPAD - N_NODES,), N_GRAPHS,
                                           jnp.int32)]).reshape(NPAD, 1)

    z64 = jnp.zeros((ZROWS, HID), f32)
    z16 = jnp.zeros((ZROWS, 16), f32)
    one16 = jnp.ones((CHUNK, 16), f32)

    def bn_vecs(pre, k):
        g = p[pre + "_g" + k] * _BN_S
        return (_row(p[pre + "_b" + k]), _row(g), _row(p[pre + "_be" + k]))

    w1c1 = jnp.zeros((16, HID), f32).at[:9, :].set(p["c1_W1"].T)
    b1, a1, be1 = bn_vecs("c1", "1")
    t1 = _tc_dense1(h0p, w1c1, b1, a1, be1)

    deg16, dstloc = _sc_deg(dstp, z16, one16)
    ah1 = _sc_spmv(t1, srcp, dstloc, z64)

    def mid(t, ah, pre_out, pre_in):
        w2 = p[pre_out + "_W2"]
        w2aT = w2[:, :HID].T.astype(f32)
        w2bT = w2[:, HID:].T.astype(f32)
        b2, a2, be2 = bn_vecs(pre_out, "2")
        w1T = p[pre_in + "_W1"].T.astype(f32)
        b1n, a1n, be1n = bn_vecs(pre_in, "1")
        return _tc_mid(t, ah, deg16, w2aT, w2bT, b2, a2, be2,
                       w1T, b1n, a1n, be1n)

    t2 = mid(t1, ah1, "c1", "c2")
    t3 = mid(t2, _sc_spmv(t2, srcp, dstloc, z64), "c2", "c3")
    ah3 = _sc_spmv(t3, srcp, dstloc, z64)

    w2 = p["c3_W2"]
    w2aT = w2[:, :HID].T.astype(f32)
    w2bT = w2[:, HID:].T.astype(f32)
    b2, a2, be2 = bn_vecs("c3", "2")
    wc1T = p["cls_W1"].T.astype(f32)
    bc1 = _row(p["cls_b1"])
    ac = _row(p["cls_g"] * _BN_S)
    bec = _row(p["cls_be"])
    wc2T = jnp.zeros((HID, 16), f32).at[:, :10].set(p["cls_W2"].T)
    bc2 = jnp.full((1, 16), -1e30, f32).at[0, :10].set(p["cls_b2"])

    out = _tc_final(t3, ah3, deg16, batchp, w2aT, w2bT, b2, a2, be2,
                    wc1T, bc1, ac, bec, wc2T, bc2)
    return out[:, :10]

# --- scband reference (transcript-rebuilt; emitter-appended) ---
"""Pipeline reference for scband-net-with-pe-22436909154958 (READ-ONLY COPY).

The authoritative reference and input builder live on the scoring server;
editing this copy changes nothing except your own understanding.
"""

import jax, jax.numpy as jnp
import numpy as np

N_NODES = 50000
N_EDGES = 800000
N_GRAPHS = 64
HID = 64
IN_DIM = 9
NUM_CLASSES = 10


def _p(key, i, shape, scale=0.05):
    return jax.random.normal(jax.random.fold_in(key, i), shape, dtype=jnp.float32) * scale


def setup_inputs(seed: int = 0) -> dict:
    key = jax.random.key(seed)
    x = jax.random.normal(jax.random.fold_in(key, 0), (N_NODES, 1), dtype=jnp.float32)
    pos_enc = jax.random.normal(jax.random.fold_in(key, 1), (N_NODES, 8), dtype=jnp.float32)
    edge_index = jax.random.randint(jax.random.fold_in(key, 2), (2, N_EDGES), 0, N_NODES, dtype=jnp.int64 if jax.config.jax_enable_x64 else jnp.int32)
    batch = jnp.sort(jax.random.randint(jax.random.fold_in(key, 3), (N_NODES,), 0, N_GRAPHS, dtype=jnp.int64 if jax.config.jax_enable_x64 else jnp.int32))
    params = {}
    dims = [("c1", IN_DIM), ("c2", HID), ("c3", HID)]
    i = 10
    for name, din in dims:
        params[name + "_W1"] = _p(key, i, (HID, din)); i += 1
        params[name + "_b1"] = _p(key, i, (HID,)); i += 1
        params[name + "_g1"] = jnp.ones((HID,), jnp.float32)
        params[name + "_be1"] = jnp.zeros((HID,), jnp.float32)
        params[name + "_W2"] = _p(key, i, (HID, 2 * HID)); i += 1
        params[name + "_b2"] = _p(key, i, (HID,)); i += 1
        params[name + "_g2"] = jnp.ones((HID,), jnp.float32)
        params[name + "_be2"] = jnp.zeros((HID,), jnp.float32)
    params["cls_W1"] = _p(key, 100, (HID, HID))
    params["cls_b1"] = _p(key, 101, (HID,))
    params["cls_g"] = jnp.ones((HID,), jnp.float32)
    params["cls_be"] = jnp.zeros((HID,), jnp.float32)
    params["cls_W2"] = _p(key, 102, (NUM_CLASSES, HID))
    params["cls_b2"] = _p(key, 103, (NUM_CLASSES,))
    return {"x": x, "pos_enc": pos_enc, "edge_index": edge_index, "batch": batch, "params": params}


def _bn_eval(v, g, b):
    # BatchNorm1d in eval mode with fresh running stats (mean=0, var=1)
    return v / jnp.sqrt(1.0 + 1e-5) * g + b


def _mpnn(h_in, edge_index, p, pre):
    h = jnp.dot(h_in, p[pre + "_W1"].T) + p[pre + "_b1"]
    h = jax.nn.relu(h)
    h = _bn_eval(h, p[pre + "_g1"], p[pre + "_be1"])
    src = edge_index[0]
    dst = edge_index[1]
    x_i = jnp.take(h, dst, axis=0)
    x_j = jnp.take(h, src, axis=0)
    m = jnp.concatenate([x_i, x_j], axis=1)
    aggr = jax.ops.segment_sum(m, dst, num_segments=h.shape[0])
    out = jnp.dot(aggr, p[pre + "_W2"].T) + p[pre + "_b2"]
    out = jax.nn.relu(out)
    out = _bn_eval(out, p[pre + "_g2"], p[pre + "_be2"])
    return out


def reference(x, pos_enc, edge_index, batch, params):
    h = jnp.concatenate([x, pos_enc], axis=-1)
    h = _mpnn(h, edge_index, params, "c1")
    h = jax.nn.relu(h)  # dropout is identity in eval
    h = _mpnn(h, edge_index, params, "c2")
    h = jax.nn.relu(h)
    h = _mpnn(h, edge_index, params, "c3")
    sums = jax.ops.segment_sum(h, batch, num_segments=N_GRAPHS)
    counts = jax.ops.segment_sum(jnp.ones((h.shape[0],), jnp.float32), batch, num_segments=N_GRAPHS)
    pooled = sums / jnp.maximum(counts, 1.0)[:, None]
    c = jnp.dot(pooled, params["cls_W1"].T) + params["cls_b1"]
    c = jax.nn.relu(c)
    c = _bn_eval(c, params["cls_g"], params["cls_be"])
    logits = jnp.dot(c, params["cls_W2"].T) + params["cls_b2"]
    return jax.nn.log_softmax(logits, axis=1)

if __name__ == "__main__":
    import jax
    _d = setup_inputs()
    print(jax.jit(kernel)(*tuple(_d.values())))

</pallas_src>

<mosaic_0001>
#map = affine_map<(d0, d1) -> (0, 0)>
#map1 = affine_map<(d0, d1) -> (0, 0, 0)>
module attributes {stable_mosaic.version = 14 : i64} {
  func.func @_sc_spmv_body(%arg0: i32, %arg1: i32, %arg2: memref<50048x64xf32, #tpu.memory_space<hbm>>, %arg3: memref<6336x128xi32, #tpu.memory_space<hbm>>, %arg4: memref<2x6336x128xi32, #tpu.memory_space<hbm>>, %arg5: memref<1564x64xf32, #tpu.memory_space<hbm>>, %arg6: memref<50048x64xf32, #tpu.memory_space<hbm>>, %arg7: memref<12x128xi32, #tpu.memory_space<vmem>>, %arg8: memref<12x128xi32, #tpu.memory_space<vmem>>, %arg9: memref<3x128x64xf32, #tpu.memory_space<vmem>>, %arg10: memref<25160x64xf32, #tpu.memory_space<vmem_shared>>, %arg11: memref<!tpu.dma_semaphore, #tpu.memory_space<semaphore_mem>>, %arg12: memref<!tpu.dma_semaphore, #tpu.memory_space<semaphore_mem>>) attributes {dimension_semantics = [#tpu.dimension_semantics<core_parallel>, #tpu.dimension_semantics<subcore_parallel>], iteration_bounds = array<i64: 2, 16>, scalar_prefetch = 0 : i64, scratch_operands = 6 : i64, tpu.core_type = #tpu.core_type<sc_vector_subcore>, window_params = [{transform_indices = #map}, {transform_indices = #map}, {transform_indices = #map1}, {transform_indices = #map}, {transform_indices = #map}]} {
    %mul3A = arith.constant 25024 : i32
    %mul3A_0 = arith.muli %arg0, %mul3A : i32
    %mul3A_1 = arith.constant 1564 : i32
    %mul3A_2 = arith.muli %arg1, %mul3A_1 : i32
    "tpu.region"() ({
      %run_scoped3A = tpu.sem_alloc : memref<!tpu.dma_semaphore, #tpu.memory_space<semaphore_mem>>
      %dma_start3A = arith.constant 0 : i32
      %dma_start3A_16 = tpu.memref_slice %arg10[%mul3A_2, %dma_start3A] : memref<25160x64xf32, #tpu.memory_space<vmem_shared>> -> memref<1564x64xf32, #tpu.memory_space<vmem_shared>>
      tpu.enqueue_dma source(%arg5 : memref<1564x64xf32, #tpu.memory_space<hbm>>) target(%dma_start3A_16 : memref<1564x64xf32, #tpu.memory_space<vmem_shared>>) target_semaphore(%run_scoped3A : memref<!tpu.dma_semaphore, #tpu.memory_space<semaphore_mem>>)
      %dma_wait3A = arith.constant 0 : i32
      %dma_wait3A_17 = tpu.memref_slice %arg10[%mul3A_2, %dma_wait3A] : memref<25160x64xf32, #tpu.memory_space<vmem_shared>> -> memref<1564x64xf32, #tpu.memory_space<vmem_shared>>
      tpu.wait_dma2 semaphore(%run_scoped3A : memref<!tpu.dma_semaphore, #tpu.memory_space<semaphore_mem>>) src(%arg5 : memref<1564x64xf32, #tpu.memory_space<hbm>>) dst(%dma_wait3A_17 : memref<1564x64xf32, #tpu.memory_space<vmem_shared>>)
      tpu.yield
    }) : () -> ()
    %barrier3A = arith.constant 0 : index
    tpu.barrier barrier_id(%barrier3A)
    %scan3A = arith.constant 0 : i32
    %scan3A_3 = arith.constant 0 : i32
    %scan3A_4 = arith.constant 33 : i32
    %scan3A_5 = arith.addi %scan3A_3, %scan3A_4 : i32
    %scan3A_6 = arith.constant 1 : i32
    %scan3A_7 = scf.for %scan3A_16 = %scan3A_3 to %scan3A_5 step %scan3A_6 iter_args(%scan3A_17 = %scan3A) -> (i32)  : i32 {
      %mul3A_18 = arith.constant 396 : i32
      %mul3A_19 = arith.muli %arg1, %mul3A_18 : i32
      %mul3A_20 = arith.constant 12 : i32
      %mul3A_21 = arith.muli %scan3A_16, %mul3A_20 : i32
      %add3A = arith.addi %mul3A_19, %mul3A_21 : i32
      %dma_start3A = arith.constant 0 : i32
      %dma_start3A_22 = tpu.memref_slice %arg3[%add3A, %dma_start3A] : memref<6336x128xi32, #tpu.memory_space<hbm>> -> memref<12x128xi32, #tpu.memory_space<hbm>>
      %dma_start3A_23 = arith.constant 0 : i32
      %dma_start3A_24 = tpu.memref_slice %arg3[%add3A, %dma_start3A_23] : memref<6336x128xi32, #tpu.memory_space<hbm>> -> memref<12x128xi32, #tpu.memory_space<hbm>>
      tpu.enqueue_dma source(%dma_start3A_24 : memref<12x128xi32, #tpu.memory_space<hbm>>) target(%arg7 : memref<12x128xi32, #tpu.memory_space<vmem>>) target_semaphore(%arg11 : memref<!tpu.dma_semaphore, #tpu.memory_space<semaphore_mem>>)
      %dma_start3A_25 = arith.constant 0 : i32
      %dma_start3A_26 = tpu.memref_slice %arg4[%arg0, %add3A, %dma_start3A_25] : memref<2x6336x128xi32, #tpu.memory_space<hbm>> -> memref<1x12x128xi32, #tpu.memory_space<hbm>>
      %dma_start3A_27 = tpu.memref_squeeze %dma_start3A_26 : memref<1x12x128xi32, #tpu.memory_space<hbm>> -> memref<12x128xi32, #tpu.memory_space<hbm>>
      %dma_start3A_28 = arith.constant 0 : i32
      %dma_start3A_29 = tpu.memref_slice %arg4[%arg0, %add3A, %dma_start3A_28] : memref<2x6336x128xi32, #tpu.memory_space<hbm>> -> memref<1x12x128xi32, #tpu.memory_space<hbm>>
      %dma_start3A_30 = tpu.memref_squeeze %dma_start3A_29 : memref<1x12x128xi32, #tpu.memory_space<hbm>> -> memref<12x128xi32, #tpu.memory_space<hbm>>
      tpu.enqueue_dma source(%dma_start3A_30 : memref<12x128xi32, #tpu.memory_space<hbm>>) target(%arg8 : memref<12x128xi32, #tpu.memory_space<vmem>>) target_semaphore(%arg11 : memref<!tpu.dma_semaphore, #tpu.memory_space<semaphore_mem>>)
      %dma_wait3A = arith.constant 0 : i32
      %dma_wait3A_31 = tpu.memref_slice %arg3[%add3A, %dma_wait3A] : memref<6336x128xi32, #tpu.memory_space<hbm>> -> memref<12x128xi32, #tpu.memory_space<hbm>>
      %dma_wait3A_32 = arith.constant 0 : i32
      %dma_wait3A_33 = tpu.memref_slice %arg3[%add3A, %dma_wait3A_32] : memref<6336x128xi32, #tpu.memory_space<hbm>> -> memref<12x128xi32, #tpu.memory_space<hbm>>
      tpu.wait_dma2 semaphore(%arg11 : memref<!tpu.dma_semaphore, #tpu.memory_space<semaphore_mem>>) src(%dma_wait3A_33 : memref<12x128xi32, #tpu.memory_space<hbm>>) dst(%arg7 : memref<12x128xi32, #tpu.memory_space<vmem>>)
      %dma_wait3A_34 = arith.constant 0 : i32
      %dma_wait3A_35 = tpu.memref_slice %arg4[%arg0, %add3A, %dma_wait3A_34] : memref<2x6336x128xi32, #tpu.memory_space<hbm>> -> memref<1x12x128xi32, #tpu.memory_space<hbm>>
      %dma_wait3A_36 = tpu.memref_squeeze %dma_wait3A_35 : memref<1x12x128xi32, #tpu.memory_space<hbm>> -> memref<12x128xi32, #tpu.memory_space<hbm>>
      %dma_wait3A_37 = arith.constant 0 : i32
      %dma_wait3A_38 = tpu.memref_slice %arg4[%arg0, %add3A, %dma_wait3A_37] : memref<2x6336x128xi32, #tpu.memory_space<hbm>> -> memref<1x12x128xi32, #tpu.memory_space<hbm>>
      %dma_wait3A_39 = tpu.memref_squeeze %dma_wait3A_38 : memref<1x12x128xi32, #tpu.memory_space<hbm>> -> memref<12x128xi32, #tpu.memory_space<hbm>>
      tpu.wait_dma2 semaphore(%arg11 : memref<!tpu.dma_semaphore, #tpu.memory_space<semaphore_mem>>) src(%dma_wait3A_39 : memref<12x128xi32, #tpu.memory_space<hbm>>) dst(%arg8 : memref<12x128xi32, #tpu.memory_space<vmem>>)
      %dma_start3A_40 = arith.constant 0 : i32
      %dma_start3A_41 = arith.constant 0 : i32
      %dma_start3A_42 = arith.constant 0 : i32
      %dma_start3A_43 = arith.constant 0 : i32
      %dma_start3A_44 = tpu.memref_slice %arg9[%dma_start3A_41, %dma_start3A_42, %dma_start3A_43] : memref<3x128x64xf32, #tpu.memory_space<vmem>> -> memref<1x128x64xf32, #tpu.memory_space<vmem>>
      %dma_start3A_45 = tpu.memref_squeeze %dma_start3A_44 : memref<1x128x64xf32, #tpu.memory_space<vmem>> -> memref<128x64xf32, #tpu.memory_space<vmem>>
      %dma_start3A_46 = arith.constant 0 : i32
      %dma_start3A_47 = tpu.memref_slice %arg7[%dma_start3A_40, %dma_start3A_46] : memref<12x128xi32, #tpu.memory_space<vmem>> -> memref<1x128xi32, #tpu.memory_space<vmem>>
      %dma_start3A_48 = tpu.memref_squeeze %dma_start3A_47 : memref<1x128xi32, #tpu.memory_space<vmem>> -> memref<128xi32, #tpu.memory_space<vmem>>
      %dma_start3A_49 = arith.constant 0 : i32
      %dma_start3A_50 = arith.constant 0 : i32
      %dma_start3A_51 = tpu.memref_slice %arg2[%dma_start3A_49, %dma_start3A_50] : memref<50048x64xf32, #tpu.memory_space<hbm>> -> memref<50048x64xf32, #tpu.memory_space<hbm>>
      tpu.enqueue_indirect_dma source(%dma_start3A_51 : memref<50048x64xf32, #tpu.memory_space<hbm>>) target(%dma_start3A_45 : memref<128x64xf32, #tpu.memory_space<vmem>>) offsets(%dma_start3A_48 : memref<128xi32, #tpu.memory_space<vmem>>) semaphore(%arg11 : memref<!tpu.dma_semaphore, #tpu.memory_space<semaphore_mem>>)
      %dma_start3A_52 = arith.constant 1 : i32
      %dma_start3A_53 = arith.constant 1 : i32
      %dma_start3A_54 = arith.constant 0 : i32
      %dma_start3A_55 = arith.constant 0 : i32
      %dma_start3A_56 = tpu.memref_slice %arg9[%dma_start3A_53, %dma_start3A_54, %dma_start3A_55] : memref<3x128x64xf32, #tpu.memory_space<vmem>> -> memref<1x128x64xf32, #tpu.memory_space<vmem>>
      %dma_start3A_57 = tpu.memref_squeeze %dma_start3A_56 : memref<1x128x64xf32, #tpu.memory_space<vmem>> -> memref<128x64xf32, #tpu.memory_space<vmem>>
      %dma_start3A_58 = arith.constant 0 : i32
      %dma_start3A_59 = tpu.memref_slice %arg7[%dma_start3A_52, %dma_start3A_58] : memref<12x128xi32, #tpu.memory_space<vmem>> -> memref<1x128xi32, #tpu.memory_space<vmem>>
      %dma_start3A_60 = tpu.memref_squeeze %dma_start3A_59 : memref<1x128xi32, #tpu.memory_space<vmem>> -> memref<128xi32, #tpu.memory_space<vmem>>
      %dma_start3A_61 = arith.constant 0 : i32
      %dma_start3A_62 = arith.constant 0 : i32
      %dma_start3A_63 = tpu.memref_slice %arg2[%dma_start3A_61, %dma_start3A_62] : memref<50048x64xf32, #tpu.memory_space<hbm>> -> memref<50048x64xf32, #tpu.memory_space<hbm>>
      tpu.enqueue_indirect_dma source(%dma_start3A_63 : memref<50048x64xf32, #tpu.memory_space<hbm>>) target(%dma_start3A_57 : memref<128x64xf32, #tpu.memory_space<vmem>>) offsets(%dma_start3A_60 : memref<128xi32, #tpu.memory_space<vmem>>) semaphore(%arg11 : memref<!tpu.dma_semaphore, #tpu.memory_space<semaphore_mem>>)
      %dma_wait3A_64 = arith.constant 0 : i32
      %dma_wait3A_65 = arith.constant 0 : i32
      %dma_wait3A_66 = arith.constant 0 : i32
      %dma_wait3A_67 = arith.constant 0 : i32
      %dma_wait3A_68 = tpu.memref_slice %arg9[%dma_wait3A_65, %dma_wait3A_66, %dma_wait3A_67] : memref<3x128x64xf32, #tpu.memory_space<vmem>> -> memref<1x128x64xf32, #tpu.memory_space<vmem>>
      %dma_wait3A_69 = tpu.memref_squeeze %dma_wait3A_68 : memref<1x128x64xf32, #tpu.memory_space<vmem>> -> memref<128x64xf32, #tpu.memory_space<vmem>>
      %dma_wait3A_70 = arith.constant 0 : i32
      %dma_wait3A_71 = tpu.memref_slice %arg7[%dma_wait3A_64, %dma_wait3A_70] : memref<12x128xi32, #tpu.memory_space<vmem>> -> memref<1x128xi32, #tpu.memory_space<vmem>>
      %dma_wait3A_72 = tpu.memref_squeeze %dma_wait3A_71 : memref<1x128xi32, #tpu.memory_space<vmem>> -> memref<128xi32, #tpu.memory_space<vmem>>
      %dma_wait3A_73 = arith.constant 0 : i32
      %dma_wait3A_74 = arith.constant 0 : i32
      %dma_wait3A_75 = tpu.memref_slice %arg2[%dma_wait3A_73, %dma_wait3A_74] : memref<50048x64xf32, #tpu.memory_space<hbm>> -> memref<50048x64xf32, #tpu.memory_space<hbm>>
      tpu.wait_indirect_dma semaphore(%arg11 : memref<!tpu.dma_semaphore, #tpu.memory_space<semaphore_mem>>) src(%dma_wait3A_75 : memref<50048x64xf32, #tpu.memory_space<hbm>>) dst(%dma_wait3A_69 : memref<128x64xf32, #tpu.memory_space<vmem>>)
      %dma_start3A_76 = arith.constant 0 : i32
      %dma_start3A_77 = arith.constant 0 : i32
      %dma_start3A_78 = arith.constant 0 : i32
      %dma_start3A_79 = arith.constant 0 : i32
      %dma_start3A_80 = tpu.memref_slice %arg9[%dma_start3A_76, %dma_start3A_78, %dma_start3A_79] : memref<3x128x64xf32, #tpu.memory_space<vmem>> -> memref<1x128x64xf32, #tpu.memory_space<vmem>>
      %dma_start3A_81 = tpu.memref_squeeze %dma_start3A_80 : memref<1x128x64xf32, #tpu.memory_space<vmem>> -> memref<128x64xf32, #tpu.memory_space<vmem>>
      %dma_start3A_82 = arith.constant 0 : i32
      %dma_start3A_83 = tpu.memref_slice %arg8[%dma_start3A_77, %dma_start3A_82] : memref<12x128xi32, #tpu.memory_space<vmem>> -> memref<1x128xi32, #tpu.memory_space<vmem>>
      %dma_start3A_84 = tpu.memref_squeeze %dma_start3A_83 : memref<1x128xi32, #tpu.memory_space<vmem>> -> memref<128xi32, #tpu.memory_space<vmem>>
      %dma_start3A_85 = arith.constant 0 : i32
      %dma_start3A_86 = arith.constant 0 : i32
      %dma_start3A_87 = tpu.memref_slice %arg10[%dma_start3A_85, %dma_start3A_86] : memref<25160x64xf32, #tpu.memory_space<vmem_shared>> -> memref<25160x64xf32, #tpu.memory_space<vmem_shared>>
      tpu.enqueue_indirect_dma source(%dma_start3A_81 : memref<128x64xf32, #tpu.memory_space<vmem>>) target(%dma_start3A_87 : memref<25160x64xf32, #tpu.memory_space<vmem_shared>>) offsets(%dma_start3A_84 : memref<128xi32, #tpu.memory_space<vmem>>) semaphore(%arg12 : memref<!tpu.dma_semaphore, #tpu.memory_space<semaphore_mem>>) {add = true}
      %dma_start3A_88 = arith.constant 2 : i32
      %dma_start3A_89 = arith.constant 2 : i32
      %dma_start3A_90 = arith.constant 0 : i32
      %dma_start3A_91 = arith.constant 0 : i32
      %dma_start3A_92 = tpu.memref_slice %arg9[%dma_start3A_89, %dma_start3A_90, %dma_start3A_91] : memref<3x128x64xf32, #tpu.memory_space<vmem>> -> memref<1x128x64xf32, #tpu.memory_space<vmem>>
      %dma_start3A_93 = tpu.memref_squeeze %dma_start3A_92 : memref<1x128x64xf32, #tpu.memory_space<vmem>> -> memref<128x64xf32, #tpu.memory_space<vmem>>
      %dma_start3A_94 = arith.constant 0 : i32
      %dma_start3A_95 = tpu.memref_slice %arg7[%dma_start3A_88, %dma_start3A_94] : memref<12x128xi32, #tpu.memory_space<vmem>> -> memref<1x128xi32, #tpu.memory_space<vmem>>
      %dma_start3A_96 = tpu.memref_squeeze %dma_start3A_95 : memref<1x128xi32, #tpu.memory_space<vmem>> -> memref<128xi32, #tpu.memory_space<vmem>>
      %dma_start3A_97 = arith.constant 0 : i32
      %dma_start3A_98 = arith.constant 0 : i32
      %dma_start3A_99 = tpu.memref_slice %arg2[%dma_start3A_97, %dma_start3A_98] : memref<50048x64xf32, #tpu.memory_space<hbm>> -> memref<50048x64xf32, #tpu.memory_space<hbm>>
      tpu.enqueue_indirect_dma source(%dma_start3A_99 : memref<50048x64xf32, #tpu.memory_space<hbm>>) target(%dma_start3A_93 : memref<128x64xf32, #tpu.memory_space<vmem>>) offsets(%dma_start3A_96 : memref<128xi32, #tpu.memory_space<vmem>>) semaphore(%arg11 : memref<!tpu.dma_semaphore, #tpu.memory_space<semaphore_mem>>)
      %dma_wait3A_100 = arith.constant 1 : i32
      %dma_wait3A_101 = arith.constant 1 : i32
      %dma_wait3A_102 = arith.constant 0 : i32
      %dma_wait3A_103 = arith.constant 0 : i32
      %dma_wait3A_104 = tpu.memref_slice %arg9[%dma_wait3A_101, %dma_wait3A_102, %dma_wait3A_103] : memref<3x128x64xf32, #tpu.memory_space<vmem>> -> memref<1x128x64xf32, #tpu.memory_space<vmem>>
      %dma_wait3A_105 = tpu.memref_squeeze %dma_wait3A_104 : memref<1x128x64xf32, #tpu.memory_space<vmem>> -> memref<128x64xf32, #tpu.memory_space<vmem>>
      %dma_wait3A_106 = arith.constant 0 : i32
      %dma_wait3A_107 = tpu.memref_slice %arg7[%dma_wait3A_100, %dma_wait3A_106] : memref<12x128xi32, #tpu.memory_space<vmem>> -> memref<1x128xi32, #tpu.memory_space<vmem>>
      %dma_wait3A_108 = tpu.memref_squeeze %dma_wait3A_107 : memref<1x128xi32, #tpu.memory_space<vmem>> -> memref<128xi32, #tpu.memory_space<vmem>>
      %dma_wait3A_109 = arith.constant 0 : i32
      %dma_wait3A_110 = arith.constant 0 : i32
      %dma_wait3A_111 = tpu.memref_slice %arg2[%dma_wait3A_109, %dma_wait3A_110] : memref<50048x64xf32, #tpu.memory_space<hbm>> -> memref<50048x64xf32, #tpu.memory_space<hbm>>
      tpu.wait_indirect_dma semaphore(%arg11 : memref<!tpu.dma_semaphore, #tpu.memory_space<semaphore_mem>>) src(%dma_wait3A_111 : memref<50048x64xf32, #tpu.memory_space<hbm>>) dst(%dma_wait3A_105 : memref<128x64xf32, #tpu.memory_space<vmem>>)
      %dma_start3A_112 = arith.constant 1 : i32
      %dma_start3A_113 = arith.constant 1 : i32
      %dma_start3A_114 = arith.constant 0 : i32
      %dma_start3A_115 = arith.constant 0 : i32
      %dma_start3A_116 = tpu.memref_slice %arg9[%dma_start3A_112, %dma_start3A_114, %dma_start3A_115] : memref<3x128x64xf32, #tpu.memory_space<vmem>> -> memref<1x128x64xf32, #tpu.memory_space<vmem>>
      %dma_start3A_117 = tpu.memref_squeeze %dma_start3A_116 : memref<1x128x64xf32, #tpu.memory_space<vmem>> -> memref<128x64xf32, #tpu.memory_space<vmem>>
      %dma_start3A_118 = arith.constant 0 : i32
      %dma_start3A_119 = tpu.memref_slice %arg8[%dma_start3A_113, %dma_start3A_118] : memref<12x128xi32, #tpu.memory_space<vmem>> -> memref<1x128xi32, #tpu.memory_space<vmem>>
      %dma_start3A_120 = tpu.memref_squeeze %dma_start3A_119 : memref<1x128xi32, #tpu.memory_space<vmem>> -> memref<128xi32, #tpu.memory_space<vmem>>
      %dma_start3A_121 = arith.constant 0 : i32
      %dma_start3A_122 = arith.constant 0 : i32
      %dma_start3A_123 = tpu.memref_slice %arg10[%dma_start3A_121, %dma_start3A_122] : memref<25160x64xf32, #tpu.memory_space<vmem_shared>> -> memref<25160x64xf32, #tpu.memory_space<vmem_shared>>
      tpu.enqueue_indirect_dma source(%dma_start3A_117 : memref<128x64xf32, #tpu.memory_space<vmem>>) target(%dma_start3A_123 : memref<25160x64xf32, #tpu.memory_space<vmem_shared>>) offsets(%dma_start3A_120 : memref<128xi32, #tpu.memory_space<vmem>>) semaphore(%arg12 : memref<!tpu.dma_semaphore, #tpu.memory_space<semaphore_mem>>) {add = true}
      %dma_wait3A_124 = arith.constant 0 : i32
      %dma_wait3A_125 = arith.constant 0 : i32
      %dma_wait3A_126 = arith.constant 0 : i32
      %dma_wait3A_127 = arith.constant 0 : i32
      %dma_wait3A_128 = tpu.memref_slice %arg9[%dma_wait3A_124, %dma_wait3A_126, %dma_wait3A_127] : memref<3x128x64xf32, #tpu.memory_space<vmem>> -> memref<1x128x64xf32, #tpu.memory_space<vmem>>
      %dma_wait3A_129 = tpu.memref_squeeze %dma_wait3A_128 : memref<1x128x64xf32, #tpu.memory_space<vmem>> -> memref<128x64xf32, #tpu.memory_space<vmem>>
      %dma_wait3A_130 = arith.constant 0 : i32
      %dma_wait3A_131 = tpu.memref_slice %arg8[%dma_wait3A_125, %dma_wait3A_130] : memref<12x128xi32, #tpu.memory_space<vmem>> -> memref<1x128xi32, #tpu.memory_space<vmem>>
      %dma_wait3A_132 = tpu.memref_squeeze %dma_wait3A_131 : memref<1x128xi32, #tpu.memory_space<vmem>> -> memref<128xi32, #tpu.memory_space<vmem>>
      %dma_wait3A_133 = arith.constant 0 : i32
      %dma_wait3A_134 = arith.constant 0 : i32
      %dma_wait3A_135 = tpu.memref_slice %arg10[%dma_wait3A_133, %dma_wait3A_134] : memref<25160x64xf32, #tpu.memory_space<vmem_shared>> -> memref<25160x64xf32, #tpu.memory_space<vmem_shared>>
      tpu.wait_indirect_dma semaphore(%arg12 : memref<!tpu.dma_semaphore, #tpu.memory_space<semaphore_mem>>) src(%dma_wait3A_129 : memref<128x64xf32, #tpu.memory_space<vmem>>) dst(%dma_wait3A_135 : memref<25160x64xf32, #tpu.memory_space<vmem_shared>>)
      %dma_start3A_136 = arith.constant 3 : i32
      %dma_start3A_137 = arith.constant 0 : i32
      %dma_start3A_138 = arith.constant 0 : i32
      %dma_start3A_139 = arith.constant 0 : i32
      %dma_start3A_140 = tpu.memref_slice %arg9[%dma_start3A_137, %dma_start3A_138, %dma_start3A_139] : memref<3x128x64xf32, #tpu.memory_space<vmem>> -> memref<1x128x64xf32, #tpu.memory_space<vmem>>
      %dma_start3A_141 = tpu.memref_squeeze %dma_start3A_140 : memref<1x128x64xf32, #tpu.memory_space<vmem>> -> memref<128x64xf32, #tpu.memory_space<vmem>>
      %dma_start3A_142 = arith.constant 0 : i32
      %dma_start3A_143 = tpu.memref_slice %arg7[%dma_start3A_136, %dma_start3A_142] : memref<12x128xi32, #tpu.memory_space<vmem>> -> memref<1x128xi32, #tpu.memory_space<vmem>>
      %dma_start3A_144 = tpu.memref_squeeze %dma_start3A_143 : memref<1x128xi32, #tpu.memory_space<vmem>> -> memref<128xi32, #tpu.memory_space<vmem>>
      %dma_start3A_145 = arith.constant 0 : i32
      %dma_start3A_146 = arith.constant 0 : i32
      %dma_start3A_147 = tpu.memref_slice %arg2[%dma_start3A_145, %dma_start3A_146] : memref<50048x64xf32, #tpu.memory_space<hbm>> -> memref<50048x64xf32, #tpu.memory_space<hbm>>
      tpu.enqueue_indirect_dma source(%dma_start3A_147 : memref<50048x64xf32, #tpu.memory_space<hbm>>) target(%dma_start3A_141 : memref<128x64xf32, #tpu.memory_space<vmem>>) offsets(%dma_start3A_144 : memref<128xi32, #tpu.memory_space<vmem>>) semaphore(%arg11 : memref<!tpu.dma_semaphore, #tpu.memory_space<semaphore_mem>>)
      %dma_wait3A_148 = arith.constant 2 : i32
      %dma_wait3A_149 = arith.constant 2 : i32
      %dma_wait3A_150 = arith.constant 0 : i32
      %dma_wait3A_151 = arith.constant 0 : i32
      %dma_wait3A_152 = tpu.memref_slice %arg9[%dma_wait3A_149, %dma_wait3A_150, %dma_wait3A_151] : memref<3x128x64xf32, #tpu.memory_space<vmem>> -> memref<1x128x64xf32, #tpu.memory_space<vmem>>
      %dma_wait3A_153 = tpu.memref_squeeze %dma_wait3A_152 : memref<1x128x64xf32, #tpu.memory_space<vmem>> -> memref<128x64xf32, #tpu.memory_space<vmem>>
      %dma_wait3A_154 = arith.constant 0 : i32
      %dma_wait3A_155 = tpu.memref_slice %arg7[%dma_wait3A_148, %dma_wait3A_154] : memref<12x128xi32, #tpu.memory_space<vmem>> -> memref<1x128xi32, #tpu.memory_space<vmem>>
      %dma_wait3A_156 = tpu.memref_squeeze %dma_wait3A_155 : memref<1x128xi32, #tpu.memory_space<vmem>> -> memref<128xi32, #tpu.memory_space<vmem>>
      %dma_wait3A_157 = arith.constant 0 : i32
      %dma_wait3A_158 = arith.constant 0 : i32
      %dma_wait3A_159 = tpu.memref_slice %arg2[%dma_wait3A_157, %dma_wait3A_158] : memref<50048x64xf32, #tpu.memory_space<hbm>> -> memref<50048x64xf32, #tpu.memory_space<hbm>>
      tpu.wait_indirect_dma semaphore(%arg11 : memref<!tpu.dma_semaphore, #tpu.memory_space<semaphore_mem>>) src(%dma_wait3A_159 : memref<50048x64xf32, #tpu.memory_space<hbm>>) dst(%dma_wait3A_153 : memref<128x64xf32, #tpu.memory_space<vmem>>)
      %dma_start3A_160 = arith.constant 2 : i32
      %dma_start3A_161 = arith.constant 2 : i32
      %dma_start3A_162 = arith.constant 0 : i32
      %dma_start3A_163 = arith.constant 0 : i32
      %dma_start3A_164 = tpu.memref_slice %arg9[%dma_start3A_160, %dma_start3A_162, %dma_start3A_163] : memref<3x128x64xf32, #tpu.memory_space<vmem>> -> memref<1x128x64xf32, #tpu.memory_space<vmem>>
      %dma_start3A_165 = tpu.memref_squeeze %dma_start3A_164 : memref<1x128x64xf32, #tpu.memory_space<vmem>> -> memref<128x64xf32, #tpu.memory_space<vmem>>
      %dma_start3A_166 = arith.constant 0 : i32
      %dma_start3A_167 = tpu.memref_slice %arg8[%dma_start3A_161, %dma_start3A_166] : memref<12x128xi32, #tpu.memory_space<vmem>> -> memref<1x128xi32, #tpu.memory_space<vmem>>
      %dma_start3A_168 = tpu.memref_squeeze %dma_start3A_167 : memref<1x128xi32, #tpu.memory_space<vmem>> -> memref<128xi32, #tpu.memory_space<vmem>>
      %dma_start3A_169 = arith.constant 0 : i32
      %dma_start3A_170 = arith.constant 0 : i32
      %dma_start3A_171 = tpu.memref_slice %arg10[%dma_start3A_169, %dma_start3A_170] : memref<25160x64xf32, #tpu.memory_space<vmem_shared>> -> memref<25160x64xf32, #tpu.memory_space<vmem_shared>>
      tpu.enqueue_indirect_dma source(%dma_start3A_165 : memref<128x64xf32, #tpu.memory_space<vmem>>) target(%dma_start3A_171 : memref<25160x64xf32, #tpu.memory_space<vmem_shared>>) offsets(%dma_start3A_168 : memref<128xi32, #tpu.memory_space<vmem>>) semaphore(%arg12 : memref<!tpu.dma_semaphore, #tpu.memory_space<semaphore_mem>>) {add = true}
      %dma_wait3A_172 = arith.constant 1 : i32
      %dma_wait3A_173 = arith.constant 1 : i32
      %dma_wait3A_174 = arith.constant 0 : i32
      %dma_wait3A_175 = arith.constant 0 : i32
      %dma_wait3A_176 = tpu.memref_slice %arg9[%dma_wait3A_172, %dma_wait3A_174, %dma_wait3A_175] : memref<3x128x64xf32, #tpu.memory_space<vmem>> -> memref<1x128x64xf32, #tpu.memory_space<vmem>>
      %dma_wait3A_177 = tpu.memref_squeeze %dma_wait3A_176 : memref<1x128x64xf32, #tpu.memory_space<vmem>> -> memref<128x64xf32, #tpu.memory_space<vmem>>
      %dma_wait3A_178 = arith.constant 0 : i32
      %dma_wait3A_179 = tpu.memref_slice %arg8[%dma_wait3A_173, %dma_wait3A_178] : memref<12x128xi32, #tpu.memory_space<vmem>> -> memref<1x128xi32, #tpu.memory_space<vmem>>
      %dma_wait3A_180 = tpu.memref_squeeze %dma_wait3A_179 : memref<1x128xi32, #tpu.memory_space<vmem>> -> memref<128xi32, #tpu.memory_space<vmem>>
      %dma_wait3A_181 = arith.constant 0 : i32
      %dma_wait3A_182 = arith.constant 0 : i32
      %dma_wait3A_183 = tpu.memref_slice %arg10[%dma_wait3A_181, %dma_wait3A_182] : memref<25160x64xf32, #tpu.memory_space<vmem_shared>> -> memref<25160x64xf32, #tpu.memory_space<vmem_shared>>
      tpu.wait_indirect_dma semaphore(%arg12 : memref<!tpu.dma_semaphore, #tpu.memory_space<semaphore_mem>>) src(%dma_wait3A_177 : memref<128x64xf32, #tpu.memory_space<vmem>>) dst(%dma_wait3A_183 : memref<25160x64xf32, #tpu.memory_space<vmem_shared>>)
      %dma_start3A_184 = arith.constant 4 : i32
      %dma_start3A_185 = arith.constant 1 : i32
      %dma_start3A_186 = arith.constant 0 : i32
      %dma_start3A_187 = arith.constant 0 : i32
      %dma_start3A_188 = tpu.memref_slice %arg9[%dma_start3A_185, %dma_start3A_186, %dma_start3A_187] : memref<3x128x64xf32, #tpu.memory_space<vmem>> -> memref<1x128x64xf32, #tpu.memory_space<vmem>>
      %dma_start3A_189 = tpu.memref_squeeze %dma_start3A_188 : memref<1x128x64xf32, #tpu.memory_space<vmem>> -> memref<128x64xf32, #tpu.memory_space<vmem>>
      %dma_start3A_190 = arith.constant 0 : i32
      %dma_start3A_191 = tpu.memref_slice %arg7[%dma_start3A_184, %dma_start3A_190] : memref<12x128xi32, #tpu.memory_space<vmem>> -> memref<1x128xi32, #tpu.memory_space<vmem>>
      %dma_start3A_192 = tpu.memref_squeeze %dma_start3A_191 : memref<1x128xi32, #tpu.memory_space<vmem>> -> memref<128xi32, #tpu.memory_space<vmem>>
      %dma_start3A_193 = arith.constant 0 : i32
      %dma_start3A_194 = arith.constant 0 : i32
      %dma_start3A_195 = tpu.memref_slice %arg2[%dma_start3A_193, %dma_start3A_194] : memref<50048x64xf32, #tpu.memory_space<hbm>> -> memref<50048x64xf32, #tpu.memory_space<hbm>>
      tpu.enqueue_indirect_dma source(%dma_start3A_195 : memref<50048x64xf32, #tpu.memory_space<hbm>>) target(%dma_start3A_189 : memref<128x64xf32, #tpu.memory_space<vmem>>) offsets(%dma_start3A_192 : memref<128xi32, #tpu.memory_space<vmem>>) semaphore(%arg11 : memref<!tpu.dma_semaphore, #tpu.memory_space<semaphore_mem>>)
      %dma_wait3A_196 = arith.constant 3 : i32
      %dma_wait3A_197 = arith.constant 0 : i32
      %dma_wait3A_198 = arith.constant 0 : i32
      %dma_wait3A_199 = arith.constant 0 : i32
      %dma_wait3A_200 = tpu.memref_slice %arg9[%dma_wait3A_197, %dma_wait3A_198, %dma_wait3A_199] : memref<3x128x64xf32, #tpu.memory_space<vmem>> -> memref<1x128x64xf32, #tpu.memory_space<vmem>>
      %dma_wait3A_201 = tpu.memref_squeeze %dma_wait3A_200 : memref<1x128x64xf32, #tpu.memory_space<vmem>> -> memref<128x64xf32, #tpu.memory_space<vmem>>
      %dma_wait3A_202 = arith.constant 0 : i32
      %dma_wait3A_203 = tpu.memref_slice %arg7[%dma_wait3A_196, %dma_wait3A_202] : memref<12x128xi32, #tpu.memory_space<vmem>> -> memref<1x128xi32, #tpu.memory_space<vmem>>
      %dma_wait3A_204 = tpu.memref_squeeze %dma_wait3A_203 : memref<1x128xi32, #tpu.memory_space<vmem>> -> memref<128xi32, #tpu.memory_space<vmem>>
      %dma_wait3A_205 = arith.constant 0 : i32
      %dma_wait3A_206 = arith.constant 0 : i32
      %dma_wait3A_207 = tpu.memref_slice %arg2[%dma_wait3A_205, %dma_wait3A_206] : memref<50048x64xf32, #tpu.memory_space<hbm>> -> memref<50048x64xf32, #tpu.memory_space<hbm>>
      tpu.wait_indirect_dma semaphore(%arg11 : memref<!tpu.dma_semaphore, #tpu.memory_space<semaphore_mem>>) src(%dma_wait3A_207 : memref<50048x64xf32, #tpu.memory_space<hbm>>) dst(%dma_wait3A_201 : memref<128x64xf32, #tpu.memory_space<vmem>>)
      %dma_start3A_208 = arith.constant 0 : i32
      %dma_start3A_209 = arith.constant 3 : i32
      %dma_start3A_210 = arith.constant 0 : i32
      %dma_start3A_211 = arith.constant 0 : i32
      %dma_start3A_212 = tpu.memref_slice %arg9[%dma_start3A_208, %dma_start3A_210, %dma_start3A_211] : memref<3x128x64xf32, #tpu.memory_space<vmem>> -> memref<1x128x64xf32, #tpu.memory_space<vmem>>
      %dma_start3A_213 = tpu.memref_squeeze %dma_start3A_212 : memref<1x128x64xf32, #tpu.memory_space<vmem>> -> memref<128x64xf32, #tpu.memory_space<vmem>>
      %dma_start3A_214 = arith.constant 0 : i32
      %dma_start3A_215 = tpu.memref_slice %arg8[%dma_start3A_209, %dma_start3A_214] : memref<12x128xi32, #tpu.memory_space<vmem>> -> memref<1x128xi32, #tpu.memory_space<vmem>>
      %dma_start3A_216 = tpu.memref_squeeze %dma_start3A_215 : memref<1x128xi32, #tpu.memory_space<vmem>> -> memref<128xi32, #tpu.memory_space<vmem>>
      %dma_start3A_217 = arith.constant 0 : i32
      %dma_start3A_218 = arith.constant 0 : i32
      %dma_start3A_219 = tpu.memref_slice %arg10[%dma_start3A_217, %dma_start3A_218] : memref<25160x64xf32, #tpu.memory_space<vmem_shared>> -> memref<25160x64xf32, #tpu.memory_space<vmem_shared>>
      tpu.enqueue_indirect_dma source(%dma_start3A_213 : memref<128x64xf32, #tpu.memory_space<vmem>>) target(%dma_start3A_219 : memref<25160x64xf32, #tpu.memory_space<vmem_shared>>) offsets(%dma_start3A_216 : memref<128xi32, #tpu.memory_space<vmem>>) semaphore(%arg12 : memref<!tpu.dma_semaphore, #tpu.memory_space<semaphore_mem>>) {add = true}
      %dma_wait3A_220 = arith.constant 2 : i32
      %dma_wait3A_221 = arith.constant 2 : i32
      %dma_wait3A_222 = arith.constant 0 : i32
      %dma_wait3A_223 = arith.constant 0 : i32
      %dma_wait3A_224 = tpu.memref_slice %arg9[%dma_wait3A_220, %dma_wait3A_222, %dma_wait3A_223] : memref<3x128x64xf32, #tpu.memory_space<vmem>> -> memref<1x128x64xf32, #tpu.memory_space<vmem>>
      %dma_wait3A_225 = tpu.memref_squeeze %dma_wait3A_224 : memref<1x128x64xf32, #tpu.memory_space<vmem>> -> memref<128x64xf32, #tpu.memory_space<vmem>>
      %dma_wait3A_226 = arith.constant 0 : i32
      %dma_wait3A_227 = tpu.memref_slice %arg8[%dma_wait3A_221, %dma_wait3A_226] : memref<12x128xi32, #tpu.memory_space<vmem>> -> memref<1x128xi32, #tpu.memory_space<vmem>>
      %dma_wait3A_228 = tpu.memref_squeeze %dma_wait3A_227 : memref<1x128xi32, #tpu.memory_space<vmem>> -> memref<128xi32, #tpu.memory_space<vmem>>
      %dma_wait3A_229 = arith.constant 0 : i32
      %dma_wait3A_230 = arith.constant 0 : i32
      %dma_wait3A_231 = tpu.memref_slice %arg10[%dma_wait3A_229, %dma_wait3A_230] : memref<25160x64xf32, #tpu.memory_space<vmem_shared>> -> memref<25160x64xf32, #tpu.memory_space<vmem_shared>>
      tpu.wait_indirect_dma semaphore(%arg12 : memref<!tpu.dma_semaphore, #tpu.memory_space<semaphore_mem>>) src(%dma_wait3A_225 : memref<128x64xf32, #tpu.memory_space<vmem>>) dst(%dma_wait3A_231 : memref<25160x64xf32, #tpu.memory_space<vmem_shared>>)
      %dma_start3A_232 = arith.constant 5 : i32
      %dma_start3A_233 = arith.constant 2 : i32
      %dma_start3A_234 = arith.constant 0 : i32
      %dma_start3A_235 = arith.constant 0 : i32
      %dma_start3A_236 = tpu.memref_slice %arg9[%dma_start3A_233, %dma_start3A_234, %dma_start3A_235] : memref<3x128x64xf32, #tpu.memory_space<vmem>> -> memref<1x128x64xf32, #tpu.memory_space<vmem>>
      %dma_start3A_237 = tpu.memref_squeeze %dma_start3A_236 : memref<1x128x64xf32, #tpu.memory_space<vmem>> -> memref<128x64xf32, #tpu.memory_space<vmem>>
      %dma_start3A_238 = arith.constant 0 : i32
      %dma_start3A_239 = tpu.memref_slice %arg7[%dma_start3A_232, %dma_start3A_238] : memref<12x128xi32, #tpu.memory_space<vmem>> -> memref<1x128xi32, #tpu.memory_space<vmem>>
      %dma_start3A_240 = tpu.memref_squeeze %dma_start3A_239 : memref<1x128xi32, #tpu.memory_space<vmem>> -> memref<128xi32, #tpu.memory_space<vmem>>
      %dma_start3A_241 = arith.constant 0 : i32
      %dma_start3A_242 = arith.constant 0 : i32
      %dma_start3A_243 = tpu.memref_slice %arg2[%dma_start3A_241, %dma_start3A_242] : memref<50048x64xf32, #tpu.memory_space<hbm>> -> memref<50048x64xf32, #tpu.memory_space<hbm>>
      tpu.enqueue_indirect_dma source(%dma_start3A_243 : memref<50048x64xf32, #tpu.memory_space<hbm>>) target(%dma_start3A_237 : memref<128x64xf32, #tpu.memory_space<vmem>>) offsets(%dma_start3A_240 : memref<128xi32, #tpu.memory_space<vmem>>) semaphore(%arg11 : memref<!tpu.dma_semaphore, #tpu.memory_space<semaphore_mem>>)
      %dma_wait3A_244 = arith.constant 4 : i32
      %dma_wait3A_245 = arith.constant 1 : i32
      %dma_wait3A_246 = arith.constant 0 : i32
      %dma_wait3A_247 = arith.constant 0 : i32
      %dma_wait3A_248 = tpu.memref_slice %arg9[%dma_wait3A_245, %dma_wait3A_246, %dma_wait3A_247] : memref<3x128x64xf32, #tpu.memory_space<vmem>> -> memref<1x128x64xf32, #tpu.memory_space<vmem>>
      %dma_wait3A_249 = tpu.memref_squeeze %dma_wait3A_248 : memref<1x128x64xf32, #tpu.memory_space<vmem>> -> memref<128x64xf32, #tpu.memory_space<vmem>>
      %dma_wait3A_250 = arith.constant 0 : i32
      %dma_wait3A_251 = tpu.memref_slice %arg7[%dma_wait3A_244, %dma_wait3A_250] : memref<12x128xi32, #tpu.memory_space<vmem>> -> memref<1x128xi32, #tpu.memory_space<vmem>>
      %dma_wait3A_252 = tpu.memref_squeeze %dma_wait3A_251 : memref<1x128xi32, #tpu.memory_space<vmem>> -> memref<128xi32, #tpu.memory_space<vmem>>
      %dma_wait3A_253 = arith.constant 0 : i32
      %dma_wait3A_254 = arith.constant 0 : i32
      %dma_wait3A_255 = tpu.memref_slice %arg2[%dma_wait3A_253, %dma_wait3A_254] : memref<50048x64xf32, #tpu.memory_space<hbm>> -> memref<50048x64xf32, #tpu.memory_space<hbm>>
      tpu.wait_indirect_dma semaphore(%arg11 : memref<!tpu.dma_semaphore, #tpu.memory_space<semaphore_mem>>) src(%dma_wait3A_255 : memref<50048x64xf32, #tpu.memory_space<hbm>>) dst(%dma_wait3A_249 : memref<128x64xf32, #tpu.memory_space<vmem>>)
      %dma_start3A_256 = arith.constant 1 : i32
      %dma_start3A_257 = arith.constant 4 : i32
      %dma_start3A_258 = arith.constant 0 : i32
      %dma_start3A_259 = arith.constant 0 : i32
      %dma_start3A_260 = tpu.memref_slice %arg9[%dma_start3A_256, %dma_start3A_258, %dma_start3A_259] : memref<3x128x64xf32, #tpu.memory_space<vmem>> -> memref<1x128x64xf32, #tpu.memory_space<vmem>>
      %dma_start3A_261 = tpu.memref_squeeze %dma_start3A_260 : memref<1x128x64xf32, #tpu.memory_space<vmem>> -> memref<128x64xf32, #tpu.memory_space<vmem>>
      %dma_start3A_262 = arith.constant 0 : i32
      %dma_start3A_263 = tpu.memref_slice %arg8[%dma_start3A_257, %dma_start3A_262] : memref<12x128xi32, #tpu.memory_space<vmem>> -> memref<1x128xi32, #tpu.memory_space<vmem>>
      %dma_start3A_264 = tpu.memref_squeeze %dma_start3A_263 : memref<1x128xi32, #tpu.memory_space<vmem>> -> memref<128xi32, #tpu.memory_space<vmem>>
      %dma_start3A_265 = arith.constant 0 : i32
      %dma_start3A_266 = arith.constant 0 : i32
      %dma_start3A_267 = tpu.memref_slice %arg10[%dma_start3A_265, %dma_start3A_266] : memref<25160x64xf32, #tpu.memory_space<vmem_shared>> -> memref<25160x64xf32, #tpu.memory_space<vmem_shared>>
      tpu.enqueue_indirect_dma source(%dma_start3A_261 : memref<128x64xf32, #tpu.memory_space<vmem>>) target(%dma_start3A_267 : memref<25160x64xf32, #tpu.memory_space<vmem_shared>>) offsets(%dma_start3A_264 : memref<128xi32, #tpu.memory_space<vmem>>) semaphore(%arg12 : memref<!tpu.dma_semaphore, #tpu.memory_space<semaphore_mem>>) {add = true}
      %dma_wait3A_268 = arith.constant 0 : i32
      %dma_wait3A_269 = arith.constant 3 : i32
      %dma_wait3A_270 = arith.constant 0 : i32
      %dma_wait3A_271 = arith.constant 0 : i32
      %dma_wait3A_272 = tpu.memref_slice %arg9[%dma_wait3A_268, %dma_wait3A_270, %dma_wait3A_271] : memref<3x128x64xf32, #tpu.memory_space<vmem>> -> memref<1x128x64xf32, #tpu.memory_space<vmem>>
      %dma_wait3A_273 = tpu.memref_squeeze %dma_wait3A_272 : memref<1x128x64xf32, #tpu.memory_space<vmem>> -> memref<128x64xf32, #tpu.memory_space<vmem>>
      %dma_wait3A_274 = arith.constant 0 : i32
      %dma_wait3A_275 = tpu.memref_slice %arg8[%dma_wait3A_269, %dma_wait3A_274] : memref<12x128xi32, #tpu.memory_space<vmem>> -> memref<1x128xi32, #tpu.memory_space<vmem>>
      %dma_wait3A_276 = tpu.memref_squeeze %dma_wait3A_275 : memref<1x128xi32, #tpu.memory_space<vmem>> -> memref<128xi32, #tpu.memory_space<vmem>>
      %dma_wait3A_277 = arith.constant 0 : i32
      %dma_wait3A_278 = arith.constant 0 : i32
      %dma_wait3A_279 = tpu.memref_slice %arg10[%dma_wait3A_277, %dma_wait3A_278] : memref<25160x64xf32, #tpu.memory_space<vmem_shared>> -> memref<25160x64xf32, #tpu.memory_space<vmem_shared>>
      tpu.wait_indirect_dma semaphore(%arg12 : memref<!tpu.dma_semaphore, #tpu.memory_space<semaphore_mem>>) src(%dma_wait3A_273 : memref<128x64xf32, #tpu.memory_space<vmem>>) dst(%dma_wait3A_279 : memref<25160x64xf32, #tpu.memory_space<vmem_shared>>)
      %dma_start3A_280 = arith.constant 6 : i32
      %dma_start3A_281 = arith.constant 0 : i32
      %dma_start3A_282 = arith.constant 0 : i32
      %dma_start3A_283 = arith.constant 0 : i32
      %dma_start3A_284 = tpu.memref_slice %arg9[%dma_start3A_281, %dma_start3A_282, %dma_start3A_283] : memref<3x128x64xf32, #tpu.memory_space<vmem>> -> memref<1x128x64xf32, #tpu.memory_space<vmem>>
      %dma_start3A_285 = tpu.memref_squeeze %dma_start3A_284 : memref<1x128x64xf32, #tpu.memory_space<vmem>> -> memref<128x64xf32, #tpu.memory_space<vmem>>
      %dma_start3A_286 = arith.constant 0 : i32
      %dma_start3A_287 = tpu.memref_slice %arg7[%dma_start3A_280, %dma_start3A_286] : memref<12x128xi32, #tpu.memory_space<vmem>> -> memref<1x128xi32, #tpu.memory_space<vmem>>
      %dma_start3A_288 = tpu.memref_squeeze %dma_start3A_287 : memref<1x128xi32, #tpu.memory_space<vmem>> -> memref<128xi32, #tpu.memory_space<vmem>>
      %dma_start3A_289 = arith.constant 0 : i32
      %dma_start3A_290 = arith.constant 0 : i32
      %dma_start3A_291 = tpu.memref_slice %arg2[%dma_start3A_289, %dma_start3A_290] : memref<50048x64xf32, #tpu.memory_space<hbm>> -> memref<50048x64xf32, #tpu.memory_space<hbm>>
      tpu.enqueue_indirect_dma source(%dma_start3A_291 : memref<50048x64xf32, #tpu.memory_space<hbm>>) target(%dma_start3A_285 : memref<128x64xf32, #tpu.memory_space<vmem>>) offsets(%dma_start3A_288 : memref<128xi32, #tpu.memory_space<vmem>>) semaphore(%arg11 : memref<!tpu.dma_semaphore, #tpu.memory_space<semaphore_mem>>)
      %dma_wait3A_292 = arith.constant 5 : i32
      %dma_wait3A_293 = arith.constant 2 : i32
      %dma_wait3A_294 = arith.constant 0 : i32
      %dma_wait3A_295 = arith.constant 0 : i32
      %dma_wait3A_296 = tpu.memref_slice %arg9[%dma_wait3A_293, %dma_wait3A_294, %dma_wait3A_295] : memref<3x128x64xf32, #tpu.memory_space<vmem>> -> memref<1x128x64xf32, #tpu.memory_space<vmem>>
      %dma_wait3A_297 = tpu.memref_squeeze %dma_wait3A_296 : memref<1x128x64xf32, #tpu.memory_space<vmem>> -> memref<128x64xf32, #tpu.memory_space<vmem>>
      %dma_wait3A_298 = arith.constant 0 : i32
      %dma_wait3A_299 = tpu.memref_slice %arg7[%dma_wait3A_292, %dma_wait3A_298] : memref<12x128xi32, #tpu.memory_space<vmem>> -> memref<1x128xi32, #tpu.memory_space<vmem>>
      %dma_wait3A_300 = tpu.memref_squeeze %dma_wait3A_299 : memref<1x128xi32, #tpu.memory_space<vmem>> -> memref<128xi32, #tpu.memory_space<vmem>>
      %dma_wait3A_301 = arith.constant 0 : i32
      %dma_wait3A_302 = arith.constant 0 : i32
      %dma_wait3A_303 = tpu.memref_slice %arg2[%dma_wait3A_301, %dma_wait3A_302] : memref<50048x64xf32, #tpu.memory_space<hbm>> -> memref<50048x64xf32, #tpu.memory_space<hbm>>
      tpu.wait_indirect_dma semaphore(%arg11 : memref<!tpu.dma_semaphore, #tpu.memory_space<semaphore_mem>>) src(%dma_wait3A_303 : memref<50048x64xf32, #tpu.memory_space<hbm>>) dst(%dma_wait3A_297 : memref<128x64xf32, #tpu.memory_space<vmem>>)
      %dma_start3A_304 = arith.constant 2 : i32
      %dma_start3A_305 = arith.constant 5 : i32
      %dma_start3A_306 = arith.constant 0 : i32
      %dma_start3A_307 = arith.constant 0 : i32
      %dma_start3A_308 = tpu.memref_slice %arg9[%dma_start3A_304, %dma_start3A_306, %dma_start3A_307] : memref<3x128x64xf32, #tpu.memory_space<vmem>> -> memref<1x128x64xf32, #tpu.memory_space<vmem>>
      %dma_start3A_309 = tpu.memref_squeeze %dma_start3A_308 : memref<1x128x64xf32, #tpu.memory_space<vmem>> -> memref<128x64xf32, #tpu.memory_space<vmem>>
      %dma_start3A_310 = arith.constant 0 : i32
      %dma_start3A_311 = tpu.memref_slice %arg8[%dma_start3A_305, %dma_start3A_310] : memref<12x128xi32, #tpu.memory_space<vmem>> -> memref<1x128xi32, #tpu.memory_space<vmem>>
      %dma_start3A_312 = tpu.memref_squeeze %dma_start3A_311 : memref<1x128xi32, #tpu.memory_space<vmem>> -> memref<128xi32, #tpu.memory_space<vmem>>
      %dma_start3A_313 = arith.constant 0 : i32
      %dma_start3A_314 = arith.constant 0 : i32
      %dma_start3A_315 = tpu.memref_slice %arg10[%dma_start3A_313, %dma_start3A_314] : memref<25160x64xf32, #tpu.memory_space<vmem_shared>> -> memref<25160x64xf32, #tpu.memory_space<vmem_shared>>
      tpu.enqueue_indirect_dma source(%dma_start3A_309 : memref<128x64xf32, #tpu.memory_space<vmem>>) target(%dma_start3A_315 : memref<25160x64xf32, #tpu.memory_space<vmem_shared>>) offsets(%dma_start3A_312 : memref<128xi32, #tpu.memory_space<vmem>>) semaphore(%arg12 : memref<!tpu.dma_semaphore, #tpu.memory_space<semaphore_mem>>) {add = true}
      %dma_wait3A_316 = arith.constant 1 : i32
      %dma_wait3A_317 = arith.constant 4 : i32
      %dma_wait3A_318 = arith.constant 0 : i32
      %dma_wait3A_319 = arith.constant 0 : i32
      %dma_wait3A_320 = tpu.memref_slice %arg9[%dma_wait3A_316, %dma_wait3A_318, %dma_wait3A_319] : memref<3x128x64xf32, #tpu.memory_space<vmem>> -> memref<1x128x64xf32, #tpu.memory_space<vmem>>
      %dma_wait3A_321 = tpu.memref_squeeze %dma_wait3A_320 : memref<1x128x64xf32, #tpu.memory_space<vmem>> -> memref<128x64xf32, #tpu.memory_space<vmem>>
      %dma_wait3A_322 = arith.constant 0 : i32
      %dma_wait3A_323 = tpu.memref_slice %arg8[%dma_wait3A_317, %dma_wait3A_322] : memref<12x128xi32, #tpu.memory_space<vmem>> -> memref<1x128xi32, #tpu.memory_space<vmem>>
      %dma_wait3A_324 = tpu.memref_squeeze %dma_wait3A_323 : memref<1x128xi32, #tpu.memory_space<vmem>> -> memref<128xi32, #tpu.memory_space<vmem>>
      %dma_wait3A_325 = arith.constant 0 : i32
      %dma_wait3A_326 = arith.constant 0 : i32
      %dma_wait3A_327 = tpu.memref_slice %arg10[%dma_wait3A_325, %dma_wait3A_326] : memref<25160x64xf32, #tpu.memory_space<vmem_shared>> -> memref<25160x64xf32, #tpu.memory_space<vmem_shared>>
      tpu.wait_indirect_dma semaphore(%arg12 : memref<!tpu.dma_semaphore, #tpu.memory_space<semaphore_mem>>) src(%dma_wait3A_321 : memref<128x64xf32, #tpu.memory_space<vmem>>) dst(%dma_wait3A_327 : memref<25160x64xf32, #tpu.memory_space<vmem_shared>>)
      %dma_start3A_328 = arith.constant 7 : i32
      %dma_start3A_329 = arith.constant 1 : i32
      %dma_start3A_330 = arith.constant 0 : i32
      %dma_start3A_331 = arith.constant 0 : i32
      %dma_start3A_332 = tpu.memref_slice %arg9[%dma_start3A_329, %dma_start3A_330, %dma_start3A_331] : memref<3x128x64xf32, #tpu.memory_space<vmem>> -> memref<1x128x64xf32, #tpu.memory_space<vmem>>
      %dma_start3A_333 = tpu.memref_squeeze %dma_start3A_332 : memref<1x128x64xf32, #tpu.memory_space<vmem>> -> memref<128x64xf32, #tpu.memory_space<vmem>>
      %dma_start3A_334 = arith.constant 0 : i32
      %dma_start3A_335 = tpu.memref_slice %arg7[%dma_start3A_328, %dma_start3A_334] : memref<12x128xi32, #tpu.memory_space<vmem>> -> memref<1x128xi32, #tpu.memory_space<vmem>>
      %dma_start3A_336 = tpu.memref_squeeze %dma_start3A_335 : memref<1x128xi32, #tpu.memory_space<vmem>> -> memref<128xi32, #tpu.memory_space<vmem>>
      %dma_start3A_337 = arith.constant 0 : i32
      %dma_start3A_338 = arith.constant 0 : i32
      %dma_start3A_339 = tpu.memref_slice %arg2[%dma_start3A_337, %dma_start3A_338] : memref<50048x64xf32, #tpu.memory_space<hbm>> -> memref<50048x64xf32, #tpu.memory_space<hbm>>
      tpu.enqueue_indirect_dma source(%dma_start3A_339 : memref<50048x64xf32, #tpu.memory_space<hbm>>) target(%dma_start3A_333 : memref<128x64xf32, #tpu.memory_space<vmem>>) offsets(%dma_start3A_336 : memref<128xi32, #tpu.memory_space<vmem>>) semaphore(%arg11 : memref<!tpu.dma_semaphore, #tpu.memory_space<semaphore_mem>>)
      %dma_wait3A_340 = arith.constant 6 : i32
      %dma_wait3A_341 = arith.constant 0 : i32
      %dma_wait3A_342 = arith.constant 0 : i32
      %dma_wait3A_343 = arith.constant 0 : i32
      %dma_wait3A_344 = tpu.memref_slice %arg9[%dma_wait3A_341, %dma_wait3A_342, %dma_wait3A_343] : memref<3x128x64xf32, #tpu.memory_space<vmem>> -> memref<1x128x64xf32, #tpu.memory_space<vmem>>
      %dma_wait3A_345 = tpu.memref_squeeze %dma_wait3A_344 : memref<1x128x64xf32, #tpu.memory_space<vmem>> -> memref<128x64xf32, #tpu.memory_space<vmem>>
      %dma_wait3A_346 = arith.constant 0 : i32
      %dma_wait3A_347 = tpu.memref_slice %arg7[%dma_wait3A_340, %dma_wait3A_346] : memref<12x128xi32, #tpu.memory_space<vmem>> -> memref<1x128xi32, #tpu.memory_space<vmem>>
      %dma_wait3A_348 = tpu.memref_squeeze %dma_wait3A_347 : memref<1x128xi32, #tpu.memory_space<vmem>> -> memref<128xi32, #tpu.memory_space<vmem>>
      %dma_wait3A_349 = arith.constant 0 : i32
      %dma_wait3A_350 = arith.constant 0 : i32
      %dma_wait3A_351 = tpu.memref_slice %arg2[%dma_wait3A_349, %dma_wait3A_350] : memref<50048x64xf32, #tpu.memory_space<hbm>> -> memref<50048x64xf32, #tpu.memory_space<hbm>>
      tpu.wait_indirect_dma semaphore(%arg11 : memref<!tpu.dma_semaphore, #tpu.memory_space<semaphore_mem>>) src(%dma_wait3A_351 : memref<50048x64xf32, #tpu.memory_space<hbm>>) dst(%dma_wait3A_345 : memref<128x64xf32, #tpu.memory_space<vmem>>)
      %dma_start3A_352 = arith.constant 0 : i32
      %dma_start3A_353 = arith.constant 6 : i32
      %dma_start3A_354 = arith.constant 0 : i32
      %dma_start3A_355 = arith.constant 0 : i32
      %dma_start3A_356 = tpu.memref_slice %arg9[%dma_start3A_352, %dma_start3A_354, %dma_start3A_355] : memref<3x128x64xf32, #tpu.memory_space<vmem>> -> memref<1x128x64xf32, #tpu.memory_space<vmem>>
      %dma_start3A_357 = tpu.memref_squeeze %dma_start3A_356 : memref<1x128x64xf32, #tpu.memory_space<vmem>> -> memref<128x64xf32, #tpu.memory_space<vmem>>
      %dma_start3A_358 = arith.constant 0 : i32
      %dma_start3A_359 = tpu.memref_slice %arg8[%dma_start3A_353, %dma_start3A_358] : memref<12x128xi32, #tpu.memory_space<vmem>> -> memref<1x128xi32, #tpu.memory_space<vmem>>
      %dma_start3A_360 = tpu.memref_squeeze %dma_start3A_359 : memref<1x128xi32, #tpu.memory_space<vmem>> -> memref<128xi32, #tpu.memory_space<vmem>>
      %dma_start3A_361 = arith.constant 0 : i32
      %dma_start3A_362 = arith.constant 0 : i32
      %dma_start3A_363 = tpu.memref_slice %arg10[%dma_start3A_361, %dma_start3A_362] : memref<25160x64xf32, #tpu.memory_space<vmem_shared>> -> memref<25160x64xf32, #tpu.memory_space<vmem_shared>>
      tpu.enqueue_indirect_dma source(%dma_start3A_357 : memref<128x64xf32, #tpu.memory_space<vmem>>) target(%dma_start3A_363 : memref<25160x64xf32, #tpu.memory_space<vmem_shared>>) offsets(%dma_start3A_360 : memref<128xi32, #tpu.memory_space<vmem>>) semaphore(%arg12 : memref<!tpu.dma_semaphore, #tpu.memory_space<semaphore_mem>>) {add = true}
      %dma_wait3A_364 = arith.constant 2 : i32
      %dma_wait3A_365 = arith.constant 5 : i32
      %dma_wait3A_366 = arith.constant 0 : i32
      %dma_wait3A_367 = arith.constant 0 : i32
      %dma_wait3A_368 = tpu.memref_slice %arg9[%dma_wait3A_364, %dma_wait3A_366, %dma_wait3A_367] : memref<3x128x64xf32, #tpu.memory_space<vmem>> -> memref<1x128x64xf32, #tpu.memory_space<vmem>>
      %dma_wait3A_369 = tpu.memref_squeeze %dma_wait3A_368 : memref<1x128x64xf32, #tpu.memory_space<vmem>> -> memref<128x64xf32, #tpu.memory_space<vmem>>
      %dma_wait3A_370 = arith.constant 0 : i32
      %dma_wait3A_371 = tpu.memref_slice %arg8[%dma_wait3A_365, %dma_wait3A_370] : memref<12x128xi32, #tpu.memory_space<vmem>> -> memref<1x128xi32, #tpu.memory_space<vmem>>
      %dma_wait3A_372 = tpu.memref_squeeze %dma_wait3A_371 : memref<1x128xi32, #tpu.memory_space<vmem>> -> memref<128xi32, #tpu.memory_space<vmem>>
      %dma_wait3A_373 = arith.constant 0 : i32
      %dma_wait3A_374 = arith.constant 0 : i32
      %dma_wait3A_375 = tpu.memref_slice %arg10[%dma_wait3A_373, %dma_wait3A_374] : memref<25160x64xf32, #tpu.memory_space<vmem_shared>> -> memref<25160x64xf32, #tpu.memory_space<vmem_shared>>
      tpu.wait_indirect_dma semaphore(%arg12 : memref<!tpu.dma_semaphore, #tpu.memory_space<semaphore_mem>>) src(%dma_wait3A_369 : memref<128x64xf32, #tpu.memory_space<vmem>>) dst(%dma_wait3A_375 : memref<25160x64xf32, #tpu.memory_space<vmem_shared>>)
      %dma_start3A_376 = arith.constant 8 : i32
      %dma_start3A_377 = arith.constant 2 : i32
      %dma_start3A_378 = arith.constant 0 : i32
      %dma_start3A_379 = arith.constant 0 : i32
      %dma_start3A_380 = tpu.memref_slice %arg9[%dma_start3A_377, %dma_start3A_378, %dma_start3A_379] : memref<3x128x64xf32, #tpu.memory_space<vmem>> -> memref<1x128x64xf32, #tpu.memory_space<vmem>>
      %dma_start3A_381 = tpu.memref_squeeze %dma_start3A_380 : memref<1x128x64xf32, #tpu.memory_space<vmem>> -> memref<128x64xf32, #tpu.memory_space<vmem>>
      %dma_start3A_382 = arith.constant 0 : i32
      %dma_start3A_383 = tpu.memref_slice %arg7[%dma_start3A_376, %dma_start3A_382] : memref<12x128xi32, #tpu.memory_space<vmem>> -> memref<1x128xi32, #tpu.memory_space<vmem>>
      %dma_start3A_384 = tpu.memref_squeeze %dma_start3A_383 : memref<1x128xi32, #tpu.memory_space<vmem>> -> memref<128xi32, #tpu.memory_space<vmem>>
      %dma_start3A_385 = arith.constant 0 : i32
      %dma_start3A_386 = arith.constant 0 : i32
      %dma_start3A_387 = tpu.memref_slice %arg2[%dma_start3A_385, %dma_start3A_386] : memref<50048x64xf32, #tpu.memory_space<hbm>> -> memref<50048x64xf32, #tpu.memory_space<hbm>>
      tpu.enqueue_indirect_dma source(%dma_start3A_387 : memref<50048x64xf32, #tpu.memory_space<hbm>>) target(%dma_start3A_381 : memref<128x64xf32, #tpu.memory_space<vmem>>) offsets(%dma_start3A_384 : memref<128xi32, #tpu.memory_space<vmem>>) semaphore(%arg11 : memref<!tpu.dma_semaphore, #tpu.memory_space<semaphore_mem>>)
      %dma_wait3A_388 = arith.constant 7 : i32
      %dma_wait3A_389 = arith.constant 1 : i32
      %dma_wait3A_390 = arith.constant 0 : i32
      %dma_wait3A_391 = arith.constant 0 : i32
      %dma_wait3A_392 = tpu.memref_slice %arg9[%dma_wait3A_389, %dma_wait3A_390, %dma_wait3A_391] : memref<3x128x64xf32, #tpu.memory_space<vmem>> -> memref<1x128x64xf32, #tpu.memory_space<vmem>>
      %dma_wait3A_393 = tpu.memref_squeeze %dma_wait3A_392 : memref<1x128x64xf32, #tpu.memory_space<vmem>> -> memref<128x64xf32, #tpu.memory_space<vmem>>
      %dma_wait3A_394 = arith.constant 0 : i32
      %dma_wait3A_395 = tpu.memref_slice %arg7[%dma_wait3A_388, %dma_wait3A_394] : memref<12x128xi32, #tpu.memory_space<vmem>> -> memref<1x128xi32, #tpu.memory_space<vmem>>
      %dma_wait3A_396 = tpu.memref_squeeze %dma_wait3A_395 : memref<1x128xi32, #tpu.memory_space<vmem>> -> memref<128xi32, #tpu.memory_space<vmem>>
      %dma_wait3A_397 = arith.constant 0 : i32
      %dma_wait3A_398 = arith.constant 0 : i32
      %dma_wait3A_399 = tpu.memref_slice %arg2[%dma_wait3A_397, %dma_wait3A_398] : memref<50048x64xf32, #tpu.memory_space<hbm>> -> memref<50048x64xf32, #tpu.memory_space<hbm>>
      tpu.wait_indirect_dma semaphore(%arg11 : memref<!tpu.dma_semaphore, #tpu.memory_space<semaphore_mem>>) src(%dma_wait3A_399 : memref<50048x64xf32, #tpu.memory_space<hbm>>) dst(%dma_wait3A_393 : memref<128x64xf32, #tpu.memory_space<vmem>>)
      %dma_start3A_400 = arith.constant 1 : i32
      %dma_start3A_401 = arith.constant 7 : i32
      %dma_start3A_402 = arith.constant 0 : i32
      %dma_start3A_403 = arith.constant 0 : i32
      %dma_start3A_404 = tpu.memref_slice %arg9[%dma_start3A_400, %dma_start3A_402, %dma_start3A_403] : memref<3x128x64xf32, #tpu.memory_space<vmem>> -> memref<1x128x64xf32, #tpu.memory_space<vmem>>
      %dma_start3A_405 = tpu.memref_squeeze %dma_start3A_404 : memref<1x128x64xf32, #tpu.memory_space<vmem>> -> memref<128x64xf32, #tpu.memory_space<vmem>>
      %dma_start3A_406 = arith.constant 0 : i32
      %dma_start3A_407 = tpu.memref_slice %arg8[%dma_start3A_401, %dma_start3A_406] : memref<12x128xi32, #tpu.memory_space<vmem>> -> memref<1x128xi32, #tpu.memory_space<vmem>>
      %dma_start3A_408 = tpu.memref_squeeze %dma_start3A_407 : memref<1x128xi32, #tpu.memory_space<vmem>> -> memref<128xi32, #tpu.memory_space<vmem>>
      %dma_start3A_409 = arith.constant 0 : i32
      %dma_start3A_410 = arith.constant 0 : i32
      %dma_start3A_411 = tpu.memref_slice %arg10[%dma_start3A_409, %dma_start3A_410] : memref<25160x64xf32, #tpu.memory_space<vmem_shared>> -> memref<25160x64xf32, #tpu.memory_space<vmem_shared>>
      tpu.enqueue_indirect_dma source(%dma_start3A_405 : memref<128x64xf32, #tpu.memory_space<vmem>>) target(%dma_start3A_411 : memref<25160x64xf32, #tpu.memory_space<vmem_shared>>) offsets(%dma_start3A_408 : memref<128xi32, #tpu.memory_space<vmem>>) semaphore(%arg12 : memref<!tpu.dma_semaphore, #tpu.memory_space<semaphore_mem>>) {add = true}
      %dma_wait3A_412 = arith.constant 0 : i32
      %dma_wait3A_413 = arith.constant 6 : i32
      %dma_wait3A_414 = arith.constant 0 : i32
      %dma_wait3A_415 = arith.constant 0 : i32
      %dma_wait3A_416 = tpu.memref_slice %arg9[%dma_wait3A_412, %dma_wait3A_414, %dma_wait3A_415] : memref<3x128x64xf32, #tpu.memory_space<vmem>> -> memref<1x128x64xf32, #tpu.memory_space<vmem>>
      %dma_wait3A_417 = tpu.memref_squeeze %dma_wait3A_416 : memref<1x128x64xf32, #tpu.memory_space<vmem>> -> memref<128x64xf32, #tpu.memory_space<vmem>>
      %dma_wait3A_418 = arith.constant 0 : i32
      %dma_wait3A_419 = tpu.memref_slice %arg8[%dma_wait3A_413, %dma_wait3A_418] : memref<12x128xi32, #tpu.memory_space<vmem>> -> memref<1x128xi32, #tpu.memory_space<vmem>>
      %dma_wait3A_420 = tpu.memref_squeeze %dma_wait3A_419 : memref<1x128xi32, #tpu.memory_space<vmem>> -> memref<128xi32, #tpu.memory_space<vmem>>
      %dma_wait3A_421 = arith.constant 0 : i32
      %dma_wait3A_422 = arith.constant 0 : i32
      %dma_wait3A_423 = tpu.memref_slice %arg10[%dma_wait3A_421, %dma_wait3A_422] : memref<25160x64xf32, #tpu.memory_space<vmem_shared>> -> memref<25160x64xf32, #tpu.memory_space<vmem_shared>>
      tpu.wait_indirect_dma semaphore(%arg12 : memref<!tpu.dma_semaphore, #tpu.memory_space<semaphore_mem>>) src(%dma_wait3A_417 : memref<128x64xf32, #tpu.memory_space<vmem>>) dst(%dma_wait3A_423 : memref<25160x64xf32, #tpu.memory_space<vmem_shared>>)
      %dma_start3A_424 = arith.constant 9 : i32
      %dma_start3A_425 = arith.constant 0 : i32
      %dma_start3A_426 = arith.constant 0 : i32
      %dma_start3A_427 = arith.constant 0 : i32
      %dma_start3A_428 = tpu.memref_slice %arg9[%dma_start3A_425, %dma_start3A_426, %dma_start3A_427] : memref<3x128x64xf32, #tpu.memory_space<vmem>> -> memref<1x128x64xf32, #tpu.memory_space<vmem>>
      %dma_start3A_429 = tpu.memref_squeeze %dma_start3A_428 : memref<1x128x64xf32, #tpu.memory_space<vmem>> -> memref<128x64xf32, #tpu.memory_space<vmem>>
      %dma_start3A_430 = arith.constant 0 : i32
      %dma_start3A_431 = tpu.memref_slice %arg7[%dma_start3A_424, %dma_start3A_430] : memref<12x128xi32, #tpu.memory_space<vmem>> -> memref<1x128xi32, #tpu.memory_space<vmem>>
      %dma_start3A_432 = tpu.memref_squeeze %dma_start3A_431 : memref<1x128xi32, #tpu.memory_space<vmem>> -> memref<128xi32, #tpu.memory_space<vmem>>
      %dma_start3A_433 = arith.constant 0 : i32
      %dma_start3A_434 = arith.constant 0 : i32
      %dma_start3A_435 = tpu.memref_slice %arg2[%dma_start3A_433, %dma_start3A_434] : memref<50048x64xf32, #tpu.memory_space<hbm>> -> memref<50048x64xf32, #tpu.memory_space<hbm>>
      tpu.enqueue_indirect_dma source(%dma_start3A_435 : memref<50048x64xf32, #tpu.memory_space<hbm>>) target(%dma_start3A_429 : memref<128x64xf32, #tpu.memory_space<vmem>>) offsets(%dma_start3A_432 : memref<128xi32, #tpu.memory_space<vmem>>) semaphore(%arg11 : memref<!tpu.dma_semaphore, #tpu.memory_space<semaphore_mem>>)
      %dma_wait3A_436 = arith.constant 8 : i32
      %dma_wait3A_437 = arith.constant 2 : i32
      %dma_wait3A_438 = arith.constant 0 : i32
      %dma_wait3A_439 = arith.constant 0 : i32
      %dma_wait3A_440 = tpu.memref_slice %arg9[%dma_wait3A_437, %dma_wait3A_438, %dma_wait3A_439] : memref<3x128x64xf32, #tpu.memory_space<vmem>> -> memref<1x128x64xf32, #tpu.memory_space<vmem>>
      %dma_wait3A_441 = tpu.memref_squeeze %dma_wait3A_440 : memref<1x128x64xf32, #tpu.memory_space<vmem>> -> memref<128x64xf32, #tpu.memory_space<vmem>>
      %dma_wait3A_442 = arith.constant 0 : i32
      %dma_wait3A_443 = tpu.memref_slice %arg7[%dma_wait3A_436, %dma_wait3A_442] : memref<12x128xi32, #tpu.memory_space<vmem>> -> memref<1x128xi32, #tpu.memory_space<vmem>>
      %dma_wait3A_444 = tpu.memref_squeeze %dma_wait3A_443 : memref<1x128xi32, #tpu.memory_space<vmem>> -> memref<128xi32, #tpu.memory_space<vmem>>
      %dma_wait3A_445 = arith.constant 0 : i32
      %dma_wait3A_446 = arith.constant 0 : i32
      %dma_wait3A_447 = tpu.memref_slice %arg2[%dma_wait3A_445, %dma_wait3A_446] : memref<50048x64xf32, #tpu.memory_space<hbm>> -> memref<50048x64xf32, #tpu.memory_space<hbm>>
      tpu.wait_indirect_dma semaphore(%arg11 : memref<!tpu.dma_semaphore, #tpu.memory_space<semaphore_mem>>) src(%dma_wait3A_447 : memref<50048x64xf32, #tpu.memory_space<hbm>>) dst(%dma_wait3A_441 : memref<128x64xf32, #tpu.memory_space<vmem>>)
      %dma_start3A_448 = arith.constant 2 : i32
      %dma_start3A_449 = arith.constant 8 : i32
      %dma_start3A_450 = arith.constant 0 : i32
      %dma_start3A_451 = arith.constant 0 : i32
      %dma_start3A_452 = tpu.memref_slice %arg9[%dma_start3A_448, %dma_start3A_450, %dma_start3A_451] : memref<3x128x64xf32, #tpu.memory_space<vmem>> -> memref<1x128x64xf32, #tpu.memory_space<vmem>>
      %dma_start3A_453 = tpu.memref_squeeze %dma_start3A_452 : memref<1x128x64xf32, #tpu.memory_space<vmem>> -> memref<128x64xf32, #tpu.memory_space<vmem>>
      %dma_start3A_454 = arith.constant 0 : i32
      %dma_start3A_455 = tpu.memref_slice %arg8[%dma_start3A_449, %dma_start3A_454] : memref<12x128xi32, #tpu.memory_space<vmem>> -> memref<1x128xi32, #tpu.memory_space<vmem>>
      %dma_start3A_456 = tpu.memref_squeeze %dma_start3A_455 : memref<1x128xi32, #tpu.memory_space<vmem>> -> memref<128xi32, #tpu.memory_space<vmem>>
      %dma_start3A_457 = arith.constant 0 : i32
      %dma_start3A_458 = arith.constant 0 : i32
      %dma_start3A_459 = tpu.memref_slice %arg10[%dma_start3A_457, %dma_start3A_458] : memref<25160x64xf32, #tpu.memory_space<vmem_shared>> -> memref<25160x64xf32, #tpu.memory_space<vmem_shared>>
      tpu.enqueue_indirect_dma source(%dma_start3A_453 : memref<128x64xf32, #tpu.memory_space<vmem>>) target(%dma_start3A_459 : memref<25160x64xf32, #tpu.memory_space<vmem_shared>>) offsets(%dma_start3A_456 : memref<128xi32, #tpu.memory_space<vmem>>) semaphore(%arg12 : memref<!tpu.dma_semaphore, #tpu.memory_space<semaphore_mem>>) {add = true}
      %dma_wait3A_460 = arith.constant 1 : i32
      %dma_wait3A_461 = arith.constant 7 : i32
      %dma_wait3A_462 = arith.constant 0 : i32
      %dma_wait3A_463 = arith.constant 0 : i32
      %dma_wait3A_464 = tpu.memref_slice %arg9[%dma_wait3A_460, %dma_wait3A_462, %dma_wait3A_463] : memref<3x128x64xf32, #tpu.memory_space<vmem>> -> memref<1x128x64xf32, #tpu.memory_space<vmem>>
      %dma_wait3A_465 = tpu.memref_squeeze %dma_wait3A_464 : memref<1x128x64xf32, #tpu.memory_space<vmem>> -> memref<128x64xf32, #tpu.memory_space<vmem>>
      %dma_wait3A_466 = arith.constant 0 : i32
      %dma_wait3A_467 = tpu.memref_slice %arg8[%dma_wait3A_461, %dma_wait3A_466] : memref<12x128xi32, #tpu.memory_space<vmem>> -> memref<1x128xi32, #tpu.memory_space<vmem>>
      %dma_wait3A_468 = tpu.memref_squeeze %dma_wait3A_467 : memref<1x128xi32, #tpu.memory_space<vmem>> -> memref<128xi32, #tpu.memory_space<vmem>>
      %dma_wait3A_469 = arith.constant 0 : i32
      %dma_wait3A_470 = arith.constant 0 : i32
      %dma_wait3A_471 = tpu.memref_slice %arg10[%dma_wait3A_469, %dma_wait3A_470] : memref<25160x64xf32, #tpu.memory_space<vmem_shared>> -> memref<25160x64xf32, #tpu.memory_space<vmem_shared>>
      tpu.wait_indirect_dma semaphore(%arg12 : memref<!tpu.dma_semaphore, #tpu.memory_space<semaphore_mem>>) src(%dma_wait3A_465 : memref<128x64xf32, #tpu.memory_space<vmem>>) dst(%dma_wait3A_471 : memref<25160x64xf32, #tpu.memory_space<vmem_shared>>)
      %dma_start3A_472 = arith.constant 10 : i32
      %dma_start3A_473 = arith.constant 1 : i32
      %dma_start3A_474 = arith.constant 0 : i32
      %dma_start3A_475 = arith.constant 0 : i32
      %dma_start3A_476 = tpu.memref_slice %arg9[%dma_start3A_473, %dma_start3A_474, %dma_start3A_475] : memref<3x128x64xf32, #tpu.memory_space<vmem>> -> memref<1x128x64xf32, #tpu.memory_space<vmem>>
      %dma_start3A_477 = tpu.memref_squeeze %dma_start3A_476 : memref<1x128x64xf32, #tpu.memory_space<vmem>> -> memref<128x64xf32, #tpu.memory_space<vmem>>
      %dma_start3A_478 = arith.constant 0 : i32
      %dma_start3A_479 = tpu.memref_slice %arg7[%dma_start3A_472, %dma_start3A_478] : memref<12x128xi32, #tpu.memory_space<vmem>> -> memref<1x128xi32, #tpu.memory_space<vmem>>
      %dma_start3A_480 = tpu.memref_squeeze %dma_start3A_479 : memref<1x128xi32, #tpu.memory_space<vmem>> -> memref<128xi32, #tpu.memory_space<vmem>>
      %dma_start3A_481 = arith.constant 0 : i32
      %dma_start3A_482 = arith.constant 0 : i32
      %dma_start3A_483 = tpu.memref_slice %arg2[%dma_start3A_481, %dma_start3A_482] : memref<50048x64xf32, #tpu.memory_space<hbm>> -> memref<50048x64xf32, #tpu.memory_space<hbm>>
      tpu.enqueue_indirect_dma source(%dma_start3A_483 : memref<50048x64xf32, #tpu.memory_space<hbm>>) target(%dma_start3A_477 : memref<128x64xf32, #tpu.memory_space<vmem>>) offsets(%dma_start3A_480 : memref<128xi32, #tpu.memory_space<vmem>>) semaphore(%arg11 : memref<!tpu.dma_semaphore, #tpu.memory_space<semaphore_mem>>)
      %dma_wait3A_484 = arith.constant 9 : i32
      %dma_wait3A_485 = arith.constant 0 : i32
      %dma_wait3A_486 = arith.constant 0 : i32
      %dma_wait3A_487 = arith.constant 0 : i32
      %dma_wait3A_488 = tpu.memref_slice %arg9[%dma_wait3A_485, %dma_wait3A_486, %dma_wait3A_487] : memref<3x128x64xf32, #tpu.memory_space<vmem>> -> memref<1x128x64xf32, #tpu.memory_space<vmem>>
      %dma_wait3A_489 = tpu.memref_squeeze %dma_wait3A_488 : memref<1x128x64xf32, #tpu.memory_space<vmem>> -> memref<128x64xf32, #tpu.memory_space<vmem>>
      %dma_wait3A_490 = arith.constant 0 : i32
      %dma_wait3A_491 = tpu.memref_slice %arg7[%dma_wait3A_484, %dma_wait3A_490] : memref<12x128xi32, #tpu.memory_space<vmem>> -> memref<1x128xi32, #tpu.memory_space<vmem>>
      %dma_wait3A_492 = tpu.memref_squeeze %dma_wait3A_491 : memref<1x128xi32, #tpu.memory_space<vmem>> -> memref<128xi32, #tpu.memory_space<vmem>>
      %dma_wait3A_493 = arith.constant 0 : i32
      %dma_wait3A_494 = arith.constant 0 : i32
      %dma_wait3A_495 = tpu.memref_slice %arg2[%dma_wait3A_493, %dma_wait3A_494] : memref<50048x64xf32, #tpu.memory_space<hbm>> -> memref<50048x64xf32, #tpu.memory_space<hbm>>
      tpu.wait_indirect_dma semaphore(%arg11 : memref<!tpu.dma_semaphore, #tpu.memory_space<semaphore_mem>>) src(%dma_wait3A_495 : memref<50048x64xf32, #tpu.memory_space<hbm>>) dst(%dma_wait3A_489 : memref<128x64xf32, #tpu.memory_space<vmem>>)
      %dma_start3A_496 = arith.constant 0 : i32
      %dma_start3A_497 = arith.constant 9 : i32
      %dma_start3A_498 = arith.constant 0 : i32
      %dma_start3A_499 = arith.constant 0 : i32
      %dma_start3A_500 = tpu.memref_slice %arg9[%dma_start3A_496, %dma_start3A_498, %dma_start3A_499] : memref<3x128x64xf32, #tpu.memory_space<vmem>> -> memref<1x128x64xf32, #tpu.memory_space<vmem>>
      %dma_start3A_501 = tpu.memref_squeeze %dma_start3A_500 : memref<1x128x64xf32, #tpu.memory_space<vmem>> -> memref<128x64xf32, #tpu.memory_space<vmem>>
      %dma_start3A_502 = arith.constant 0 : i32
      %dma_start3A_503 = tpu.memref_slice %arg8[%dma_start3A_497, %dma_start3A_502] : memref<12x128xi32, #tpu.memory_space<vmem>> -> memref<1x128xi32, #tpu.memory_space<vmem>>
      %dma_start3A_504 = tpu.memref_squeeze %dma_start3A_503 : memref<1x128xi32, #tpu.memory_space<vmem>> -> memref<128xi32, #tpu.memory_space<vmem>>
      %dma_start3A_505 = arith.constant 0 : i32
      %dma_start3A_506 = arith.constant 0 : i32
      %dma_start3A_507 = tpu.memref_slice %arg10[%dma_start3A_505, %dma_start3A_506] : memref<25160x64xf32, #tpu.memory_space<vmem_shared>> -> memref<25160x64xf32, #tpu.memory_space<vmem_shared>>
      tpu.enqueue_indirect_dma source(%dma_start3A_501 : memref<128x64xf32, #tpu.memory_space<vmem>>) target(%dma_start3A_507 : memref<25160x64xf32, #tpu.memory_space<vmem_shared>>) offsets(%dma_start3A_504 : memref<128xi32, #tpu.memory_space<vmem>>) semaphore(%arg12 : memref<!tpu.dma_semaphore, #tpu.memory_space<semaphore_mem>>) {add = true}
      %dma_wait3A_508 = arith.constant 2 : i32
      %dma_wait3A_509 = arith.constant 8 : i32
      %dma_wait3A_510 = arith.constant 0 : i32
      %dma_wait3A_511 = arith.constant 0 : i32
      %dma_wait3A_512 = tpu.memref_slice %arg9[%dma_wait3A_508, %dma_wait3A_510, %dma_wait3A_511] : memref<3x128x64xf32, #tpu.memory_space<vmem>> -> memref<1x128x64xf32, #tpu.memory_space<vmem>>
      %dma_wait3A_513 = tpu.memref_squeeze %dma_wait3A_512 : memref<1x128x64xf32, #tpu.memory_space<vmem>> -> memref<128x64xf32, #tpu.memory_space<vmem>>
      %dma_wait3A_514 = arith.constant 0 : i32
      %dma_wait3A_515 = tpu.memref_slice %arg8[%dma_wait3A_509, %dma_wait3A_514] : memref<12x128xi32, #tpu.memory_space<vmem>> -> memref<1x128xi32, #tpu.memory_space<vmem>>
      %dma_wait3A_516 = tpu.memref_squeeze %dma_wait3A_515 : memref<1x128xi32, #tpu.memory_space<vmem>> -> memref<128xi32, #tpu.memory_space<vmem>>
      %dma_wait3A_517 = arith.constant 0 : i32
      %dma_wait3A_518 = arith.constant 0 : i32
      %dma_wait3A_519 = tpu.memref_slice %arg10[%dma_wait3A_517, %dma_wait3A_518] : memref<25160x64xf32, #tpu.memory_space<vmem_shared>> -> memref<25160x64xf32, #tpu.memory_space<vmem_shared>>
      tpu.wait_indirect_dma semaphore(%arg12 : memref<!tpu.dma_semaphore, #tpu.memory_space<semaphore_mem>>) src(%dma_wait3A_513 : memref<128x64xf32, #tpu.memory_space<vmem>>) dst(%dma_wait3A_519 : memref<25160x64xf32, #tpu.memory_space<vmem_shared>>)
      %dma_start3A_520 = arith.constant 11 : i32
      %dma_start3A_521 = arith.constant 2 : i32
      %dma_start3A_522 = arith.constant 0 : i32
      %dma_start3A_523 = arith.constant 0 : i32
      %dma_start3A_524 = tpu.memref_slice %arg9[%dma_start3A_521, %dma_start3A_522, %dma_start3A_523] : memref<3x128x64xf32, #tpu.memory_space<vmem>> -> memref<1x128x64xf32, #tpu.memory_space<vmem>>
      %dma_start3A_525 = tpu.memref_squeeze %dma_start3A_524 : memref<1x128x64xf32, #tpu.memory_space<vmem>> -> memref<128x64xf32, #tpu.memory_space<vmem>>
      %dma_start3A_526 = arith.constant 0 : i32
      %dma_start3A_527 = tpu.memref_slice %arg7[%dma_start3A_520, %dma_start3A_526] : memref<12x128xi32, #tpu.memory_space<vmem>> -> memref<1x128xi32, #tpu.memory_space<vmem>>
      %dma_start3A_528 = tpu.memref_squeeze %dma_start3A_527 : memref<1x128xi32, #tpu.memory_space<vmem>> -> memref<128xi32, #tpu.memory_space<vmem>>
      %dma_start3A_529 = arith.constant 0 : i32
      %dma_start3A_530 = arith.constant 0 : i32
      %dma_start3A_531 = tpu.memref_slice %arg2[%dma_start3A_529, %dma_start3A_530] : memref<50048x64xf32, #tpu.memory_space<hbm>> -> memref<50048x64xf32, #tpu.memory_space<hbm>>
      tpu.enqueue_indirect_dma source(%dma_start3A_531 : memref<50048x64xf32, #tpu.memory_space<hbm>>) target(%dma_start3A_525 : memref<128x64xf32, #tpu.memory_space<vmem>>) offsets(%dma_start3A_528 : memref<128xi32, #tpu.memory_space<vmem>>) semaphore(%arg11 : memref<!tpu.dma_semaphore, #tpu.memory_space<semaphore_mem>>)
      %dma_wait3A_532 = arith.constant 10 : i32
      %dma_wait3A_533 = arith.constant 1 : i32
      %dma_wait3A_534 = arith.constant 0 : i32
      %dma_wait3A_535 = arith.constant 0 : i32
      %dma_wait3A_536 = tpu.memref_slice %arg9[%dma_wait3A_533, %dma_wait3A_534, %dma_wait3A_535] : memref<3x128x64xf32, #tpu.memory_space<vmem>> -> memref<1x128x64xf32, #tpu.memory_space<vmem>>
      %dma_wait3A_537 = tpu.memref_squeeze %dma_wait3A_536 : memref<1x128x64xf32, #tpu.memory_space<vmem>> -> memref<128x64xf32, #tpu.memory_space<vmem>>
      %dma_wait3A_538 = arith.constant 0 : i32
      %dma_wait3A_539 = tpu.memref_slice %arg7[%dma_wait3A_532, %dma_wait3A_538] : memref<12x128xi32, #tpu.memory_space<vmem>> -> memref<1x128xi32, #tpu.memory_space<vmem>>
      %dma_wait3A_540 = tpu.memref_squeeze %dma_wait3A_539 : memref<1x128xi32, #tpu.memory_space<vmem>> -> memref<128xi32, #tpu.memory_space<vmem>>
      %dma_wait3A_541 = arith.constant 0 : i32
      %dma_wait3A_542 = arith.constant 0 : i32
      %dma_wait3A_543 = tpu.memref_slice %arg2[%dma_wait3A_541, %dma_wait3A_542] : memref<50048x64xf32, #tpu.memory_space<hbm>> -> memref<50048x64xf32, #tpu.memory_space<hbm>>
      tpu.wait_indirect_dma semaphore(%arg11 : memref<!tpu.dma_semaphore, #tpu.memory_space<semaphore_mem>>) src(%dma_wait3A_543 : memref<50048x64xf32, #tpu.memory_space<hbm>>) dst(%dma_wait3A_537 : memref<128x64xf32, #tpu.memory_space<vmem>>)
      %dma_start3A_544 = arith.constant 1 : i32
      %dma_start3A_545 = arith.constant 10 : i32
      %dma_start3A_546 = arith.constant 0 : i32
      %dma_start3A_547 = arith.constant 0 : i32
      %dma_start3A_548 = tpu.memref_slice %arg9[%dma_start3A_544, %dma_start3A_546, %dma_start3A_547] : memref<3x128x64xf32, #tpu.memory_space<vmem>> -> memref<1x128x64xf32, #tpu.memory_space<vmem>>
      %dma_start3A_549 = tpu.memref_squeeze %dma_start3A_548 : memref<1x128x64xf32, #tpu.memory_space<vmem>> -> memref<128x64xf32, #tpu.memory_space<vmem>>
      %dma_start3A_550 = arith.constant 0 : i32
      %dma_start3A_551 = tpu.memref_slice %arg8[%dma_start3A_545, %dma_start3A_550] : memref<12x128xi32, #tpu.memory_space<vmem>> -> memref<1x128xi32, #tpu.memory_space<vmem>>
      %dma_start3A_552 = tpu.memref_squeeze %dma_start3A_551 : memref<1x128xi32, #tpu.memory_space<vmem>> -> memref<128xi32, #tpu.memory_space<vmem>>
      %dma_start3A_553 = arith.constant 0 : i32
      %dma_start3A_554 = arith.constant 0 : i32
      %dma_start3A_555 = tpu.memref_slice %arg10[%dma_start3A_553, %dma_start3A_554] : memref<25160x64xf32, #tpu.memory_space<vmem_shared>> -> memref<25160x64xf32, #tpu.memory_space<vmem_shared>>
      tpu.enqueue_indirect_dma source(%dma_start3A_549 : memref<128x64xf32, #tpu.memory_space<vmem>>) target(%dma_start3A_555 : memref<25160x64xf32, #tpu.memory_space<vmem_shared>>) offsets(%dma_start3A_552 : memref<128xi32, #tpu.memory_space<vmem>>) semaphore(%arg12 : memref<!tpu.dma_semaphore, #tpu.memory_space<semaphore_mem>>) {add = true}
      %dma_wait3A_556 = arith.constant 11 : i32
      %dma_wait3A_557 = arith.constant 2 : i32
      %dma_wait3A_558 = arith.constant 0 : i32
      %dma_wait3A_559 = arith.constant 0 : i32
      %dma_wait3A_560 = tpu.memref_slice %arg9[%dma_wait3A_557, %dma_wait3A_558, %dma_wait3A_559] : memref<3x128x64xf32, #tpu.memory_space<vmem>> -> memref<1x128x64xf32, #tpu.memory_space<vmem>>
      %dma_wait3A_561 = tpu.memref_squeeze %dma_wait3A_560 : memref<1x128x64xf32, #tpu.memory_space<vmem>> -> memref<128x64xf32, #tpu.memory_space<vmem>>
      %dma_wait3A_562 = arith.constant 0 : i32
      %dma_wait3A_563 = tpu.memref_slice %arg7[%dma_wait3A_556, %dma_wait3A_562] : memref<12x128xi32, #tpu.memory_space<vmem>> -> memref<1x128xi32, #tpu.memory_space<vmem>>
      %dma_wait3A_564 = tpu.memref_squeeze %dma_wait3A_563 : memref<1x128xi32, #tpu.memory_space<vmem>> -> memref<128xi32, #tpu.memory_space<vmem>>
      %dma_wait3A_565 = arith.constant 0 : i32
      %dma_wait3A_566 = arith.constant 0 : i32
      %dma_wait3A_567 = tpu.memref_slice %arg2[%dma_wait3A_565, %dma_wait3A_566] : memref<50048x64xf32, #tpu.memory_space<hbm>> -> memref<50048x64xf32, #tpu.memory_space<hbm>>
      tpu.wait_indirect_dma semaphore(%arg11 : memref<!tpu.dma_semaphore, #tpu.memory_space<semaphore_mem>>) src(%dma_wait3A_567 : memref<50048x64xf32, #tpu.memory_space<hbm>>) dst(%dma_wait3A_561 : memref<128x64xf32, #tpu.memory_space<vmem>>)
      %dma_start3A_568 = arith.constant 2 : i32
      %dma_start3A_569 = arith.constant 11 : i32
      %dma_start3A_570 = arith.constant 0 : i32
      %dma_start3A_571 = arith.constant 0 : i32
      %dma_start3A_572 = tpu.memref_slice %arg9[%dma_start3A_568, %dma_start3A_570, %dma_start3A_571] : memref<3x128x64xf32, #tpu.memory_space<vmem>> -> memref<1x128x64xf32, #tpu.memory_space<vmem>>
      %dma_start3A_573 = tpu.memref_squeeze %dma_start3A_572 : memref<1x128x64xf32, #tpu.memory_space<vmem>> -> memref<128x64xf32, #tpu.memory_space<vmem>>
      %dma_start3A_574 = arith.constant 0 : i32
      %dma_start3A_575 = tpu.memref_slice %arg8[%dma_start3A_569, %dma_start3A_574] : memref<12x128xi32, #tpu.memory_space<vmem>> -> memref<1x128xi32, #tpu.memory_space<vmem>>
      %dma_start3A_576 = tpu.memref_squeeze %dma_start3A_575 : memref<1x128xi32, #tpu.memory_space<vmem>> -> memref<128xi32, #tpu.memory_space<vmem>>
      %dma_start3A_577 = arith.constant 0 : i32
      %dma_start3A_578 = arith.constant 0 : i32
      %dma_start3A_579 = tpu.memref_slice %arg10[%dma_start3A_577, %dma_start3A_578] : memref<25160x64xf32, #tpu.memory_space<vmem_shared>> -> memref<25160x64xf32, #tpu.memory_space<vmem_shared>>
      tpu.enqueue_indirect_dma source(%dma_start3A_573 : memref<128x64xf32, #tpu.memory_space<vmem>>) target(%dma_start3A_579 : memref<25160x64xf32, #tpu.memory_space<vmem_shared>>) offsets(%dma_start3A_576 : memref<128xi32, #tpu.memory_space<vmem>>) semaphore(%arg12 : memref<!tpu.dma_semaphore, #tpu.memory_space<semaphore_mem>>) {add = true}
      %dma_wait3A_580 = arith.constant 0 : i32
      %dma_wait3A_581 = arith.constant 9 : i32
      %dma_wait3A_582 = arith.constant 0 : i32
      %dma_wait3A_583 = arith.constant 0 : i32
      %dma_wait3A_584 = tpu.memref_slice %arg9[%dma_wait3A_580, %dma_wait3A_582, %dma_wait3A_583] : memref<3x128x64xf32, #tpu.memory_space<vmem>> -> memref<1x128x64xf32, #tpu.memory_space<vmem>>
      %dma_wait3A_585 = tpu.memref_squeeze %dma_wait3A_584 : memref<1x128x64xf32, #tpu.memory_space<vmem>> -> memref<128x64xf32, #tpu.memory_space<vmem>>
      %dma_wait3A_586 = arith.constant 0 : i32
      %dma_wait3A_587 = tpu.memref_slice %arg8[%dma_wait3A_581, %dma_wait3A_586] : memref<12x128xi32, #tpu.memory_space<vmem>> -> memref<1x128xi32, #tpu.memory_space<vmem>>
      %dma_wait3A_588 = tpu.memref_squeeze %dma_wait3A_587 : memref<1x128xi32, #tpu.memory_space<vmem>> -> memref<128xi32, #tpu.memory_space<vmem>>
      %dma_wait3A_589 = arith.constant 0 : i32
      %dma_wait3A_590 = arith.constant 0 : i32
      %dma_wait3A_591 = tpu.memref_slice %arg10[%dma_wait3A_589, %dma_wait3A_590] : memref<25160x64xf32, #tpu.memory_space<vmem_shared>> -> memref<25160x64xf32, #tpu.memory_space<vmem_shared>>
      tpu.wait_indirect_dma semaphore(%arg12 : memref<!tpu.dma_semaphore, #tpu.memory_space<semaphore_mem>>) src(%dma_wait3A_585 : memref<128x64xf32, #tpu.memory_space<vmem>>) dst(%dma_wait3A_591 : memref<25160x64xf32, #tpu.memory_space<vmem_shared>>)
      %dma_wait3A_592 = arith.constant 1 : i32
      %dma_wait3A_593 = arith.constant 10 : i32
      %dma_wait3A_594 = arith.constant 0 : i32
      %dma_wait3A_595 = arith.constant 0 : i32
      %dma_wait3A_596 = tpu.memref_slice %arg9[%dma_wait3A_592, %dma_wait3A_594, %dma_wait3A_595] : memref<3x128x64xf32, #tpu.memory_space<vmem>> -> memref<1x128x64xf32, #tpu.memory_space<vmem>>
      %dma_wait3A_597 = tpu.memref_squeeze %dma_wait3A_596 : memref<1x128x64xf32, #tpu.memory_space<vmem>> -> memref<128x64xf32, #tpu.memory_space<vmem>>
      %dma_wait3A_598 = arith.constant 0 : i32
      %dma_wait3A_599 = tpu.memref_slice %arg8[%dma_wait3A_593, %dma_wait3A_598] : memref<12x128xi32, #tpu.memory_space<vmem>> -> memref<1x128xi32, #tpu.memory_space<vmem>>
      %dma_wait3A_600 = tpu.memref_squeeze %dma_wait3A_599 : memref<1x128xi32, #tpu.memory_space<vmem>> -> memref<128xi32, #tpu.memory_space<vmem>>
      %dma_wait3A_601 = arith.constant 0 : i32
      %dma_wait3A_602 = arith.constant 0 : i32
      %dma_wait3A_603 = tpu.memref_slice %arg10[%dma_wait3A_601, %dma_wait3A_602] : memref<25160x64xf32, #tpu.memory_space<vmem_shared>> -> memref<25160x64xf32, #tpu.memory_space<vmem_shared>>
      tpu.wait_indirect_dma semaphore(%arg12 : memref<!tpu.dma_semaphore, #tpu.memory_space<semaphore_mem>>) src(%dma_wait3A_597 : memref<128x64xf32, #tpu.memory_space<vmem>>) dst(%dma_wait3A_603 : memref<25160x64xf32, #tpu.memory_space<vmem_shared>>)
      %dma_wait3A_604 = arith.constant 2 : i32
      %dma_wait3A_605 = arith.constant 11 : i32
      %dma_wait3A_606 = arith.constant 0 : i32
      %dma_wait3A_607 = arith.constant 0 : i32
      %dma_wait3A_608 = tpu.memref_slice %arg9[%dma_wait3A_604, %dma_wait3A_606, %dma_wait3A_607] : memref<3x128x64xf32, #tpu.memory_space<vmem>> -> memref<1x128x64xf32, #tpu.memory_space<vmem>>
      %dma_wait3A_609 = tpu.memref_squeeze %dma_wait3A_608 : memref<1x128x64xf32, #tpu.memory_space<vmem>> -> memref<128x64xf32, #tpu.memory_space<vmem>>
      %dma_wait3A_610 = arith.constant 0 : i32
      %dma_wait3A_611 = tpu.memref_slice %arg8[%dma_wait3A_605, %dma_wait3A_610] : memref<12x128xi32, #tpu.memory_space<vmem>> -> memref<1x128xi32, #tpu.memory_space<vmem>>
      %dma_wait3A_612 = tpu.memref_squeeze %dma_wait3A_611 : memref<1x128xi32, #tpu.memory_space<vmem>> -> memref<128xi32, #tpu.memory_space<vmem>>
      %dma_wait3A_613 = arith.constant 0 : i32
      %dma_wait3A_614 = arith.constant 0 : i32
      %dma_wait3A_615 = tpu.memref_slice %arg10[%dma_wait3A_613, %dma_wait3A_614] : memref<25160x64xf32, #tpu.memory_space<vmem_shared>> -> memref<25160x64xf32, #tpu.memory_space<vmem_shared>>
      tpu.wait_indirect_dma semaphore(%arg12 : memref<!tpu.dma_semaphore, #tpu.memory_space<semaphore_mem>>) src(%dma_wait3A_609 : memref<128x64xf32, #tpu.memory_space<vmem>>) dst(%dma_wait3A_615 : memref<25160x64xf32, #tpu.memory_space<vmem_shared>>)
      %scan3A_616 = arith.constant 0 : i32
      scf.yield %scan3A_616 : i32
    }
    %scan3A_8 = arith.constant 33 : i32
    %barrier3A_9 = arith.constant 0 : index
    tpu.barrier barrier_id(%barrier3A_9)
    %lt3A = arith.constant 15 : i32
    %lt3A_10 = arith.cmpi slt, %arg1, %lt3A : i32
    %convert_element_type3A = arith.extui %lt3A_10 : i1 to i32
    %cond3A = arith.constant 0 : i32
    %cond3A_11 = arith.cmpi ne, %convert_element_type3A, %cond3A : i32
    scf.if %cond3A_11 {
      %mul3A_16 = arith.constant 1568 : i32
      %mul3A_17 = arith.muli %arg1, %mul3A_16 : i32
      %mul3A_18 = arith.constant 1568 : i32
      %mul3A_19 = arith.muli %arg1, %mul3A_18 : i32
      %add3A = arith.addi %mul3A_0, %mul3A_19 : i32
      "tpu.region"() ({
        %run_scoped3A = tpu.sem_alloc : memref<!tpu.dma_semaphore, #tpu.memory_space<semaphore_mem>>
        %dma_start3A = arith.constant 0 : i32
        %dma_start3A_20 = tpu.memref_slice %arg6[%add3A, %dma_start3A] : memref<50048x64xf32, #tpu.memory_space<hbm>> -> memref<1568x64xf32, #tpu.memory_space<hbm>>
        %dma_start3A_21 = arith.constant 0 : i32
        %dma_start3A_22 = tpu.memref_slice %arg10[%mul3A_17, %dma_start3A_21] : memref<25160x64xf32, #tpu.memory_space<vmem_shared>> -> memref<1568x64xf32, #tpu.memory_space<vmem_shared>>
        tpu.enqueue_dma source(%dma_start3A_22 : memref<1568x64xf32, #tpu.memory_space<vmem_shared>>) target(%dma_start3A_20 : memref<1568x64xf32, #tpu.memory_space<hbm>>) target_semaphore(%run_scoped3A : memref<!tpu.dma_semaphore, #tpu.memory_space<semaphore_mem>>)
        %dma_wait3A = arith.constant 0 : i32
        %dma_wait3A_23 = tpu.memref_slice %arg6[%add3A, %dma_wait3A] : memref<50048x64xf32, #tpu.memory_space<hbm>> -> memref<1568x64xf32, #tpu.memory_space<hbm>>
        %dma_wait3A_24 = arith.constant 0 : i32
        %dma_wait3A_25 = tpu.memref_slice %arg10[%mul3A_17, %dma_wait3A_24] : memref<25160x64xf32, #tpu.memory_space<vmem_shared>> -> memref<1568x64xf32, #tpu.memory_space<vmem_shared>>
        tpu.wait_dma2 semaphore(%run_scoped3A : memref<!tpu.dma_semaphore, #tpu.memory_space<semaphore_mem>>) src(%dma_wait3A_25 : memref<1568x64xf32, #tpu.memory_space<vmem_shared>>) dst(%dma_wait3A_23 : memref<1568x64xf32, #tpu.memory_space<hbm>>)
        tpu.yield
      }) : () -> ()
    } else {
    }
    %eq3A = arith.constant 15 : i32
    %eq3A_12 = arith.cmpi eq, %arg1, %eq3A : i32
    %convert_element_type3A_13 = arith.extui %eq3A_12 : i1 to i32
    %cond3A_14 = arith.constant 0 : i32
    %cond3A_15 = arith.cmpi ne, %convert_element_type3A_13, %cond3A_14 : i32
    scf.if %cond3A_15 {
      %add3A = arith.constant 23520 : i32
      %add3A_16 = arith.addi %mul3A_0, %add3A : i32
      "tpu.region"() ({
        %run_scoped3A = tpu.sem_alloc : memref<!tpu.dma_semaphore, #tpu.memory_space<semaphore_mem>>
        %dma_start3A = arith.constant 0 : i32
        %dma_start3A_17 = tpu.memref_slice %arg6[%add3A_16, %dma_start3A] : memref<50048x64xf32, #tpu.memory_space<hbm>> -> memref<1504x64xf32, #tpu.memory_space<hbm>>
        %dma_start3A_18 = arith.constant 23520 : i32
        %dma_start3A_19 = arith.constant 0 : i32
        %dma_start3A_20 = tpu.memref_slice %arg10[%dma_start3A_18, %dma_start3A_19] : memref<25160x64xf32, #tpu.memory_space<vmem_shared>> -> memref<1504x64xf32, #tpu.memory_space<vmem_shared>>
        tpu.enqueue_dma source(%dma_start3A_20 : memref<1504x64xf32, #tpu.memory_space<vmem_shared>>) target(%dma_start3A_17 : memref<1504x64xf32, #tpu.memory_space<hbm>>) target_semaphore(%run_scoped3A : memref<!tpu.dma_semaphore, #tpu.memory_space<semaphore_mem>>)
        %dma_wait3A = arith.constant 0 : i32
        %dma_wait3A_21 = tpu.memref_slice %arg6[%add3A_16, %dma_wait3A] : memref<50048x64xf32, #tpu.memory_space<hbm>> -> memref<1504x64xf32, #tpu.memory_space<hbm>>
        %dma_wait3A_22 = arith.constant 23520 : i32
        %dma_wait3A_23 = arith.constant 0 : i32
        %dma_wait3A_24 = tpu.memref_slice %arg10[%dma_wait3A_22, %dma_wait3A_23] : memref<25160x64xf32, #tpu.memory_space<vmem_shared>> -> memref<1504x64xf32, #tpu.memory_space<vmem_shared>>
        tpu.wait_dma2 semaphore(%run_scoped3A : memref<!tpu.dma_semaphore, #tpu.memory_space<semaphore_mem>>) src(%dma_wait3A_24 : memref<1504x64xf32, #tpu.memory_space<vmem_shared>>) dst(%dma_wait3A_21 : memref<1504x64xf32, #tpu.memory_space<hbm>>)
        tpu.yield
      }) : () -> ()
    } else {
    }
    return
  }
}

#map = affine_map<(d0, d1) -> (0, 0)>
#map1 = affine_map<(d0, d1) -> (0, 0, 0)>
module attributes {stable_mosaic.version = 14 : i64} {
  func.func @_sc_deg_body(%arg0: i32, %arg1: i32, %arg2: memref<6336x128xi32, #tpu.memory_space<hbm>>, %arg3: memref<1564x16xf32, #tpu.memory_space<hbm>>, %arg4: memref<128x16xf32, #tpu.memory_space<hbm>>, %arg5: memref<50048x16xf32, #tpu.memory_space<hbm>>, %arg6: memref<2x6336x128xi32, #tpu.memory_space<hbm>>, %arg7: memref<12x128xi32, #tpu.memory_space<vmem>>, %arg8: memref<128x16xf32, #tpu.memory_space<vmem>>, %arg9: memref<25160x16xf32, #tpu.memory_space<vmem_shared>>, %arg10: memref<!tpu.dma_semaphore, #tpu.memory_space<semaphore_mem>>) attributes {dimension_semantics = [#tpu.dimension_semantics<core_parallel>, #tpu.dimension_semantics<subcore_parallel>], iteration_bounds = array<i64: 2, 16>, scalar_prefetch = 0 : i64, scratch_operands = 4 : i64, tpu.core_type = #tpu.core_type<sc_vector_subcore>, window_params = [{transform_indices = #map}, {transform_indices = #map}, {transform_indices = #map}, {transform_indices = #map}, {transform_indices = #map1}]} {
    %mul3A = arith.constant 25024 : i32
    %mul3A_0 = arith.muli %arg0, %mul3A : i32
    %mul3A_1 = arith.constant 1564 : i32
    %mul3A_2 = arith.muli %arg1, %mul3A_1 : i32
    "tpu.region"() ({
      %run_scoped3A = tpu.sem_alloc : memref<!tpu.dma_semaphore, #tpu.memory_space<semaphore_mem>>
      %dma_start3A = arith.constant 0 : i32
      %dma_start3A_16 = tpu.memref_slice %arg9[%mul3A_2, %dma_start3A] : memref<25160x16xf32, #tpu.memory_space<vmem_shared>> -> memref<1564x16xf32, #tpu.memory_space<vmem_shared>>
      tpu.enqueue_dma source(%arg3 : memref<1564x16xf32, #tpu.memory_space<hbm>>) target(%dma_start3A_16 : memref<1564x16xf32, #tpu.memory_space<vmem_shared>>) target_semaphore(%run_scoped3A : memref<!tpu.dma_semaphore, #tpu.memory_space<semaphore_mem>>)
      %dma_wait3A = arith.constant 0 : i32
      %dma_wait3A_17 = tpu.memref_slice %arg9[%mul3A_2, %dma_wait3A] : memref<25160x16xf32, #tpu.memory_space<vmem_shared>> -> memref<1564x16xf32, #tpu.memory_space<vmem_shared>>
      tpu.wait_dma2 semaphore(%run_scoped3A : memref<!tpu.dma_semaphore, #tpu.memory_space<semaphore_mem>>) src(%arg3 : memref<1564x16xf32, #tpu.memory_space<hbm>>) dst(%dma_wait3A_17 : memref<1564x16xf32, #tpu.memory_space<vmem_shared>>)
      tpu.yield
    }) : () -> ()
    "tpu.region"() ({
      %run_scoped3A = tpu.sem_alloc : memref<!tpu.dma_semaphore, #tpu.memory_space<semaphore_mem>>
      tpu.enqueue_dma source(%arg4 : memref<128x16xf32, #tpu.memory_space<hbm>>) target(%arg8 : memref<128x16xf32, #tpu.memory_space<vmem>>) target_semaphore(%run_scoped3A : memref<!tpu.dma_semaphore, #tpu.memory_space<semaphore_mem>>)
      tpu.wait_dma2 semaphore(%run_scoped3A : memref<!tpu.dma_semaphore, #tpu.memory_space<semaphore_mem>>) src(%arg4 : memref<128x16xf32, #tpu.memory_space<hbm>>) dst(%arg8 : memref<128x16xf32, #tpu.memory_space<vmem>>)
      tpu.yield
    }) : () -> ()
    %barrier3A = arith.constant 0 : index
    tpu.barrier barrier_id(%barrier3A)
    %scan3A = arith.constant 0 : i32
    %scan3A_3 = arith.constant 0 : i32
    %scan3A_4 = arith.constant 33 : i32
    %scan3A_5 = arith.addi %scan3A_3, %scan3A_4 : i32
    %scan3A_6 = arith.constant 1 : i32
    %scan3A_7 = scf.for %scan3A_16 = %scan3A_3 to %scan3A_5 step %scan3A_6 iter_args(%scan3A_17 = %scan3A) -> (i32)  : i32 {
      %mul3A_18 = arith.constant 396 : i32
      %mul3A_19 = arith.muli %arg1, %mul3A_18 : i32
      %mul3A_20 = arith.constant 12 : i32
      %mul3A_21 = arith.muli %scan3A_16, %mul3A_20 : i32
      %add3A = arith.addi %mul3A_19, %mul3A_21 : i32
      "tpu.region"() ({
        %run_scoped3A = tpu.sem_alloc : memref<!tpu.dma_semaphore, #tpu.memory_space<semaphore_mem>>
        %dma_start3A_273 = arith.constant 0 : i32
        %dma_start3A_274 = tpu.memref_slice %arg2[%add3A, %dma_start3A_273] : memref<6336x128xi32, #tpu.memory_space<hbm>> -> memref<12x128xi32, #tpu.memory_space<hbm>>
        %dma_start3A_275 = arith.constant 0 : i32
        %dma_start3A_276 = tpu.memref_slice %arg2[%add3A, %dma_start3A_275] : memref<6336x128xi32, #tpu.memory_space<hbm>> -> memref<12x128xi32, #tpu.memory_space<hbm>>
        tpu.enqueue_dma source(%dma_start3A_276 : memref<12x128xi32, #tpu.memory_space<hbm>>) target(%arg7 : memref<12x128xi32, #tpu.memory_space<vmem>>) target_semaphore(%run_scoped3A : memref<!tpu.dma_semaphore, #tpu.memory_space<semaphore_mem>>)
        %dma_wait3A_277 = arith.constant 0 : i32
        %dma_wait3A_278 = tpu.memref_slice %arg2[%add3A, %dma_wait3A_277] : memref<6336x128xi32, #tpu.memory_space<hbm>> -> memref<12x128xi32, #tpu.memory_space<hbm>>
        %dma_wait3A_279 = arith.constant 0 : i32
        %dma_wait3A_280 = tpu.memref_slice %arg2[%add3A, %dma_wait3A_279] : memref<6336x128xi32, #tpu.memory_space<hbm>> -> memref<12x128xi32, #tpu.memory_space<hbm>>
        tpu.wait_dma2 semaphore(%run_scoped3A : memref<!tpu.dma_semaphore, #tpu.memory_space<semaphore_mem>>) src(%dma_wait3A_280 : memref<12x128xi32, #tpu.memory_space<hbm>>) dst(%arg7 : memref<12x128xi32, #tpu.memory_space<vmem>>)
        tpu.yield
      }) : () -> ()
      %scan3A_22 = arith.constant 0 : i32
      %scan3A_23 = arith.constant 0 : i32
      %scan3A_24 = arith.constant 8 : i32
      %scan3A_25 = arith.addi %scan3A_23, %scan3A_24 : i32
      %scan3A_26 = arith.constant 1 : i32
      %scan3A_27 = scf.for %scan3A_273 = %scan3A_23 to %scan3A_25 step %scan3A_26 iter_args(%scan3A_274 = %scan3A_22) -> (i32)  : i32 {
        %mul3A_275 = arith.constant 16 : i32
        %mul3A_276 = arith.muli %scan3A_273, %mul3A_275 : i32
        %get3A = arith.constant 0 : i32
        %get3A_277 = arith.index_cast %get3A : i32 to index
        %get3A_278 = arith.index_cast %mul3A_276 : i32 to index
        %get3A_279 = tpu.vector_load %arg7[%get3A_277, %get3A_278] {strides = array<i32>} : memref<12x128xi32, #tpu.memory_space<vmem>>, vector<1x16xi32>,
        %get3A_280 = vector.shape_cast %get3A_279 : vector<1x16xi32> to vector<16xi32>
        %ge3A = vector.broadcast %mul3A_0 : i32 to vector<16xi32>
        %ge3A_281 = arith.cmpi sge, %get3A_280, %ge3A : vector<16xi32>
        %add3A_282 = arith.constant 25024 : i32
        %add3A_283 = arith.addi %mul3A_0, %add3A_282 : i32
        %lt3A_284 = vector.broadcast %add3A_283 : i32 to vector<16xi32>
        %lt3A_285 = arith.cmpi slt, %get3A_280, %lt3A_284 : vector<16xi32>
        %and3A = arith.andi %ge3A_281, %lt3A_285 : vector<16xi1>
        %sub3A = vector.broadcast %mul3A_0 : i32 to vector<16xi32>
        %sub3A_286 = arith.subi %get3A_280, %sub3A : vector<16xi32>
        %and3A_287 = arith.constant 127 : i32
        %and3A_288 = vector.broadcast %and3A_287 : i32 to vector<16xi32>
        %and3A_289 = arith.andi %get3A_280, %and3A_288 : vector<16xi32>
        %add3A_290 = arith.constant 25024 : i32
        %add3A_291 = vector.broadcast %add3A_290 : i32 to vector<16xi32>
        %add3A_292 = arith.addi %add3A_291, %and3A_289 : vector<16xi32>
        %select_n3A = arith.select %and3A, %sub3A_286, %add3A_292 : vector<16xi1>, vector<16xi32>
        %swap3A = arith.constant 0 : i32
        %swap3A_293 = arith.index_cast %swap3A : i32 to index
        %swap3A_294 = arith.index_cast %mul3A_276 : i32 to index
        %swap3A_295 = tpu.vector_load %arg7[%swap3A_293, %swap3A_294] {strides = array<i32>} : memref<12x128xi32, #tpu.memory_space<vmem>>, vector<1x16xi32>,
        %swap3A_296 = vector.shape_cast %swap3A_295 : vector<1x16xi32> to vector<16xi32>
        %swap3A_297 = vector.shape_cast %select_n3A : vector<16xi32> to vector<1x16xi32>
        tpu.vector_store %arg7[%swap3A_293, %swap3A_294], %swap3A_297 {strides = array<i32>} : memref<12x128xi32, #tpu.memory_space<vmem>>, vector<1x16xi32>,
        %scan3A_298 = arith.constant 0 : i32
        scf.yield %scan3A_298 : i32
      }
      %scan3A_28 = arith.constant 8 : i32
      %scan3A_29 = arith.constant 0 : i32
      %scan3A_30 = arith.constant 0 : i32
      %scan3A_31 = arith.constant 8 : i32
      %scan3A_32 = arith.addi %scan3A_30, %scan3A_31 : i32
      %scan3A_33 = arith.constant 1 : i32
      %scan3A_34 = scf.for %scan3A_273 = %scan3A_30 to %scan3A_32 step %scan3A_33 iter_args(%scan3A_274 = %scan3A_29) -> (i32)  : i32 {
        %mul3A_275 = arith.constant 16 : i32
        %mul3A_276 = arith.muli %scan3A_273, %mul3A_275 : i32
        %get3A = arith.constant 1 : i32
        %get3A_277 = arith.index_cast %get3A : i32 to index
        %get3A_278 = arith.index_cast %mul3A_276 : i32 to index
        %get3A_279 = tpu.vector_load %arg7[%get3A_277, %get3A_278] {strides = array<i32>} : memref<12x128xi32, #tpu.memory_space<vmem>>, vector<1x16xi32>,
        %get3A_280 = vector.shape_cast %get3A_279 : vector<1x16xi32> to vector<16xi32>
        %ge3A = vector.broadcast %mul3A_0 : i32 to vector<16xi32>
        %ge3A_281 = arith.cmpi sge, %get3A_280, %ge3A : vector<16xi32>
        %add3A_282 = arith.constant 25024 : i32
        %add3A_283 = arith.addi %mul3A_0, %add3A_282 : i32
        %lt3A_284 = vector.broadcast %add3A_283 : i32 to vector<16xi32>
        %lt3A_285 = arith.cmpi slt, %get3A_280, %lt3A_284 : vector<16xi32>
        %and3A = arith.andi %ge3A_281, %lt3A_285 : vector<16xi1>
        %sub3A = vector.broadcast %mul3A_0 : i32 to vector<16xi32>
        %sub3A_286 = arith.subi %get3A_280, %sub3A : vector<16xi32>
        %and3A_287 = arith.constant 127 : i32
        %and3A_288 = vector.broadcast %and3A_287 : i32 to vector<16xi32>
        %and3A_289 = arith.andi %get3A_280, %and3A_288 : vector<16xi32>
        %add3A_290 = arith.constant 25024 : i32
        %add3A_291 = vector.broadcast %add3A_290 : i32 to vector<16xi32>
        %add3A_292 = arith.addi %add3A_291, %and3A_289 : vector<16xi32>
        %select_n3A = arith.select %and3A, %sub3A_286, %add3A_292 : vector<16xi1>, vector<16xi32>
        %swap3A = arith.constant 1 : i32
        %swap3A_293 = arith.index_cast %swap3A : i32 to index
        %swap3A_294 = arith.index_cast %mul3A_276 : i32 to index
        %swap3A_295 = tpu.vector_load %arg7[%swap3A_293, %swap3A_294] {strides = array<i32>} : memref<12x128xi32, #tpu.memory_space<vmem>>, vector<1x16xi32>,
        %swap3A_296 = vector.shape_cast %swap3A_295 : vector<1x16xi32> to vector<16xi32>
        %swap3A_297 = vector.shape_cast %select_n3A : vector<16xi32> to vector<1x16xi32>
        tpu.vector_store %arg7[%swap3A_293, %swap3A_294], %swap3A_297 {strides = array<i32>} : memref<12x128xi32, #tpu.memory_space<vmem>>, vector<1x16xi32>,
        %scan3A_298 = arith.constant 0 : i32
        scf.yield %scan3A_298 : i32
      }
      %scan3A_35 = arith.constant 8 : i32
      %scan3A_36 = arith.constant 0 : i32
      %scan3A_37 = arith.constant 0 : i32
      %scan3A_38 = arith.constant 8 : i32
      %scan3A_39 = arith.addi %scan3A_37, %scan3A_38 : i32
      %scan3A_40 = arith.constant 1 : i32
      %scan3A_41 = scf.for %scan3A_273 = %scan3A_37 to %scan3A_39 step %scan3A_40 iter_args(%scan3A_274 = %scan3A_36) -> (i32)  : i32 {
        %mul3A_275 = arith.constant 16 : i32
        %mul3A_276 = arith.muli %scan3A_273, %mul3A_275 : i32
        %get3A = arith.constant 2 : i32
        %get3A_277 = arith.index_cast %get3A : i32 to index
        %get3A_278 = arith.index_cast %mul3A_276 : i32 to index
        %get3A_279 = tpu.vector_load %arg7[%get3A_277, %get3A_278] {strides = array<i32>} : memref<12x128xi32, #tpu.memory_space<vmem>>, vector<1x16xi32>,
        %get3A_280 = vector.shape_cast %get3A_279 : vector<1x16xi32> to vector<16xi32>
        %ge3A = vector.broadcast %mul3A_0 : i32 to vector<16xi32>
        %ge3A_281 = arith.cmpi sge, %get3A_280, %ge3A : vector<16xi32>
        %add3A_282 = arith.constant 25024 : i32
        %add3A_283 = arith.addi %mul3A_0, %add3A_282 : i32
        %lt3A_284 = vector.broadcast %add3A_283 : i32 to vector<16xi32>
        %lt3A_285 = arith.cmpi slt, %get3A_280, %lt3A_284 : vector<16xi32>
        %and3A = arith.andi %ge3A_281, %lt3A_285 : vector<16xi1>
        %sub3A = vector.broadcast %mul3A_0 : i32 to vector<16xi32>
        %sub3A_286 = arith.subi %get3A_280, %sub3A : vector<16xi32>
        %and3A_287 = arith.constant 127 : i32
        %and3A_288 = vector.broadcast %and3A_287 : i32 to vector<16xi32>
        %and3A_289 = arith.andi %get3A_280, %and3A_288 : vector<16xi32>
        %add3A_290 = arith.constant 25024 : i32
        %add3A_291 = vector.broadcast %add3A_290 : i32 to vector<16xi32>
        %add3A_292 = arith.addi %add3A_291, %and3A_289 : vector<16xi32>
        %select_n3A = arith.select %and3A, %sub3A_286, %add3A_292 : vector<16xi1>, vector<16xi32>
        %swap3A = arith.constant 2 : i32
        %swap3A_293 = arith.index_cast %swap3A : i32 to index
        %swap3A_294 = arith.index_cast %mul3A_276 : i32 to index
        %swap3A_295 = tpu.vector_load %arg7[%swap3A_293, %swap3A_294] {strides = array<i32>} : memref<12x128xi32, #tpu.memory_space<vmem>>, vector<1x16xi32>,
        %swap3A_296 = vector.shape_cast %swap3A_295 : vector<1x16xi32> to vector<16xi32>
        %swap3A_297 = vector.shape_cast %select_n3A : vector<16xi32> to vector<1x16xi32>
        tpu.vector_store %arg7[%swap3A_293, %swap3A_294], %swap3A_297 {strides = array<i32>} : memref<12x128xi32, #tpu.memory_space<vmem>>, vector<1x16xi32>,
        %scan3A_298 = arith.constant 0 : i32
        scf.yield %scan3A_298 : i32
      }
      %scan3A_42 = arith.constant 8 : i32
      %scan3A_43 = arith.constant 0 : i32
      %scan3A_44 = arith.constant 0 : i32
      %scan3A_45 = arith.constant 8 : i32
      %scan3A_46 = arith.addi %scan3A_44, %scan3A_45 : i32
      %scan3A_47 = arith.constant 1 : i32
      %scan3A_48 = scf.for %scan3A_273 = %scan3A_44 to %scan3A_46 step %scan3A_47 iter_args(%scan3A_274 = %scan3A_43) -> (i32)  : i32 {
        %mul3A_275 = arith.constant 16 : i32
        %mul3A_276 = arith.muli %scan3A_273, %mul3A_275 : i32
        %get3A = arith.constant 3 : i32
        %get3A_277 = arith.index_cast %get3A : i32 to index
        %get3A_278 = arith.index_cast %mul3A_276 : i32 to index
        %get3A_279 = tpu.vector_load %arg7[%get3A_277, %get3A_278] {strides = array<i32>} : memref<12x128xi32, #tpu.memory_space<vmem>>, vector<1x16xi32>,
        %get3A_280 = vector.shape_cast %get3A_279 : vector<1x16xi32> to vector<16xi32>
        %ge3A = vector.broadcast %mul3A_0 : i32 to vector<16xi32>
        %ge3A_281 = arith.cmpi sge, %get3A_280, %ge3A : vector<16xi32>
        %add3A_282 = arith.constant 25024 : i32
        %add3A_283 = arith.addi %mul3A_0, %add3A_282 : i32
        %lt3A_284 = vector.broadcast %add3A_283 : i32 to vector<16xi32>
        %lt3A_285 = arith.cmpi slt, %get3A_280, %lt3A_284 : vector<16xi32>
        %and3A = arith.andi %ge3A_281, %lt3A_285 : vector<16xi1>
        %sub3A = vector.broadcast %mul3A_0 : i32 to vector<16xi32>
        %sub3A_286 = arith.subi %get3A_280, %sub3A : vector<16xi32>
        %and3A_287 = arith.constant 127 : i32
        %and3A_288 = vector.broadcast %and3A_287 : i32 to vector<16xi32>
        %and3A_289 = arith.andi %get3A_280, %and3A_288 : vector<16xi32>
        %add3A_290 = arith.constant 25024 : i32
        %add3A_291 = vector.broadcast %add3A_290 : i32 to vector<16xi32>
        %add3A_292 = arith.addi %add3A_291, %and3A_289 : vector<16xi32>
        %select_n3A = arith.select %and3A, %sub3A_286, %add3A_292 : vector<16xi1>, vector<16xi32>
        %swap3A = arith.constant 3 : i32
        %swap3A_293 = arith.index_cast %swap3A : i32 to index
        %swap3A_294 = arith.index_cast %mul3A_276 : i32 to index
        %swap3A_295 = tpu.vector_load %arg7[%swap3A_293, %swap3A_294] {strides = array<i32>} : memref<12x128xi32, #tpu.memory_space<vmem>>, vector<1x16xi32>,
        %swap3A_296 = vector.shape_cast %swap3A_295 : vector<1x16xi32> to vector<16xi32>
        %swap3A_297 = vector.shape_cast %select_n3A : vector<16xi32> to vector<1x16xi32>
        tpu.vector_store %arg7[%swap3A_293, %swap3A_294], %swap3A_297 {strides = array<i32>} : memref<12x128xi32, #tpu.memory_space<vmem>>, vector<1x16xi32>,
        %scan3A_298 = arith.constant 0 : i32
        scf.yield %scan3A_298 : i32
      }
      %scan3A_49 = arith.constant 8 : i32
      %scan3A_50 = arith.constant 0 : i32
      %scan3A_51 = arith.constant 0 : i32
      %scan3A_52 = arith.constant 8 : i32
      %scan3A_53 = arith.addi %scan3A_51, %scan3A_52 : i32
      %scan3A_54 = arith.constant 1 : i32
      %scan3A_55 = scf.for %scan3A_273 = %scan3A_51 to %scan3A_53 step %scan3A_54 iter_args(%scan3A_274 = %scan3A_50) -> (i32)  : i32 {
        %mul3A_275 = arith.constant 16 : i32
        %mul3A_276 = arith.muli %scan3A_273, %mul3A_275 : i32
        %get3A = arith.constant 4 : i32
        %get3A_277 = arith.index_cast %get3A : i32 to index
        %get3A_278 = arith.index_cast %mul3A_276 : i32 to index
        %get3A_279 = tpu.vector_load %arg7[%get3A_277, %get3A_278] {strides = array<i32>} : memref<12x128xi32, #tpu.memory_space<vmem>>, vector<1x16xi32>,
        %get3A_280 = vector.shape_cast %get3A_279 : vector<1x16xi32> to vector<16xi32>
        %ge3A = vector.broadcast %mul3A_0 : i32 to vector<16xi32>
        %ge3A_281 = arith.cmpi sge, %get3A_280, %ge3A : vector<16xi32>
        %add3A_282 = arith.constant 25024 : i32
        %add3A_283 = arith.addi %mul3A_0, %add3A_282 : i32
        %lt3A_284 = vector.broadcast %add3A_283 : i32 to vector<16xi32>
        %lt3A_285 = arith.cmpi slt, %get3A_280, %lt3A_284 : vector<16xi32>
        %and3A = arith.andi %ge3A_281, %lt3A_285 : vector<16xi1>
        %sub3A = vector.broadcast %mul3A_0 : i32 to vector<16xi32>
        %sub3A_286 = arith.subi %get3A_280, %sub3A : vector<16xi32>
        %and3A_287 = arith.constant 127 : i32
        %and3A_288 = vector.broadcast %and3A_287 : i32 to vector<16xi32>
        %and3A_289 = arith.andi %get3A_280, %and3A_288 : vector<16xi32>
        %add3A_290 = arith.constant 25024 : i32
        %add3A_291 = vector.broadcast %add3A_290 : i32 to vector<16xi32>
        %add3A_292 = arith.addi %add3A_291, %and3A_289 : vector<16xi32>
        %select_n3A = arith.select %and3A, %sub3A_286, %add3A_292 : vector<16xi1>, vector<16xi32>
        %swap3A = arith.constant 4 : i32
        %swap3A_293 = arith.index_cast %swap3A : i32 to index
        %swap3A_294 = arith.index_cast %mul3A_276 : i32 to index
        %swap3A_295 = tpu.vector_load %arg7[%swap3A_293, %swap3A_294] {strides = array<i32>} : memref<12x128xi32, #tpu.memory_space<vmem>>, vector<1x16xi32>,
        %swap3A_296 = vector.shape_cast %swap3A_295 : vector<1x16xi32> to vector<16xi32>
        %swap3A_297 = vector.shape_cast %select_n3A : vector<16xi32> to vector<1x16xi32>
        tpu.vector_store %arg7[%swap3A_293, %swap3A_294], %swap3A_297 {strides = array<i32>} : memref<12x128xi32, #tpu.memory_space<vmem>>, vector<1x16xi32>,
        %scan3A_298 = arith.constant 0 : i32
        scf.yield %scan3A_298 : i32
      }
      %scan3A_56 = arith.constant 8 : i32
      %scan3A_57 = arith.constant 0 : i32
      %scan3A_58 = arith.constant 0 : i32
      %scan3A_59 = arith.constant 8 : i32
      %scan3A_60 = arith.addi %scan3A_58, %scan3A_59 : i32
      %scan3A_61 = arith.constant 1 : i32
      %scan3A_62 = scf.for %scan3A_273 = %scan3A_58 to %scan3A_60 step %scan3A_61 iter_args(%scan3A_274 = %scan3A_57) -> (i32)  : i32 {
        %mul3A_275 = arith.constant 16 : i32
        %mul3A_276 = arith.muli %scan3A_273, %mul3A_275 : i32
        %get3A = arith.constant 5 : i32
        %get3A_277 = arith.index_cast %get3A : i32 to index
        %get3A_278 = arith.index_cast %mul3A_276 : i32 to index
        %get3A_279 = tpu.vector_load %arg7[%get3A_277, %get3A_278] {strides = array<i32>} : memref<12x128xi32, #tpu.memory_space<vmem>>, vector<1x16xi32>,
        %get3A_280 = vector.shape_cast %get3A_279 : vector<1x16xi32> to vector<16xi32>
        %ge3A = vector.broadcast %mul3A_0 : i32 to vector<16xi32>
        %ge3A_281 = arith.cmpi sge, %get3A_280, %ge3A : vector<16xi32>
        %add3A_282 = arith.constant 25024 : i32
        %add3A_283 = arith.addi %mul3A_0, %add3A_282 : i32
        %lt3A_284 = vector.broadcast %add3A_283 : i32 to vector<16xi32>
        %lt3A_285 = arith.cmpi slt, %get3A_280, %lt3A_284 : vector<16xi32>
        %and3A = arith.andi %ge3A_281, %lt3A_285 : vector<16xi1>
        %sub3A = vector.broadcast %mul3A_0 : i32 to vector<16xi32>
        %sub3A_286 = arith.subi %get3A_280, %sub3A : vector<16xi32>
        %and3A_287 = arith.constant 127 : i32
        %and3A_288 = vector.broadcast %and3A_287 : i32 to vector<16xi32>
        %and3A_289 = arith.andi %get3A_280, %and3A_288 : vector<16xi32>
        %add3A_290 = arith.constant 25024 : i32
        %add3A_291 = vector.broadcast %add3A_290 : i32 to vector<16xi32>
        %add3A_292 = arith.addi %add3A_291, %and3A_289 : vector<16xi32>
        %select_n3A = arith.select %and3A, %sub3A_286, %add3A_292 : vector<16xi1>, vector<16xi32>
        %swap3A = arith.constant 5 : i32
        %swap3A_293 = arith.index_cast %swap3A : i32 to index
        %swap3A_294 = arith.index_cast %mul3A_276 : i32 to index
        %swap3A_295 = tpu.vector_load %arg7[%swap3A_293, %swap3A_294] {strides = array<i32>} : memref<12x128xi32, #tpu.memory_space<vmem>>, vector<1x16xi32>,
        %swap3A_296 = vector.shape_cast %swap3A_295 : vector<1x16xi32> to vector<16xi32>
        %swap3A_297 = vector.shape_cast %select_n3A : vector<16xi32> to vector<1x16xi32>
        tpu.vector_store %arg7[%swap3A_293, %swap3A_294], %swap3A_297 {strides = array<i32>} : memref<12x128xi32, #tpu.memory_space<vmem>>, vector<1x16xi32>,
        %scan3A_298 = arith.constant 0 : i32
        scf.yield %scan3A_298 : i32
      }
      %scan3A_63 = arith.constant 8 : i32
      %scan3A_64 = arith.constant 0 : i32
      %scan3A_65 = arith.constant 0 : i32
      %scan3A_66 = arith.constant 8 : i32
      %scan3A_67 = arith.addi %scan3A_65, %scan3A_66 : i32
      %scan3A_68 = arith.constant 1 : i32
      %scan3A_69 = scf.for %scan3A_273 = %scan3A_65 to %scan3A_67 step %scan3A_68 iter_args(%scan3A_274 = %scan3A_64) -> (i32)  : i32 {
        %mul3A_275 = arith.constant 16 : i32
        %mul3A_276 = arith.muli %scan3A_273, %mul3A_275 : i32
        %get3A = arith.constant 6 : i32
        %get3A_277 = arith.index_cast %get3A : i32 to index
        %get3A_278 = arith.index_cast %mul3A_276 : i32 to index
        %get3A_279 = tpu.vector_load %arg7[%get3A_277, %get3A_278] {strides = array<i32>} : memref<12x128xi32, #tpu.memory_space<vmem>>, vector<1x16xi32>,
        %get3A_280 = vector.shape_cast %get3A_279 : vector<1x16xi32> to vector<16xi32>
        %ge3A = vector.broadcast %mul3A_0 : i32 to vector<16xi32>
        %ge3A_281 = arith.cmpi sge, %get3A_280, %ge3A : vector<16xi32>
        %add3A_282 = arith.constant 25024 : i32
        %add3A_283 = arith.addi %mul3A_0, %add3A_282 : i32
        %lt3A_284 = vector.broadcast %add3A_283 : i32 to vector<16xi32>
        %lt3A_285 = arith.cmpi slt, %get3A_280, %lt3A_284 : vector<16xi32>
        %and3A = arith.andi %ge3A_281, %lt3A_285 : vector<16xi1>
        %sub3A = vector.broadcast %mul3A_0 : i32 to vector<16xi32>
        %sub3A_286 = arith.subi %get3A_280, %sub3A : vector<16xi32>
        %and3A_287 = arith.constant 127 : i32
        %and3A_288 = vector.broadcast %and3A_287 : i32 to vector<16xi32>
        %and3A_289 = arith.andi %get3A_280, %and3A_288 : vector<16xi32>
        %add3A_290 = arith.constant 25024 : i32
        %add3A_291 = vector.broadcast %add3A_290 : i32 to vector<16xi32>
        %add3A_292 = arith.addi %add3A_291, %and3A_289 : vector<16xi32>
        %select_n3A = arith.select %and3A, %sub3A_286, %add3A_292 : vector<16xi1>, vector<16xi32>
        %swap3A = arith.constant 6 : i32
        %swap3A_293 = arith.index_cast %swap3A : i32 to index
        %swap3A_294 = arith.index_cast %mul3A_276 : i32 to index
        %swap3A_295 = tpu.vector_load %arg7[%swap3A_293, %swap3A_294] {strides = array<i32>} : memref<12x128xi32, #tpu.memory_space<vmem>>, vector<1x16xi32>,
        %swap3A_296 = vector.shape_cast %swap3A_295 : vector<1x16xi32> to vector<16xi32>
        %swap3A_297 = vector.shape_cast %select_n3A : vector<16xi32> to vector<1x16xi32>
        tpu.vector_store %arg7[%swap3A_293, %swap3A_294], %swap3A_297 {strides = array<i32>} : memref<12x128xi32, #tpu.memory_space<vmem>>, vector<1x16xi32>,
        %scan3A_298 = arith.constant 0 : i32
        scf.yield %scan3A_298 : i32
      }
      %scan3A_70 = arith.constant 8 : i32
      %scan3A_71 = arith.constant 0 : i32
      %scan3A_72 = arith.constant 0 : i32
      %scan3A_73 = arith.constant 8 : i32
      %scan3A_74 = arith.addi %scan3A_72, %scan3A_73 : i32
      %scan3A_75 = arith.constant 1 : i32
      %scan3A_76 = scf.for %scan3A_273 = %scan3A_72 to %scan3A_74 step %scan3A_75 iter_args(%scan3A_274 = %scan3A_71) -> (i32)  : i32 {
        %mul3A_275 = arith.constant 16 : i32
        %mul3A_276 = arith.muli %scan3A_273, %mul3A_275 : i32
        %get3A = arith.constant 7 : i32
        %get3A_277 = arith.index_cast %get3A : i32 to index
        %get3A_278 = arith.index_cast %mul3A_276 : i32 to index
        %get3A_279 = tpu.vector_load %arg7[%get3A_277, %get3A_278] {strides = array<i32>} : memref<12x128xi32, #tpu.memory_space<vmem>>, vector<1x16xi32>,
        %get3A_280 = vector.shape_cast %get3A_279 : vector<1x16xi32> to vector<16xi32>
        %ge3A = vector.broadcast %mul3A_0 : i32 to vector<16xi32>
        %ge3A_281 = arith.cmpi sge, %get3A_280, %ge3A : vector<16xi32>
        %add3A_282 = arith.constant 25024 : i32
        %add3A_283 = arith.addi %mul3A_0, %add3A_282 : i32
        %lt3A_284 = vector.broadcast %add3A_283 : i32 to vector<16xi32>
        %lt3A_285 = arith.cmpi slt, %get3A_280, %lt3A_284 : vector<16xi32>
        %and3A = arith.andi %ge3A_281, %lt3A_285 : vector<16xi1>
        %sub3A = vector.broadcast %mul3A_0 : i32 to vector<16xi32>
        %sub3A_286 = arith.subi %get3A_280, %sub3A : vector<16xi32>
        %and3A_287 = arith.constant 127 : i32
        %and3A_288 = vector.broadcast %and3A_287 : i32 to vector<16xi32>
        %and3A_289 = arith.andi %get3A_280, %and3A_288 : vector<16xi32>
        %add3A_290 = arith.constant 25024 : i32
        %add3A_291 = vector.broadcast %add3A_290 : i32 to vector<16xi32>
        %add3A_292 = arith.addi %add3A_291, %and3A_289 : vector<16xi32>
        %select_n3A = arith.select %and3A, %sub3A_286, %add3A_292 : vector<16xi1>, vector<16xi32>
        %swap3A = arith.constant 7 : i32
        %swap3A_293 = arith.index_cast %swap3A : i32 to index
        %swap3A_294 = arith.index_cast %mul3A_276 : i32 to index
        %swap3A_295 = tpu.vector_load %arg7[%swap3A_293, %swap3A_294] {strides = array<i32>} : memref<12x128xi32, #tpu.memory_space<vmem>>, vector<1x16xi32>,
        %swap3A_296 = vector.shape_cast %swap3A_295 : vector<1x16xi32> to vector<16xi32>
        %swap3A_297 = vector.shape_cast %select_n3A : vector<16xi32> to vector<1x16xi32>
        tpu.vector_store %arg7[%swap3A_293, %swap3A_294], %swap3A_297 {strides = array<i32>} : memref<12x128xi32, #tpu.memory_space<vmem>>, vector<1x16xi32>,
        %scan3A_298 = arith.constant 0 : i32
        scf.yield %scan3A_298 : i32
      }
      %scan3A_77 = arith.constant 8 : i32
      %scan3A_78 = arith.constant 0 : i32
      %scan3A_79 = arith.constant 0 : i32
      %scan3A_80 = arith.constant 8 : i32
      %scan3A_81 = arith.addi %scan3A_79, %scan3A_80 : i32
      %scan3A_82 = arith.constant 1 : i32
      %scan3A_83 = scf.for %scan3A_273 = %scan3A_79 to %scan3A_81 step %scan3A_82 iter_args(%scan3A_274 = %scan3A_78) -> (i32)  : i32 {
        %mul3A_275 = arith.constant 16 : i32
        %mul3A_276 = arith.muli %scan3A_273, %mul3A_275 : i32
        %get3A = arith.constant 8 : i32
        %get3A_277 = arith.index_cast %get3A : i32 to index
        %get3A_278 = arith.index_cast %mul3A_276 : i32 to index
        %get3A_279 = tpu.vector_load %arg7[%get3A_277, %get3A_278] {strides = array<i32>} : memref<12x128xi32, #tpu.memory_space<vmem>>, vector<1x16xi32>,
        %get3A_280 = vector.shape_cast %get3A_279 : vector<1x16xi32> to vector<16xi32>
        %ge3A = vector.broadcast %mul3A_0 : i32 to vector<16xi32>
        %ge3A_281 = arith.cmpi sge, %get3A_280, %ge3A : vector<16xi32>
        %add3A_282 = arith.constant 25024 : i32
        %add3A_283 = arith.addi %mul3A_0, %add3A_282 : i32
        %lt3A_284 = vector.broadcast %add3A_283 : i32 to vector<16xi32>
        %lt3A_285 = arith.cmpi slt, %get3A_280, %lt3A_284 : vector<16xi32>
        %and3A = arith.andi %ge3A_281, %lt3A_285 : vector<16xi1>
        %sub3A = vector.broadcast %mul3A_0 : i32 to vector<16xi32>
        %sub3A_286 = arith.subi %get3A_280, %sub3A : vector<16xi32>
        %and3A_287 = arith.constant 127 : i32
        %and3A_288 = vector.broadcast %and3A_287 : i32 to vector<16xi32>
        %and3A_289 = arith.andi %get3A_280, %and3A_288 : vector<16xi32>
        %add3A_290 = arith.constant 25024 : i32
        %add3A_291 = vector.broadcast %add3A_290 : i32 to vector<16xi32>
        %add3A_292 = arith.addi %add3A_291, %and3A_289 : vector<16xi32>
        %select_n3A = arith.select %and3A, %sub3A_286, %add3A_292 : vector<16xi1>, vector<16xi32>
        %swap3A = arith.constant 8 : i32
        %swap3A_293 = arith.index_cast %swap3A : i32 to index
        %swap3A_294 = arith.index_cast %mul3A_276 : i32 to index
        %swap3A_295 = tpu.vector_load %arg7[%swap3A_293, %swap3A_294] {strides = array<i32>} : memref<12x128xi32, #tpu.memory_space<vmem>>, vector<1x16xi32>,
        %swap3A_296 = vector.shape_cast %swap3A_295 : vector<1x16xi32> to vector<16xi32>
        %swap3A_297 = vector.shape_cast %select_n3A : vector<16xi32> to vector<1x16xi32>
        tpu.vector_store %arg7[%swap3A_293, %swap3A_294], %swap3A_297 {strides = array<i32>} : memref<12x128xi32, #tpu.memory_space<vmem>>, vector<1x16xi32>,
        %scan3A_298 = arith.constant 0 : i32
        scf.yield %scan3A_298 : i32
      }
      %scan3A_84 = arith.constant 8 : i32
      %scan3A_85 = arith.constant 0 : i32
      %scan3A_86 = arith.constant 0 : i32
      %scan3A_87 = arith.constant 8 : i32
      %scan3A_88 = arith.addi %scan3A_86, %scan3A_87 : i32
      %scan3A_89 = arith.constant 1 : i32
      %scan3A_90 = scf.for %scan3A_273 = %scan3A_86 to %scan3A_88 step %scan3A_89 iter_args(%scan3A_274 = %scan3A_85) -> (i32)  : i32 {
        %mul3A_275 = arith.constant 16 : i32
        %mul3A_276 = arith.muli %scan3A_273, %mul3A_275 : i32
        %get3A = arith.constant 9 : i32
        %get3A_277 = arith.index_cast %get3A : i32 to index
        %get3A_278 = arith.index_cast %mul3A_276 : i32 to index
        %get3A_279 = tpu.vector_load %arg7[%get3A_277, %get3A_278] {strides = array<i32>} : memref<12x128xi32, #tpu.memory_space<vmem>>, vector<1x16xi32>,
        %get3A_280 = vector.shape_cast %get3A_279 : vector<1x16xi32> to vector<16xi32>
        %ge3A = vector.broadcast %mul3A_0 : i32 to vector<16xi32>
        %ge3A_281 = arith.cmpi sge, %get3A_280, %ge3A : vector<16xi32>
        %add3A_282 = arith.constant 25024 : i32
        %add3A_283 = arith.addi %mul3A_0, %add3A_282 : i32
        %lt3A_284 = vector.broadcast %add3A_283 : i32 to vector<16xi32>
        %lt3A_285 = arith.cmpi slt, %get3A_280, %lt3A_284 : vector<16xi32>
        %and3A = arith.andi %ge3A_281, %lt3A_285 : vector<16xi1>
        %sub3A = vector.broadcast %mul3A_0 : i32 to vector<16xi32>
        %sub3A_286 = arith.subi %get3A_280, %sub3A : vector<16xi32>
        %and3A_287 = arith.constant 127 : i32
        %and3A_288 = vector.broadcast %and3A_287 : i32 to vector<16xi32>
        %and3A_289 = arith.andi %get3A_280, %and3A_288 : vector<16xi32>
        %add3A_290 = arith.constant 25024 : i32
        %add3A_291 = vector.broadcast %add3A_290 : i32 to vector<16xi32>
        %add3A_292 = arith.addi %add3A_291, %and3A_289 : vector<16xi32>
        %select_n3A = arith.select %and3A, %sub3A_286, %add3A_292 : vector<16xi1>, vector<16xi32>
        %swap3A = arith.constant 9 : i32
        %swap3A_293 = arith.index_cast %swap3A : i32 to index
        %swap3A_294 = arith.index_cast %mul3A_276 : i32 to index
        %swap3A_295 = tpu.vector_load %arg7[%swap3A_293, %swap3A_294] {strides = array<i32>} : memref<12x128xi32, #tpu.memory_space<vmem>>, vector<1x16xi32>,
        %swap3A_296 = vector.shape_cast %swap3A_295 : vector<1x16xi32> to vector<16xi32>
        %swap3A_297 = vector.shape_cast %select_n3A : vector<16xi32> to vector<1x16xi32>
        tpu.vector_store %arg7[%swap3A_293, %swap3A_294], %swap3A_297 {strides = array<i32>} : memref<12x128xi32, #tpu.memory_space<vmem>>, vector<1x16xi32>,
        %scan3A_298 = arith.constant 0 : i32
        scf.yield %scan3A_298 : i32
      }
      %scan3A_91 = arith.constant 8 : i32
      %scan3A_92 = arith.constant 0 : i32
      %scan3A_93 = arith.constant 0 : i32
      %scan3A_94 = arith.constant 8 : i32
      %scan3A_95 = arith.addi %scan3A_93, %scan3A_94 : i32
      %scan3A_96 = arith.constant 1 : i32
      %scan3A_97 = scf.for %scan3A_273 = %scan3A_93 to %scan3A_95 step %scan3A_96 iter_args(%scan3A_274 = %scan3A_92) -> (i32)  : i32 {
        %mul3A_275 = arith.constant 16 : i32
        %mul3A_276 = arith.muli %scan3A_273, %mul3A_275 : i32
        %get3A = arith.constant 10 : i32
        %get3A_277 = arith.index_cast %get3A : i32 to index
        %get3A_278 = arith.index_cast %mul3A_276 : i32 to index
        %get3A_279 = tpu.vector_load %arg7[%get3A_277, %get3A_278] {strides = array<i32>} : memref<12x128xi32, #tpu.memory_space<vmem>>, vector<1x16xi32>,
        %get3A_280 = vector.shape_cast %get3A_279 : vector<1x16xi32> to vector<16xi32>
        %ge3A = vector.broadcast %mul3A_0 : i32 to vector<16xi32>
        %ge3A_281 = arith.cmpi sge, %get3A_280, %ge3A : vector<16xi32>
        %add3A_282 = arith.constant 25024 : i32
        %add3A_283 = arith.addi %mul3A_0, %add3A_282 : i32
        %lt3A_284 = vector.broadcast %add3A_283 : i32 to vector<16xi32>
        %lt3A_285 = arith.cmpi slt, %get3A_280, %lt3A_284 : vector<16xi32>
        %and3A = arith.andi %ge3A_281, %lt3A_285 : vector<16xi1>
        %sub3A = vector.broadcast %mul3A_0 : i32 to vector<16xi32>
        %sub3A_286 = arith.subi %get3A_280, %sub3A : vector<16xi32>
        %and3A_287 = arith.constant 127 : i32
        %and3A_288 = vector.broadcast %and3A_287 : i32 to vector<16xi32>
        %and3A_289 = arith.andi %get3A_280, %and3A_288 : vector<16xi32>
        %add3A_290 = arith.constant 25024 : i32
        %add3A_291 = vector.broadcast %add3A_290 : i32 to vector<16xi32>
        %add3A_292 = arith.addi %add3A_291, %and3A_289 : vector<16xi32>
        %select_n3A = arith.select %and3A, %sub3A_286, %add3A_292 : vector<16xi1>, vector<16xi32>
        %swap3A = arith.constant 10 : i32
        %swap3A_293 = arith.index_cast %swap3A : i32 to index
        %swap3A_294 = arith.index_cast %mul3A_276 : i32 to index
        %swap3A_295 = tpu.vector_load %arg7[%swap3A_293, %swap3A_294] {strides = array<i32>} : memref<12x128xi32, #tpu.memory_space<vmem>>, vector<1x16xi32>,
        %swap3A_296 = vector.shape_cast %swap3A_295 : vector<1x16xi32> to vector<16xi32>
        %swap3A_297 = vector.shape_cast %select_n3A : vector<16xi32> to vector<1x16xi32>
        tpu.vector_store %arg7[%swap3A_293, %swap3A_294], %swap3A_297 {strides = array<i32>} : memref<12x128xi32, #tpu.memory_space<vmem>>, vector<1x16xi32>,
        %scan3A_298 = arith.constant 0 : i32
        scf.yield %scan3A_298 : i32
      }
      %scan3A_98 = arith.constant 8 : i32
      %scan3A_99 = arith.constant 0 : i32
      %scan3A_100 = arith.constant 0 : i32
      %scan3A_101 = arith.constant 8 : i32
      %scan3A_102 = arith.addi %scan3A_100, %scan3A_101 : i32
      %scan3A_103 = arith.constant 1 : i32
      %scan3A_104 = scf.for %scan3A_273 = %scan3A_100 to %scan3A_102 step %scan3A_103 iter_args(%scan3A_274 = %scan3A_99) -> (i32)  : i32 {
        %mul3A_275 = arith.constant 16 : i32
        %mul3A_276 = arith.muli %scan3A_273, %mul3A_275 : i32
        %get3A = arith.constant 11 : i32
        %get3A_277 = arith.index_cast %get3A : i32 to index
        %get3A_278 = arith.index_cast %mul3A_276 : i32 to index
        %get3A_279 = tpu.vector_load %arg7[%get3A_277, %get3A_278] {strides = array<i32>} : memref<12x128xi32, #tpu.memory_space<vmem>>, vector<1x16xi32>,
        %get3A_280 = vector.shape_cast %get3A_279 : vector<1x16xi32> to vector<16xi32>
        %ge3A = vector.broadcast %mul3A_0 : i32 to vector<16xi32>
        %ge3A_281 = arith.cmpi sge, %get3A_280, %ge3A : vector<16xi32>
        %add3A_282 = arith.constant 25024 : i32
        %add3A_283 = arith.addi %mul3A_0, %add3A_282 : i32
        %lt3A_284 = vector.broadcast %add3A_283 : i32 to vector<16xi32>
        %lt3A_285 = arith.cmpi slt, %get3A_280, %lt3A_284 : vector<16xi32>
        %and3A = arith.andi %ge3A_281, %lt3A_285 : vector<16xi1>
        %sub3A = vector.broadcast %mul3A_0 : i32 to vector<16xi32>
        %sub3A_286 = arith.subi %get3A_280, %sub3A : vector<16xi32>
        %and3A_287 = arith.constant 127 : i32
        %and3A_288 = vector.broadcast %and3A_287 : i32 to vector<16xi32>
        %and3A_289 = arith.andi %get3A_280, %and3A_288 : vector<16xi32>
        %add3A_290 = arith.constant 25024 : i32
        %add3A_291 = vector.broadcast %add3A_290 : i32 to vector<16xi32>
        %add3A_292 = arith.addi %add3A_291, %and3A_289 : vector<16xi32>
        %select_n3A = arith.select %and3A, %sub3A_286, %add3A_292 : vector<16xi1>, vector<16xi32>
        %swap3A = arith.constant 11 : i32
        %swap3A_293 = arith.index_cast %swap3A : i32 to index
        %swap3A_294 = arith.index_cast %mul3A_276 : i32 to index
        %swap3A_295 = tpu.vector_load %arg7[%swap3A_293, %swap3A_294] {strides = array<i32>} : memref<12x128xi32, #tpu.memory_space<vmem>>, vector<1x16xi32>,
        %swap3A_296 = vector.shape_cast %swap3A_295 : vector<1x16xi32> to vector<16xi32>
        %swap3A_297 = vector.shape_cast %select_n3A : vector<16xi32> to vector<1x16xi32>
        tpu.vector_store %arg7[%swap3A_293, %swap3A_294], %swap3A_297 {strides = array<i32>} : memref<12x128xi32, #tpu.memory_space<vmem>>, vector<1x16xi32>,
        %scan3A_298 = arith.constant 0 : i32
        scf.yield %scan3A_298 : i32
      }
      %scan3A_105 = arith.constant 8 : i32
      "tpu.region"() ({
        %run_scoped3A = tpu.sem_alloc : memref<!tpu.dma_semaphore, #tpu.memory_space<semaphore_mem>>
        %dma_start3A_273 = arith.constant 0 : i32
        %dma_start3A_274 = tpu.memref_slice %arg6[%arg0, %add3A, %dma_start3A_273] : memref<2x6336x128xi32, #tpu.memory_space<hbm>> -> memref<1x12x128xi32, #tpu.memory_space<hbm>>
        %dma_start3A_275 = tpu.memref_squeeze %dma_start3A_274 : memref<1x12x128xi32, #tpu.memory_space<hbm>> -> memref<12x128xi32, #tpu.memory_space<hbm>>
        %dma_start3A_276 = arith.constant 0 : i32
        %dma_start3A_277 = tpu.memref_slice %arg6[%arg0, %add3A, %dma_start3A_276] : memref<2x6336x128xi32, #tpu.memory_space<hbm>> -> memref<1x12x128xi32, #tpu.memory_space<hbm>>
        %dma_start3A_278 = tpu.memref_squeeze %dma_start3A_277 : memref<1x12x128xi32, #tpu.memory_space<hbm>> -> memref<12x128xi32, #tpu.memory_space<hbm>>
        tpu.enqueue_dma source(%arg7 : memref<12x128xi32, #tpu.memory_space<vmem>>) target(%dma_start3A_278 : memref<12x128xi32, #tpu.memory_space<hbm>>) target_semaphore(%run_scoped3A : memref<!tpu.dma_semaphore, #tpu.memory_space<semaphore_mem>>)
        %dma_wait3A_279 = arith.constant 0 : i32
        %dma_wait3A_280 = tpu.memref_slice %arg6[%arg0, %add3A, %dma_wait3A_279] : memref<2x6336x128xi32, #tpu.memory_space<hbm>> -> memref<1x12x128xi32, #tpu.memory_space<hbm>>
        %dma_wait3A_281 = tpu.memref_squeeze %dma_wait3A_280 : memref<1x12x128xi32, #tpu.memory_space<hbm>> -> memref<12x128xi32, #tpu.memory_space<hbm>>
        %dma_wait3A_282 = arith.constant 0 : i32
        %dma_wait3A_283 = tpu.memref_slice %arg6[%arg0, %add3A, %dma_wait3A_282] : memref<2x6336x128xi32, #tpu.memory_space<hbm>> -> memref<1x12x128xi32, #tpu.memory_space<hbm>>
        %dma_wait3A_284 = tpu.memref_squeeze %dma_wait3A_283 : memref<1x12x128xi32, #tpu.memory_space<hbm>> -> memref<12x128xi32, #tpu.memory_space<hbm>>
        tpu.wait_dma2 semaphore(%run_scoped3A : memref<!tpu.dma_semaphore, #tpu.memory_space<semaphore_mem>>) src(%arg7 : memref<12x128xi32, #tpu.memory_space<vmem>>) dst(%dma_wait3A_284 : memref<12x128xi32, #tpu.memory_space<hbm>>)
        tpu.yield
      }) : () -> ()
      %dma_start3A = arith.constant 0 : i32
      %dma_start3A_106 = arith.constant 0 : i32
      %dma_start3A_107 = tpu.memref_slice %arg7[%dma_start3A, %dma_start3A_106] : memref<12x128xi32, #tpu.memory_space<vmem>> -> memref<1x128xi32, #tpu.memory_space<vmem>>
      %dma_start3A_108 = tpu.memref_squeeze %dma_start3A_107 : memref<1x128xi32, #tpu.memory_space<vmem>> -> memref<128xi32, #tpu.memory_space<vmem>>
      %dma_start3A_109 = arith.constant 0 : i32
      %dma_start3A_110 = arith.constant 0 : i32
      %dma_start3A_111 = tpu.memref_slice %arg9[%dma_start3A_109, %dma_start3A_110] : memref<25160x16xf32, #tpu.memory_space<vmem_shared>> -> memref<25160x16xf32, #tpu.memory_space<vmem_shared>>
      tpu.enqueue_indirect_dma source(%arg8 : memref<128x16xf32, #tpu.memory_space<vmem>>) target(%dma_start3A_111 : memref<25160x16xf32, #tpu.memory_space<vmem_shared>>) offsets(%dma_start3A_108 : memref<128xi32, #tpu.memory_space<vmem>>) semaphore(%arg10 : memref<!tpu.dma_semaphore, #tpu.memory_space<semaphore_mem>>) {add = true}
      %dma_start3A_112 = arith.constant 1 : i32
      %dma_start3A_113 = arith.constant 0 : i32
      %dma_start3A_114 = tpu.memref_slice %arg7[%dma_start3A_112, %dma_start3A_113] : memref<12x128xi32, #tpu.memory_space<vmem>> -> memref<1x128xi32, #tpu.memory_space<vmem>>
      %dma_start3A_115 = tpu.memref_squeeze %dma_start3A_114 : memref<1x128xi32, #tpu.memory_space<vmem>> -> memref<128xi32, #tpu.memory_space<vmem>>
      %dma_start3A_116 = arith.constant 0 : i32
      %dma_start3A_117 = arith.constant 0 : i32
      %dma_start3A_118 = tpu.memref_slice %arg9[%dma_start3A_116, %dma_start3A_117] : memref<25160x16xf32, #tpu.memory_space<vmem_shared>> -> memref<25160x16xf32, #tpu.memory_space<vmem_shared>>
      tpu.enqueue_indirect_dma source(%arg8 : memref<128x16xf32, #tpu.memory_space<vmem>>) target(%dma_start3A_118 : memref<25160x16xf32, #tpu.memory_space<vmem_shared>>) offsets(%dma_start3A_115 : memref<128xi32, #tpu.memory_space<vmem>>) semaphore(%arg10 : memref<!tpu.dma_semaphore, #tpu.memory_space<semaphore_mem>>) {add = true}
      %dma_start3A_119 = arith.constant 2 : i32
      %dma_start3A_120 = arith.constant 0 : i32
      %dma_start3A_121 = tpu.memref_slice %arg7[%dma_start3A_119, %dma_start3A_120] : memref<12x128xi32, #tpu.memory_space<vmem>> -> memref<1x128xi32, #tpu.memory_space<vmem>>
      %dma_start3A_122 = tpu.memref_squeeze %dma_start3A_121 : memref<1x128xi32, #tpu.memory_space<vmem>> -> memref<128xi32, #tpu.memory_space<vmem>>
      %dma_start3A_123 = arith.constant 0 : i32
      %dma_start3A_124 = arith.constant 0 : i32
      %dma_start3A_125 = tpu.memref_slice %arg9[%dma_start3A_123, %dma_start3A_124] : memref<25160x16xf32, #tpu.memory_space<vmem_shared>> -> memref<25160x16xf32, #tpu.memory_space<vmem_shared>>
      tpu.enqueue_indirect_dma source(%arg8 : memref<128x16xf32, #tpu.memory_space<vmem>>) target(%dma_start3A_125 : memref<25160x16xf32, #tpu.memory_space<vmem_shared>>) offsets(%dma_start3A_122 : memref<128xi32, #tpu.memory_space<vmem>>) semaphore(%arg10 : memref<!tpu.dma_semaphore, #tpu.memory_space<semaphore_mem>>) {add = true}
      %dma_start3A_126 = arith.constant 3 : i32
      %dma_start3A_127 = arith.constant 0 : i32
      %dma_start3A_128 = tpu.memref_slice %arg7[%dma_start3A_126, %dma_start3A_127] : memref<12x128xi32, #tpu.memory_space<vmem>> -> memref<1x128xi32, #tpu.memory_space<vmem>>
      %dma_start3A_129 = tpu.memref_squeeze %dma_start3A_128 : memref<1x128xi32, #tpu.memory_space<vmem>> -> memref<128xi32, #tpu.memory_space<vmem>>
      %dma_start3A_130 = arith.constant 0 : i32
      %dma_start3A_131 = arith.constant 0 : i32
      %dma_start3A_132 = tpu.memref_slice %arg9[%dma_start3A_130, %dma_start3A_131] : memref<25160x16xf32, #tpu.memory_space<vmem_shared>> -> memref<25160x16xf32, #tpu.memory_space<vmem_shared>>
      tpu.enqueue_indirect_dma source(%arg8 : memref<128x16xf32, #tpu.memory_space<vmem>>) target(%dma_start3A_132 : memref<25160x16xf32, #tpu.memory_space<vmem_shared>>) offsets(%dma_start3A_129 : memref<128xi32, #tpu.memory_space<vmem>>) semaphore(%arg10 : memref<!tpu.dma_semaphore, #tpu.memory_space<semaphore_mem>>) {add = true}
      %dma_start3A_133 = arith.constant 4 : i32
      %dma_start3A_134 = arith.constant 0 : i32
      %dma_start3A_135 = tpu.memref_slice %arg7[%dma_start3A_133, %dma_start3A_134] : memref<12x128xi32, #tpu.memory_space<vmem>> -> memref<1x128xi32, #tpu.memory_space<vmem>>
      %dma_start3A_136 = tpu.memref_squeeze %dma_start3A_135 : memref<1x128xi32, #tpu.memory_space<vmem>> -> memref<128xi32, #tpu.memory_space<vmem>>
      %dma_start3A_137 = arith.constant 0 : i32
      %dma_start3A_138 = arith.constant 0 : i32
      %dma_start3A_139 = tpu.memref_slice %arg9[%dma_start3A_137, %dma_start3A_138] : memref<25160x16xf32, #tpu.memory_space<vmem_shared>> -> memref<25160x16xf32, #tpu.memory_space<vmem_shared>>
      tpu.enqueue_indirect_dma source(%arg8 : memref<128x16xf32, #tpu.memory_space<vmem>>) target(%dma_start3A_139 : memref<25160x16xf32, #tpu.memory_space<vmem_shared>>) offsets(%dma_start3A_136 : memref<128xi32, #tpu.memory_space<vmem>>) semaphore(%arg10 : memref<!tpu.dma_semaphore, #tpu.memory_space<semaphore_mem>>) {add = true}
      %dma_start3A_140 = arith.constant 5 : i32
      %dma_start3A_141 = arith.constant 0 : i32
      %dma_start3A_142 = tpu.memref_slice %arg7[%dma_start3A_140, %dma_start3A_141] : memref<12x128xi32, #tpu.memory_space<vmem>> -> memref<1x128xi32, #tpu.memory_space<vmem>>
      %dma_start3A_143 = tpu.memref_squeeze %dma_start3A_142 : memref<1x128xi32, #tpu.memory_space<vmem>> -> memref<128xi32, #tpu.memory_space<vmem>>
      %dma_start3A_144 = arith.constant 0 : i32
      %dma_start3A_145 = arith.constant 0 : i32
      %dma_start3A_146 = tpu.memref_slice %arg9[%dma_start3A_144, %dma_start3A_145] : memref<25160x16xf32, #tpu.memory_space<vmem_shared>> -> memref<25160x16xf32, #tpu.memory_space<vmem_shared>>
      tpu.enqueue_indirect_dma source(%arg8 : memref<128x16xf32, #tpu.memory_space<vmem>>) target(%dma_start3A_146 : memref<25160x16xf32, #tpu.memory_space<vmem_shared>>) offsets(%dma_start3A_143 : memref<128xi32, #tpu.memory_space<vmem>>) semaphore(%arg10 : memref<!tpu.dma_semaphore, #tpu.memory_space<semaphore_mem>>) {add = true}
      %dma_start3A_147 = arith.constant 6 : i32
      %dma_start3A_148 = arith.constant 0 : i32
      %dma_start3A_149 = tpu.memref_slice %arg7[%dma_start3A_147, %dma_start3A_148] : memref<12x128xi32, #tpu.memory_space<vmem>> -> memref<1x128xi32, #tpu.memory_space<vmem>>
      %dma_start3A_150 = tpu.memref_squeeze %dma_start3A_149 : memref<1x128xi32, #tpu.memory_space<vmem>> -> memref<128xi32, #tpu.memory_space<vmem>>
      %dma_start3A_151 = arith.constant 0 : i32
      %dma_start3A_152 = arith.constant 0 : i32
      %dma_start3A_153 = tpu.memref_slice %arg9[%dma_start3A_151, %dma_start3A_152] : memref<25160x16xf32, #tpu.memory_space<vmem_shared>> -> memref<25160x16xf32, #tpu.memory_space<vmem_shared>>
      tpu.enqueue_indirect_dma source(%arg8 : memref<128x16xf32, #tpu.memory_space<vmem>>) target(%dma_start3A_153 : memref<25160x16xf32, #tpu.memory_space<vmem_shared>>) offsets(%dma_start3A_150 : memref<128xi32, #tpu.memory_space<vmem>>) semaphore(%arg10 : memref<!tpu.dma_semaphore, #tpu.memory_space<semaphore_mem>>) {add = true}
      %dma_start3A_154 = arith.constant 7 : i32
      %dma_start3A_155 = arith.constant 0 : i32
      %dma_start3A_156 = tpu.memref_slice %arg7[%dma_start3A_154, %dma_start3A_155] : memref<12x128xi32, #tpu.memory_space<vmem>> -> memref<1x128xi32, #tpu.memory_space<vmem>>
      %dma_start3A_157 = tpu.memref_squeeze %dma_start3A_156 : memref<1x128xi32, #tpu.memory_space<vmem>> -> memref<128xi32, #tpu.memory_space<vmem>>
      %dma_start3A_158 = arith.constant 0 : i32
      %dma_start3A_159 = arith.constant 0 : i32
      %dma_start3A_160 = tpu.memref_slice %arg9[%dma_start3A_158, %dma_start3A_159] : memref<25160x16xf32, #tpu.memory_space<vmem_shared>> -> memref<25160x16xf32, #tpu.memory_space<vmem_shared>>
      tpu.enqueue_indirect_dma source(%arg8 : memref<128x16xf32, #tpu.memory_space<vmem>>) target(%dma_start3A_160 : memref<25160x16xf32, #tpu.memory_space<vmem_shared>>) offsets(%dma_start3A_157 : memref<128xi32, #tpu.memory_space<vmem>>) semaphore(%arg10 : memref<!tpu.dma_semaphore, #tpu.memory_space<semaphore_mem>>) {add = true}
      %dma_start3A_161 = arith.constant 8 : i32
      %dma_start3A_162 = arith.constant 0 : i32
      %dma_start3A_163 = tpu.memref_slice %arg7[%dma_start3A_161, %dma_start3A_162] : memref<12x128xi32, #tpu.memory_space<vmem>> -> memref<1x128xi32, #tpu.memory_space<vmem>>
      %dma_start3A_164 = tpu.memref_squeeze %dma_start3A_163 : memref<1x128xi32, #tpu.memory_space<vmem>> -> memref<128xi32, #tpu.memory_space<vmem>>
      %dma_start3A_165 = arith.constant 0 : i32
      %dma_start3A_166 = arith.constant 0 : i32
      %dma_start3A_167 = tpu.memref_slice %arg9[%dma_start3A_165, %dma_start3A_166] : memref<25160x16xf32, #tpu.memory_space<vmem_shared>> -> memref<25160x16xf32, #tpu.memory_space<vmem_shared>>
      tpu.enqueue_indirect_dma source(%arg8 : memref<128x16xf32, #tpu.memory_space<vmem>>) target(%dma_start3A_167 : memref<25160x16xf32, #tpu.memory_space<vmem_shared>>) offsets(%dma_start3A_164 : memref<128xi32, #tpu.memory_space<vmem>>) semaphore(%arg10 : memref<!tpu.dma_semaphore, #tpu.memory_space<semaphore_mem>>) {add = true}
      %dma_start3A_168 = arith.constant 9 : i32
      %dma_start3A_169 = arith.constant 0 : i32
      %dma_start3A_170 = tpu.memref_slice %arg7[%dma_start3A_168, %dma_start3A_169] : memref<12x128xi32, #tpu.memory_space<vmem>> -> memref<1x128xi32, #tpu.memory_space<vmem>>
      %dma_start3A_171 = tpu.memref_squeeze %dma_start3A_170 : memref<1x128xi32, #tpu.memory_space<vmem>> -> memref<128xi32, #tpu.memory_space<vmem>>
      %dma_start3A_172 = arith.constant 0 : i32
      %dma_start3A_173 = arith.constant 0 : i32
      %dma_start3A_174 = tpu.memref_slice %arg9[%dma_start3A_172, %dma_start3A_173] : memref<25160x16xf32, #tpu.memory_space<vmem_shared>> -> memref<25160x16xf32, #tpu.memory_space<vmem_shared>>
      tpu.enqueue_indirect_dma source(%arg8 : memref<128x16xf32, #tpu.memory_space<vmem>>) target(%dma_start3A_174 : memref<25160x16xf32, #tpu.memory_space<vmem_shared>>) offsets(%dma_start3A_171 : memref<128xi32, #tpu.memory_space<vmem>>) semaphore(%arg10 : memref<!tpu.dma_semaphore, #tpu.memory_space<semaphore_mem>>) {add = true}
      %dma_start3A_175 = arith.constant 10 : i32
      %dma_start3A_176 = arith.constant 0 : i32
      %dma_start3A_177 = tpu.memref_slice %arg7[%dma_start3A_175, %dma_start3A_176] : memref<12x128xi32, #tpu.memory_space<vmem>> -> memref<1x128xi32, #tpu.memory_space<vmem>>
      %dma_start3A_178 = tpu.memref_squeeze %dma_start3A_177 : memref<1x128xi32, #tpu.memory_space<vmem>> -> memref<128xi32, #tpu.memory_space<vmem>>
      %dma_start3A_179 = arith.constant 0 : i32
      %dma_start3A_180 = arith.constant 0 : i32
      %dma_start3A_181 = tpu.memref_slice %arg9[%dma_start3A_179, %dma_start3A_180] : memref<25160x16xf32, #tpu.memory_space<vmem_shared>> -> memref<25160x16xf32, #tpu.memory_space<vmem_shared>>
      tpu.enqueue_indirect_dma source(%arg8 : memref<128x16xf32, #tpu.memory_space<vmem>>) target(%dma_start3A_181 : memref<25160x16xf32, #tpu.memory_space<vmem_shared>>) offsets(%dma_start3A_178 : memref<128xi32, #tpu.memory_space<vmem>>) semaphore(%arg10 : memref<!tpu.dma_semaphore, #tpu.memory_space<semaphore_mem>>) {add = true}
      %dma_start3A_182 = arith.constant 11 : i32
      %dma_start3A_183 = arith.constant 0 : i32
      %dma_start3A_184 = tpu.memref_slice %arg7[%dma_start3A_182, %dma_start3A_183] : memref<12x128xi32, #tpu.memory_space<vmem>> -> memref<1x128xi32, #tpu.memory_space<vmem>>
      %dma_start3A_185 = tpu.memref_squeeze %dma_start3A_184 : memref<1x128xi32, #tpu.memory_space<vmem>> -> memref<128xi32, #tpu.memory_space<vmem>>
      %dma_start3A_186 = arith.constant 0 : i32
      %dma_start3A_187 = arith.constant 0 : i32
      %dma_start3A_188 = tpu.memref_slice %arg9[%dma_start3A_186, %dma_start3A_187] : memref<25160x16xf32, #tpu.memory_space<vmem_shared>> -> memref<25160x16xf32, #tpu.memory_space<vmem_shared>>
      tpu.enqueue_indirect_dma source(%arg8 : memref<128x16xf32, #tpu.memory_space<vmem>>) target(%dma_start3A_188 : memref<25160x16xf32, #tpu.memory_space<vmem_shared>>) offsets(%dma_start3A_185 : memref<128xi32, #tpu.memory_space<vmem>>) semaphore(%arg10 : memref<!tpu.dma_semaphore, #tpu.memory_space<semaphore_mem>>) {add = true}
      %dma_wait3A = arith.constant 0 : i32
      %dma_wait3A_189 = arith.constant 0 : i32
      %dma_wait3A_190 = tpu.memref_slice %arg7[%dma_wait3A, %dma_wait3A_189] : memref<12x128xi32, #tpu.memory_space<vmem>> -> memref<1x128xi32, #tpu.memory_space<vmem>>
      %dma_wait3A_191 = tpu.memref_squeeze %dma_wait3A_190 : memref<1x128xi32, #tpu.memory_space<vmem>> -> memref<128xi32, #tpu.memory_space<vmem>>
      %dma_wait3A_192 = arith.constant 0 : i32
      %dma_wait3A_193 = arith.constant 0 : i32
      %dma_wait3A_194 = tpu.memref_slice %arg9[%dma_wait3A_192, %dma_wait3A_193] : memref<25160x16xf32, #tpu.memory_space<vmem_shared>> -> memref<25160x16xf32, #tpu.memory_space<vmem_shared>>
      tpu.wait_indirect_dma semaphore(%arg10 : memref<!tpu.dma_semaphore, #tpu.memory_space<semaphore_mem>>) src(%arg8 : memref<128x16xf32, #tpu.memory_space<vmem>>) dst(%dma_wait3A_194 : memref<25160x16xf32, #tpu.memory_space<vmem_shared>>)
      %dma_wait3A_195 = arith.constant 1 : i32
      %dma_wait3A_196 = arith.constant 0 : i32
      %dma_wait3A_197 = tpu.memref_slice %arg7[%dma_wait3A_195, %dma_wait3A_196] : memref<12x128xi32, #tpu.memory_space<vmem>> -> memref<1x128xi32, #tpu.memory_space<vmem>>
      %dma_wait3A_198 = tpu.memref_squeeze %dma_wait3A_197 : memref<1x128xi32, #tpu.memory_space<vmem>> -> memref<128xi32, #tpu.memory_space<vmem>>
      %dma_wait3A_199 = arith.constant 0 : i32
      %dma_wait3A_200 = arith.constant 0 : i32
      %dma_wait3A_201 = tpu.memref_slice %arg9[%dma_wait3A_199, %dma_wait3A_200] : memref<25160x16xf32, #tpu.memory_space<vmem_shared>> -> memref<25160x16xf32, #tpu.memory_space<vmem_shared>>
      tpu.wait_indirect_dma semaphore(%arg10 : memref<!tpu.dma_semaphore, #tpu.memory_space<semaphore_mem>>) src(%arg8 : memref<128x16xf32, #tpu.memory_space<vmem>>) dst(%dma_wait3A_201 : memref<25160x16xf32, #tpu.memory_space<vmem_shared>>)
      %dma_wait3A_202 = arith.constant 2 : i32
      %dma_wait3A_203 = arith.constant 0 : i32
      %dma_wait3A_204 = tpu.memref_slice %arg7[%dma_wait3A_202, %dma_wait3A_203] : memref<12x128xi32, #tpu.memory_space<vmem>> -> memref<1x128xi32, #tpu.memory_space<vmem>>
      %dma_wait3A_205 = tpu.memref_squeeze %dma_wait3A_204 : memref<1x128xi32, #tpu.memory_space<vmem>> -> memref<128xi32, #tpu.memory_space<vmem>>
      %dma_wait3A_206 = arith.constant 0 : i32
      %dma_wait3A_207 = arith.constant 0 : i32
      %dma_wait3A_208 = tpu.memref_slice %arg9[%dma_wait3A_206, %dma_wait3A_207] : memref<25160x16xf32, #tpu.memory_space<vmem_shared>> -> memref<25160x16xf32, #tpu.memory_space<vmem_shared>>
      tpu.wait_indirect_dma semaphore(%arg10 : memref<!tpu.dma_semaphore, #tpu.memory_space<semaphore_mem>>) src(%arg8 : memref<128x16xf32, #tpu.memory_space<vmem>>) dst(%dma_wait3A_208 : memref<25160x16xf32, #tpu.memory_space<vmem_shared>>)
      %dma_wait3A_209 = arith.constant 3 : i32
      %dma_wait3A_210 = arith.constant 0 : i32
      %dma_wait3A_211 = tpu.memref_slice %arg7[%dma_wait3A_209, %dma_wait3A_210] : memref<12x128xi32, #tpu.memory_space<vmem>> -> memref<1x128xi32, #tpu.memory_space<vmem>>
      %dma_wait3A_212 = tpu.memref_squeeze %dma_wait3A_211 : memref<1x128xi32, #tpu.memory_space<vmem>> -> memref<128xi32, #tpu.memory_space<vmem>>
      %dma_wait3A_213 = arith.constant 0 : i32
      %dma_wait3A_214 = arith.constant 0 : i32
      %dma_wait3A_215 = tpu.memref_slice %arg9[%dma_wait3A_213, %dma_wait3A_214] : memref<25160x16xf32, #tpu.memory_space<vmem_shared>> -> memref<25160x16xf32, #tpu.memory_space<vmem_shared>>
      tpu.wait_indirect_dma semaphore(%arg10 : memref<!tpu.dma_semaphore, #tpu.memory_space<semaphore_mem>>) src(%arg8 : memref<128x16xf32, #tpu.memory_space<vmem>>) dst(%dma_wait3A_215 : memref<25160x16xf32, #tpu.memory_space<vmem_shared>>)
      %dma_wait3A_216 = arith.constant 4 : i32
      %dma_wait3A_217 = arith.constant 0 : i32
      %dma_wait3A_218 = tpu.memref_slice %arg7[%dma_wait3A_216, %dma_wait3A_217] : memref<12x128xi32, #tpu.memory_space<vmem>> -> memref<1x128xi32, #tpu.memory_space<vmem>>
      %dma_wait3A_219 = tpu.memref_squeeze %dma_wait3A_218 : memref<1x128xi32, #tpu.memory_space<vmem>> -> memref<128xi32, #tpu.memory_space<vmem>>
      %dma_wait3A_220 = arith.constant 0 : i32
      %dma_wait3A_221 = arith.constant 0 : i32
      %dma_wait3A_222 = tpu.memref_slice %arg9[%dma_wait3A_220, %dma_wait3A_221] : memref<25160x16xf32, #tpu.memory_space<vmem_shared>> -> memref<25160x16xf32, #tpu.memory_space<vmem_shared>>
      tpu.wait_indirect_dma semaphore(%arg10 : memref<!tpu.dma_semaphore, #tpu.memory_space<semaphore_mem>>) src(%arg8 : memref<128x16xf32, #tpu.memory_space<vmem>>) dst(%dma_wait3A_222 : memref<25160x16xf32, #tpu.memory_space<vmem_shared>>)
      %dma_wait3A_223 = arith.constant 5 : i32
      %dma_wait3A_224 = arith.constant 0 : i32
      %dma_wait3A_225 = tpu.memref_slice %arg7[%dma_wait3A_223, %dma_wait3A_224] : memref<12x128xi32, #tpu.memory_space<vmem>> -> memref<1x128xi32, #tpu.memory_space<vmem>>
      %dma_wait3A_226 = tpu.memref_squeeze %dma_wait3A_225 : memref<1x128xi32, #tpu.memory_space<vmem>> -> memref<128xi32, #tpu.memory_space<vmem>>
      %dma_wait3A_227 = arith.constant 0 : i32
      %dma_wait3A_228 = arith.constant 0 : i32
      %dma_wait3A_229 = tpu.memref_slice %arg9[%dma_wait3A_227, %dma_wait3A_228] : memref<25160x16xf32, #tpu.memory_space<vmem_shared>> -> memref<25160x16xf32, #tpu.memory_space<vmem_shared>>
      tpu.wait_indirect_dma semaphore(%arg10 : memref<!tpu.dma_semaphore, #tpu.memory_space<semaphore_mem>>) src(%arg8 : memref<128x16xf32, #tpu.memory_space<vmem>>) dst(%dma_wait3A_229 : memref<25160x16xf32, #tpu.memory_space<vmem_shared>>)
      %dma_wait3A_230 = arith.constant 6 : i32
      %dma_wait3A_231 = arith.constant 0 : i32
      %dma_wait3A_232 = tpu.memref_slice %arg7[%dma_wait3A_230, %dma_wait3A_231] : memref<12x128xi32, #tpu.memory_space<vmem>> -> memref<1x128xi32, #tpu.memory_space<vmem>>
      %dma_wait3A_233 = tpu.memref_squeeze %dma_wait3A_232 : memref<1x128xi32, #tpu.memory_space<vmem>> -> memref<128xi32, #tpu.memory_space<vmem>>
      %dma_wait3A_234 = arith.constant 0 : i32
      %dma_wait3A_235 = arith.constant 0 : i32
      %dma_wait3A_236 = tpu.memref_slice %arg9[%dma_wait3A_234, %dma_wait3A_235] : memref<25160x16xf32, #tpu.memory_space<vmem_shared>> -> memref<25160x16xf32, #tpu.memory_space<vmem_shared>>
      tpu.wait_indirect_dma semaphore(%arg10 : memref<!tpu.dma_semaphore, #tpu.memory_space<semaphore_mem>>) src(%arg8 : memref<128x16xf32, #tpu.memory_space<vmem>>) dst(%dma_wait3A_236 : memref<25160x16xf32, #tpu.memory_space<vmem_shared>>)
      %dma_wait3A_237 = arith.constant 7 : i32
      %dma_wait3A_238 = arith.constant 0 : i32
      %dma_wait3A_239 = tpu.memref_slice %arg7[%dma_wait3A_237, %dma_wait3A_238] : memref<12x128xi32, #tpu.memory_space<vmem>> -> memref<1x128xi32, #tpu.memory_space<vmem>>
      %dma_wait3A_240 = tpu.memref_squeeze %dma_wait3A_239 : memref<1x128xi32, #tpu.memory_space<vmem>> -> memref<128xi32, #tpu.memory_space<vmem>>
      %dma_wait3A_241 = arith.constant 0 : i32
      %dma_wait3A_242 = arith.constant 0 : i32
      %dma_wait3A_243 = tpu.memref_slice %arg9[%dma_wait3A_241, %dma_wait3A_242] : memref<25160x16xf32, #tpu.memory_space<vmem_shared>> -> memref<25160x16xf32, #tpu.memory_space<vmem_shared>>
      tpu.wait_indirect_dma semaphore(%arg10 : memref<!tpu.dma_semaphore, #tpu.memory_space<semaphore_mem>>) src(%arg8 : memref<128x16xf32, #tpu.memory_space<vmem>>) dst(%dma_wait3A_243 : memref<25160x16xf32, #tpu.memory_space<vmem_shared>>)
      %dma_wait3A_244 = arith.constant 8 : i32
      %dma_wait3A_245 = arith.constant 0 : i32
      %dma_wait3A_246 = tpu.memref_slice %arg7[%dma_wait3A_244, %dma_wait3A_245] : memref<12x128xi32, #tpu.memory_space<vmem>> -> memref<1x128xi32, #tpu.memory_space<vmem>>
      %dma_wait3A_247 = tpu.memref_squeeze %dma_wait3A_246 : memref<1x128xi32, #tpu.memory_space<vmem>> -> memref<128xi32, #tpu.memory_space<vmem>>
      %dma_wait3A_248 = arith.constant 0 : i32
      %dma_wait3A_249 = arith.constant 0 : i32
      %dma_wait3A_250 = tpu.memref_slice %arg9[%dma_wait3A_248, %dma_wait3A_249] : memref<25160x16xf32, #tpu.memory_space<vmem_shared>> -> memref<25160x16xf32, #tpu.memory_space<vmem_shared>>
      tpu.wait_indirect_dma semaphore(%arg10 : memref<!tpu.dma_semaphore, #tpu.memory_space<semaphore_mem>>) src(%arg8 : memref<128x16xf32, #tpu.memory_space<vmem>>) dst(%dma_wait3A_250 : memref<25160x16xf32, #tpu.memory_space<vmem_shared>>)
      %dma_wait3A_251 = arith.constant 9 : i32
      %dma_wait3A_252 = arith.constant 0 : i32
      %dma_wait3A_253 = tpu.memref_slice %arg7[%dma_wait3A_251, %dma_wait3A_252] : memref<12x128xi32, #tpu.memory_space<vmem>> -> memref<1x128xi32, #tpu.memory_space<vmem>>
      %dma_wait3A_254 = tpu.memref_squeeze %dma_wait3A_253 : memref<1x128xi32, #tpu.memory_space<vmem>> -> memref<128xi32, #tpu.memory_space<vmem>>
      %dma_wait3A_255 = arith.constant 0 : i32
      %dma_wait3A_256 = arith.constant 0 : i32
      %dma_wait3A_257 = tpu.memref_slice %arg9[%dma_wait3A_255, %dma_wait3A_256] : memref<25160x16xf32, #tpu.memory_space<vmem_shared>> -> memref<25160x16xf32, #tpu.memory_space<vmem_shared>>
      tpu.wait_indirect_dma semaphore(%arg10 : memref<!tpu.dma_semaphore, #tpu.memory_space<semaphore_mem>>) src(%arg8 : memref<128x16xf32, #tpu.memory_space<vmem>>) dst(%dma_wait3A_257 : memref<25160x16xf32, #tpu.memory_space<vmem_shared>>)
      %dma_wait3A_258 = arith.constant 10 : i32
      %dma_wait3A_259 = arith.constant 0 : i32
      %dma_wait3A_260 = tpu.memref_slice %arg7[%dma_wait3A_258, %dma_wait3A_259] : memref<12x128xi32, #tpu.memory_space<vmem>> -> memref<1x128xi32, #tpu.memory_space<vmem>>
      %dma_wait3A_261 = tpu.memref_squeeze %dma_wait3A_260 : memref<1x128xi32, #tpu.memory_space<vmem>> -> memref<128xi32, #tpu.memory_space<vmem>>
      %dma_wait3A_262 = arith.constant 0 : i32
      %dma_wait3A_263 = arith.constant 0 : i32
      %dma_wait3A_264 = tpu.memref_slice %arg9[%dma_wait3A_262, %dma_wait3A_263] : memref<25160x16xf32, #tpu.memory_space<vmem_shared>> -> memref<25160x16xf32, #tpu.memory_space<vmem_shared>>
      tpu.wait_indirect_dma semaphore(%arg10 : memref<!tpu.dma_semaphore, #tpu.memory_space<semaphore_mem>>) src(%arg8 : memref<128x16xf32, #tpu.memory_space<vmem>>) dst(%dma_wait3A_264 : memref<25160x16xf32, #tpu.memory_space<vmem_shared>>)
      %dma_wait3A_265 = arith.constant 11 : i32
      %dma_wait3A_266 = arith.constant 0 : i32
      %dma_wait3A_267 = tpu.memref_slice %arg7[%dma_wait3A_265, %dma_wait3A_266] : memref<12x128xi32, #tpu.memory_space<vmem>> -> memref<1x128xi32, #tpu.memory_space<vmem>>
      %dma_wait3A_268 = tpu.memref_squeeze %dma_wait3A_267 : memref<1x128xi32, #tpu.memory_space<vmem>> -> memref<128xi32, #tpu.memory_space<vmem>>
      %dma_wait3A_269 = arith.constant 0 : i32
      %dma_wait3A_270 = arith.constant 0 : i32
      %dma_wait3A_271 = tpu.memref_slice %arg9[%dma_wait3A_269, %dma_wait3A_270] : memref<25160x16xf32, #tpu.memory_space<vmem_shared>> -> memref<25160x16xf32, #tpu.memory_space<vmem_shared>>
      tpu.wait_indirect_dma semaphore(%arg10 : memref<!tpu.dma_semaphore, #tpu.memory_space<semaphore_mem>>) src(%arg8 : memref<128x16xf32, #tpu.memory_space<vmem>>) dst(%dma_wait3A_271 : memref<25160x16xf32, #tpu.memory_space<vmem_shared>>)
      %scan3A_272 = arith.constant 0 : i32
      scf.yield %scan3A_272 : i32
    }
    %scan3A_8 = arith.constant 33 : i32
    %barrier3A_9 = arith.constant 0 : index
    tpu.barrier barrier_id(%barrier3A_9)
    %lt3A = arith.constant 15 : i32
    %lt3A_10 = arith.cmpi slt, %arg1, %lt3A : i32
    %convert_element_type3A = arith.extui %lt3A_10 : i1 to i32
    %cond3A = arith.constant 0 : i32
    %cond3A_11 = arith.cmpi ne, %convert_element_type3A, %cond3A : i32
    scf.if %cond3A_11 {
      %mul3A_16 = arith.constant 1568 : i32
      %mul3A_17 = arith.muli %arg1, %mul3A_16 : i32
      %mul3A_18 = arith.constant 1568 : i32
      %mul3A_19 = arith.muli %arg1, %mul3A_18 : i32
      %add3A = arith.addi %mul3A_0, %mul3A_19 : i32
      "tpu.region"() ({
        %run_scoped3A = tpu.sem_alloc : memref<!tpu.dma_semaphore, #tpu.memory_space<semaphore_mem>>
        %dma_start3A = arith.constant 0 : i32
        %dma_start3A_20 = tpu.memref_slice %arg5[%add3A, %dma_start3A] : memref<50048x16xf32, #tpu.memory_space<hbm>> -> memref<1568x16xf32, #tpu.memory_space<hbm>>
        %dma_start3A_21 = arith.constant 0 : i32
        %dma_start3A_22 = tpu.memref_slice %arg9[%mul3A_17, %dma_start3A_21] : memref<25160x16xf32, #tpu.memory_space<vmem_shared>> -> memref<1568x16xf32, #tpu.memory_space<vmem_shared>>
        tpu.enqueue_dma source(%dma_start3A_22 : memref<1568x16xf32, #tpu.memory_space<vmem_shared>>) target(%dma_start3A_20 : memref<1568x16xf32, #tpu.memory_space<hbm>>) target_semaphore(%run_scoped3A : memref<!tpu.dma_semaphore, #tpu.memory_space<semaphore_mem>>)
        %dma_wait3A = arith.constant 0 : i32
        %dma_wait3A_23 = tpu.memref_slice %arg5[%add3A, %dma_wait3A] : memref<50048x16xf32, #tpu.memory_space<hbm>> -> memref<1568x16xf32, #tpu.memory_space<hbm>>
        %dma_wait3A_24 = arith.constant 0 : i32
        %dma_wait3A_25 = tpu.memref_slice %arg9[%mul3A_17, %dma_wait3A_24] : memref<25160x16xf32, #tpu.memory_space<vmem_shared>> -> memref<1568x16xf32, #tpu.memory_space<vmem_shared>>
        tpu.wait_dma2 semaphore(%run_scoped3A : memref<!tpu.dma_semaphore, #tpu.memory_space<semaphore_mem>>) src(%dma_wait3A_25 : memref<1568x16xf32, #tpu.memory_space<vmem_shared>>) dst(%dma_wait3A_23 : memref<1568x16xf32, #tpu.memory_space<hbm>>)
        tpu.yield
      }) : () -> ()
    } else {
    }
    %eq3A = arith.constant 15 : i32
    %eq3A_12 = arith.cmpi eq, %arg1, %eq3A : i32
    %convert_element_type3A_13 = arith.extui %eq3A_12 : i1 to i32
    %cond3A_14 = arith.constant 0 : i32
    %cond3A_15 = arith.cmpi ne, %convert_element_type3A_13, %cond3A_14 : i32
    scf.if %cond3A_15 {
      %add3A = arith.constant 23520 : i32
      %add3A_16 = arith.addi %mul3A_0, %add3A : i32
      "tpu.region"() ({
        %run_scoped3A = tpu.sem_alloc : memref<!tpu.dma_semaphore, #tpu.memory_space<semaphore_mem>>
        %dma_start3A = arith.constant 0 : i32
        %dma_start3A_17 = tpu.memref_slice %arg5[%add3A_16, %dma_start3A] : memref<50048x16xf32, #tpu.memory_space<hbm>> -> memref<1504x16xf32, #tpu.memory_space<hbm>>
        %dma_start3A_18 = arith.constant 23520 : i32
        %dma_start3A_19 = arith.constant 0 : i32
        %dma_start3A_20 = tpu.memref_slice %arg9[%dma_start3A_18, %dma_start3A_19] : memref<25160x16xf32, #tpu.memory_space<vmem_shared>> -> memref<1504x16xf32, #tpu.memory_space<vmem_shared>>
        tpu.enqueue_dma source(%dma_start3A_20 : memref<1504x16xf32, #tpu.memory_space<vmem_shared>>) target(%dma_start3A_17 : memref<1504x16xf32, #tpu.memory_space<hbm>>) target_semaphore(%run_scoped3A : memref<!tpu.dma_semaphore, #tpu.memory_space<semaphore_mem>>)
        %dma_wait3A = arith.constant 0 : i32
        %dma_wait3A_21 = tpu.memref_slice %arg5[%add3A_16, %dma_wait3A] : memref<50048x16xf32, #tpu.memory_space<hbm>> -> memref<1504x16xf32, #tpu.memory_space<hbm>>
        %dma_wait3A_22 = arith.constant 23520 : i32
        %dma_wait3A_23 = arith.constant 0 : i32
        %dma_wait3A_24 = tpu.memref_slice %arg9[%dma_wait3A_22, %dma_wait3A_23] : memref<25160x16xf32, #tpu.memory_space<vmem_shared>> -> memref<1504x16xf32, #tpu.memory_space<vmem_shared>>
        tpu.wait_dma2 semaphore(%run_scoped3A : memref<!tpu.dma_semaphore, #tpu.memory_space<semaphore_mem>>) src(%dma_wait3A_24 : memref<1504x16xf32, #tpu.memory_space<vmem_shared>>) dst(%dma_wait3A_21 : memref<1504x16xf32, #tpu.memory_space<hbm>>)
        tpu.yield
      }) : () -> ()
    } else {
    }
    return
  }
}

#map = affine_map<(d0, d1) -> (0, 0)>
#map1 = affine_map<(d0, d1) -> (0, 0, 0)>
module attributes {stable_mosaic.version = 14 : i64} {
  func.func @_sc_spmv_body(%arg0: i32, %arg1: i32, %arg2: memref<50048x64xf32, #tpu.memory_space<hbm>>, %arg3: memref<6336x128xi32, #tpu.memory_space<hbm>>, %arg4: memref<2x6336x128xi32, #tpu.memory_space<hbm>>, %arg5: memref<1564x64xf32, #tpu.memory_space<hbm>>, %arg6: memref<50048x64xf32, #tpu.memory_space<hbm>>, %arg7: memref<12x128xi32, #tpu.memory_space<vmem>>, %arg8: memref<12x128xi32, #tpu.memory_space<vmem>>, %arg9: memref<3x128x64xf32, #tpu.memory_space<vmem>>, %arg10: memref<25160x64xf32, #tpu.memory_space<vmem_shared>>, %arg11: memref<!tpu.dma_semaphore, #tpu.memory_space<semaphore_mem>>, %arg12: memref<!tpu.dma_semaphore, #tpu.memory_space<semaphore_mem>>) attributes {dimension_semantics = [#tpu.dimension_semantics<core_parallel>, #tpu.dimension_semantics<subcore_parallel>], iteration_bounds = array<i64: 2, 16>, scalar_prefetch = 0 : i64, scratch_operands = 6 : i64, tpu.core_type = #tpu.core_type<sc_vector_subcore>, window_params = [{transform_indices = #map}, {transform_indices = #map}, {transform_indices = #map1}, {transform_indices = #map}, {transform_indices = #map}]} {
    %mul3A = arith.constant 25024 : i32
    %mul3A_0 = arith.muli %arg0, %mul3A : i32
    %mul3A_1 = arith.constant 1564 : i32
    %mul3A_2 = arith.muli %arg1, %mul3A_1 : i32
    "tpu.region"() ({
      %run_scoped3A = tpu.sem_alloc : memref<!tpu.dma_semaphore, #tpu.memory_space<semaphore_mem>>
      %dma_start3A = arith.constant 0 : i32
      %dma_start3A_16 = tpu.memref_slice %arg10[%mul3A_2, %dma_start3A] : memref<25160x64xf32, #tpu.memory_space<vmem_shared>> -> memref<1564x64xf32, #tpu.memory_space<vmem_shared>>
      tpu.enqueue_dma source(%arg5 : memref<1564x64xf32, #tpu.memory_space<hbm>>) target(%dma_start3A_16 : memref<1564x64xf32, #tpu.memory_space<vmem_shared>>) target_semaphore(%run_scoped3A : memref<!tpu.dma_semaphore, #tpu.memory_space<semaphore_mem>>)
      %dma_wait3A = arith.constant 0 : i32
      %dma_wait3A_17 = tpu.memref_slice %arg10[%mul3A_2, %dma_wait3A] : memref<25160x64xf32, #tpu.memory_space<vmem_shared>> -> memref<1564x64xf32, #tpu.memory_space<vmem_shared>>
      tpu.wait_dma2 semaphore(%run_scoped3A : memref<!tpu.dma_semaphore, #tpu.memory_space<semaphore_mem>>) src(%arg5 : memref<1564x64xf32, #tpu.memory_space<hbm>>) dst(%dma_wait3A_17 : memref<1564x64xf32, #tpu.memory_space<vmem_shared>>)
      tpu.yield
    }) : () -> ()
    %barrier3A = arith.constant 0 : index
    tpu.barrier barrier_id(%barrier3A)
    %scan3A = arith.constant 0 : i32
    %scan3A_3 = arith.constant 0 : i32
    %scan3A_4 = arith.constant 33 : i32
    %scan3A_5 = arith.addi %scan3A_3, %scan3A_4 : i32
    %scan3A_6 = arith.constant 1 : i32
    %scan3A_7 = scf.for %scan3A_16 = %scan3A_3 to %scan3A_5 step %scan3A_6 iter_args(%scan3A_17 = %scan3A) -> (i32)  : i32 {
      %mul3A_18 = arith.constant 396 : i32
      %mul3A_19 = arith.muli %arg1, %mul3A_18 : i32
      %mul3A_20 = arith.constant 12 : i32
      %mul3A_21 = arith.muli %scan3A_16, %mul3A_20 : i32
      %add3A = arith.addi %mul3A_19, %mul3A_21 : i32
      %dma_start3A = arith.constant 0 : i32
      %dma_start3A_22 = tpu.memref_slice %arg3[%add3A, %dma_start3A] : memref<6336x128xi32, #tpu.memory_space<hbm>> -> memref<12x128xi32, #tpu.memory_space<hbm>>
      %dma_start3A_23 = arith.constant 0 : i32
      %dma_start3A_24 = tpu.memref_slice %arg3[%add3A, %dma_start3A_23] : memref<6336x128xi32, #tpu.memory_space<hbm>> -> memref<12x128xi32, #tpu.memory_space<hbm>>
      tpu.enqueue_dma source(%dma_start3A_24 : memref<12x128xi32, #tpu.memory_space<hbm>>) target(%arg7 : memref<12x128xi32, #tpu.memory_space<vmem>>) target_semaphore(%arg11 : memref<!tpu.dma_semaphore, #tpu.memory_space<semaphore_mem>>)
      %dma_start3A_25 = arith.constant 0 : i32
      %dma_start3A_26 = tpu.memref_slice %arg4[%arg0, %add3A, %dma_start3A_25] : memref<2x6336x128xi32, #tpu.memory_space<hbm>> -> memref<1x12x128xi32, #tpu.memory_space<hbm>>
      %dma_start3A_27 = tpu.memref_squeeze %dma_start3A_26 : memref<1x12x128xi32, #tpu.memory_space<hbm>> -> memref<12x128xi32, #tpu.memory_space<hbm>>
      %dma_start3A_28 = arith.constant 0 : i32
      %dma_start3A_29 = tpu.memref_slice %arg4[%arg0, %add3A, %dma_start3A_28] : memref<2x6336x128xi32, #tpu.memory_space<hbm>> -> memref<1x12x128xi32, #tpu.memory_space<hbm>>
      %dma_start3A_30 = tpu.memref_squeeze %dma_start3A_29 : memref<1x12x128xi32, #tpu.memory_space<hbm>> -> memref<12x128xi32, #tpu.memory_space<hbm>>
      tpu.enqueue_dma source(%dma_start3A_30 : memref<12x128xi32, #tpu.memory_space<hbm>>) target(%arg8 : memref<12x128xi32, #tpu.memory_space<vmem>>) target_semaphore(%arg11 : memref<!tpu.dma_semaphore, #tpu.memory_space<semaphore_mem>>)
      %dma_wait3A = arith.constant 0 : i32
      %dma_wait3A_31 = tpu.memref_slice %arg3[%add3A, %dma_wait3A] : memref<6336x128xi32, #tpu.memory_space<hbm>> -> memref<12x128xi32, #tpu.memory_space<hbm>>
      %dma_wait3A_32 = arith.constant 0 : i32
      %dma_wait3A_33 = tpu.memref_slice %arg3[%add3A, %dma_wait3A_32] : memref<6336x128xi32, #tpu.memory_space<hbm>> -> memref<12x128xi32, #tpu.memory_space<hbm>>
      tpu.wait_dma2 semaphore(%arg11 : memref<!tpu.dma_semaphore, #tpu.memory_space<semaphore_mem>>) src(%dma_wait3A_33 : memref<12x128xi32, #tpu.memory_space<hbm>>) dst(%arg7 : memref<12x128xi32, #tpu.memory_space<vmem>>)
      %dma_wait3A_34 = arith.constant 0 : i32
      %dma_wait3A_35 = tpu.memref_slice %arg4[%arg0, %add3A, %dma_wait3A_34] : memref<2x6336x128xi32, #tpu.memory_space<hbm>> -> memref<1x12x128xi32, #tpu.memory_space<hbm>>
      %dma_wait3A_36 = tpu.memref_squeeze %dma_wait3A_35 : memref<1x12x128xi32, #tpu.memory_space<hbm>> -> memref<12x128xi32, #tpu.memory_space<hbm>>
      %dma_wait3A_37 = arith.constant 0 : i32
      %dma_wait3A_38 = tpu.memref_slice %arg4[%arg0, %add3A, %dma_wait3A_37] : memref<2x6336x128xi32, #tpu.memory_space<hbm>> -> memref<1x12x128xi32, #tpu.memory_space<hbm>>
      %dma_wait3A_39 = tpu.memref_squeeze %dma_wait3A_38 : memref<1x12x128xi32, #tpu.memory_space<hbm>> -> memref<12x128xi32, #tpu.memory_space<hbm>>
      tpu.wait_dma2 semaphore(%arg11 : memref<!tpu.dma_semaphore, #tpu.memory_space<semaphore_mem>>) src(%dma_wait3A_39 : memref<12x128xi32, #tpu.memory_space<hbm>>) dst(%arg8 : memref<12x128xi32, #tpu.memory_space<vmem>>)
      %dma_start3A_40 = arith.constant 0 : i32
      %dma_start3A_41 = arith.constant 0 : i32
      %dma_start3A_42 = arith.constant 0 : i32
      %dma_start3A_43 = arith.constant 0 : i32
      %dma_start3A_44 = tpu.memref_slice %arg9[%dma_start3A_41, %dma_start3A_42, %dma_start3A_43] : memref<3x128x64xf32, #tpu.memory_space<vmem>> -> memref<1x128x64xf32, #tpu.memory_space<vmem>>
      %dma_start3A_45 = tpu.memref_squeeze %dma_start3A_44 : memref<1x128x64xf32, #tpu.memory_space<vmem>> -> memref<128x64xf32, #tpu.memory_space<vmem>>
      %dma_start3A_46 = arith.constant 0 : i32
      %dma_start3A_47 = tpu.memref_slice %arg7[%dma_start3A_40, %dma_start3A_46] : memref<12x128xi32, #tpu.memory_space<vmem>> -> memref<1x128xi32, #tpu.memory_space<vmem>>
      %dma_start3A_48 = tpu.memref_squeeze %dma_start3A_47 : memref<1x128xi32, #tpu.memory_space<vmem>> -> memref<128xi32, #tpu.memory_space<vmem>>
      %dma_start3A_49 = arith.constant 0 : i32
      %dma_start3A_50 = arith.constant 0 : i32
      %dma_start3A_51 = tpu.memref_slice %arg2[%dma_start3A_49, %dma_start3A_50] : memref<50048x64xf32, #tpu.memory_space<hbm>> -> memref<50048x64xf32, #tpu.memory_space<hbm>>
      tpu.enqueue_indirect_dma source(%dma_start3A_51 : memref<50048x64xf32, #tpu.memory_space<hbm>>) target(%dma_start3A_45 : memref<128x64xf32, #tpu.memory_space<vmem>>) offsets(%dma_start3A_48 : memref<128xi32, #tpu.memory_space<vmem>>) semaphore(%arg11 : memref<!tpu.dma_semaphore, #tpu.memory_space<semaphore_mem>>)
      %dma_start3A_52 = arith.constant 1 : i32
      %dma_start3A_53 = arith.constant 1 : i32
      %dma_start3A_54 = arith.constant 0 : i32
      %dma_start3A_55 = arith.constant 0 : i32
      %dma_start3A_56 = tpu.memref_slice %arg9[%dma_start3A_53, %dma_start3A_54, %dma_start3A_55] : memref<3x128x64xf32, #tpu.memory_space<vmem>> -> memref<1x128x64xf32, #tpu.memory_space<vmem>>
      %dma_start3A_57 = tpu.memref_squeeze %dma_start3A_56 : memref<1x128x64xf32, #tpu.memory_space<vmem>> -> memref<128x64xf32, #tpu.memory_space<vmem>>
      %dma_start3A_58 = arith.constant 0 : i32
      %dma_start3A_59 = tpu.memref_slice %arg7[%dma_start3A_52, %dma_start3A_58] : memref<12x128xi32, #tpu.memory_space<vmem>> -> memref<1x128xi32, #tpu.memory_space<vmem>>
      %dma_start3A_60 = tpu.memref_squeeze %dma_start3A_59 : memref<1x128xi32, #tpu.memory_space<vmem>> -> memref<128xi32, #tpu.memory_space<vmem>>
      %dma_start3A_61 = arith.constant 0 : i32
      %dma_start3A_62 = arith.constant 0 : i32
      %dma_start3A_63 = tpu.memref_slice %arg2[%dma_start3A_61, %dma_start3A_62] : memref<50048x64xf32, #tpu.memory_space<hbm>> -> memref<50048x64xf32, #tpu.memory_space<hbm>>
      tpu.enqueue_indirect_dma source(%dma_start3A_63 : memref<50048x64xf32, #tpu.memory_space<hbm>>) target(%dma_start3A_57 : memref<128x64xf32, #tpu.memory_space<vmem>>) offsets(%dma_start3A_60 : memref<128xi32, #tpu.memory_space<vmem>>) semaphore(%arg11 : memref<!tpu.dma_semaphore, #tpu.memory_space<semaphore_mem>>)
      %dma_wait3A_64 = arith.constant 0 : i32
      %dma_wait3A_65 = arith.constant 0 : i32
      %dma_wait3A_66 = arith.constant 0 : i32
      %dma_wait3A_67 = arith.constant 0 : i32
      %dma_wait3A_68 = tpu.memref_slice %arg9[%dma_wait3A_65, %dma_wait3A_66, %dma_wait3A_67] : memref<3x128x64xf32, #tpu.memory_space<vmem>> -> memref<1x128x64xf32, #tpu.memory_space<vmem>>
      %dma_wait3A_69 = tpu.memref_squeeze %dma_wait3A_68 : memref<1x128x64xf32, #tpu.memory_space<vmem>> -> memref<128x64xf32, #tpu.memory_space<vmem>>
      %dma_wait3A_70 = arith.constant 0 : i32
      %dma_wait3A_71 = tpu.memref_slice %arg7[%dma_wait3A_64, %dma_wait3A_70] : memref<12x128xi32, #tpu.memory_space<vmem>> -> memref<1x128xi32, #tpu.memory_space<vmem>>
      %dma_wait3A_72 = tpu.memref_squeeze %dma_wait3A_71 : memref<1x128xi32, #tpu.memory_space<vmem>> -> memref<128xi32, #tpu.memory_space<vmem>>
      %dma_wait3A_73 = arith.constant 0 : i32
      %dma_wait3A_74 = arith.constant 0 : i32
      %dma_wait3A_75 = tpu.memref_slice %arg2[%dma_wait3A_73, %dma_wait3A_74] : memref<50048x64xf32, #tpu.memory_space<hbm>> -> memref<50048x64xf32, #tpu.memory_space<hbm>>
      tpu.wait_indirect_dma semaphore(%arg11 : memref<!tpu.dma_semaphore, #tpu.memory_space<semaphore_mem>>) src(%dma_wait3A_75 : memref<50048x64xf32, #tpu.memory_space<hbm>>) dst(%dma_wait3A_69 : memref<128x64xf32, #tpu.memory_space<vmem>>)
      %dma_start3A_76 = arith.constant 0 : i32
      %dma_start3A_77 = arith.constant 0 : i32
      %dma_start3A_78 = arith.constant 0 : i32
      %dma_start3A_79 = arith.constant 0 : i32
      %dma_start3A_80 = tpu.memref_slice %arg9[%dma_start3A_76, %dma_start3A_78, %dma_start3A_79] : memref<3x128x64xf32, #tpu.memory_space<vmem>> -> memref<1x128x64xf32, #tpu.memory_space<vmem>>
      %dma_start3A_81 = tpu.memref_squeeze %dma_start3A_80 : memref<1x128x64xf32, #tpu.memory_space<vmem>> -> memref<128x64xf32, #tpu.memory_space<vmem>>
      %dma_start3A_82 = arith.constant 0 : i32
      %dma_start3A_83 = tpu.memref_slice %arg8[%dma_start3A_77, %dma_start3A_82] : memref<12x128xi32, #tpu.memory_space<vmem>> -> memref<1x128xi32, #tpu.memory_space<vmem>>
      %dma_start3A_84 = tpu.memref_squeeze %dma_start3A_83 : memref<1x128xi32, #tpu.memory_space<vmem>> -> memref<128xi32, #tpu.memory_space<vmem>>
      %dma_start3A_85 = arith.constant 0 : i32
      %dma_start3A_86 = arith.constant 0 : i32
      %dma_start3A_87 = tpu.memref_slice %arg10[%dma_start3A_85, %dma_start3A_86] : memref<25160x64xf32, #tpu.memory_space<vmem_shared>> -> memref<25160x64xf32, #tpu.memory_space<vmem_shared>>
      tpu.enqueue_indirect_dma source(%dma_start3A_81 : memref<128x64xf32, #tpu.memory_space<vmem>>) target(%dma_start3A_87 : memref<25160x64xf32, #tpu.memory_space<vmem_shared>>) offsets(%dma_start3A_84 : memref<128xi32, #tpu.memory_space<vmem>>) semaphore(%arg12 : memref<!tpu.dma_semaphore, #tpu.memory_space<semaphore_mem>>) {add = true}
      %dma_start3A_88 = arith.constant 2 : i32
      %dma_start3A_89 = arith.constant 2 : i32
      %dma_start3A_90 = arith.constant 0 : i32
      %dma_start3A_91 = arith.constant 0 : i32
      %dma_start3A_92 = tpu.memref_slice %arg9[%dma_start3A_89, %dma_start3A_90, %dma_start3A_91] : memref<3x128x64xf32, #tpu.memory_space<vmem>> -> memref<1x128x64xf32, #tpu.memory_space<vmem>>
      %dma_start3A_93 = tpu.memref_squeeze %dma_start3A_92 : memref<1x128x64xf32, #tpu.memory_space<vmem>> -> memref<128x64xf32, #tpu.memory_space<vmem>>
      %dma_start3A_94 = arith.constant 0 : i32
      %dma_start3A_95 = tpu.memref_slice %arg7[%dma_start3A_88, %dma_start3A_94] : memref<12x128xi32, #tpu.memory_space<vmem>> -> memref<1x128xi32, #tpu.memory_space<vmem>>
      %dma_start3A_96 = tpu.memref_squeeze %dma_start3A_95 : memref<1x128xi32, #tpu.memory_space<vmem>> -> memref<128xi32, #tpu.memory_space<vmem>>
      %dma_start3A_97 = arith.constant 0 : i32
      %dma_start3A_98 = arith.constant 0 : i32
      %dma_start3A_99 = tpu.memref_slice %arg2[%dma_start3A_97, %dma_start3A_98] : memref<50048x64xf32, #tpu.memory_space<hbm>> -> memref<50048x64xf32, #tpu.memory_space<hbm>>
      tpu.enqueue_indirect_dma source(%dma_start3A_99 : memref<50048x64xf32, #tpu.memory_space<hbm>>) target(%dma_start3A_93 : memref<128x64xf32, #tpu.memory_space<vmem>>) offsets(%dma_start3A_96 : memref<128xi32, #tpu.memory_space<vmem>>) semaphore(%arg11 : memref<!tpu.dma_semaphore, #tpu.memory_space<semaphore_mem>>)
      %dma_wait3A_100 = arith.constant 1 : i32
      %dma_wait3A_101 = arith.constant 1 : i32
      %dma_wait3A_102 = arith.constant 0 : i32
      %dma_wait3A_103 = arith.constant 0 : i32
      %dma_wait3A_104 = tpu.memref_slice %arg9[%dma_wait3A_101, %dma_wait3A_102, %dma_wait3A_103] : memref<3x128x64xf32, #tpu.memory_space<vmem>> -> memref<1x128x64xf32, #tpu.memory_space<vmem>>
      %dma_wait3A_105 = tpu.memref_squeeze %dma_wait3A_104 : memref<1x128x64xf32, #tpu.memory_space<vmem>> -> memref<128x64xf32, #tpu.memory_space<vmem>>
      %dma_wait3A_106 = arith.constant 0 : i32
      %dma_wait3A_107 = tpu.memref_slice %arg7[%dma_wait3A_100, %dma_wait3A_106] : memref<12x128xi32, #tpu.memory_space<vmem>> -> memref<1x128xi32, #tpu.memory_space<vmem>>
      %dma_wait3A_108 = tpu.memref_squeeze %dma_wait3A_107 : memref<1x128xi32, #tpu.memory_space<vmem>> -> memref<128xi32, #tpu.memory_space<vmem>>
      %dma_wait3A_109 = arith.constant 0 : i32
      %dma_wait3A_110 = arith.constant 0 : i32
      %dma_wait3A_111 = tpu.memref_slice %arg2[%dma_wait3A_109, %dma_wait3A_110] : memref<50048x64xf32, #tpu.memory_space<hbm>> -> memref<50048x64xf32, #tpu.memory_space<hbm>>
      tpu.wait_indirect_dma semaphore(%arg11 : memref<!tpu.dma_semaphore, #tpu.memory_space<semaphore_mem>>) src(%dma_wait3A_111 : memref<50048x64xf32, #tpu.memory_space<hbm>>) dst(%dma_wait3A_105 : memref<128x64xf32, #tpu.memory_space<vmem>>)
      %dma_start3A_112 = arith.constant 1 : i32
      %dma_start3A_113 = arith.constant 1 : i32
      %dma_start3A_114 = arith.constant 0 : i32
      %dma_start3A_115 = arith.constant 0 : i32
      %dma_start3A_116 = tpu.memref_slice %arg9[%dma_start3A_112, %dma_start3A_114, %dma_start3A_115] : memref<3x128x64xf32, #tpu.memory_space<vmem>> -> memref<1x128x64xf32, #tpu.memory_space<vmem>>
      %dma_start3A_117 = tpu.memref_squeeze %dma_start3A_116 : memref<1x128x64xf32, #tpu.memory_space<vmem>> -> memref<128x64xf32, #tpu.memory_space<vmem>>
      %dma_start3A_118 = arith.constant 0 : i32
      %dma_start3A_119 = tpu.memref_slice %arg8[%dma_start3A_113, %dma_start3A_118] : memref<12x128xi32, #tpu.memory_space<vmem>> -> memref<1x128xi32, #tpu.memory_space<vmem>>
      %dma_start3A_120 = tpu.memref_squeeze %dma_start3A_119 : memref<1x128xi32, #tpu.memory_space<vmem>> -> memref<128xi32, #tpu.memory_space<vmem>>
      %dma_start3A_121 = arith.constant 0 : i32
      %dma_start3A_122 = arith.constant 0 : i32
      %dma_start3A_123 = tpu.memref_slice %arg10[%dma_start3A_121, %dma_start3A_122] : memref<25160x64xf32, #tpu.memory_space<vmem_shared>> -> memref<25160x64xf32, #tpu.memory_space<vmem_shared>>
      tpu.enqueue_indirect_dma source(%dma_start3A_117 : memref<128x64xf32, #tpu.memory_space<vmem>>) target(%dma_start3A_123 : memref<25160x64xf32, #tpu.memory_space<vmem_shared>>) offsets(%dma_start3A_120 : memref<128xi32, #tpu.memory_space<vmem>>) semaphore(%arg12 : memref<!tpu.dma_semaphore, #tpu.memory_space<semaphore_mem>>) {add = true}
      %dma_wait3A_124 = arith.constant 0 : i32
      %dma_wait3A_125 = arith.constant 0 : i32
      %dma_wait3A_126 = arith.constant 0 : i32
      %dma_wait3A_127 = arith.constant 0 : i32
      %dma_wait3A_128 = tpu.memref_slice %arg9[%dma_wait3A_124, %dma_wait3A_126, %dma_wait3A_127] : memref<3x128x64xf32, #tpu.memory_space<vmem>> -> memref<1x128x64xf32, #tpu.memory_space<vmem>>
      %dma_wait3A_129 = tpu.memref_squeeze %dma_wait3A_128 : memref<1x128x64xf32, #tpu.memory_space<vmem>> -> memref<128x64xf32, #tpu.memory_space<vmem>>
      %dma_wait3A_130 = arith.constant 0 : i32
      %dma_wait3A_131 = tpu.memref_slice %arg8[%dma_wait3A_125, %dma_wait3A_130] : memref<12x128xi32, #tpu.memory_space<vmem>> -> memref<1x128xi32, #tpu.memory_space<vmem>>
      %dma_wait3A_132 = tpu.memref_squeeze %dma_wait3A_131 : memref<1x128xi32, #tpu.memory_space<vmem>> -> memref<128xi32, #tpu.memory_space<vmem>>
      %dma_wait3A_133 = arith.constant 0 : i32
      %dma_wait3A_134 = arith.constant 0 : i32
      %dma_wait3A_135 = tpu.memref_slice %arg10[%dma_wait3A_133, %dma_wait3A_134] : memref<25160x64xf32, #tpu.memory_space<vmem_shared>> -> memref<25160x64xf32, #tpu.memory_space<vmem_shared>>
      tpu.wait_indirect_dma semaphore(%arg12 : memref<!tpu.dma_semaphore, #tpu.memory_space<semaphore_mem>>) src(%dma_wait3A_129 : memref<128x64xf32, #tpu.memory_space<vmem>>) dst(%dma_wait3A_135 : memref<25160x64xf32, #tpu.memory_space<vmem_shared>>)
      %dma_start3A_136 = arith.constant 3 : i32
      %dma_start3A_137 = arith.constant 0 : i32
      %dma_start3A_138 = arith.constant 0 : i32
      %dma_start3A_139 = arith.constant 0 : i32
      %dma_start3A_140 = tpu.memref_slice %arg9[%dma_start3A_137, %dma_start3A_138, %dma_start3A_139] : memref<3x128x64xf32, #tpu.memory_space<vmem>> -> memref<1x128x64xf32, #tpu.memory_space<vmem>>
      %dma_start3A_141 = tpu.memref_squeeze %dma_start3A_140 : memref<1x128x64xf32, #tpu.memory_space<vmem>> -> memref<128x64xf32, #tpu.memory_space<vmem>>
      %dma_start3A_142 = arith.constant 0 : i32
      %dma_start3A_143 = tpu.memref_slice %arg7[%dma_start3A_136, %dma_start3A_142] : memref<12x128xi32, #tpu.memory_space<vmem>> -> memref<1x128xi32, #tpu.memory_space<vmem>>
      %dma_start3A_144 = tpu.memref_squeeze %dma_start3A_143 : memref<1x128xi32, #tpu.memory_space<vmem>> -> memref<128xi32, #tpu.memory_space<vmem>>
      %dma_start3A_145 = arith.constant 0 : i32
      %dma_start3A_146 = arith.constant 0 : i32
      %dma_start3A_147 = tpu.memref_slice %arg2[%dma_start3A_145, %dma_start3A_146] : memref<50048x64xf32, #tpu.memory_space<hbm>> -> memref<50048x64xf32, #tpu.memory_space<hbm>>
      tpu.enqueue_indirect_dma source(%dma_start3A_147 : memref<50048x64xf32, #tpu.memory_space<hbm>>) target(%dma_start3A_141 : memref<128x64xf32, #tpu.memory_space<vmem>>) offsets(%dma_start3A_144 : memref<128xi32, #tpu.memory_space<vmem>>) semaphore(%arg11 : memref<!tpu.dma_semaphore, #tpu.memory_space<semaphore_mem>>)
      %dma_wait3A_148 = arith.constant 2 : i32
      %dma_wait3A_149 = arith.constant 2 : i32
      %dma_wait3A_150 = arith.constant 0 : i32
      %dma_wait3A_151 = arith.constant 0 : i32
      %dma_wait3A_152 = tpu.memref_slice %arg9[%dma_wait3A_149, %dma_wait3A_150, %dma_wait3A_151] : memref<3x128x64xf32, #tpu.memory_space<vmem>> -> memref<1x128x64xf32, #tpu.memory_space<vmem>>
      %dma_wait3A_153 = tpu.memref_squeeze %dma_wait3A_152 : memref<1x128x64xf32, #tpu.memory_space<vmem>> -> memref<128x64xf32, #tpu.memory_space<vmem>>
      %dma_wait3A_154 = arith.constant 0 : i32
      %dma_wait3A_155 = tpu.memref_slice %arg7[%dma_wait3A_148, %dma_wait3A_154] : memref<12x128xi32, #tpu.memory_space<vmem>> -> memref<1x128xi32, #tpu.memory_space<vmem>>
      %dma_wait3A_156 = tpu.memref_squeeze %dma_wait3A_155 : memref<1x128xi32, #tpu.memory_space<vmem>> -> memref<128xi32, #tpu.memory_space<vmem>>
      %dma_wait3A_157 = arith.constant 0 : i32
      %dma_wait3A_158 = arith.constant 0 : i32
      %dma_wait3A_159 = tpu.memref_slice %arg2[%dma_wait3A_157, %dma_wait3A_158] : memref<50048x64xf32, #tpu.memory_space<hbm>> -> memref<50048x64xf32, #tpu.memory_space<hbm>>
      tpu.wait_indirect_dma semaphore(%arg11 : memref<!tpu.dma_semaphore, #tpu.memory_space<semaphore_mem>>) src(%dma_wait3A_159 : memref<50048x64xf32, #tpu.memory_space<hbm>>) dst(%dma_wait3A_153 : memref<128x64xf32, #tpu.memory_space<vmem>>)
      %dma_start3A_160 = arith.constant 2 : i32
      %dma_start3A_161 = arith.constant 2 : i32
      %dma_start3A_162 = arith.constant 0 : i32
      %dma_start3A_163 = arith.constant 0 : i32
      %dma_start3A_164 = tpu.memref_slice %arg9[%dma_start3A_160, %dma_start3A_162, %dma_start3A_163] : memref<3x128x64xf32, #tpu.memory_space<vmem>> -> memref<1x128x64xf32, #tpu.memory_space<vmem>>
      %dma_start3A_165 = tpu.memref_squeeze %dma_start3A_164 : memref<1x128x64xf32, #tpu.memory_space<vmem>> -> memref<128x64xf32, #tpu.memory_space<vmem>>
      %dma_start3A_166 = arith.constant 0 : i32
      %dma_start3A_167 = tpu.memref_slice %arg8[%dma_start3A_161, %dma_start3A_166] : memref<12x128xi32, #tpu.memory_space<vmem>> -> memref<1x128xi32, #tpu.memory_space<vmem>>
      %dma_start3A_168 = tpu.memref_squeeze %dma_start3A_167 : memref<1x128xi32, #tpu.memory_space<vmem>> -> memref<128xi32, #tpu.memory_space<vmem>>
      %dma_start3A_169 = arith.constant 0 : i32
      %dma_start3A_170 = arith.constant 0 : i32
      %dma_start3A_171 = tpu.memref_slice %arg10[%dma_start3A_169, %dma_start3A_170] : memref<25160x64xf32, #tpu.memory_space<vmem_shared>> -> memref<25160x64xf32, #tpu.memory_space<vmem_shared>>
      tpu.enqueue_indirect_dma source(%dma_start3A_165 : memref<128x64xf32, #tpu.memory_space<vmem>>) target(%dma_start3A_171 : memref<25160x64xf32, #tpu.memory_space<vmem_shared>>) offsets(%dma_start3A_168 : memref<128xi32, #tpu.memory_space<vmem>>) semaphore(%arg12 : memref<!tpu.dma_semaphore, #tpu.memory_space<semaphore_mem>>) {add = true}
      %dma_wait3A_172 = arith.constant 1 : i32
      %dma_wait3A_173 = arith.constant 1 : i32
      %dma_wait3A_174 = arith.constant 0 : i32
      %dma_wait3A_175 = arith.constant 0 : i32
      %dma_wait3A_176 = tpu.memref_slice %arg9[%dma_wait3A_172, %dma_wait3A_174, %dma_wait3A_175] : memref<3x128x64xf32, #tpu.memory_space<vmem>> -> memref<1x128x64xf32, #tpu.memory_space<vmem>>
      %dma_wait3A_177 = tpu.memref_squeeze %dma_wait3A_176 : memref<1x128x64xf32, #tpu.memory_space<vmem>> -> memref<128x64xf32, #tpu.memory_space<vmem>>
      %dma_wait3A_178 = arith.constant 0 : i32
      %dma_wait3A_179 = tpu.memref_slice %arg8[%dma_wait3A_173, %dma_wait3A_178] : memref<12x128xi32, #tpu.memory_space<vmem>> -> memref<1x128xi32, #tpu.memory_space<vmem>>
      %dma_wait3A_180 = tpu.memref_squeeze %dma_wait3A_179 : memref<1x128xi32, #tpu.memory_space<vmem>> -> memref<128xi32, #tpu.memory_space<vmem>>
      %dma_wait3A_181 = arith.constant 0 : i32
      %dma_wait3A_182 = arith.constant 0 : i32
      %dma_wait3A_183 = tpu.memref_slice %arg10[%dma_wait3A_181, %dma_wait3A_182] : memref<25160x64xf32, #tpu.memory_space<vmem_shared>> -> memref<25160x64xf32, #tpu.memory_space<vmem_shared>>
      tpu.wait_indirect_dma semaphore(%arg12 : memref<!tpu.dma_semaphore, #tpu.memory_space<semaphore_mem>>) src(%dma_wait3A_177 : memref<128x64xf32, #tpu.memory_space<vmem>>) dst(%dma_wait3A_183 : memref<25160x64xf32, #tpu.memory_space<vmem_shared>>)
      %dma_start3A_184 = arith.constant 4 : i32
      %dma_start3A_185 = arith.constant 1 : i32
      %dma_start3A_186 = arith.constant 0 : i32
      %dma_start3A_187 = arith.constant 0 : i32
      %dma_start3A_188 = tpu.memref_slice %arg9[%dma_start3A_185, %dma_start3A_186, %dma_start3A_187] : memref<3x128x64xf32, #tpu.memory_space<vmem>> -> memref<1x128x64xf32, #tpu.memory_space<vmem>>
      %dma_start3A_189 = tpu.memref_squeeze %dma_start3A_188 : memref<1x128x64xf32, #tpu.memory_space<vmem>> -> memref<128x64xf32, #tpu.memory_space<vmem>>
      %dma_start3A_190 = arith.constant 0 : i32
      %dma_start3A_191 = tpu.memref_slice %arg7[%dma_start3A_184, %dma_start3A_190] : memref<12x128xi32, #tpu.memory_space<vmem>> -> memref<1x128xi32, #tpu.memory_space<vmem>>
      %dma_start3A_192 = tpu.memref_squeeze %dma_start3A_191 : memref<1x128xi32, #tpu.memory_space<vmem>> -> memref<128xi32, #tpu.memory_space<vmem>>
      %dma_start3A_193 = arith.constant 0 : i32
      %dma_start3A_194 = arith.constant 0 : i32
      %dma_start3A_195 = tpu.memref_slice %arg2[%dma_start3A_193, %dma_start3A_194] : memref<50048x64xf32, #tpu.memory_space<hbm>> -> memref<50048x64xf32, #tpu.memory_space<hbm>>
      tpu.enqueue_indirect_dma source(%dma_start3A_195 : memref<50048x64xf32, #tpu.memory_space<hbm>>) target(%dma_start3A_189 : memref<128x64xf32, #tpu.memory_space<vmem>>) offsets(%dma_start3A_192 : memref<128xi32, #tpu.memory_space<vmem>>) semaphore(%arg11 : memref<!tpu.dma_semaphore, #tpu.memory_space<semaphore_mem>>)
      %dma_wait3A_196 = arith.constant 3 : i32
      %dma_wait3A_197 = arith.constant 0 : i32
      %dma_wait3A_198 = arith.constant 0 : i32
      %dma_wait3A_199 = arith.constant 0 : i32
      %dma_wait3A_200 = tpu.memref_slice %arg9[%dma_wait3A_197, %dma_wait3A_198, %dma_wait3A_199] : memref<3x128x64xf32, #tpu.memory_space<vmem>> -> memref<1x128x64xf32, #tpu.memory_space<vmem>>
      %dma_wait3A_201 = tpu.memref_squeeze %dma_wait3A_200 : memref<1x128x64xf32, #tpu.memory_space<vmem>> -> memref<128x64xf32, #tpu.memory_space<vmem>>
      %dma_wait3A_202 = arith.constant 0 : i32
      %dma_wait3A_203 = tpu.memref_slice %arg7[%dma_wait3A_196, %dma_wait3A_202] : memref<12x128xi32, #tpu.memory_space<vmem>> -> memref<1x128xi32, #tpu.memory_space<vmem>>
      %dma_wait3A_204 = tpu.memref_squeeze %dma_wait3A_203 : memref<1x128xi32, #tpu.memory_space<vmem>> -> memref<128xi32, #tpu.memory_space<vmem>>
      %dma_wait3A_205 = arith.constant 0 : i32
      %dma_wait3A_206 = arith.constant 0 : i32
      %dma_wait3A_207 = tpu.memref_slice %arg2[%dma_wait3A_205, %dma_wait3A_206] : memref<50048x64xf32, #tpu.memory_space<hbm>> -> memref<50048x64xf32, #tpu.memory_space<hbm>>
      tpu.wait_indirect_dma semaphore(%arg11 : memref<!tpu.dma_semaphore, #tpu.memory_space<semaphore_mem>>) src(%dma_wait3A_207 : memref<50048x64xf32, #tpu.memory_space<hbm>>) dst(%dma_wait3A_201 : memref<128x64xf32, #tpu.memory_space<vmem>>)
      %dma_start3A_208 = arith.constant 0 : i32
      %dma_start3A_209 = arith.constant 3 : i32
      %dma_start3A_210 = arith.constant 0 : i32
      %dma_start3A_211 = arith.constant 0 : i32
      %dma_start3A_212 = tpu.memref_slice %arg9[%dma_start3A_208, %dma_start3A_210, %dma_start3A_211] : memref<3x128x64xf32, #tpu.memory_space<vmem>> -> memref<1x128x64xf32, #tpu.memory_space<vmem>>
      %dma_start3A_213 = tpu.memref_squeeze %dma_start3A_212 : memref<1x128x64xf32, #tpu.memory_space<vmem>> -> memref<128x64xf32, #tpu.memory_space<vmem>>
      %dma_start3A_214 = arith.constant 0 : i32
      %dma_start3A_215 = tpu.memref_slice %arg8[%dma_start3A_209, %dma_start3A_214] : memref<12x128xi32, #tpu.memory_space<vmem>> -> memref<1x128xi32, #tpu.memory_space<vmem>>
      %dma_start3A_216 = tpu.memref_squeeze %dma_start3A_215 : memref<1x128xi32, #tpu.memory_space<vmem>> -> memref<128xi32, #tpu.memory_space<vmem>>
      %dma_start3A_217 = arith.constant 0 : i32
      %dma_start3A_218 = arith.constant 0 : i32
      %dma_start3A_219 = tpu.memref_slice %arg10[%dma_start3A_217, %dma_start3A_218] : memref<25160x64xf32, #tpu.memory_space<vmem_shared>> -> memref<25160x64xf32, #tpu.memory_space<vmem_shared>>
      tpu.enqueue_indirect_dma source(%dma_start3A_213 : memref<128x64xf32, #tpu.memory_space<vmem>>) target(%dma_start3A_219 : memref<25160x64xf32, #tpu.memory_space<vmem_shared>>) offsets(%dma_start3A_216 : memref<128xi32, #tpu.memory_space<vmem>>) semaphore(%arg12 : memref<!tpu.dma_semaphore, #tpu.memory_space<semaphore_mem>>) {add = true}
      %dma_wait3A_220 = arith.constant 2 : i32
      %dma_wait3A_221 = arith.constant 2 : i32
      %dma_wait3A_222 = arith.constant 0 : i32
      %dma_wait3A_223 = arith.constant 0 : i32
      %dma_wait3A_224 = tpu.memref_slice %arg9[%dma_wait3A_220, %dma_wait3A_222, %dma_wait3A_223] : memref<3x128x64xf32, #tpu.memory_space<vmem>> -> memref<1x128x64xf32, #tpu.memory_space<vmem>>
      %dma_wait3A_225 = tpu.memref_squeeze %dma_wait3A_224 : memref<1x128x64xf32, #tpu.memory_space<vmem>> -> memref<128x64xf32, #tpu.memory_space<vmem>>
      %dma_wait3A_226 = arith.constant 0 : i32
      %dma_wait3A_227 = tpu.memref_slice %arg8[%dma_wait3A_221, %dma_wait3A_226] : memref<12x128xi32, #tpu.memory_space<vmem>> -> memref<1x128xi32, #tpu.memory_space<vmem>>
      %dma_wait3A_228 = tpu.memref_squeeze %dma_wait3A_227 : memref<1x128xi32, #tpu.memory_space<vmem>> -> memref<128xi32, #tpu.memory_space<vmem>>
      %dma_wait3A_229 = arith.constant 0 : i32
      %dma_wait3A_230 = arith.constant 0 : i32
      %dma_wait3A_231 = tpu.memref_slice %arg10[%dma_wait3A_229, %dma_wait3A_230] : memref<25160x64xf32, #tpu.memory_space<vmem_shared>> -> memref<25160x64xf32, #tpu.memory_space<vmem_shared>>
      tpu.wait_indirect_dma semaphore(%arg12 : memref<!tpu.dma_semaphore, #tpu.memory_space<semaphore_mem>>) src(%dma_wait3A_225 : memref<128x64xf32, #tpu.memory_space<vmem>>) dst(%dma_wait3A_231 : memref<25160x64xf32, #tpu.memory_space<vmem_shared>>)
      %dma_start3A_232 = arith.constant 5 : i32
      %dma_start3A_233 = arith.constant 2 : i32
      %dma_start3A_234 = arith.constant 0 : i32
      %dma_start3A_235 = arith.constant 0 : i32
      %dma_start3A_236 = tpu.memref_slice %arg9[%dma_start3A_233, %dma_start3A_234, %dma_start3A_235] : memref<3x128x64xf32, #tpu.memory_space<vmem>> -> memref<1x128x64xf32, #tpu.memory_space<vmem>>
      %dma_start3A_237 = tpu.memref_squeeze %dma_start3A_236 : memref<1x128x64xf32, #tpu.memory_space<vmem>> -> memref<128x64xf32, #tpu.memory_space<vmem>>
      %dma_start3A_238 = arith.constant 0 : i32
      %dma_start3A_239 = tpu.memref_slice %arg7[%dma_start3A_232, %dma_start3A_238] : memref<12x128xi32, #tpu.memory_space<vmem>> -> memref<1x128xi32, #tpu.memory_space<vmem>>
      %dma_start3A_240 = tpu.memref_squeeze %dma_start3A_239 : memref<1x128xi32, #tpu.memory_space<vmem>> -> memref<128xi32, #tpu.memory_space<vmem>>
      %dma_start3A_241 = arith.constant 0 : i32
      %dma_start3A_242 = arith.constant 0 : i32
      %dma_start3A_243 = tpu.memref_slice %arg2[%dma_start3A_241, %dma_start3A_242] : memref<50048x64xf32, #tpu.memory_space<hbm>> -> memref<50048x64xf32, #tpu.memory_space<hbm>>
      tpu.enqueue_indirect_dma source(%dma_start3A_243 : memref<50048x64xf32, #tpu.memory_space<hbm>>) target(%dma_start3A_237 : memref<128x64xf32, #tpu.memory_space<vmem>>) offsets(%dma_start3A_240 : memref<128xi32, #tpu.memory_space<vmem>>) semaphore(%arg11 : memref<!tpu.dma_semaphore, #tpu.memory_space<semaphore_mem>>)
      %dma_wait3A_244 = arith.constant 4 : i32
      %dma_wait3A_245 = arith.constant 1 : i32
      %dma_wait3A_246 = arith.constant 0 : i32
      %dma_wait3A_247 = arith.constant 0 : i32
      %dma_wait3A_248 = tpu.memref_slice %arg9[%dma_wait3A_245, %dma_wait3A_246, %dma_wait3A_247] : memref<3x128x64xf32, #tpu.memory_space<vmem>> -> memref<1x128x64xf32, #tpu.memory_space<vmem>>
      %dma_wait3A_249 = tpu.memref_squeeze %dma_wait3A_248 : memref<1x128x64xf32, #tpu.memory_space<vmem>> -> memref<128x64xf32, #tpu.memory_space<vmem>>
      %dma_wait3A_250 = arith.constant 0 : i32
      %dma_wait3A_251 = tpu.memref_slice %arg7[%dma_wait3A_244, %dma_wait3A_250] : memref<12x128xi32, #tpu.memory_space<vmem>> -> memref<1x128xi32, #tpu.memory_space<vmem>>
      %dma_wait3A_252 = tpu.memref_squeeze %dma_wait3A_251 : memref<1x128xi32, #tpu.memory_space<vmem>> -> memref<128xi32, #tpu.memory_space<vmem>>
      %dma_wait3A_253 = arith.constant 0 : i32
      %dma_wait3A_254 = arith.constant 0 : i32
      %dma_wait3A_255 = tpu.memref_slice %arg2[%dma_wait3A_253, %dma_wait3A_254] : memref<50048x64xf32, #tpu.memory_space<hbm>> -> memref<50048x64xf32, #tpu.memory_space<hbm>>
      tpu.wait_indirect_dma semaphore(%arg11 : memref<!tpu.dma_semaphore, #tpu.memory_space<semaphore_mem>>) src(%dma_wait3A_255 : memref<50048x64xf32, #tpu.memory_space<hbm>>) dst(%dma_wait3A_249 : memref<128x64xf32, #tpu.memory_space<vmem>>)
      %dma_start3A_256 = arith.constant 1 : i32
      %dma_start3A_257 = arith.constant 4 : i32
      %dma_start3A_258 = arith.constant 0 : i32
      %dma_start3A_259 = arith.constant 0 : i32
      %dma_start3A_260 = tpu.memref_slice %arg9[%dma_start3A_256, %dma_start3A_258, %dma_start3A_259] : memref<3x128x64xf32, #tpu.memory_space<vmem>> -> memref<1x128x64xf32, #tpu.memory_space<vmem>>
      %dma_start3A_261 = tpu.memref_squeeze %dma_start3A_260 : memref<1x128x64xf32, #tpu.memory_space<vmem>> -> memref<128x64xf32, #tpu.memory_space<vmem>>
      %dma_start3A_262 = arith.constant 0 : i32
      %dma_start3A_263 = tpu.memref_slice %arg8[%dma_start3A_257, %dma_start3A_262] : memref<12x128xi32, #tpu.memory_space<vmem>> -> memref<1x128xi32, #tpu.memory_space<vmem>>
      %dma_start3A_264 = tpu.memref_squeeze %dma_start3A_263 : memref<1x128xi32, #tpu.memory_space<vmem>> -> memref<128xi32, #tpu.memory_space<vmem>>
      %dma_start3A_265 = arith.constant 0 : i32
      %dma_start3A_266 = arith.constant 0 : i32
      %dma_start3A_267 = tpu.memref_slice %arg10[%dma_start3A_265, %dma_start3A_266] : memref<25160x64xf32, #tpu.memory_space<vmem_shared>> -> memref<25160x64xf32, #tpu.memory_space<vmem_shared>>
      tpu.enqueue_indirect_dma source(%dma_start3A_261 : memref<128x64xf32, #tpu.memory_space<vmem>>) target(%dma_start3A_267 : memref<25160x64xf32, #tpu.memory_space<vmem_shared>>) offsets(%dma_start3A_264 : memref<128xi32, #tpu.memory_space<vmem>>) semaphore(%arg12 : memref<!tpu.dma_semaphore, #tpu.memory_space<semaphore_mem>>) {add = true}
      %dma_wait3A_268 = arith.constant 0 : i32
      %dma_wait3A_269 = arith.constant 3 : i32
      %dma_wait3A_270 = arith.constant 0 : i32
      %dma_wait3A_271 = arith.constant 0 : i32
      %dma_wait3A_272 = tpu.memref_slice %arg9[%dma_wait3A_268, %dma_wait3A_270, %dma_wait3A_271] : memref<3x128x64xf32, #tpu.memory_space<vmem>> -> memref<1x128x64xf32, #tpu.memory_space<vmem>>
      %dma_wait3A_273 = tpu.memref_squeeze %dma_wait3A_272 : memref<1x128x64xf32, #tpu.memory_space<vmem>> -> memref<128x64xf32, #tpu.memory_space<vmem>>
      %dma_wait3A_274 = arith.constant 0 : i32
      %dma_wait3A_275 = tpu.memref_slice %arg8[%dma_wait3A_269, %dma_wait3A_274] : memref<12x128xi32, #tpu.memory_space<vmem>> -> memref<1x128xi32, #tpu.memory_space<vmem>>
      %dma_wait3A_276 = tpu.memref_squeeze %dma_wait3A_275 : memref<1x128xi32, #tpu.memory_space<vmem>> -> memref<128xi32, #tpu.memory_space<vmem>>
      %dma_wait3A_277 = arith.constant 0 : i32
      %dma_wait3A_278 = arith.constant 0 : i32
      %dma_wait3A_279 = tpu.memref_slice %arg10[%dma_wait3A_277, %dma_wait3A_278] : memref<25160x64xf32, #tpu.memory_space<vmem_shared>> -> memref<25160x64xf32, #tpu.memory_space<vmem_shared>>
      tpu.wait_indirect_dma semaphore(%arg12 : memref<!tpu.dma_semaphore, #tpu.memory_space<semaphore_mem>>) src(%dma_wait3A_273 : memref<128x64xf32, #tpu.memory_space<vmem>>) dst(%dma_wait3A_279 : memref<25160x64xf32, #tpu.memory_space<vmem_shared>>)
      %dma_start3A_280 = arith.constant 6 : i32
      %dma_start3A_281 = arith.constant 0 : i32
      %dma_start3A_282 = arith.constant 0 : i32
      %dma_start3A_283 = arith.constant 0 : i32
      %dma_start3A_284 = tpu.memref_slice %arg9[%dma_start3A_281, %dma_start3A_282, %dma_start3A_283] : memref<3x128x64xf32, #tpu.memory_space<vmem>> -> memref<1x128x64xf32, #tpu.memory_space<vmem>>
      %dma_start3A_285 = tpu.memref_squeeze %dma_start3A_284 : memref<1x128x64xf32, #tpu.memory_space<vmem>> -> memref<128x64xf32, #tpu.memory_space<vmem>>
      %dma_start3A_286 = arith.constant 0 : i32
      %dma_start3A_287 = tpu.memref_slice %arg7[%dma_start3A_280, %dma_start3A_286] : memref<12x128xi32, #tpu.memory_space<vmem>> -> memref<1x128xi32, #tpu.memory_space<vmem>>
      %dma_start3A_288 = tpu.memref_squeeze %dma_start3A_287 : memref<1x128xi32, #tpu.memory_space<vmem>> -> memref<128xi32, #tpu.memory_space<vmem>>
      %dma_start3A_289 = arith.constant 0 : i32
      %dma_start3A_290 = arith.constant 0 : i32
      %dma_start3A_291 = tpu.memref_slice %arg2[%dma_start3A_289, %dma_start3A_290] : memref<50048x64xf32, #tpu.memory_space<hbm>> -> memref<50048x64xf32, #tpu.memory_space<hbm>>
      tpu.enqueue_indirect_dma source(%dma_start3A_291 : memref<50048x64xf32, #tpu.memory_space<hbm>>) target(%dma_start3A_285 : memref<128x64xf32, #tpu.memory_space<vmem>>) offsets(%dma_start3A_288 : memref<128xi32, #tpu.memory_space<vmem>>) semaphore(%arg11 : memref<!tpu.dma_semaphore, #tpu.memory_space<semaphore_mem>>)
      %dma_wait3A_292 = arith.constant 5 : i32
      %dma_wait3A_293 = arith.constant 2 : i32
      %dma_wait3A_294 = arith.constant 0 : i32
      %dma_wait3A_295 = arith.constant 0 : i32
      %dma_wait3A_296 = tpu.memref_slice %arg9[%dma_wait3A_293, %dma_wait3A_294, %dma_wait3A_295] : memref<3x128x64xf32, #tpu.memory_space<vmem>> -> memref<1x128x64xf32, #tpu.memory_space<vmem>>
      %dma_wait3A_297 = tpu.memref_squeeze %dma_wait3A_296 : memref<1x128x64xf32, #tpu.memory_space<vmem>> -> memref<128x64xf32, #tpu.memory_space<vmem>>
      %dma_wait3A_298 = arith.constant 0 : i32
      %dma_wait3A_299 = tpu.memref_slice %arg7[%dma_wait3A_292, %dma_wait3A_298] : memref<12x128xi32, #tpu.memory_space<vmem>> -> memref<1x128xi32, #tpu.memory_space<vmem>>
      %dma_wait3A_300 = tpu.memref_squeeze %dma_wait3A_299 : memref<1x128xi32, #tpu.memory_space<vmem>> -> memref<128xi32, #tpu.memory_space<vmem>>
      %dma_wait3A_301 = arith.constant 0 : i32
      %dma_wait3A_302 = arith.constant 0 : i32
      %dma_wait3A_303 = tpu.memref_slice %arg2[%dma_wait3A_301, %dma_wait3A_302] : memref<50048x64xf32, #tpu.memory_space<hbm>> -> memref<50048x64xf32, #tpu.memory_space<hbm>>
      tpu.wait_indirect_dma semaphore(%arg11 : memref<!tpu.dma_semaphore, #tpu.memory_space<semaphore_mem>>) src(%dma_wait3A_303 : memref<50048x64xf32, #tpu.memory_space<hbm>>) dst(%dma_wait3A_297 : memref<128x64xf32, #tpu.memory_space<vmem>>)
      %dma_start3A_304 = arith.constant 2 : i32
      %dma_start3A_305 = arith.constant 5 : i32
      %dma_start3A_306 = arith.constant 0 : i32
      %dma_start3A_307 = arith.constant 0 : i32
      %dma_start3A_308 = tpu.memref_slice %arg9[%dma_start3A_304, %dma_start3A_306, %dma_start3A_307] : memref<3x128x64xf32, #tpu.memory_space<vmem>> -> memref<1x128x64xf32, #tpu.memory_space<vmem>>
      %dma_start3A_309 = tpu.memref_squeeze %dma_start3A_308 : memref<1x128x64xf32, #tpu.memory_space<vmem>> -> memref<128x64xf32, #tpu.memory_space<vmem>>
      %dma_start3A_310 = arith.constant 0 : i32
      %dma_start3A_311 = tpu.memref_slice %arg8[%dma_start3A_305, %dma_start3A_310] : memref<12x128xi32, #tpu.memory_space<vmem>> -> memref<1x128xi32, #tpu.memory_space<vmem>>
      %dma_start3A_312 = tpu.memref_squeeze %dma_start3A_311 : memref<1x128xi32, #tpu.memory_space<vmem>> -> memref<128xi32, #tpu.memory_space<vmem>>
      %dma_start3A_313 = arith.constant 0 : i32
      %dma_start3A_314 = arith.constant 0 : i32
      %dma_start3A_315 = tpu.memref_slice %arg10[%dma_start3A_313, %dma_start3A_314] : memref<25160x64xf32, #tpu.memory_space<vmem_shared>> -> memref<25160x64xf32, #tpu.memory_space<vmem_shared>>
      tpu.enqueue_indirect_dma source(%dma_start3A_309 : memref<128x64xf32, #tpu.memory_space<vmem>>) target(%dma_start3A_315 : memref<25160x64xf32, #tpu.memory_space<vmem_shared>>) offsets(%dma_start3A_312 : memref<128xi32, #tpu.memory_space<vmem>>) semaphore(%arg12 : memref<!tpu.dma_semaphore, #tpu.memory_space<semaphore_mem>>) {add = true}
      %dma_wait3A_316 = arith.constant 1 : i32
      %dma_wait3A_317 = arith.constant 4 : i32
      %dma_wait3A_318 = arith.constant 0 : i32
      %dma_wait3A_319 = arith.constant 0 : i32
      %dma_wait3A_320 = tpu.memref_slice %arg9[%dma_wait3A_316, %dma_wait3A_318, %dma_wait3A_319] : memref<3x128x64xf32, #tpu.memory_space<vmem>> -> memref<1x128x64xf32, #tpu.memory_space<vmem>>
      %dma_wait3A_321 = tpu.memref_squeeze %dma_wait3A_320 : memref<1x128x64xf32, #tpu.memory_space<vmem>> -> memref<128x64xf32, #tpu.memory_space<vmem>>
      %dma_wait3A_322 = arith.constant 0 : i32
      %dma_wait3A_323 = tpu.memref_slice %arg8[%dma_wait3A_317, %dma_wait3A_322] : memref<12x128xi32, #tpu.memory_space<vmem>> -> memref<1x128xi32, #tpu.memory_space<vmem>>
      %dma_wait3A_324 = tpu.memref_squeeze %dma_wait3A_323 : memref<1x128xi32, #tpu.memory_space<vmem>> -> memref<128xi32, #tpu.memory_space<vmem>>
      %dma_wait3A_325 = arith.constant 0 : i32
      %dma_wait3A_326 = arith.constant 0 : i32
      %dma_wait3A_327 = tpu.memref_slice %arg10[%dma_wait3A_325, %dma_wait3A_326] : memref<25160x64xf32, #tpu.memory_space<vmem_shared>> -> memref<25160x64xf32, #tpu.memory_space<vmem_shared>>
      tpu.wait_indirect_dma semaphore(%arg12 : memref<!tpu.dma_semaphore, #tpu.memory_space<semaphore_mem>>) src(%dma_wait3A_321 : memref<128x64xf32, #tpu.memory_space<vmem>>) dst(%dma_wait3A_327 : memref<25160x64xf32, #tpu.memory_space<vmem_shared>>)
      %dma_start3A_328 = arith.constant 7 : i32
      %dma_start3A_329 = arith.constant 1 : i32
      %dma_start3A_330 = arith.constant 0 : i32
      %dma_start3A_331 = arith.constant 0 : i32
      %dma_start3A_332 = tpu.memref_slice %arg9[%dma_start3A_329, %dma_start3A_330, %dma_start3A_331] : memref<3x128x64xf32, #tpu.memory_space<vmem>> -> memref<1x128x64xf32, #tpu.memory_space<vmem>>
      %dma_start3A_333 = tpu.memref_squeeze %dma_start3A_332 : memref<1x128x64xf32, #tpu.memory_space<vmem>> -> memref<128x64xf32, #tpu.memory_space<vmem>>
      %dma_start3A_334 = arith.constant 0 : i32
      %dma_start3A_335 = tpu.memref_slice %arg7[%dma_start3A_328, %dma_start3A_334] : memref<12x128xi32, #tpu.memory_space<vmem>> -> memref<1x128xi32, #tpu.memory_space<vmem>>
      %dma_start3A_336 = tpu.memref_squeeze %dma_start3A_335 : memref<1x128xi32, #tpu.memory_space<vmem>> -> memref<128xi32, #tpu.memory_space<vmem>>
      %dma_start3A_337 = arith.constant 0 : i32
      %dma_start3A_338 = arith.constant 0 : i32
      %dma_start3A_339 = tpu.memref_slice %arg2[%dma_start3A_337, %dma_start3A_338] : memref<50048x64xf32, #tpu.memory_space<hbm>> -> memref<50048x64xf32, #tpu.memory_space<hbm>>
      tpu.enqueue_indirect_dma source(%dma_start3A_339 : memref<50048x64xf32, #tpu.memory_space<hbm>>) target(%dma_start3A_333 : memref<128x64xf32, #tpu.memory_space<vmem>>) offsets(%dma_start3A_336 : memref<128xi32, #tpu.memory_space<vmem>>) semaphore(%arg11 : memref<!tpu.dma_semaphore, #tpu.memory_space<semaphore_mem>>)
      %dma_wait3A_340 = arith.constant 6 : i32
      %dma_wait3A_341 = arith.constant 0 : i32
      %dma_wait3A_342 = arith.constant 0 : i32
      %dma_wait3A_343 = arith.constant 0 : i32
      %dma_wait3A_344 = tpu.memref_slice %arg9[%dma_wait3A_341, %dma_wait3A_342, %dma_wait3A_343] : memref<3x128x64xf32, #tpu.memory_space<vmem>> -> memref<1x128x64xf32, #tpu.memory_space<vmem>>
      %dma_wait3A_345 = tpu.memref_squeeze %dma_wait3A_344 : memref<1x128x64xf32, #tpu.memory_space<vmem>> -> memref<128x64xf32, #tpu.memory_space<vmem>>
      %dma_wait3A_346 = arith.constant 0 : i32
      %dma_wait3A_347 = tpu.memref_slice %arg7[%dma_wait3A_340, %dma_wait3A_346] : memref<12x128xi32, #tpu.memory_space<vmem>> -> memref<1x128xi32, #tpu.memory_space<vmem>>
      %dma_wait3A_348 = tpu.memref_squeeze %dma_wait3A_347 : memref<1x128xi32, #tpu.memory_space<vmem>> -> memref<128xi32, #tpu.memory_space<vmem>>
      %dma_wait3A_349 = arith.constant 0 : i32
      %dma_wait3A_350 = arith.constant 0 : i32
      %dma_wait3A_351 = tpu.memref_slice %arg2[%dma_wait3A_349, %dma_wait3A_350] : memref<50048x64xf32, #tpu.memory_space<hbm>> -> memref<50048x64xf32, #tpu.memory_space<hbm>>
      tpu.wait_indirect_dma semaphore(%arg11 : memref<!tpu.dma_semaphore, #tpu.memory_space<semaphore_mem>>) src(%dma_wait3A_351 : memref<50048x64xf32, #tpu.memory_space<hbm>>) dst(%dma_wait3A_345 : memref<128x64xf32, #tpu.memory_space<vmem>>)
      %dma_start3A_352 = arith.constant 0 : i32
      %dma_start3A_353 = arith.constant 6 : i32
      %dma_start3A_354 = arith.constant 0 : i32
      %dma_start3A_355 = arith.constant 0 : i32
      %dma_start3A_356 = tpu.memref_slice %arg9[%dma_start3A_352, %dma_start3A_354, %dma_start3A_355] : memref<3x128x64xf32, #tpu.memory_space<vmem>> -> memref<1x128x64xf32, #tpu.memory_space<vmem>>
      %dma_start3A_357 = tpu.memref_squeeze %dma_start3A_356 : memref<1x128x64xf32, #tpu.memory_space<vmem>> -> memref<128x64xf32, #tpu.memory_space<vmem>>
      %dma_start3A_358 = arith.constant 0 : i32
      %dma_start3A_359 = tpu.memref_slice %arg8[%dma_start3A_353, %dma_start3A_358] : memref<12x128xi32, #tpu.memory_space<vmem>> -> memref<1x128xi32, #tpu.memory_space<vmem>>
      %dma_start3A_360 = tpu.memref_squeeze %dma_start3A_359 : memref<1x128xi32, #tpu.memory_space<vmem>> -> memref<128xi32, #tpu.memory_space<vmem>>
      %dma_start3A_361 = arith.constant 0 : i32
      %dma_start3A_362 = arith.constant 0 : i32
      %dma_start3A_363 = tpu.memref_slice %arg10[%dma_start3A_361, %dma_start3A_362] : memref<25160x64xf32, #tpu.memory_space<vmem_shared>> -> memref<25160x64xf32, #tpu.memory_space<vmem_shared>>
      tpu.enqueue_indirect_dma source(%dma_start3A_357 : memref<128x64xf32, #tpu.memory_space<vmem>>) target(%dma_start3A_363 : memref<25160x64xf32, #tpu.memory_space<vmem_shared>>) offsets(%dma_start3A_360 : memref<128xi32, #tpu.memory_space<vmem>>) semaphore(%arg12 : memref<!tpu.dma_semaphore, #tpu.memory_space<semaphore_mem>>) {add = true}
      %dma_wait3A_364 = arith.constant 2 : i32
      %dma_wait3A_365 = arith.constant 5 : i32
      %dma_wait3A_366 = arith.constant 0 : i32
      %dma_wait3A_367 = arith.constant 0 : i32
      %dma_wait3A_368 = tpu.memref_slice %arg9[%dma_wait3A_364, %dma_wait3A_366, %dma_wait3A_367] : memref<3x128x64xf32, #tpu.memory_space<vmem>> -> memref<1x128x64xf32, #tpu.memory_space<vmem>>
      %dma_wait3A_369 = tpu.memref_squeeze %dma_wait3A_368 : memref<1x128x64xf32, #tpu.memory_space<vmem>> -> memref<128x64xf32, #tpu.memory_space<vmem>>
      %dma_wait3A_370 = arith.constant 0 : i32
      %dma_wait3A_371 = tpu.memref_slice %arg8[%dma_wait3A_365, %dma_wait3A_370] : memref<12x128xi32, #tpu.memory_space<vmem>> -> memref<1x128xi32, #tpu.memory_space<vmem>>
      %dma_wait3A_372 = tpu.memref_squeeze %dma_wait3A_371 : memref<1x128xi32, #tpu.memory_space<vmem>> -> memref<128xi32, #tpu.memory_space<vmem>>
      %dma_wait3A_373 = arith.constant 0 : i32
      %dma_wait3A_374 = arith.constant 0 : i32
      %dma_wait3A_375 = tpu.memref_slice %arg10[%dma_wait3A_373, %dma_wait3A_374] : memref<25160x64xf32, #tpu.memory_space<vmem_shared>> -> memref<25160x64xf32, #tpu.memory_space<vmem_shared>>
      tpu.wait_indirect_dma semaphore(%arg12 : memref<!tpu.dma_semaphore, #tpu.memory_space<semaphore_mem>>) src(%dma_wait3A_369 : memref<128x64xf32, #tpu.memory_space<vmem>>) dst(%dma_wait3A_375 : memref<25160x64xf32, #tpu.memory_space<vmem_shared>>)
      %dma_start3A_376 = arith.constant 8 : i32
      %dma_start3A_377 = arith.constant 2 : i32
      %dma_start3A_378 = arith.constant 0 : i32
      %dma_start3A_379 = arith.constant 0 : i32
      %dma_start3A_380 = tpu.memref_slice %arg9[%dma_start3A_377, %dma_start3A_378, %dma_start3A_379] : memref<3x128x64xf32, #tpu.memory_space<vmem>> -> memref<1x128x64xf32, #tpu.memory_space<vmem>>
      %dma_start3A_381 = tpu.memref_squeeze %dma_start3A_380 : memref<1x128x64xf32, #tpu.memory_space<vmem>> -> memref<128x64xf32, #tpu.memory_space<vmem>>
      %dma_start3A_382 = arith.constant 0 : i32
      %dma_start3A_383 = tpu.memref_slice %arg7[%dma_start3A_376, %dma_start3A_382] : memref<12x128xi32, #tpu.memory_space<vmem>> -> memref<1x128xi32, #tpu.memory_space<vmem>>
      %dma_start3A_384 = tpu.memref_squeeze %dma_start3A_383 : memref<1x128xi32, #tpu.memory_space<vmem>> -> memref<128xi32, #tpu.memory_space<vmem>>
      %dma_start3A_385 = arith.constant 0 : i32
      %dma_start3A_386 = arith.constant 0 : i32
      %dma_start3A_387 = tpu.memref_slice %arg2[%dma_start3A_385, %dma_start3A_386] : memref<50048x64xf32, #tpu.memory_space<hbm>> -> memref<50048x64xf32, #tpu.memory_space<hbm>>
      tpu.enqueue_indirect_dma source(%dma_start3A_387 : memref<50048x64xf32, #tpu.memory_space<hbm>>) target(%dma_start3A_381 : memref<128x64xf32, #tpu.memory_space<vmem>>) offsets(%dma_start3A_384 : memref<128xi32, #tpu.memory_space<vmem>>) semaphore(%arg11 : memref<!tpu.dma_semaphore, #tpu.memory_space<semaphore_mem>>)
      %dma_wait3A_388 = arith.constant 7 : i32
      %dma_wait3A_389 = arith.constant 1 : i32
      %dma_wait3A_390 = arith.constant 0 : i32
      %dma_wait3A_391 = arith.constant 0 : i32
      %dma_wait3A_392 = tpu.memref_slice %arg9[%dma_wait3A_389, %dma_wait3A_390, %dma_wait3A_391] : memref<3x128x64xf32, #tpu.memory_space<vmem>> -> memref<1x128x64xf32, #tpu.memory_space<vmem>>
      %dma_wait3A_393 = tpu.memref_squeeze %dma_wait3A_392 : memref<1x128x64xf32, #tpu.memory_space<vmem>> -> memref<128x64xf32, #tpu.memory_space<vmem>>
      %dma_wait3A_394 = arith.constant 0 : i32
      %dma_wait3A_395 = tpu.memref_slice %arg7[%dma_wait3A_388, %dma_wait3A_394] : memref<12x128xi32, #tpu.memory_space<vmem>> -> memref<1x128xi32, #tpu.memory_space<vmem>>
      %dma_wait3A_396 = tpu.memref_squeeze %dma_wait3A_395 : memref<1x128xi32, #tpu.memory_space<vmem>> -> memref<128xi32, #tpu.memory_space<vmem>>
      %dma_wait3A_397 = arith.constant 0 : i32
      %dma_wait3A_398 = arith.constant 0 : i32
      %dma_wait3A_399 = tpu.memref_slice %arg2[%dma_wait3A_397, %dma_wait3A_398] : memref<50048x64xf32, #tpu.memory_space<hbm>> -> memref<50048x64xf32, #tpu.memory_space<hbm>>
      tpu.wait_indirect_dma semaphore(%arg11 : memref<!tpu.dma_semaphore, #tpu.memory_space<semaphore_mem>>) src(%dma_wait3A_399 : memref<50048x64xf32, #tpu.memory_space<hbm>>) dst(%dma_wait3A_393 : memref<128x64xf32, #tpu.memory_space<vmem>>)
      %dma_start3A_400 = arith.constant 1 : i32
      %dma_start3A_401 = arith.constant 7 : i32
      %dma_start3A_402 = arith.constant 0 : i32
      %dma_start3A_403 = arith.constant 0 : i32
      %dma_start3A_404 = tpu.memref_slice %arg9[%dma_start3A_400, %dma_start3A_402, %dma_start3A_403] : memref<3x128x64xf32, #tpu.memory_space<vmem>> -> memref<1x128x64xf32, #tpu.memory_space<vmem>>
      %dma_start3A_405 = tpu.memref_squeeze %dma_start3A_404 : memref<1x128x64xf32, #tpu.memory_space<vmem>> -> memref<128x64xf32, #tpu.memory_space<vmem>>
      %dma_start3A_406 = arith.constant 0 : i32
      %dma_start3A_407 = tpu.memref_slice %arg8[%dma_start3A_401, %dma_start3A_406] : memref<12x128xi32, #tpu.memory_space<vmem>> -> memref<1x128xi32, #tpu.memory_space<vmem>>
      %dma_start3A_408 = tpu.memref_squeeze %dma_start3A_407 : memref<1x128xi32, #tpu.memory_space<vmem>> -> memref<128xi32, #tpu.memory_space<vmem>>
      %dma_start3A_409 = arith.constant 0 : i32
      %dma_start3A_410 = arith.constant 0 : i32
      %dma_start3A_411 = tpu.memref_slice %arg10[%dma_start3A_409, %dma_start3A_410] : memref<25160x64xf32, #tpu.memory_space<vmem_shared>> -> memref<25160x64xf32, #tpu.memory_space<vmem_shared>>
      tpu.enqueue_indirect_dma source(%dma_start3A_405 : memref<128x64xf32, #tpu.memory_space<vmem>>) target(%dma_start3A_411 : memref<25160x64xf32, #tpu.memory_space<vmem_shared>>) offsets(%dma_start3A_408 : memref<128xi32, #tpu.memory_space<vmem>>) semaphore(%arg12 : memref<!tpu.dma_semaphore, #tpu.memory_space<semaphore_mem>>) {add = true}
      %dma_wait3A_412 = arith.constant 0 : i32
      %dma_wait3A_413 = arith.constant 6 : i32
      %dma_wait3A_414 = arith.constant 0 : i32
      %dma_wait3A_415 = arith.constant 0 : i32
      %dma_wait3A_416 = tpu.memref_slice %arg9[%dma_wait3A_412, %dma_wait3A_414, %dma_wait3A_415] : memref<3x128x64xf32, #tpu.memory_space<vmem>> -> memref<1x128x64xf32, #tpu.memory_space<vmem>>
      %dma_wait3A_417 = tpu.memref_squeeze %dma_wait3A_416 : memref<1x128x64xf32, #tpu.memory_space<vmem>> -> memref<128x64xf32, #tpu.memory_space<vmem>>
      %dma_wait3A_418 = arith.constant 0 : i32
      %dma_wait3A_419 = tpu.memref_slice %arg8[%dma_wait3A_413, %dma_wait3A_418] : memref<12x128xi32, #tpu.memory_space<vmem>> -> memref<1x128xi32, #tpu.memory_space<vmem>>
      %dma_wait3A_420 = tpu.memref_squeeze %dma_wait3A_419 : memref<1x128xi32, #tpu.memory_space<vmem>> -> memref<128xi32, #tpu.memory_space<vmem>>
      %dma_wait3A_421 = arith.constant 0 : i32
      %dma_wait3A_422 = arith.constant 0 : i32
      %dma_wait3A_423 = tpu.memref_slice %arg10[%dma_wait3A_421, %dma_wait3A_422] : memref<25160x64xf32, #tpu.memory_space<vmem_shared>> -> memref<25160x64xf32, #tpu.memory_space<vmem_shared>>
      tpu.wait_indirect_dma semaphore(%arg12 : memref<!tpu.dma_semaphore, #tpu.memory_space<semaphore_mem>>) src(%dma_wait3A_417 : memref<128x64xf32, #tpu.memory_space<vmem>>) dst(%dma_wait3A_423 : memref<25160x64xf32, #tpu.memory_space<vmem_shared>>)
      %dma_start3A_424 = arith.constant 9 : i32
      %dma_start3A_425 = arith.constant 0 : i32
      %dma_start3A_426 = arith.constant 0 : i32
      %dma_start3A_427 = arith.constant 0 : i32
      %dma_start3A_428 = tpu.memref_slice %arg9[%dma_start3A_425, %dma_start3A_426, %dma_start3A_427] : memref<3x128x64xf32, #tpu.memory_space<vmem>> -> memref<1x128x64xf32, #tpu.memory_space<vmem>>
      %dma_start3A_429 = tpu.memref_squeeze %dma_start3A_428 : memref<1x128x64xf32, #tpu.memory_space<vmem>> -> memref<128x64xf32, #tpu.memory_space<vmem>>
      %dma_start3A_430 = arith.constant 0 : i32
      %dma_start3A_431 = tpu.memref_slice %arg7[%dma_start3A_424, %dma_start3A_430] : memref<12x128xi32, #tpu.memory_space<vmem>> -> memref<1x128xi32, #tpu.memory_space<vmem>>
      %dma_start3A_432 = tpu.memref_squeeze %dma_start3A_431 : memref<1x128xi32, #tpu.memory_space<vmem>> -> memref<128xi32, #tpu.memory_space<vmem>>
      %dma_start3A_433 = arith.constant 0 : i32
      %dma_start3A_434 = arith.constant 0 : i32
      %dma_start3A_435 = tpu.memref_slice %arg2[%dma_start3A_433, %dma_start3A_434] : memref<50048x64xf32, #tpu.memory_space<hbm>> -> memref<50048x64xf32, #tpu.memory_space<hbm>>
      tpu.enqueue_indirect_dma source(%dma_start3A_435 : memref<50048x64xf32, #tpu.memory_space<hbm>>) target(%dma_start3A_429 : memref<128x64xf32, #tpu.memory_space<vmem>>) offsets(%dma_start3A_432 : memref<128xi32, #tpu.memory_space<vmem>>) semaphore(%arg11 : memref<!tpu.dma_semaphore, #tpu.memory_space<semaphore_mem>>)
      %dma_wait3A_436 = arith.constant 8 : i32
      %dma_wait3A_437 = arith.constant 2 : i32
      %dma_wait3A_438 = arith.constant 0 : i32
      %dma_wait3A_439 = arith.constant 0 : i32
      %dma_wait3A_440 = tpu.memref_slice %arg9[%dma_wait3A_437, %dma_wait3A_438, %dma_wait3A_439] : memref<3x128x64xf32, #tpu.memory_space<vmem>> -> memref<1x128x64xf32, #tpu.memory_space<vmem>>
      %dma_wait3A_441 = tpu.memref_squeeze %dma_wait3A_440 : memref<1x128x64xf32, #tpu.memory_space<vmem>> -> memref<128x64xf32, #tpu.memory_space<vmem>>
      %dma_wait3A_442 = arith.constant 0 : i32
      %dma_wait3A_443 = tpu.memref_slice %arg7[%dma_wait3A_436, %dma_wait3A_442] : memref<12x128xi32, #tpu.memory_space<vmem>> -> memref<1x128xi32, #tpu.memory_space<vmem>>
      %dma_wait3A_444 = tpu.memref_squeeze %dma_wait3A_443 : memref<1x128xi32, #tpu.memory_space<vmem>> -> memref<128xi32, #tpu.memory_space<vmem>>
      %dma_wait3A_445 = arith.constant 0 : i32
      %dma_wait3A_446 = arith.constant 0 : i32
      %dma_wait3A_447 = tpu.memref_slice %arg2[%dma_wait3A_445, %dma_wait3A_446] : memref<50048x64xf32, #tpu.memory_space<hbm>> -> memref<50048x64xf32, #tpu.memory_space<hbm>>
      tpu.wait_indirect_dma semaphore(%arg11 : memref<!tpu.dma_semaphore, #tpu.memory_space<semaphore_mem>>) src(%dma_wait3A_447 : memref<50048x64xf32, #tpu.memory_space<hbm>>) dst(%dma_wait3A_441 : memref<128x64xf32, #tpu.memory_space<vmem>>)
      %dma_start3A_448 = arith.constant 2 : i32
      %dma_start3A_449 = arith.constant 8 : i32
      %dma_start3A_450 = arith.constant 0 : i32
      %dma_start3A_451 = arith.constant 0 : i32
      %dma_start3A_452 = tpu.memref_slice %arg9[%dma_start3A_448, %dma_start3A_450, %dma_start3A_451] : memref<3x128x64xf32, #tpu.memory_space<vmem>> -> memref<1x128x64xf32, #tpu.memory_space<vmem>>
      %dma_start3A_453 = tpu.memref_squeeze %dma_start3A_452 : memref<1x128x64xf32, #tpu.memory_space<vmem>> -> memref<128x64xf32, #tpu.memory_space<vmem>>
      %dma_start3A_454 = arith.constant 0 : i32
      %dma_start3A_455 = tpu.memref_slice %arg8[%dma_start3A_449, %dma_start3A_454] : memref<12x128xi32, #tpu.memory_space<vmem>> -> memref<1x128xi32, #tpu.memory_space<vmem>>
      %dma_start3A_456 = tpu.memref_squeeze %dma_start3A_455 : memref<1x128xi32, #tpu.memory_space<vmem>> -> memref<128xi32, #tpu.memory_space<vmem>>
      %dma_start3A_457 = arith.constant 0 : i32
      %dma_start3A_458 = arith.constant 0 : i32
      %dma_start3A_459 = tpu.memref_slice %arg10[%dma_start3A_457, %dma_start3A_458] : memref<25160x64xf32, #tpu.memory_space<vmem_shared>> -> memref<25160x64xf32, #tpu.memory_space<vmem_shared>>
      tpu.enqueue_indirect_dma source(%dma_start3A_453 : memref<128x64xf32, #tpu.memory_space<vmem>>) target(%dma_start3A_459 : memref<25160x64xf32, #tpu.memory_space<vmem_shared>>) offsets(%dma_start3A_456 : memref<128xi32, #tpu.memory_space<vmem>>) semaphore(%arg12 : memref<!tpu.dma_semaphore, #tpu.memory_space<semaphore_mem>>) {add = true}
      %dma_wait3A_460 = arith.constant 1 : i32
      %dma_wait3A_461 = arith.constant 7 : i32
      %dma_wait3A_462 = arith.constant 0 : i32
      %dma_wait3A_463 = arith.constant 0 : i32
      %dma_wait3A_464 = tpu.memref_slice %arg9[%dma_wait3A_460, %dma_wait3A_462, %dma_wait3A_463] : memref<3x128x64xf32, #tpu.memory_space<vmem>> -> memref<1x128x64xf32, #tpu.memory_space<vmem>>
      %dma_wait3A_465 = tpu.memref_squeeze %dma_wait3A_464 : memref<1x128x64xf32, #tpu.memory_space<vmem>> -> memref<128x64xf32, #tpu.memory_space<vmem>>
      %dma_wait3A_466 = arith.constant 0 : i32
      %dma_wait3A_467 = tpu.memref_slice %arg8[%dma_wait3A_461, %dma_wait3A_466] : memref<12x128xi32, #tpu.memory_space<vmem>> -> memref<1x128xi32, #tpu.memory_space<vmem>>
      %dma_wait3A_468 = tpu.memref_squeeze %dma_wait3A_467 : memref<1x128xi32, #tpu.memory_space<vmem>> -> memref<128xi32, #tpu.memory_space<vmem>>
      %dma_wait3A_469 = arith.constant 0 : i32
      %dma_wait3A_470 = arith.constant 0 : i32
      %dma_wait3A_471 = tpu.memref_slice %arg10[%dma_wait3A_469, %dma_wait3A_470] : memref<25160x64xf32, #tpu.memory_space<vmem_shared>> -> memref<25160x64xf32, #tpu.memory_space<vmem_shared>>
      tpu.wait_indirect_dma semaphore(%arg12 : memref<!tpu.dma_semaphore, #tpu.memory_space<semaphore_mem>>) src(%dma_wait3A_465 : memref<128x64xf32, #tpu.memory_space<vmem>>) dst(%dma_wait3A_471 : memref<25160x64xf32, #tpu.memory_space<vmem_shared>>)
      %dma_start3A_472 = arith.constant 10 : i32
      %dma_start3A_473 = arith.constant 1 : i32
      %dma_start3A_474 = arith.constant 0 : i32
      %dma_start3A_475 = arith.constant 0 : i32
      %dma_start3A_476 = tpu.memref_slice %arg9[%dma_start3A_473, %dma_start3A_474, %dma_start3A_475] : memref<3x128x64xf32, #tpu.memory_space<vmem>> -> memref<1x128x64xf32, #tpu.memory_space<vmem>>
      %dma_start3A_477 = tpu.memref_squeeze %dma_start3A_476 : memref<1x128x64xf32, #tpu.memory_space<vmem>> -> memref<128x64xf32, #tpu.memory_space<vmem>>
      %dma_start3A_478 = arith.constant 0 : i32
      %dma_start3A_479 = tpu.memref_slice %arg7[%dma_start3A_472, %dma_start3A_478] : memref<12x128xi32, #tpu.memory_space<vmem>> -> memref<1x128xi32, #tpu.memory_space<vmem>>
      %dma_start3A_480 = tpu.memref_squeeze %dma_start3A_479 : memref<1x128xi32, #tpu.memory_space<vmem>> -> memref<128xi32, #tpu.memory_space<vmem>>
      %dma_start3A_481 = arith.constant 0 : i32
      %dma_start3A_482 = arith.constant 0 : i32
      %dma_start3A_483 = tpu.memref_slice %arg2[%dma_start3A_481, %dma_start3A_482] : memref<50048x64xf32, #tpu.memory_space<hbm>> -> memref<50048x64xf32, #tpu.memory_space<hbm>>
      tpu.enqueue_indirect_dma source(%dma_start3A_483 : memref<50048x64xf32, #tpu.memory_space<hbm>>) target(%dma_start3A_477 : memref<128x64xf32, #tpu.memory_space<vmem>>) offsets(%dma_start3A_480 : memref<128xi32, #tpu.memory_space<vmem>>) semaphore(%arg11 : memref<!tpu.dma_semaphore, #tpu.memory_space<semaphore_mem>>)
      %dma_wait3A_484 = arith.constant 9 : i32
      %dma_wait3A_485 = arith.constant 0 : i32
      %dma_wait3A_486 = arith.constant 0 : i32
      %dma_wait3A_487 = arith.constant 0 : i32
      %dma_wait3A_488 = tpu.memref_slice %arg9[%dma_wait3A_485, %dma_wait3A_486, %dma_wait3A_487] : memref<3x128x64xf32, #tpu.memory_space<vmem>> -> memref<1x128x64xf32, #tpu.memory_space<vmem>>
      %dma_wait3A_489 = tpu.memref_squeeze %dma_wait3A_488 : memref<1x128x64xf32, #tpu.memory_space<vmem>> -> memref<128x64xf32, #tpu.memory_space<vmem>>
      %dma_wait3A_490 = arith.constant 0 : i32
      %dma_wait3A_491 = tpu.memref_slice %arg7[%dma_wait3A_484, %dma_wait3A_490] : memref<12x128xi32, #tpu.memory_space<vmem>> -> memref<1x128xi32, #tpu.memory_space<vmem>>
      %dma_wait3A_492 = tpu.memref_squeeze %dma_wait3A_491 : memref<1x128xi32, #tpu.memory_space<vmem>> -> memref<128xi32, #tpu.memory_space<vmem>>
      %dma_wait3A_493 = arith.constant 0 : i32
      %dma_wait3A_494 = arith.constant 0 : i32
      %dma_wait3A_495 = tpu.memref_slice %arg2[%dma_wait3A_493, %dma_wait3A_494] : memref<50048x64xf32, #tpu.memory_space<hbm>> -> memref<50048x64xf32, #tpu.memory_space<hbm>>
      tpu.wait_indirect_dma semaphore(%arg11 : memref<!tpu.dma_semaphore, #tpu.memory_space<semaphore_mem>>) src(%dma_wait3A_495 : memref<50048x64xf32, #tpu.memory_space<hbm>>) dst(%dma_wait3A_489 : memref<128x64xf32, #tpu.memory_space<vmem>>)
      %dma_start3A_496 = arith.constant 0 : i32
      %dma_start3A_497 = arith.constant 9 : i32
      %dma_start3A_498 = arith.constant 0 : i32
      %dma_start3A_499 = arith.constant 0 : i32
      %dma_start3A_500 = tpu.memref_slice %arg9[%dma_start3A_496, %dma_start3A_498, %dma_start3A_499] : memref<3x128x64xf32, #tpu.memory_space<vmem>> -> memref<1x128x64xf32, #tpu.memory_space<vmem>>
      %dma_start3A_501 = tpu.memref_squeeze %dma_start3A_500 : memref<1x128x64xf32, #tpu.memory_space<vmem>> -> memref<128x64xf32, #tpu.memory_space<vmem>>
      %dma_start3A_502 = arith.constant 0 : i32
      %dma_start3A_503 = tpu.memref_slice %arg8[%dma_start3A_497, %dma_start3A_502] : memref<12x128xi32, #tpu.memory_space<vmem>> -> memref<1x128xi32, #tpu.memory_space<vmem>>
      %dma_start3A_504 = tpu.memref_squeeze %dma_start3A_503 : memref<1x128xi32, #tpu.memory_space<vmem>> -> memref<128xi32, #tpu.memory_space<vmem>>
      %dma_start3A_505 = arith.constant 0 : i32
      %dma_start3A_506 = arith.constant 0 : i32
      %dma_start3A_507 = tpu.memref_slice %arg10[%dma_start3A_505, %dma_start3A_506] : memref<25160x64xf32, #tpu.memory_space<vmem_shared>> -> memref<25160x64xf32, #tpu.memory_space<vmem_shared>>
      tpu.enqueue_indirect_dma source(%dma_start3A_501 : memref<128x64xf32, #tpu.memory_space<vmem>>) target(%dma_start3A_507 : memref<25160x64xf32, #tpu.memory_space<vmem_shared>>) offsets(%dma_start3A_504 : memref<128xi32, #tpu.memory_space<vmem>>) semaphore(%arg12 : memref<!tpu.dma_semaphore, #tpu.memory_space<semaphore_mem>>) {add = true}
      %dma_wait3A_508 = arith.constant 2 : i32
      %dma_wait3A_509 = arith.constant 8 : i32
      %dma_wait3A_510 = arith.constant 0 : i32
      %dma_wait3A_511 = arith.constant 0 : i32
      %dma_wait3A_512 = tpu.memref_slice %arg9[%dma_wait3A_508, %dma_wait3A_510, %dma_wait3A_511] : memref<3x128x64xf32, #tpu.memory_space<vmem>> -> memref<1x128x64xf32, #tpu.memory_space<vmem>>
      %dma_wait3A_513 = tpu.memref_squeeze %dma_wait3A_512 : memref<1x128x64xf32, #tpu.memory_space<vmem>> -> memref<128x64xf32, #tpu.memory_space<vmem>>
      %dma_wait3A_514 = arith.constant 0 : i32
      %dma_wait3A_515 = tpu.memref_slice %arg8[%dma_wait3A_509, %dma_wait3A_514] : memref<12x128xi32, #tpu.memory_space<vmem>> -> memref<1x128xi32, #tpu.memory_space<vmem>>
      %dma_wait3A_516 = tpu.memref_squeeze %dma_wait3A_515 : memref<1x128xi32, #tpu.memory_space<vmem>> -> memref<128xi32, #tpu.memory_space<vmem>>
      %dma_wait3A_517 = arith.constant 0 : i32
      %dma_wait3A_518 = arith.constant 0 : i32
      %dma_wait3A_519 = tpu.memref_slice %arg10[%dma_wait3A_517, %dma_wait3A_518] : memref<25160x64xf32, #tpu.memory_space<vmem_shared>> -> memref<25160x64xf32, #tpu.memory_space<vmem_shared>>
      tpu.wait_indirect_dma semaphore(%arg12 : memref<!tpu.dma_semaphore, #tpu.memory_space<semaphore_mem>>) src(%dma_wait3A_513 : memref<128x64xf32, #tpu.memory_space<vmem>>) dst(%dma_wait3A_519 : memref<25160x64xf32, #tpu.memory_space<vmem_shared>>)
      %dma_start3A_520 = arith.constant 11 : i32
      %dma_start3A_521 = arith.constant 2 : i32
      %dma_start3A_522 = arith.constant 0 : i32
      %dma_start3A_523 = arith.constant 0 : i32
      %dma_start3A_524 = tpu.memref_slice %arg9[%dma_start3A_521, %dma_start3A_522, %dma_start3A_523] : memref<3x128x64xf32, #tpu.memory_space<vmem>> -> memref<1x128x64xf32, #tpu.memory_space<vmem>>
      %dma_start3A_525 = tpu.memref_squeeze %dma_start3A_524 : memref<1x128x64xf32, #tpu.memory_space<vmem>> -> memref<128x64xf32, #tpu.memory_space<vmem>>
      %dma_start3A_526 = arith.constant 0 : i32
      %dma_start3A_527 = tpu.memref_slice %arg7[%dma_start3A_520, %dma_start3A_526] : memref<12x128xi32, #tpu.memory_space<vmem>> -> memref<1x128xi32, #tpu.memory_space<vmem>>
      %dma_start3A_528 = tpu.memref_squeeze %dma_start3A_527 : memref<1x128xi32, #tpu.memory_space<vmem>> -> memref<128xi32, #tpu.memory_space<vmem>>
      %dma_start3A_529 = arith.constant 0 : i32
      %dma_start3A_530 = arith.constant 0 : i32
      %dma_start3A_531 = tpu.memref_slice %arg2[%dma_start3A_529, %dma_start3A_530] : memref<50048x64xf32, #tpu.memory_space<hbm>> -> memref<50048x64xf32, #tpu.memory_space<hbm>>
      tpu.enqueue_indirect_dma source(%dma_start3A_531 : memref<50048x64xf32, #tpu.memory_space<hbm>>) target(%dma_start3A_525 : memref<128x64xf32, #tpu.memory_space<vmem>>) offsets(%dma_start3A_528 : memref<128xi32, #tpu.memory_space<vmem>>) semaphore(%arg11 : memref<!tpu.dma_semaphore, #tpu.memory_space<semaphore_mem>>)
      %dma_wait3A_532 = arith.constant 10 : i32
      %dma_wait3A_533 = arith.constant 1 : i32
      %dma_wait3A_534 = arith.constant 0 : i32
      %dma_wait3A_535 = arith.constant 0 : i32
      %dma_wait3A_536 = tpu.memref_slice %arg9[%dma_wait3A_533, %dma_wait3A_534, %dma_wait3A_535] : memref<3x128x64xf32, #tpu.memory_space<vmem>> -> memref<1x128x64xf32, #tpu.memory_space<vmem>>
      %dma_wait3A_537 = tpu.memref_squeeze %dma_wait3A_536 : memref<1x128x64xf32, #tpu.memory_space<vmem>> -> memref<128x64xf32, #tpu.memory_space<vmem>>
      %dma_wait3A_538 = arith.constant 0 : i32
      %dma_wait3A_539 = tpu.memref_slice %arg7[%dma_wait3A_532, %dma_wait3A_538] : memref<12x128xi32, #tpu.memory_space<vmem>> -> memref<1x128xi32, #tpu.memory_space<vmem>>
      %dma_wait3A_540 = tpu.memref_squeeze %dma_wait3A_539 : memref<1x128xi32, #tpu.memory_space<vmem>> -> memref<128xi32, #tpu.memory_space<vmem>>
      %dma_wait3A_541 = arith.constant 0 : i32
      %dma_wait3A_542 = arith.constant 0 : i32
      %dma_wait3A_543 = tpu.memref_slice %arg2[%dma_wait3A_541, %dma_wait3A_542] : memref<50048x64xf32, #tpu.memory_space<hbm>> -> memref<50048x64xf32, #tpu.memory_space<hbm>>
      tpu.wait_indirect_dma semaphore(%arg11 : memref<!tpu.dma_semaphore, #tpu.memory_space<semaphore_mem>>) src(%dma_wait3A_543 : memref<50048x64xf32, #tpu.memory_space<hbm>>) dst(%dma_wait3A_537 : memref<128x64xf32, #tpu.memory_space<vmem>>)
      %dma_start3A_544 = arith.constant 1 : i32
      %dma_start3A_545 = arith.constant 10 : i32
      %dma_start3A_546 = arith.constant 0 : i32
      %dma_start3A_547 = arith.constant 0 : i32
      %dma_start3A_548 = tpu.memref_slice %arg9[%dma_start3A_544, %dma_start3A_546, %dma_start3A_547] : memref<3x128x64xf32, #tpu.memory_space<vmem>> -> memref<1x128x64xf32, #tpu.memory_space<vmem>>
      %dma_start3A_549 = tpu.memref_squeeze %dma_start3A_548 : memref<1x128x64xf32, #tpu.memory_space<vmem>> -> memref<128x64xf32, #tpu.memory_space<vmem>>
      %dma_start3A_550 = arith.constant 0 : i32
      %dma_start3A_551 = tpu.memref_slice %arg8[%dma_start3A_545, %dma_start3A_550] : memref<12x128xi32, #tpu.memory_space<vmem>> -> memref<1x128xi32, #tpu.memory_space<vmem>>
      %dma_start3A_552 = tpu.memref_squeeze %dma_start3A_551 : memref<1x128xi32, #tpu.memory_space<vmem>> -> memref<128xi32, #tpu.memory_space<vmem>>
      %dma_start3A_553 = arith.constant 0 : i32
      %dma_start3A_554 = arith.constant 0 : i32
      %dma_start3A_555 = tpu.memref_slice %arg10[%dma_start3A_553, %dma_start3A_554] : memref<25160x64xf32, #tpu.memory_space<vmem_shared>> -> memref<25160x64xf32, #tpu.memory_space<vmem_shared>>
      tpu.enqueue_indirect_dma source(%dma_start3A_549 : memref<128x64xf32, #tpu.memory_space<vmem>>) target(%dma_start3A_555 : memref<25160x64xf32, #tpu.memory_space<vmem_shared>>) offsets(%dma_start3A_552 : memref<128xi32, #tpu.memory_space<vmem>>) semaphore(%arg12 : memref<!tpu.dma_semaphore, #tpu.memory_space<semaphore_mem>>) {add = true}
      %dma_wait3A_556 = arith.constant 11 : i32
      %dma_wait3A_557 = arith.constant 2 : i32
      %dma_wait3A_558 = arith.constant 0 : i32
      %dma_wait3A_559 = arith.constant 0 : i32
      %dma_wait3A_560 = tpu.memref_slice %arg9[%dma_wait3A_557, %dma_wait3A_558, %dma_wait3A_559] : memref<3x128x64xf32, #tpu.memory_space<vmem>> -> memref<1x128x64xf32, #tpu.memory_space<vmem>>
      %dma_wait3A_561 = tpu.memref_squeeze %dma_wait3A_560 : memref<1x128x64xf32, #tpu.memory_space<vmem>> -> memref<128x64xf32, #tpu.memory_space<vmem>>
      %dma_wait3A_562 = arith.constant 0 : i32
      %dma_wait3A_563 = tpu.memref_slice %arg7[%dma_wait3A_556, %dma_wait3A_562] : memref<12x128xi32, #tpu.memory_space<vmem>> -> memref<1x128xi32, #tpu.memory_space<vmem>>
      %dma_wait3A_564 = tpu.memref_squeeze %dma_wait3A_563 : memref<1x128xi32, #tpu.memory_space<vmem>> -> memref<128xi32, #tpu.memory_space<vmem>>
      %dma_wait3A_565 = arith.constant 0 : i32
      %dma_wait3A_566 = arith.constant 0 : i32
      %dma_wait3A_567 = tpu.memref_slice %arg2[%dma_wait3A_565, %dma_wait3A_566] : memref<50048x64xf32, #tpu.memory_space<hbm>> -> memref<50048x64xf32, #tpu.memory_space<hbm>>
      tpu.wait_indirect_dma semaphore(%arg11 : memref<!tpu.dma_semaphore, #tpu.memory_space<semaphore_mem>>) src(%dma_wait3A_567 : memref<50048x64xf32, #tpu.memory_space<hbm>>) dst(%dma_wait3A_561 : memref<128x64xf32, #tpu.memory_space<vmem>>)
      %dma_start3A_568 = arith.constant 2 : i32
      %dma_start3A_569 = arith.constant 11 : i32
      %dma_start3A_570 = arith.constant 0 : i32
      %dma_start3A_571 = arith.constant 0 : i32
      %dma_start3A_572 = tpu.memref_slice %arg9[%dma_start3A_568, %dma_start3A_570, %dma_start3A_571] : memref<3x128x64xf32, #tpu.memory_space<vmem>> -> memref<1x128x64xf32, #tpu.memory_space<vmem>>
      %dma_start3A_573 = tpu.memref_squeeze %dma_start3A_572 : memref<1x128x64xf32, #tpu.memory_space<vmem>> -> memref<128x64xf32, #tpu.memory_space<vmem>>
      %dma_start3A_574 = arith.constant 0 : i32
      %dma_start3A_575 = tpu.memref_slice %arg8[%dma_start3A_569, %dma_start3A_574] : memref<12x128xi32, #tpu.memory_space<vmem>> -> memref<1x128xi32, #tpu.memory_space<vmem>>
      %dma_start3A_576 = tpu.memref_squeeze %dma_start3A_575 : memref<1x128xi32, #tpu.memory_space<vmem>> -> memref<128xi32, #tpu.memory_space<vmem>>
      %dma_start3A_577 = arith.constant 0 : i32
      %dma_start3A_578 = arith.constant 0 : i32
      %dma_start3A_579 = tpu.memref_slice %arg10[%dma_start3A_577, %dma_start3A_578] : memref<25160x64xf32, #tpu.memory_space<vmem_shared>> -> memref<25160x64xf32, #tpu.memory_space<vmem_shared>>
      tpu.enqueue_indirect_dma source(%dma_start3A_573 : memref<128x64xf32, #tpu.memory_space<vmem>>) target(%dma_start3A_579 : memref<25160x64xf32, #tpu.memory_space<vmem_shared>>) offsets(%dma_start3A_576 : memref<128xi32, #tpu.memory_space<vmem>>) semaphore(%arg12 : memref<!tpu.dma_semaphore, #tpu.memory_space<semaphore_mem>>) {add = true}
      %dma_wait3A_580 = arith.constant 0 : i32
      %dma_wait3A_581 = arith.constant 9 : i32
      %dma_wait3A_582 = arith.constant 0 : i32
      %dma_wait3A_583 = arith.constant 0 : i32
      %dma_wait3A_584 = tpu.memref_slice %arg9[%dma_wait3A_580, %dma_wait3A_582, %dma_wait3A_583] : memref<3x128x64xf32, #tpu.memory_space<vmem>> -> memref<1x128x64xf32, #tpu.memory_space<vmem>>
      %dma_wait3A_585 = tpu.memref_squeeze %dma_wait3A_584 : memref<1x128x64xf32, #tpu.memory_space<vmem>> -> memref<128x64xf32, #tpu.memory_space<vmem>>
      %dma_wait3A_586 = arith.constant 0 : i32
      %dma_wait3A_587 = tpu.memref_slice %arg8[%dma_wait3A_581, %dma_wait3A_586] : memref<12x128xi32, #tpu.memory_space<vmem>> -> memref<1x128xi32, #tpu.memory_space<vmem>>
      %dma_wait3A_588 = tpu.memref_squeeze %dma_wait3A_587 : memref<1x128xi32, #tpu.memory_space<vmem>> -> memref<128xi32, #tpu.memory_space<vmem>>
      %dma_wait3A_589 = arith.constant 0 : i32
      %dma_wait3A_590 = arith.constant 0 : i32
      %dma_wait3A_591 = tpu.memref_slice %arg10[%dma_wait3A_589, %dma_wait3A_590] : memref<25160x64xf32, #tpu.memory_space<vmem_shared>> -> memref<25160x64xf32, #tpu.memory_space<vmem_shared>>
      tpu.wait_indirect_dma semaphore(%arg12 : memref<!tpu.dma_semaphore, #tpu.memory_space<semaphore_mem>>) src(%dma_wait3A_585 : memref<128x64xf32, #tpu.memory_space<vmem>>) dst(%dma_wait3A_591 : memref<25160x64xf32, #tpu.memory_space<vmem_shared>>)
      %dma_wait3A_592 = arith.constant 1 : i32
      %dma_wait3A_593 = arith.constant 10 : i32
      %dma_wait3A_594 = arith.constant 0 : i32
      %dma_wait3A_595 = arith.constant 0 : i32
      %dma_wait3A_596 = tpu.memref_slice %arg9[%dma_wait3A_592, %dma_wait3A_594, %dma_wait3A_595] : memref<3x128x64xf32, #tpu.memory_space<vmem>> -> memref<1x128x64xf32, #tpu.memory_space<vmem>>
      %dma_wait3A_597 = tpu.memref_squeeze %dma_wait3A_596 : memref<1x128x64xf32, #tpu.memory_space<vmem>> -> memref<128x64xf32, #tpu.memory_space<vmem>>
      %dma_wait3A_598 = arith.constant 0 : i32
      %dma_wait3A_599 = tpu.memref_slice %arg8[%dma_wait3A_593, %dma_wait3A_598] : memref<12x128xi32, #tpu.memory_space<vmem>> -> memref<1x128xi32, #tpu.memory_space<vmem>>
      %dma_wait3A_600 = tpu.memref_squeeze %dma_wait3A_599 : memref<1x128xi32, #tpu.memory_space<vmem>> -> memref<128xi32, #tpu.memory_space<vmem>>
      %dma_wait3A_601 = arith.constant 0 : i32
      %dma_wait3A_602 = arith.constant 0 : i32
      %dma_wait3A_603 = tpu.memref_slice %arg10[%dma_wait3A_601, %dma_wait3A_602] : memref<25160x64xf32, #tpu.memory_space<vmem_shared>> -> memref<25160x64xf32, #tpu.memory_space<vmem_shared>>
      tpu.wait_indirect_dma semaphore(%arg12 : memref<!tpu.dma_semaphore, #tpu.memory_space<semaphore_mem>>) src(%dma_wait3A_597 : memref<128x64xf32, #tpu.memory_space<vmem>>) dst(%dma_wait3A_603 : memref<25160x64xf32, #tpu.memory_space<vmem_shared>>)
      %dma_wait3A_604 = arith.constant 2 : i32
      %dma_wait3A_605 = arith.constant 11 : i32
      %dma_wait3A_606 = arith.constant 0 : i32
      %dma_wait3A_607 = arith.constant 0 : i32
      %dma_wait3A_608 = tpu.memref_slice %arg9[%dma_wait3A_604, %dma_wait3A_606, %dma_wait3A_607] : memref<3x128x64xf32, #tpu.memory_space<vmem>> -> memref<1x128x64xf32, #tpu.memory_space<vmem>>
      %dma_wait3A_609 = tpu.memref_squeeze %dma_wait3A_608 : memref<1x128x64xf32, #tpu.memory_space<vmem>> -> memref<128x64xf32, #tpu.memory_space<vmem>>
      %dma_wait3A_610 = arith.constant 0 : i32
      %dma_wait3A_611 = tpu.memref_slice %arg8[%dma_wait3A_605, %dma_wait3A_610] : memref<12x128xi32, #tpu.memory_space<vmem>> -> memref<1x128xi32, #tpu.memory_space<vmem>>
      %dma_wait3A_612 = tpu.memref_squeeze %dma_wait3A_611 : memref<1x128xi32, #tpu.memory_space<vmem>> -> memref<128xi32, #tpu.memory_space<vmem>>
      %dma_wait3A_613 = arith.constant 0 : i32
      %dma_wait3A_614 = arith.constant 0 : i32
      %dma_wait3A_615 = tpu.memref_slice %arg10[%dma_wait3A_613, %dma_wait3A_614] : memref<25160x64xf32, #tpu.memory_space<vmem_shared>> -> memref<25160x64xf32, #tpu.memory_space<vmem_shared>>
      tpu.wait_indirect_dma semaphore(%arg12 : memref<!tpu.dma_semaphore, #tpu.memory_space<semaphore_mem>>) src(%dma_wait3A_609 : memref<128x64xf32, #tpu.memory_space<vmem>>) dst(%dma_wait3A_615 : memref<25160x64xf32, #tpu.memory_space<vmem_shared>>)
      %scan3A_616 = arith.constant 0 : i32
      scf.yield %scan3A_616 : i32
    }
    %scan3A_8 = arith.constant 33 : i32
    %barrier3A_9 = arith.constant 0 : index
    tpu.barrier barrier_id(%barrier3A_9)
    %lt3A = arith.constant 15 : i32
    %lt3A_10 = arith.cmpi slt, %arg1, %lt3A : i32
    %convert_element_type3A = arith.extui %lt3A_10 : i1 to i32
    %cond3A = arith.constant 0 : i32
    %cond3A_11 = arith.cmpi ne, %convert_element_type3A, %cond3A : i32
    scf.if %cond3A_11 {
      %mul3A_16 = arith.constant 1568 : i32
      %mul3A_17 = arith.muli %arg1, %mul3A_16 : i32
      %mul3A_18 = arith.constant 1568 : i32
      %mul3A_19 = arith.muli %arg1, %mul3A_18 : i32
      %add3A = arith.addi %mul3A_0, %mul3A_19 : i32
      "tpu.region"() ({
        %run_scoped3A = tpu.sem_alloc : memref<!tpu.dma_semaphore, #tpu.memory_space<semaphore_mem>>
        %dma_start3A = arith.constant 0 : i32
        %dma_start3A_20 = tpu.memref_slice %arg6[%add3A, %dma_start3A] : memref<50048x64xf32, #tpu.memory_space<hbm>> -> memref<1568x64xf32, #tpu.memory_space<hbm>>
        %dma_start3A_21 = arith.constant 0 : i32
        %dma_start3A_22 = tpu.memref_slice %arg10[%mul3A_17, %dma_start3A_21] : memref<25160x64xf32, #tpu.memory_space<vmem_shared>> -> memref<1568x64xf32, #tpu.memory_space<vmem_shared>>
        tpu.enqueue_dma source(%dma_start3A_22 : memref<1568x64xf32, #tpu.memory_space<vmem_shared>>) target(%dma_start3A_20 : memref<1568x64xf32, #tpu.memory_space<hbm>>) target_semaphore(%run_scoped3A : memref<!tpu.dma_semaphore, #tpu.memory_space<semaphore_mem>>)
        %dma_wait3A = arith.constant 0 : i32
        %dma_wait3A_23 = tpu.memref_slice %arg6[%add3A, %dma_wait3A] : memref<50048x64xf32, #tpu.memory_space<hbm>> -> memref<1568x64xf32, #tpu.memory_space<hbm>>
        %dma_wait3A_24 = arith.constant 0 : i32
        %dma_wait3A_25 = tpu.memref_slice %arg10[%mul3A_17, %dma_wait3A_24] : memref<25160x64xf32, #tpu.memory_space<vmem_shared>> -> memref<1568x64xf32, #tpu.memory_space<vmem_shared>>
        tpu.wait_dma2 semaphore(%run_scoped3A : memref<!tpu.dma_semaphore, #tpu.memory_space<semaphore_mem>>) src(%dma_wait3A_25 : memref<1568x64xf32, #tpu.memory_space<vmem_shared>>) dst(%dma_wait3A_23 : memref<1568x64xf32, #tpu.memory_space<hbm>>)
        tpu.yield
      }) : () -> ()
    } else {
    }
    %eq3A = arith.constant 15 : i32
    %eq3A_12 = arith.cmpi eq, %arg1, %eq3A : i32
    %convert_element_type3A_13 = arith.extui %eq3A_12 : i1 to i32
    %cond3A_14 = arith.constant 0 : i32
    %cond3A_15 = arith.cmpi ne, %convert_element_type3A_13, %cond3A_14 : i32
    scf.if %cond3A_15 {
      %add3A = arith.constant 23520 : i32
      %add3A_16 = arith.addi %mul3A_0, %add3A : i32
      "tpu.region"() ({
        %run_scoped3A = tpu.sem_alloc : memref<!tpu.dma_semaphore, #tpu.memory_space<semaphore_mem>>
        %dma_start3A = arith.constant 0 : i32
        %dma_start3A_17 = tpu.memref_slice %arg6[%add3A_16, %dma_start3A] : memref<50048x64xf32, #tpu.memory_space<hbm>> -> memref<1504x64xf32, #tpu.memory_space<hbm>>
        %dma_start3A_18 = arith.constant 23520 : i32
        %dma_start3A_19 = arith.constant 0 : i32
        %dma_start3A_20 = tpu.memref_slice %arg10[%dma_start3A_18, %dma_start3A_19] : memref<25160x64xf32, #tpu.memory_space<vmem_shared>> -> memref<1504x64xf32, #tpu.memory_space<vmem_shared>>
        tpu.enqueue_dma source(%dma_start3A_20 : memref<1504x64xf32, #tpu.memory_space<vmem_shared>>) target(%dma_start3A_17 : memref<1504x64xf32, #tpu.memory_space<hbm>>) target_semaphore(%run_scoped3A : memref<!tpu.dma_semaphore, #tpu.memory_space<semaphore_mem>>)
        %dma_wait3A = arith.constant 0 : i32
        %dma_wait3A_21 = tpu.memref_slice %arg6[%add3A_16, %dma_wait3A] : memref<50048x64xf32, #tpu.memory_space<hbm>> -> memref<1504x64xf32, #tpu.memory_space<hbm>>
        %dma_wait3A_22 = arith.constant 23520 : i32
        %dma_wait3A_23 = arith.constant 0 : i32
        %dma_wait3A_24 = tpu.memref_slice %arg10[%dma_wait3A_22, %dma_wait3A_23] : memref<25160x64xf32, #tpu.memory_space<vmem_shared>> -> memref<1504x64xf32, #tpu.memory_space<vmem_shared>>
        tpu.wait_dma2 semaphore(%run_scoped3A : memref<!tpu.dma_semaphore, #tpu.memory_space<semaphore_mem>>) src(%dma_wait3A_24 : memref<1504x64xf32, #tpu.memory_space<vmem_shared>>) dst(%dma_wait3A_21 : memref<1504x64xf32, #tpu.memory_space<hbm>>)
        tpu.yield
      }) : () -> ()
    } else {
    }
    return
  }
}

#map = affine_map<(d0, d1) -> (0, 0)>
#map1 = affine_map<(d0, d1) -> (0, 0, 0)>
module attributes {stable_mosaic.version = 14 : i64} {
  func.func @_sc_spmv_body(%arg0: i32, %arg1: i32, %arg2: memref<50048x64xf32, #tpu.memory_space<hbm>>, %arg3: memref<6336x128xi32, #tpu.memory_space<hbm>>, %arg4: memref<2x6336x128xi32, #tpu.memory_space<hbm>>, %arg5: memref<1564x64xf32, #tpu.memory_space<hbm>>, %arg6: memref<50048x64xf32, #tpu.memory_space<hbm>>, %arg7: memref<12x128xi32, #tpu.memory_space<vmem>>, %arg8: memref<12x128xi32, #tpu.memory_space<vmem>>, %arg9: memref<3x128x64xf32, #tpu.memory_space<vmem>>, %arg10: memref<25160x64xf32, #tpu.memory_space<vmem_shared>>, %arg11: memref<!tpu.dma_semaphore, #tpu.memory_space<semaphore_mem>>, %arg12: memref<!tpu.dma_semaphore, #tpu.memory_space<semaphore_mem>>) attributes {dimension_semantics = [#tpu.dimension_semantics<core_parallel>, #tpu.dimension_semantics<subcore_parallel>], iteration_bounds = array<i64: 2, 16>, scalar_prefetch = 0 : i64, scratch_operands = 6 : i64, tpu.core_type = #tpu.core_type<sc_vector_subcore>, window_params = [{transform_indices = #map}, {transform_indices = #map}, {transform_indices = #map1}, {transform_indices = #map}, {transform_indices = #map}]} {
    %mul3A = arith.constant 25024 : i32
    %mul3A_0 = arith.muli %arg0, %mul3A : i32
    %mul3A_1 = arith.constant 1564 : i32
    %mul3A_2 = arith.muli %arg1, %mul3A_1 : i32
    "tpu.region"() ({
      %run_scoped3A = tpu.sem_alloc : memref<!tpu.dma_semaphore, #tpu.memory_space<semaphore_mem>>
      %dma_start3A = arith.constant 0 : i32
      %dma_start3A_16 = tpu.memref_slice %arg10[%mul3A_2, %dma_start3A] : memref<25160x64xf32, #tpu.memory_space<vmem_shared>> -> memref<1564x64xf32, #tpu.memory_space<vmem_shared>>
      tpu.enqueue_dma source(%arg5 : memref<1564x64xf32, #tpu.memory_space<hbm>>) target(%dma_start3A_16 : memref<1564x64xf32, #tpu.memory_space<vmem_shared>>) target_semaphore(%run_scoped3A : memref<!tpu.dma_semaphore, #tpu.memory_space<semaphore_mem>>)
      %dma_wait3A = arith.constant 0 : i32
      %dma_wait3A_17 = tpu.memref_slice %arg10[%mul3A_2, %dma_wait3A] : memref<25160x64xf32, #tpu.memory_space<vmem_shared>> -> memref<1564x64xf32, #tpu.memory_space<vmem_shared>>
      tpu.wait_dma2 semaphore(%run_scoped3A : memref<!tpu.dma_semaphore, #tpu.memory_space<semaphore_mem>>) src(%arg5 : memref<1564x64xf32, #tpu.memory_space<hbm>>) dst(%dma_wait3A_17 : memref<1564x64xf32, #tpu.memory_space<vmem_shared>>)
      tpu.yield
    }) : () -> ()
    %barrier3A = arith.constant 0 : index
    tpu.barrier barrier_id(%barrier3A)
    %scan3A = arith.constant 0 : i32
    %scan3A_3 = arith.constant 0 : i32
    %scan3A_4 = arith.constant 33 : i32
    %scan3A_5 = arith.addi %scan3A_3, %scan3A_4 : i32
    %scan3A_6 = arith.constant 1 : i32
    %scan3A_7 = scf.for %scan3A_16 = %scan3A_3 to %scan3A_5 step %scan3A_6 iter_args(%scan3A_17 = %scan3A) -> (i32)  : i32 {
      %mul3A_18 = arith.constant 396 : i32
      %mul3A_19 = arith.muli %arg1, %mul3A_18 : i32
      %mul3A_20 = arith.constant 12 : i32
      %mul3A_21 = arith.muli %scan3A_16, %mul3A_20 : i32
      %add3A = arith.addi %mul3A_19, %mul3A_21 : i32
      %dma_start3A = arith.constant 0 : i32
      %dma_start3A_22 = tpu.memref_slice %arg3[%add3A, %dma_start3A] : memref<6336x128xi32, #tpu.memory_space<hbm>> -> memref<12x128xi32, #tpu.memory_space<hbm>>
      %dma_start3A_23 = arith.constant 0 : i32
      %dma_start3A_24 = tpu.memref_slice %arg3[%add3A, %dma_start3A_23] : memref<6336x128xi32, #tpu.memory_space<hbm>> -> memref<12x128xi32, #tpu.memory_space<hbm>>
      tpu.enqueue_dma source(%dma_start3A_24 : memref<12x128xi32, #tpu.memory_space<hbm>>) target(%arg7 : memref<12x128xi32, #tpu.memory_space<vmem>>) target_semaphore(%arg11 : memref<!tpu.dma_semaphore, #tpu.memory_space<semaphore_mem>>)
      %dma_start3A_25 = arith.constant 0 : i32
      %dma_start3A_26 = tpu.memref_slice %arg4[%arg0, %add3A, %dma_start3A_25] : memref<2x6336x128xi32, #tpu.memory_space<hbm>> -> memref<1x12x128xi32, #tpu.memory_space<hbm>>
      %dma_start3A_27 = tpu.memref_squeeze %dma_start3A_26 : memref<1x12x128xi32, #tpu.memory_space<hbm>> -> memref<12x128xi32, #tpu.memory_space<hbm>>
      %dma_start3A_28 = arith.constant 0 : i32
      %dma_start3A_29 = tpu.memref_slice %arg4[%arg0, %add3A, %dma_start3A_28] : memref<2x6336x128xi32, #tpu.memory_space<hbm>> -> memref<1x12x128xi32, #tpu.memory_space<hbm>>
      %dma_start3A_30 = tpu.memref_squeeze %dma_start3A_29 : memref<1x12x128xi32, #tpu.memory_space<hbm>> -> memref<12x128xi32, #tpu.memory_space<hbm>>
      tpu.enqueue_dma source(%dma_start3A_30 : memref<12x128xi32, #tpu.memory_space<hbm>>) target(%arg8 : memref<12x128xi32, #tpu.memory_space<vmem>>) target_semaphore(%arg11 : memref<!tpu.dma_semaphore, #tpu.memory_space<semaphore_mem>>)
      %dma_wait3A = arith.constant 0 : i32
      %dma_wait3A_31 = tpu.memref_slice %arg3[%add3A, %dma_wait3A] : memref<6336x128xi32, #tpu.memory_space<hbm>> -> memref<12x128xi32, #tpu.memory_space<hbm>>
      %dma_wait3A_32 = arith.constant 0 : i32
      %dma_wait3A_33 = tpu.memref_slice %arg3[%add3A, %dma_wait3A_32] : memref<6336x128xi32, #tpu.memory_space<hbm>> -> memref<12x128xi32, #tpu.memory_space<hbm>>
      tpu.wait_dma2 semaphore(%arg11 : memref<!tpu.dma_semaphore, #tpu.memory_space<semaphore_mem>>) src(%dma_wait3A_33 : memref<12x128xi32, #tpu.memory_space<hbm>>) dst(%arg7 : memref<12x128xi32, #tpu.memory_space<vmem>>)
      %dma_wait3A_34 = arith.constant 0 : i32
      %dma_wait3A_35 = tpu.memref_slice %arg4[%arg0, %add3A, %dma_wait3A_34] : memref<2x6336x128xi32, #tpu.memory_space<hbm>> -> memref<1x12x128xi32, #tpu.memory_space<hbm>>
      %dma_wait3A_36 = tpu.memref_squeeze %dma_wait3A_35 : memref<1x12x128xi32, #tpu.memory_space<hbm>> -> memref<12x128xi32, #tpu.memory_space<hbm>>
      %dma_wait3A_37 = arith.constant 0 : i32
      %dma_wait3A_38 = tpu.memref_slice %arg4[%arg0, %add3A, %dma_wait3A_37] : memref<2x6336x128xi32, #tpu.memory_space<hbm>> -> memref<1x12x128xi32, #tpu.memory_space<hbm>>
      %dma_wait3A_39 = tpu.memref_squeeze %dma_wait3A_38 : memref<1x12x128xi32, #tpu.memory_space<hbm>> -> memref<12x128xi32, #tpu.memory_space<hbm>>
      tpu.wait_dma2 semaphore(%arg11 : memref<!tpu.dma_semaphore, #tpu.memory_space<semaphore_mem>>) src(%dma_wait3A_39 : memref<12x128xi32, #tpu.memory_space<hbm>>) dst(%arg8 : memref<12x128xi32, #tpu.memory_space<vmem>>)
      %dma_start3A_40 = arith.constant 0 : i32
      %dma_start3A_41 = arith.constant 0 : i32
      %dma_start3A_42 = arith.constant 0 : i32
      %dma_start3A_43 = arith.constant 0 : i32
      %dma_start3A_44 = tpu.memref_slice %arg9[%dma_start3A_41, %dma_start3A_42, %dma_start3A_43] : memref<3x128x64xf32, #tpu.memory_space<vmem>> -> memref<1x128x64xf32, #tpu.memory_space<vmem>>
      %dma_start3A_45 = tpu.memref_squeeze %dma_start3A_44 : memref<1x128x64xf32, #tpu.memory_space<vmem>> -> memref<128x64xf32, #tpu.memory_space<vmem>>
      %dma_start3A_46 = arith.constant 0 : i32
      %dma_start3A_47 = tpu.memref_slice %arg7[%dma_start3A_40, %dma_start3A_46] : memref<12x128xi32, #tpu.memory_space<vmem>> -> memref<1x128xi32, #tpu.memory_space<vmem>>
      %dma_start3A_48 = tpu.memref_squeeze %dma_start3A_47 : memref<1x128xi32, #tpu.memory_space<vmem>> -> memref<128xi32, #tpu.memory_space<vmem>>
      %dma_start3A_49 = arith.constant 0 : i32
      %dma_start3A_50 = arith.constant 0 : i32
      %dma_start3A_51 = tpu.memref_slice %arg2[%dma_start3A_49, %dma_start3A_50] : memref<50048x64xf32, #tpu.memory_space<hbm>> -> memref<50048x64xf32, #tpu.memory_space<hbm>>
      tpu.enqueue_indirect_dma source(%dma_start3A_51 : memref<50048x64xf32, #tpu.memory_space<hbm>>) target(%dma_start3A_45 : memref<128x64xf32, #tpu.memory_space<vmem>>) offsets(%dma_start3A_48 : memref<128xi32, #tpu.memory_space<vmem>>) semaphore(%arg11 : memref<!tpu.dma_semaphore, #tpu.memory_space<semaphore_mem>>)
      %dma_start3A_52 = arith.constant 1 : i32
      %dma_start3A_53 = arith.constant 1 : i32
      %dma_start3A_54 = arith.constant 0 : i32
      %dma_start3A_55 = arith.constant 0 : i32
      %dma_start3A_56 = tpu.memref_slice %arg9[%dma_start3A_53, %dma_start3A_54, %dma_start3A_55] : memref<3x128x64xf32, #tpu.memory_space<vmem>> -> memref<1x128x64xf32, #tpu.memory_space<vmem>>
      %dma_start3A_57 = tpu.memref_squeeze %dma_start3A_56 : memref<1x128x64xf32, #tpu.memory_space<vmem>> -> memref<128x64xf32, #tpu.memory_space<vmem>>
      %dma_start3A_58 = arith.constant 0 : i32
      %dma_start3A_59 = tpu.memref_slice %arg7[%dma_start3A_52, %dma_start3A_58] : memref<12x128xi32, #tpu.memory_space<vmem>> -> memref<1x128xi32, #tpu.memory_space<vmem>>
      %dma_start3A_60 = tpu.memref_squeeze %dma_start3A_59 : memref<1x128xi32, #tpu.memory_space<vmem>> -> memref<128xi32, #tpu.memory_space<vmem>>
      %dma_start3A_61 = arith.constant 0 : i32
      %dma_start3A_62 = arith.constant 0 : i32
      %dma_start3A_63 = tpu.memref_slice %arg2[%dma_start3A_61, %dma_start3A_62] : memref<50048x64xf32, #tpu.memory_space<hbm>> -> memref<50048x64xf32, #tpu.memory_space<hbm>>
      tpu.enqueue_indirect_dma source(%dma_start3A_63 : memref<50048x64xf32, #tpu.memory_space<hbm>>) target(%dma_start3A_57 : memref<128x64xf32, #tpu.memory_space<vmem>>) offsets(%dma_start3A_60 : memref<128xi32, #tpu.memory_space<vmem>>) semaphore(%arg11 : memref<!tpu.dma_semaphore, #tpu.memory_space<semaphore_mem>>)
      %dma_wait3A_64 = arith.constant 0 : i32
      %dma_wait3A_65 = arith.constant 0 : i32
      %dma_wait3A_66 = arith.constant 0 : i32
      %dma_wait3A_67 = arith.constant 0 : i32
      %dma_wait3A_68 = tpu.memref_slice %arg9[%dma_wait3A_65, %dma_wait3A_66, %dma_wait3A_67] : memref<3x128x64xf32, #tpu.memory_space<vmem>> -> memref<1x128x64xf32, #tpu.memory_space<vmem>>
      %dma_wait3A_69 = tpu.memref_squeeze %dma_wait3A_68 : memref<1x128x64xf32, #tpu.memory_space<vmem>> -> memref<128x64xf32, #tpu.memory_space<vmem>>
      %dma_wait3A_70 = arith.constant 0 : i32
      %dma_wait3A_71 = tpu.memref_slice %arg7[%dma_wait3A_64, %dma_wait3A_70] : memref<12x128xi32, #tpu.memory_space<vmem>> -> memref<1x128xi32, #tpu.memory_space<vmem>>
      %dma_wait3A_72 = tpu.memref_squeeze %dma_wait3A_71 : memref<1x128xi32, #tpu.memory_space<vmem>> -> memref<128xi32, #tpu.memory_space<vmem>>
      %dma_wait3A_73 = arith.constant 0 : i32
      %dma_wait3A_74 = arith.constant 0 : i32
      %dma_wait3A_75 = tpu.memref_slice %arg2[%dma_wait3A_73, %dma_wait3A_74] : memref<50048x64xf32, #tpu.memory_space<hbm>> -> memref<50048x64xf32, #tpu.memory_space<hbm>>
      tpu.wait_indirect_dma semaphore(%arg11 : memref<!tpu.dma_semaphore, #tpu.memory_space<semaphore_mem>>) src(%dma_wait3A_75 : memref<50048x64xf32, #tpu.memory_space<hbm>>) dst(%dma_wait3A_69 : memref<128x64xf32, #tpu.memory_space<vmem>>)
      %dma_start3A_76 = arith.constant 0 : i32
      %dma_start3A_77 = arith.constant 0 : i32
      %dma_start3A_78 = arith.constant 0 : i32
      %dma_start3A_79 = arith.constant 0 : i32
      %dma_start3A_80 = tpu.memref_slice %arg9[%dma_start3A_76, %dma_start3A_78, %dma_start3A_79] : memref<3x128x64xf32, #tpu.memory_space<vmem>> -> memref<1x128x64xf32, #tpu.memory_space<vmem>>
      %dma_start3A_81 = tpu.memref_squeeze %dma_start3A_80 : memref<1x128x64xf32, #tpu.memory_space<vmem>> -> memref<128x64xf32, #tpu.memory_space<vmem>>
      %dma_start3A_82 = arith.constant 0 : i32
      %dma_start3A_83 = tpu.memref_slice %arg8[%dma_start3A_77, %dma_start3A_82] : memref<12x128xi32, #tpu.memory_space<vmem>> -> memref<1x128xi32, #tpu.memory_space<vmem>>
      %dma_start3A_84 = tpu.memref_squeeze %dma_start3A_83 : memref<1x128xi32, #tpu.memory_space<vmem>> -> memref<128xi32, #tpu.memory_space<vmem>>
      %dma_start3A_85 = arith.constant 0 : i32
      %dma_start3A_86 = arith.constant 0 : i32
      %dma_start3A_87 = tpu.memref_slice %arg10[%dma_start3A_85, %dma_start3A_86] : memref<25160x64xf32, #tpu.memory_space<vmem_shared>> -> memref<25160x64xf32, #tpu.memory_space<vmem_shared>>
      tpu.enqueue_indirect_dma source(%dma_start3A_81 : memref<128x64xf32, #tpu.memory_space<vmem>>) target(%dma_start3A_87 : memref<25160x64xf32, #tpu.memory_space<vmem_shared>>) offsets(%dma_start3A_84 : memref<128xi32, #tpu.memory_space<vmem>>) semaphore(%arg12 : memref<!tpu.dma_semaphore, #tpu.memory_space<semaphore_mem>>) {add = true}
      %dma_start3A_88 = arith.constant 2 : i32
      %dma_start3A_89 = arith.constant 2 : i32
      %dma_start3A_90 = arith.constant 0 : i32
      %dma_start3A_91 = arith.constant 0 : i32
      %dma_start3A_92 = tpu.memref_slice %arg9[%dma_start3A_89, %dma_start3A_90, %dma_start3A_91] : memref<3x128x64xf32, #tpu.memory_space<vmem>> -> memref<1x128x64xf32, #tpu.memory_space<vmem>>
      %dma_start3A_93 = tpu.memref_squeeze %dma_start3A_92 : memref<1x128x64xf32, #tpu.memory_space<vmem>> -> memref<128x64xf32, #tpu.memory_space<vmem>>
      %dma_start3A_94 = arith.constant 0 : i32
      %dma_start3A_95 = tpu.memref_slice %arg7[%dma_start3A_88, %dma_start3A_94] : memref<12x128xi32, #tpu.memory_space<vmem>> -> memref<1x128xi32, #tpu.memory_space<vmem>>
      %dma_start3A_96 = tpu.memref_squeeze %dma_start3A_95 : memref<1x128xi32, #tpu.memory_space<vmem>> -> memref<128xi32, #tpu.memory_space<vmem>>
      %dma_start3A_97 = arith.constant 0 : i32
      %dma_start3A_98 = arith.constant 0 : i32
      %dma_start3A_99 = tpu.memref_slice %arg2[%dma_start3A_97, %dma_start3A_98] : memref<50048x64xf32, #tpu.memory_space<hbm>> -> memref<50048x64xf32, #tpu.memory_space<hbm>>
      tpu.enqueue_indirect_dma source(%dma_start3A_99 : memref<50048x64xf32, #tpu.memory_space<hbm>>) target(%dma_start3A_93 : memref<128x64xf32, #tpu.memory_space<vmem>>) offsets(%dma_start3A_96 : memref<128xi32, #tpu.memory_space<vmem>>) semaphore(%arg11 : memref<!tpu.dma_semaphore, #tpu.memory_space<semaphore_mem>>)
      %dma_wait3A_100 = arith.constant 1 : i32
      %dma_wait3A_101 = arith.constant 1 : i32
      %dma_wait3A_102 = arith.constant 0 : i32
      %dma_wait3A_103 = arith.constant 0 : i32
      %dma_wait3A_104 = tpu.memref_slice %arg9[%dma_wait3A_101, %dma_wait3A_102, %dma_wait3A_103] : memref<3x128x64xf32, #tpu.memory_space<vmem>> -> memref<1x128x64xf32, #tpu.memory_space<vmem>>
      %dma_wait3A_105 = tpu.memref_squeeze %dma_wait3A_104 : memref<1x128x64xf32, #tpu.memory_space<vmem>> -> memref<128x64xf32, #tpu.memory_space<vmem>>
      %dma_wait3A_106 = arith.constant 0 : i32
      %dma_wait3A_107 = tpu.memref_slice %arg7[%dma_wait3A_100, %dma_wait3A_106] : memref<12x128xi32, #tpu.memory_space<vmem>> -> memref<1x128xi32, #tpu.memory_space<vmem>>
      %dma_wait3A_108 = tpu.memref_squeeze %dma_wait3A_107 : memref<1x128xi32, #tpu.memory_space<vmem>> -> memref<128xi32, #tpu.memory_space<vmem>>
      %dma_wait3A_109 = arith.constant 0 : i32
      %dma_wait3A_110 = arith.constant 0 : i32
      %dma_wait3A_111 = tpu.memref_slice %arg2[%dma_wait3A_109, %dma_wait3A_110] : memref<50048x64xf32, #tpu.memory_space<hbm>> -> memref<50048x64xf32, #tpu.memory_space<hbm>>
      tpu.wait_indirect_dma semaphore(%arg11 : memref<!tpu.dma_semaphore, #tpu.memory_space<semaphore_mem>>) src(%dma_wait3A_111 : memref<50048x64xf32, #tpu.memory_space<hbm>>) dst(%dma_wait3A_105 : memref<128x64xf32, #tpu.memory_space<vmem>>)
      %dma_start3A_112 = arith.constant 1 : i32
      %dma_start3A_113 = arith.constant 1 : i32
      %dma_start3A_114 = arith.constant 0 : i32
      %dma_start3A_115 = arith.constant 0 : i32
      %dma_start3A_116 = tpu.memref_slice %arg9[%dma_start3A_112, %dma_start3A_114, %dma_start3A_115] : memref<3x128x64xf32, #tpu.memory_space<vmem>> -> memref<1x128x64xf32, #tpu.memory_space<vmem>>
      %dma_start3A_117 = tpu.memref_squeeze %dma_start3A_116 : memref<1x128x64xf32, #tpu.memory_space<vmem>> -> memref<128x64xf32, #tpu.memory_space<vmem>>
      %dma_start3A_118 = arith.constant 0 : i32
      %dma_start3A_119 = tpu.memref_slice %arg8[%dma_start3A_113, %dma_start3A_118] : memref<12x128xi32, #tpu.memory_space<vmem>> -> memref<1x128xi32, #tpu.memory_space<vmem>>
      %dma_start3A_120 = tpu.memref_squeeze %dma_start3A_119 : memref<1x128xi32, #tpu.memory_space<vmem>> -> memref<128xi32, #tpu.memory_space<vmem>>
      %dma_start3A_121 = arith.constant 0 : i32
      %dma_start3A_122 = arith.constant 0 : i32
      %dma_start3A_123 = tpu.memref_slice %arg10[%dma_start3A_121, %dma_start3A_122] : memref<25160x64xf32, #tpu.memory_space<vmem_shared>> -> memref<25160x64xf32, #tpu.memory_space<vmem_shared>>
      tpu.enqueue_indirect_dma source(%dma_start3A_117 : memref<128x64xf32, #tpu.memory_space<vmem>>) target(%dma_start3A_123 : memref<25160x64xf32, #tpu.memory_space<vmem_shared>>) offsets(%dma_start3A_120 : memref<128xi32, #tpu.memory_space<vmem>>) semaphore(%arg12 : memref<!tpu.dma_semaphore, #tpu.memory_space<semaphore_mem>>) {add = true}
      %dma_wait3A_124 = arith.constant 0 : i32
      %dma_wait3A_125 = arith.constant 0 : i32
      %dma_wait3A_126 = arith.constant 0 : i32
      %dma_wait3A_127 = arith.constant 0 : i32
      %dma_wait3A_128 = tpu.memref_slice %arg9[%dma_wait3A_124, %dma_wait3A_126, %dma_wait3A_127] : memref<3x128x64xf32, #tpu.memory_space<vmem>> -> memref<1x128x64xf32, #tpu.memory_space<vmem>>
      %dma_wait3A_129 = tpu.memref_squeeze %dma_wait3A_128 : memref<1x128x64xf32, #tpu.memory_space<vmem>> -> memref<128x64xf32, #tpu.memory_space<vmem>>
      %dma_wait3A_130 = arith.constant 0 : i32
      %dma_wait3A_131 = tpu.memref_slice %arg8[%dma_wait3A_125, %dma_wait3A_130] : memref<12x128xi32, #tpu.memory_space<vmem>> -> memref<1x128xi32, #tpu.memory_space<vmem>>
      %dma_wait3A_132 = tpu.memref_squeeze %dma_wait3A_131 : memref<1x128xi32, #tpu.memory_space<vmem>> -> memref<128xi32, #tpu.memory_space<vmem>>
      %dma_wait3A_133 = arith.constant 0 : i32
      %dma_wait3A_134 = arith.constant 0 : i32
      %dma_wait3A_135 = tpu.memref_slice %arg10[%dma_wait3A_133, %dma_wait3A_134] : memref<25160x64xf32, #tpu.memory_space<vmem_shared>> -> memref<25160x64xf32, #tpu.memory_space<vmem_shared>>
      tpu.wait_indirect_dma semaphore(%arg12 : memref<!tpu.dma_semaphore, #tpu.memory_space<semaphore_mem>>) src(%dma_wait3A_129 : memref<128x64xf32, #tpu.memory_space<vmem>>) dst(%dma_wait3A_135 : memref<25160x64xf32, #tpu.memory_space<vmem_shared>>)
      %dma_start3A_136 = arith.constant 3 : i32
      %dma_start3A_137 = arith.constant 0 : i32
      %dma_start3A_138 = arith.constant 0 : i32
      %dma_start3A_139 = arith.constant 0 : i32
      %dma_start3A_140 = tpu.memref_slice %arg9[%dma_start3A_137, %dma_start3A_138, %dma_start3A_139] : memref<3x128x64xf32, #tpu.memory_space<vmem>> -> memref<1x128x64xf32, #tpu.memory_space<vmem>>
      %dma_start3A_141 = tpu.memref_squeeze %dma_start3A_140 : memref<1x128x64xf32, #tpu.memory_space<vmem>> -> memref<128x64xf32, #tpu.memory_space<vmem>>
      %dma_start3A_142 = arith.constant 0 : i32
      %dma_start3A_143 = tpu.memref_slice %arg7[%dma_start3A_136, %dma_start3A_142] : memref<12x128xi32, #tpu.memory_space<vmem>> -> memref<1x128xi32, #tpu.memory_space<vmem>>
      %dma_start3A_144 = tpu.memref_squeeze %dma_start3A_143 : memref<1x128xi32, #tpu.memory_space<vmem>> -> memref<128xi32, #tpu.memory_space<vmem>>
      %dma_start3A_145 = arith.constant 0 : i32
      %dma_start3A_146 = arith.constant 0 : i32
      %dma_start3A_147 = tpu.memref_slice %arg2[%dma_start3A_145, %dma_start3A_146] : memref<50048x64xf32, #tpu.memory_space<hbm>> -> memref<50048x64xf32, #tpu.memory_space<hbm>>
      tpu.enqueue_indirect_dma source(%dma_start3A_147 : memref<50048x64xf32, #tpu.memory_space<hbm>>) target(%dma_start3A_141 : memref<128x64xf32, #tpu.memory_space<vmem>>) offsets(%dma_start3A_144 : memref<128xi32, #tpu.memory_space<vmem>>) semaphore(%arg11 : memref<!tpu.dma_semaphore, #tpu.memory_space<semaphore_mem>>)
      %dma_wait3A_148 = arith.constant 2 : i32
      %dma_wait3A_149 = arith.constant 2 : i32
      %dma_wait3A_150 = arith.constant 0 : i32
      %dma_wait3A_151 = arith.constant 0 : i32
      %dma_wait3A_152 = tpu.memref_slice %arg9[%dma_wait3A_149, %dma_wait3A_150, %dma_wait3A_151] : memref<3x128x64xf32, #tpu.memory_space<vmem>> -> memref<1x128x64xf32, #tpu.memory_space<vmem>>
      %dma_wait3A_153 = tpu.memref_squeeze %dma_wait3A_152 : memref<1x128x64xf32, #tpu.memory_space<vmem>> -> memref<128x64xf32, #tpu.memory_space<vmem>>
      %dma_wait3A_154 = arith.constant 0 : i32
      %dma_wait3A_155 = tpu.memref_slice %arg7[%dma_wait3A_148, %dma_wait3A_154] : memref<12x128xi32, #tpu.memory_space<vmem>> -> memref<1x128xi32, #tpu.memory_space<vmem>>
      %dma_wait3A_156 = tpu.memref_squeeze %dma_wait3A_155 : memref<1x128xi32, #tpu.memory_space<vmem>> -> memref<128xi32, #tpu.memory_space<vmem>>
      %dma_wait3A_157 = arith.constant 0 : i32
      %dma_wait3A_158 = arith.constant 0 : i32
      %dma_wait3A_159 = tpu.memref_slice %arg2[%dma_wait3A_157, %dma_wait3A_158] : memref<50048x64xf32, #tpu.memory_space<hbm>> -> memref<50048x64xf32, #tpu.memory_space<hbm>>
      tpu.wait_indirect_dma semaphore(%arg11 : memref<!tpu.dma_semaphore, #tpu.memory_space<semaphore_mem>>) src(%dma_wait3A_159 : memref<50048x64xf32, #tpu.memory_space<hbm>>) dst(%dma_wait3A_153 : memref<128x64xf32, #tpu.memory_space<vmem>>)
      %dma_start3A_160 = arith.constant 2 : i32
      %dma_start3A_161 = arith.constant 2 : i32
      %dma_start3A_162 = arith.constant 0 : i32
      %dma_start3A_163 = arith.constant 0 : i32
      %dma_start3A_164 = tpu.memref_slice %arg9[%dma_start3A_160, %dma_start3A_162, %dma_start3A_163] : memref<3x128x64xf32, #tpu.memory_space<vmem>> -> memref<1x128x64xf32, #tpu.memory_space<vmem>>
      %dma_start3A_165 = tpu.memref_squeeze %dma_start3A_164 : memref<1x128x64xf32, #tpu.memory_space<vmem>> -> memref<128x64xf32, #tpu.memory_space<vmem>>
      %dma_start3A_166 = arith.constant 0 : i32
      %dma_start3A_167 = tpu.memref_slice %arg8[%dma_start3A_161, %dma_start3A_166] : memref<12x128xi32, #tpu.memory_space<vmem>> -> memref<1x128xi32, #tpu.memory_space<vmem>>
      %dma_start3A_168 = tpu.memref_squeeze %dma_start3A_167 : memref<1x128xi32, #tpu.memory_space<vmem>> -> memref<128xi32, #tpu.memory_space<vmem>>
      %dma_start3A_169 = arith.constant 0 : i32
      %dma_start3A_170 = arith.constant 0 : i32
      %dma_start3A_171 = tpu.memref_slice %arg10[%dma_start3A_169, %dma_start3A_170] : memref<25160x64xf32, #tpu.memory_space<vmem_shared>> -> memref<25160x64xf32, #tpu.memory_space<vmem_shared>>
      tpu.enqueue_indirect_dma source(%dma_start3A_165 : memref<128x64xf32, #tpu.memory_space<vmem>>) target(%dma_start3A_171 : memref<25160x64xf32, #tpu.memory_space<vmem_shared>>) offsets(%dma_start3A_168 : memref<128xi32, #tpu.memory_space<vmem>>) semaphore(%arg12 : memref<!tpu.dma_semaphore, #tpu.memory_space<semaphore_mem>>) {add = true}
      %dma_wait3A_172 = arith.constant 1 : i32
      %dma_wait3A_173 = arith.constant 1 : i32
      %dma_wait3A_174 = arith.constant 0 : i32
      %dma_wait3A_175 = arith.constant 0 : i32
      %dma_wait3A_176 = tpu.memref_slice %arg9[%dma_wait3A_172, %dma_wait3A_174, %dma_wait3A_175] : memref<3x128x64xf32, #tpu.memory_space<vmem>> -> memref<1x128x64xf32, #tpu.memory_space<vmem>>
      %dma_wait3A_177 = tpu.memref_squeeze %dma_wait3A_176 : memref<1x128x64xf32, #tpu.memory_space<vmem>> -> memref<128x64xf32, #tpu.memory_space<vmem>>
      %dma_wait3A_178 = arith.constant 0 : i32
      %dma_wait3A_179 = tpu.memref_slice %arg8[%dma_wait3A_173, %dma_wait3A_178] : memref<12x128xi32, #tpu.memory_space<vmem>> -> memref<1x128xi32, #tpu.memory_space<vmem>>
      %dma_wait3A_180 = tpu.memref_squeeze %dma_wait3A_179 : memref<1x128xi32, #tpu.memory_space<vmem>> -> memref<128xi32, #tpu.memory_space<vmem>>
      %dma_wait3A_181 = arith.constant 0 : i32
      %dma_wait3A_182 = arith.constant 0 : i32
      %dma_wait3A_183 = tpu.memref_slice %arg10[%dma_wait3A_181, %dma_wait3A_182] : memref<25160x64xf32, #tpu.memory_space<vmem_shared>> -> memref<25160x64xf32, #tpu.memory_space<vmem_shared>>
      tpu.wait_indirect_dma semaphore(%arg12 : memref<!tpu.dma_semaphore, #tpu.memory_space<semaphore_mem>>) src(%dma_wait3A_177 : memref<128x64xf32, #tpu.memory_space<vmem>>) dst(%dma_wait3A_183 : memref<25160x64xf32, #tpu.memory_space<vmem_shared>>)
      %dma_start3A_184 = arith.constant 4 : i32
      %dma_start3A_185 = arith.constant 1 : i32
      %dma_start3A_186 = arith.constant 0 : i32
      %dma_start3A_187 = arith.constant 0 : i32
      %dma_start3A_188 = tpu.memref_slice %arg9[%dma_start3A_185, %dma_start3A_186, %dma_start3A_187] : memref<3x128x64xf32, #tpu.memory_space<vmem>> -> memref<1x128x64xf32, #tpu.memory_space<vmem>>
      %dma_start3A_189 = tpu.memref_squeeze %dma_start3A_188 : memref<1x128x64xf32, #tpu.memory_space<vmem>> -> memref<128x64xf32, #tpu.memory_space<vmem>>
      %dma_start3A_190 = arith.constant 0 : i32
      %dma_start3A_191 = tpu.memref_slice %arg7[%dma_start3A_184, %dma_start3A_190] : memref<12x128xi32, #tpu.memory_space<vmem>> -> memref<1x128xi32, #tpu.memory_space<vmem>>
      %dma_start3A_192 = tpu.memref_squeeze %dma_start3A_191 : memref<1x128xi32, #tpu.memory_space<vmem>> -> memref<128xi32, #tpu.memory_space<vmem>>
      %dma_start3A_193 = arith.constant 0 : i32
      %dma_start3A_194 = arith.constant 0 : i32
      %dma_start3A_195 = tpu.memref_slice %arg2[%dma_start3A_193, %dma_start3A_194] : memref<50048x64xf32, #tpu.memory_space<hbm>> -> memref<50048x64xf32, #tpu.memory_space<hbm>>
      tpu.enqueue_indirect_dma source(%dma_start3A_195 : memref<50048x64xf32, #tpu.memory_space<hbm>>) target(%dma_start3A_189 : memref<128x64xf32, #tpu.memory_space<vmem>>) offsets(%dma_start3A_192 : memref<128xi32, #tpu.memory_space<vmem>>) semaphore(%arg11 : memref<!tpu.dma_semaphore, #tpu.memory_space<semaphore_mem>>)
      %dma_wait3A_196 = arith.constant 3 : i32
      %dma_wait3A_197 = arith.constant 0 : i32
      %dma_wait3A_198 = arith.constant 0 : i32
      %dma_wait3A_199 = arith.constant 0 : i32
      %dma_wait3A_200 = tpu.memref_slice %arg9[%dma_wait3A_197, %dma_wait3A_198, %dma_wait3A_199] : memref<3x128x64xf32, #tpu.memory_space<vmem>> -> memref<1x128x64xf32, #tpu.memory_space<vmem>>
      %dma_wait3A_201 = tpu.memref_squeeze %dma_wait3A_200 : memref<1x128x64xf32, #tpu.memory_space<vmem>> -> memref<128x64xf32, #tpu.memory_space<vmem>>
      %dma_wait3A_202 = arith.constant 0 : i32
      %dma_wait3A_203 = tpu.memref_slice %arg7[%dma_wait3A_196, %dma_wait3A_202] : memref<12x128xi32, #tpu.memory_space<vmem>> -> memref<1x128xi32, #tpu.memory_space<vmem>>
      %dma_wait3A_204 = tpu.memref_squeeze %dma_wait3A_203 : memref<1x128xi32, #tpu.memory_space<vmem>> -> memref<128xi32, #tpu.memory_space<vmem>>
      %dma_wait3A_205 = arith.constant 0 : i32
      %dma_wait3A_206 = arith.constant 0 : i32
      %dma_wait3A_207 = tpu.memref_slice %arg2[%dma_wait3A_205, %dma_wait3A_206] : memref<50048x64xf32, #tpu.memory_space<hbm>> -> memref<50048x64xf32, #tpu.memory_space<hbm>>
      tpu.wait_indirect_dma semaphore(%arg11 : memref<!tpu.dma_semaphore, #tpu.memory_space<semaphore_mem>>) src(%dma_wait3A_207 : memref<50048x64xf32, #tpu.memory_space<hbm>>) dst(%dma_wait3A_201 : memref<128x64xf32, #tpu.memory_space<vmem>>)
      %dma_start3A_208 = arith.constant 0 : i32
      %dma_start3A_209 = arith.constant 3 : i32
      %dma_start3A_210 = arith.constant 0 : i32
      %dma_start3A_211 = arith.constant 0 : i32
      %dma_start3A_212 = tpu.memref_slice %arg9[%dma_start3A_208, %dma_start3A_210, %dma_start3A_211] : memref<3x128x64xf32, #tpu.memory_space<vmem>> -> memref<1x128x64xf32, #tpu.memory_space<vmem>>
      %dma_start3A_213 = tpu.memref_squeeze %dma_start3A_212 : memref<1x128x64xf32, #tpu.memory_space<vmem>> -> memref<128x64xf32, #tpu.memory_space<vmem>>
      %dma_start3A_214 = arith.constant 0 : i32
      %dma_start3A_215 = tpu.memref_slice %arg8[%dma_start3A_209, %dma_start3A_214] : memref<12x128xi32, #tpu.memory_space<vmem>> -> memref<1x128xi32, #tpu.memory_space<vmem>>
      %dma_start3A_216 = tpu.memref_squeeze %dma_start3A_215 : memref<1x128xi32, #tpu.memory_space<vmem>> -> memref<128xi32, #tpu.memory_space<vmem>>
      %dma_start3A_217 = arith.constant 0 : i32
      %dma_start3A_218 = arith.constant 0 : i32
      %dma_start3A_219 = tpu.memref_slice %arg10[%dma_start3A_217, %dma_start3A_218] : memref<25160x64xf32, #tpu.memory_space<vmem_shared>> -> memref<25160x64xf32, #tpu.memory_space<vmem_shared>>
      tpu.enqueue_indirect_dma source(%dma_start3A_213 : memref<128x64xf32, #tpu.memory_space<vmem>>) target(%dma_start3A_219 : memref<25160x64xf32, #tpu.memory_space<vmem_shared>>) offsets(%dma_start3A_216 : memref<128xi32, #tpu.memory_space<vmem>>) semaphore(%arg12 : memref<!tpu.dma_semaphore, #tpu.memory_space<semaphore_mem>>) {add = true}
      %dma_wait3A_220 = arith.constant 2 : i32
      %dma_wait3A_221 = arith.constant 2 : i32
      %dma_wait3A_222 = arith.constant 0 : i32
      %dma_wait3A_223 = arith.constant 0 : i32
      %dma_wait3A_224 = tpu.memref_slice %arg9[%dma_wait3A_220, %dma_wait3A_222, %dma_wait3A_223] : memref<3x128x64xf32, #tpu.memory_space<vmem>> -> memref<1x128x64xf32, #tpu.memory_space<vmem>>
      %dma_wait3A_225 = tpu.memref_squeeze %dma_wait3A_224 : memref<1x128x64xf32, #tpu.memory_space<vmem>> -> memref<128x64xf32, #tpu.memory_space<vmem>>
      %dma_wait3A_226 = arith.constant 0 : i32
      %dma_wait3A_227 = tpu.memref_slice %arg8[%dma_wait3A_221, %dma_wait3A_226] : memref<12x128xi32, #tpu.memory_space<vmem>> -> memref<1x128xi32, #tpu.memory_space<vmem>>
      %dma_wait3A_228 = tpu.memref_squeeze %dma_wait3A_227 : memref<1x128xi32, #tpu.memory_space<vmem>> -> memref<128xi32, #tpu.memory_space<vmem>>
      %dma_wait3A_229 = arith.constant 0 : i32
      %dma_wait3A_230 = arith.constant 0 : i32
      %dma_wait3A_231 = tpu.memref_slice %arg10[%dma_wait3A_229, %dma_wait3A_230] : memref<25160x64xf32, #tpu.memory_space<vmem_shared>> -> memref<25160x64xf32, #tpu.memory_space<vmem_shared>>
      tpu.wait_indirect_dma semaphore(%arg12 : memref<!tpu.dma_semaphore, #tpu.memory_space<semaphore_mem>>) src(%dma_wait3A_225 : memref<128x64xf32, #tpu.memory_space<vmem>>) dst(%dma_wait3A_231 : memref<25160x64xf32, #tpu.memory_space<vmem_shared>>)
      %dma_start3A_232 = arith.constant 5 : i32
      %dma_start3A_233 = arith.constant 2 : i32
      %dma_start3A_234 = arith.constant 0 : i32
      %dma_start3A_235 = arith.constant 0 : i32
      %dma_start3A_236 = tpu.memref_slice %arg9[%dma_start3A_233, %dma_start3A_234, %dma_start3A_235] : memref<3x128x64xf32, #tpu.memory_space<vmem>> -> memref<1x128x64xf32, #tpu.memory_space<vmem>>
      %dma_start3A_237 = tpu.memref_squeeze %dma_start3A_236 : memref<1x128x64xf32, #tpu.memory_space<vmem>> -> memref<128x64xf32, #tpu.memory_space<vmem>>
      %dma_start3A_238 = arith.constant 0 : i32
      %dma_start3A_239 = tpu.memref_slice %arg7[%dma_start3A_232, %dma_start3A_238] : memref<12x128xi32, #tpu.memory_space<vmem>> -> memref<1x128xi32, #tpu.memory_space<vmem>>
      %dma_start3A_240 = tpu.memref_squeeze %dma_start3A_239 : memref<1x128xi32, #tpu.memory_space<vmem>> -> memref<128xi32, #tpu.memory_space<vmem>>
      %dma_start3A_241 = arith.constant 0 : i32
      %dma_start3A_242 = arith.constant 0 : i32
      %dma_start3A_243 = tpu.memref_slice %arg2[%dma_start3A_241, %dma_start3A_242] : memref<50048x64xf32, #tpu.memory_space<hbm>> -> memref<50048x64xf32, #tpu.memory_space<hbm>>
      tpu.enqueue_indirect_dma source(%dma_start3A_243 : memref<50048x64xf32, #tpu.memory_space<hbm>>) target(%dma_start3A_237 : memref<128x64xf32, #tpu.memory_space<vmem>>) offsets(%dma_start3A_240 : memref<128xi32, #tpu.memory_space<vmem>>) semaphore(%arg11 : memref<!tpu.dma_semaphore, #tpu.memory_space<semaphore_mem>>)
      %dma_wait3A_244 = arith.constant 4 : i32
      %dma_wait3A_245 = arith.constant 1 : i32
      %dma_wait3A_246 = arith.constant 0 : i32
      %dma_wait3A_247 = arith.constant 0 : i32
      %dma_wait3A_248 = tpu.memref_slice %arg9[%dma_wait3A_245, %dma_wait3A_246, %dma_wait3A_247] : memref<3x128x64xf32, #tpu.memory_space<vmem>> -> memref<1x128x64xf32, #tpu.memory_space<vmem>>
      %dma_wait3A_249 = tpu.memref_squeeze %dma_wait3A_248 : memref<1x128x64xf32, #tpu.memory_space<vmem>> -> memref<128x64xf32, #tpu.memory_space<vmem>>
      %dma_wait3A_250 = arith.constant 0 : i32
      %dma_wait3A_251 = tpu.memref_slice %arg7[%dma_wait3A_244, %dma_wait3A_250] : memref<12x128xi32, #tpu.memory_space<vmem>> -> memref<1x128xi32, #tpu.memory_space<vmem>>
      %dma_wait3A_252 = tpu.memref_squeeze %dma_wait3A_251 : memref<1x128xi32, #tpu.memory_space<vmem>> -> memref<128xi32, #tpu.memory_space<vmem>>
      %dma_wait3A_253 = arith.constant 0 : i32
      %dma_wait3A_254 = arith.constant 0 : i32
      %dma_wait3A_255 = tpu.memref_slice %arg2[%dma_wait3A_253, %dma_wait3A_254] : memref<50048x64xf32, #tpu.memory_space<hbm>> -> memref<50048x64xf32, #tpu.memory_space<hbm>>
      tpu.wait_indirect_dma semaphore(%arg11 : memref<!tpu.dma_semaphore, #tpu.memory_space<semaphore_mem>>) src(%dma_wait3A_255 : memref<50048x64xf32, #tpu.memory_space<hbm>>) dst(%dma_wait3A_249 : memref<128x64xf32, #tpu.memory_space<vmem>>)
      %dma_start3A_256 = arith.constant 1 : i32
      %dma_start3A_257 = arith.constant 4 : i32
      %dma_start3A_258 = arith.constant 0 : i32
      %dma_start3A_259 = arith.constant 0 : i32
      %dma_start3A_260 = tpu.memref_slice %arg9[%dma_start3A_256, %dma_start3A_258, %dma_start3A_259] : memref<3x128x64xf32, #tpu.memory_space<vmem>> -> memref<1x128x64xf32, #tpu.memory_space<vmem>>
      %dma_start3A_261 = tpu.memref_squeeze %dma_start3A_260 : memref<1x128x64xf32, #tpu.memory_space<vmem>> -> memref<128x64xf32, #tpu.memory_space<vmem>>
      %dma_start3A_262 = arith.constant 0 : i32
      %dma_start3A_263 = tpu.memref_slice %arg8[%dma_start3A_257, %dma_start3A_262] : memref<12x128xi32, #tpu.memory_space<vmem>> -> memref<1x128xi32, #tpu.memory_space<vmem>>
      %dma_start3A_264 = tpu.memref_squeeze %dma_start3A_263 : memref<1x128xi32, #tpu.memory_space<vmem>> -> memref<128xi32, #tpu.memory_space<vmem>>
      %dma_start3A_265 = arith.constant 0 : i32
      %dma_start3A_266 = arith.constant 0 : i32
      %dma_start3A_267 = tpu.memref_slice %arg10[%dma_start3A_265, %dma_start3A_266] : memref<25160x64xf32, #tpu.memory_space<vmem_shared>> -> memref<25160x64xf32, #tpu.memory_space<vmem_shared>>
      tpu.enqueue_indirect_dma source(%dma_start3A_261 : memref<128x64xf32, #tpu.memory_space<vmem>>) target(%dma_start3A_267 : memref<25160x64xf32, #tpu.memory_space<vmem_shared>>) offsets(%dma_start3A_264 : memref<128xi32, #tpu.memory_space<vmem>>) semaphore(%arg12 : memref<!tpu.dma_semaphore, #tpu.memory_space<semaphore_mem>>) {add = true}
      %dma_wait3A_268 = arith.constant 0 : i32
      %dma_wait3A_269 = arith.constant 3 : i32
      %dma_wait3A_270 = arith.constant 0 : i32
      %dma_wait3A_271 = arith.constant 0 : i32
      %dma_wait3A_272 = tpu.memref_slice %arg9[%dma_wait3A_268, %dma_wait3A_270, %dma_wait3A_271] : memref<3x128x64xf32, #tpu.memory_space<vmem>> -> memref<1x128x64xf32, #tpu.memory_space<vmem>>
      %dma_wait3A_273 = tpu.memref_squeeze %dma_wait3A_272 : memref<1x128x64xf32, #tpu.memory_space<vmem>> -> memref<128x64xf32, #tpu.memory_space<vmem>>
      %dma_wait3A_274 = arith.constant 0 : i32
      %dma_wait3A_275 = tpu.memref_slice %arg8[%dma_wait3A_269, %dma_wait3A_274] : memref<12x128xi32, #tpu.memory_space<vmem>> -> memref<1x128xi32, #tpu.memory_space<vmem>>
      %dma_wait3A_276 = tpu.memref_squeeze %dma_wait3A_275 : memref<1x128xi32, #tpu.memory_space<vmem>> -> memref<128xi32, #tpu.memory_space<vmem>>
      %dma_wait3A_277 = arith.constant 0 : i32
      %dma_wait3A_278 = arith.constant 0 : i32
      %dma_wait3A_279 = tpu.memref_slice %arg10[%dma_wait3A_277, %dma_wait3A_278] : memref<25160x64xf32, #tpu.memory_space<vmem_shared>> -> memref<25160x64xf32, #tpu.memory_space<vmem_shared>>
      tpu.wait_indirect_dma semaphore(%arg12 : memref<!tpu.dma_semaphore, #tpu.memory_space<semaphore_mem>>) src(%dma_wait3A_273 : memref<128x64xf32, #tpu.memory_space<vmem>>) dst(%dma_wait3A_279 : memref<25160x64xf32, #tpu.memory_space<vmem_shared>>)
      %dma_start3A_280 = arith.constant 6 : i32
      %dma_start3A_281 = arith.constant 0 : i32
      %dma_start3A_282 = arith.constant 0 : i32
      %dma_start3A_283 = arith.constant 0 : i32
      %dma_start3A_284 = tpu.memref_slice %arg9[%dma_start3A_281, %dma_start3A_282, %dma_start3A_283] : memref<3x128x64xf32, #tpu.memory_space<vmem>> -> memref<1x128x64xf32, #tpu.memory_space<vmem>>
      %dma_start3A_285 = tpu.memref_squeeze %dma_start3A_284 : memref<1x128x64xf32, #tpu.memory_space<vmem>> -> memref<128x64xf32, #tpu.memory_space<vmem>>
      %dma_start3A_286 = arith.constant 0 : i32
      %dma_start3A_287 = tpu.memref_slice %arg7[%dma_start3A_280, %dma_start3A_286] : memref<12x128xi32, #tpu.memory_space<vmem>> -> memref<1x128xi32, #tpu.memory_space<vmem>>
      %dma_start3A_288 = tpu.memref_squeeze %dma_start3A_287 : memref<1x128xi32, #tpu.memory_space<vmem>> -> memref<128xi32, #tpu.memory_space<vmem>>
      %dma_start3A_289 = arith.constant 0 : i32
      %dma_start3A_290 = arith.constant 0 : i32
      %dma_start3A_291 = tpu.memref_slice %arg2[%dma_start3A_289, %dma_start3A_290] : memref<50048x64xf32, #tpu.memory_space<hbm>> -> memref<50048x64xf32, #tpu.memory_space<hbm>>
      tpu.enqueue_indirect_dma source(%dma_start3A_291 : memref<50048x64xf32, #tpu.memory_space<hbm>>) target(%dma_start3A_285 : memref<128x64xf32, #tpu.memory_space<vmem>>) offsets(%dma_start3A_288 : memref<128xi32, #tpu.memory_space<vmem>>) semaphore(%arg11 : memref<!tpu.dma_semaphore, #tpu.memory_space<semaphore_mem>>)
      %dma_wait3A_292 = arith.constant 5 : i32
      %dma_wait3A_293 = arith.constant 2 : i32
      %dma_wait3A_294 = arith.constant 0 : i32
      %dma_wait3A_295 = arith.constant 0 : i32
      %dma_wait3A_296 = tpu.memref_slice %arg9[%dma_wait3A_293, %dma_wait3A_294, %dma_wait3A_295] : memref<3x128x64xf32, #tpu.memory_space<vmem>> -> memref<1x128x64xf32, #tpu.memory_space<vmem>>
      %dma_wait3A_297 = tpu.memref_squeeze %dma_wait3A_296 : memref<1x128x64xf32, #tpu.memory_space<vmem>> -> memref<128x64xf32, #tpu.memory_space<vmem>>
      %dma_wait3A_298 = arith.constant 0 : i32
      %dma_wait3A_299 = tpu.memref_slice %arg7[%dma_wait3A_292, %dma_wait3A_298] : memref<12x128xi32, #tpu.memory_space<vmem>> -> memref<1x128xi32, #tpu.memory_space<vmem>>
      %dma_wait3A_300 = tpu.memref_squeeze %dma_wait3A_299 : memref<1x128xi32, #tpu.memory_space<vmem>> -> memref<128xi32, #tpu.memory_space<vmem>>
      %dma_wait3A_301 = arith.constant 0 : i32
      %dma_wait3A_302 = arith.constant 0 : i32
      %dma_wait3A_303 = tpu.memref_slice %arg2[%dma_wait3A_301, %dma_wait3A_302] : memref<50048x64xf32, #tpu.memory_space<hbm>> -> memref<50048x64xf32, #tpu.memory_space<hbm>>
      tpu.wait_indirect_dma semaphore(%arg11 : memref<!tpu.dma_semaphore, #tpu.memory_space<semaphore_mem>>) src(%dma_wait3A_303 : memref<50048x64xf32, #tpu.memory_space<hbm>>) dst(%dma_wait3A_297 : memref<128x64xf32, #tpu.memory_space<vmem>>)
      %dma_start3A_304 = arith.constant 2 : i32
      %dma_start3A_305 = arith.constant 5 : i32
      %dma_start3A_306 = arith.constant 0 : i32
      %dma_start3A_307 = arith.constant 0 : i32
      %dma_start3A_308 = tpu.memref_slice %arg9[%dma_start3A_304, %dma_start3A_306, %dma_start3A_307] : memref<3x128x64xf32, #tpu.memory_space<vmem>> -> memref<1x128x64xf32, #tpu.memory_space<vmem>>
      %dma_start3A_309 = tpu.memref_squeeze %dma_start3A_308 : memref<1x128x64xf32, #tpu.memory_space<vmem>> -> memref<128x64xf32, #tpu.memory_space<vmem>>
      %dma_start3A_310 = arith.constant 0 : i32
      %dma_start3A_311 = tpu.memref_slice %arg8[%dma_start3A_305, %dma_start3A_310] : memref<12x128xi32, #tpu.memory_space<vmem>> -> memref<1x128xi32, #tpu.memory_space<vmem>>
      %dma_start3A_312 = tpu.memref_squeeze %dma_start3A_311 : memref<1x128xi32, #tpu.memory_space<vmem>> -> memref<128xi32, #tpu.memory_space<vmem>>
      %dma_start3A_313 = arith.constant 0 : i32
      %dma_start3A_314 = arith.constant 0 : i32
      %dma_start3A_315 = tpu.memref_slice %arg10[%dma_start3A_313, %dma_start3A_314] : memref<25160x64xf32, #tpu.memory_space<vmem_shared>> -> memref<25160x64xf32, #tpu.memory_space<vmem_shared>>
      tpu.enqueue_indirect_dma source(%dma_start3A_309 : memref<128x64xf32, #tpu.memory_space<vmem>>) target(%dma_start3A_315 : memref<25160x64xf32, #tpu.memory_space<vmem_shared>>) offsets(%dma_start3A_312 : memref<128xi32, #tpu.memory_space<vmem>>) semaphore(%arg12 : memref<!tpu.dma_semaphore, #tpu.memory_space<semaphore_mem>>) {add = true}
      %dma_wait3A_316 = arith.constant 1 : i32
      %dma_wait3A_317 = arith.constant 4 : i32
      %dma_wait3A_318 = arith.constant 0 : i32
      %dma_wait3A_319 = arith.constant 0 : i32
      %dma_wait3A_320 = tpu.memref_slice %arg9[%dma_wait3A_316, %dma_wait3A_318, %dma_wait3A_319] : memref<3x128x64xf32, #tpu.memory_space<vmem>> -> memref<1x128x64xf32, #tpu.memory_space<vmem>>
      %dma_wait3A_321 = tpu.memref_squeeze %dma_wait3A_320 : memref<1x128x64xf32, #tpu.memory_space<vmem>> -> memref<128x64xf32, #tpu.memory_space<vmem>>
      %dma_wait3A_322 = arith.constant 0 : i32
      %dma_wait3A_323 = tpu.memref_slice %arg8[%dma_wait3A_317, %dma_wait3A_322] : memref<12x128xi32, #tpu.memory_space<vmem>> -> memref<1x128xi32, #tpu.memory_space<vmem>>
      %dma_wait3A_324 = tpu.memref_squeeze %dma_wait3A_323 : memref<1x128xi32, #tpu.memory_space<vmem>> -> memref<128xi32, #tpu.memory_space<vmem>>
      %dma_wait3A_325 = arith.constant 0 : i32
      %dma_wait3A_326 = arith.constant 0 : i32
      %dma_wait3A_327 = tpu.memref_slice %arg10[%dma_wait3A_325, %dma_wait3A_326] : memref<25160x64xf32, #tpu.memory_space<vmem_shared>> -> memref<25160x64xf32, #tpu.memory_space<vmem_shared>>
      tpu.wait_indirect_dma semaphore(%arg12 : memref<!tpu.dma_semaphore, #tpu.memory_space<semaphore_mem>>) src(%dma_wait3A_321 : memref<128x64xf32, #tpu.memory_space<vmem>>) dst(%dma_wait3A_327 : memref<25160x64xf32, #tpu.memory_space<vmem_shared>>)
      %dma_start3A_328 = arith.constant 7 : i32
      %dma_start3A_329 = arith.constant 1 : i32
      %dma_start3A_330 = arith.constant 0 : i32
      %dma_start3A_331 = arith.constant 0 : i32
      %dma_start3A_332 = tpu.memref_slice %arg9[%dma_start3A_329, %dma_start3A_330, %dma_start3A_331] : memref<3x128x64xf32, #tpu.memory_space<vmem>> -> memref<1x128x64xf32, #tpu.memory_space<vmem>>
      %dma_start3A_333 = tpu.memref_squeeze %dma_start3A_332 : memref<1x128x64xf32, #tpu.memory_space<vmem>> -> memref<128x64xf32, #tpu.memory_space<vmem>>
      %dma_start3A_334 = arith.constant 0 : i32
      %dma_start3A_335 = tpu.memref_slice %arg7[%dma_start3A_328, %dma_start3A_334] : memref<12x128xi32, #tpu.memory_space<vmem>> -> memref<1x128xi32, #tpu.memory_space<vmem>>
      %dma_start3A_336 = tpu.memref_squeeze %dma_start3A_335 : memref<1x128xi32, #tpu.memory_space<vmem>> -> memref<128xi32, #tpu.memory_space<vmem>>
      %dma_start3A_337 = arith.constant 0 : i32
      %dma_start3A_338 = arith.constant 0 : i32
      %dma_start3A_339 = tpu.memref_slice %arg2[%dma_start3A_337, %dma_start3A_338] : memref<50048x64xf32, #tpu.memory_space<hbm>> -> memref<50048x64xf32, #tpu.memory_space<hbm>>
      tpu.enqueue_indirect_dma source(%dma_start3A_339 : memref<50048x64xf32, #tpu.memory_space<hbm>>) target(%dma_start3A_333 : memref<128x64xf32, #tpu.memory_space<vmem>>) offsets(%dma_start3A_336 : memref<128xi32, #tpu.memory_space<vmem>>) semaphore(%arg11 : memref<!tpu.dma_semaphore, #tpu.memory_space<semaphore_mem>>)
      %dma_wait3A_340 = arith.constant 6 : i32
      %dma_wait3A_341 = arith.constant 0 : i32
      %dma_wait3A_342 = arith.constant 0 : i32
      %dma_wait3A_343 = arith.constant 0 : i32
      %dma_wait3A_344 = tpu.memref_slice %arg9[%dma_wait3A_341, %dma_wait3A_342, %dma_wait3A_343] : memref<3x128x64xf32, #tpu.memory_space<vmem>> -> memref<1x128x64xf32, #tpu.memory_space<vmem>>
      %dma_wait3A_345 = tpu.memref_squeeze %dma_wait3A_344 : memref<1x128x64xf32, #tpu.memory_space<vmem>> -> memref<128x64xf32, #tpu.memory_space<vmem>>
      %dma_wait3A_346 = arith.constant 0 : i32
      %dma_wait3A_347 = tpu.memref_slice %arg7[%dma_wait3A_340, %dma_wait3A_346] : memref<12x128xi32, #tpu.memory_space<vmem>> -> memref<1x128xi32, #tpu.memory_space<vmem>>
      %dma_wait3A_348 = tpu.memref_squeeze %dma_wait3A_347 : memref<1x128xi32, #tpu.memory_space<vmem>> -> memref<128xi32, #tpu.memory_space<vmem>>
      %dma_wait3A_349 = arith.constant 0 : i32
      %dma_wait3A_350 = arith.constant 0 : i32
      %dma_wait3A_351 = tpu.memref_slice %arg2[%dma_wait3A_349, %dma_wait3A_350] : memref<50048x64xf32, #tpu.memory_space<hbm>> -> memref<50048x64xf32, #tpu.memory_space<hbm>>
      tpu.wait_indirect_dma semaphore(%arg11 : memref<!tpu.dma_semaphore, #tpu.memory_space<semaphore_mem>>) src(%dma_wait3A_351 : memref<50048x64xf32, #tpu.memory_space<hbm>>) dst(%dma_wait3A_345 : memref<128x64xf32, #tpu.memory_space<vmem>>)
      %dma_start3A_352 = arith.constant 0 : i32
      %dma_start3A_353 = arith.constant 6 : i32
      %dma_start3A_354 = arith.constant 0 : i32
      %dma_start3A_355 = arith.constant 0 : i32
      %dma_start3A_356 = tpu.memref_slice %arg9[%dma_start3A_352, %dma_start3A_354, %dma_start3A_355] : memref<3x128x64xf32, #tpu.memory_space<vmem>> -> memref<1x128x64xf32, #tpu.memory_space<vmem>>
      %dma_start3A_357 = tpu.memref_squeeze %dma_start3A_356 : memref<1x128x64xf32, #tpu.memory_space<vmem>> -> memref<128x64xf32, #tpu.memory_space<vmem>>
      %dma_start3A_358 = arith.constant 0 : i32
      %dma_start3A_359 = tpu.memref_slice %arg8[%dma_start3A_353, %dma_start3A_358] : memref<12x128xi32, #tpu.memory_space<vmem>> -> memref<1x128xi32, #tpu.memory_space<vmem>>
      %dma_start3A_360 = tpu.memref_squeeze %dma_start3A_359 : memref<1x128xi32, #tpu.memory_space<vmem>> -> memref<128xi32, #tpu.memory_space<vmem>>
      %dma_start3A_361 = arith.constant 0 : i32
      %dma_start3A_362 = arith.constant 0 : i32
      %dma_start3A_363 = tpu.memref_slice %arg10[%dma_start3A_361, %dma_start3A_362] : memref<25160x64xf32, #tpu.memory_space<vmem_shared>> -> memref<25160x64xf32, #tpu.memory_space<vmem_shared>>
      tpu.enqueue_indirect_dma source(%dma_start3A_357 : memref<128x64xf32, #tpu.memory_space<vmem>>) target(%dma_start3A_363 : memref<25160x64xf32, #tpu.memory_space<vmem_shared>>) offsets(%dma_start3A_360 : memref<128xi32, #tpu.memory_space<vmem>>) semaphore(%arg12 : memref<!tpu.dma_semaphore, #tpu.memory_space<semaphore_mem>>) {add = true}
      %dma_wait3A_364 = arith.constant 2 : i32
      %dma_wait3A_365 = arith.constant 5 : i32
      %dma_wait3A_366 = arith.constant 0 : i32
      %dma_wait3A_367 = arith.constant 0 : i32
      %dma_wait3A_368 = tpu.memref_slice %arg9[%dma_wait3A_364, %dma_wait3A_366, %dma_wait3A_367] : memref<3x128x64xf32, #tpu.memory_space<vmem>> -> memref<1x128x64xf32, #tpu.memory_space<vmem>>
      %dma_wait3A_369 = tpu.memref_squeeze %dma_wait3A_368 : memref<1x128x64xf32, #tpu.memory_space<vmem>> -> memref<128x64xf32, #tpu.memory_space<vmem>>
      %dma_wait3A_370 = arith.constant 0 : i32
      %dma_wait3A_371 = tpu.memref_slice %arg8[%dma_wait3A_365, %dma_wait3A_370] : memref<12x128xi32, #tpu.memory_space<vmem>> -> memref<1x128xi32, #tpu.memory_space<vmem>>
      %dma_wait3A_372 = tpu.memref_squeeze %dma_wait3A_371 : memref<1x128xi32, #tpu.memory_space<vmem>> -> memref<128xi32, #tpu.memory_space<vmem>>
      %dma_wait3A_373 = arith.constant 0 : i32
      %dma_wait3A_374 = arith.constant 0 : i32
      %dma_wait3A_375 = tpu.memref_slice %arg10[%dma_wait3A_373, %dma_wait3A_374] : memref<25160x64xf32, #tpu.memory_space<vmem_shared>> -> memref<25160x64xf32, #tpu.memory_space<vmem_shared>>
      tpu.wait_indirect_dma semaphore(%arg12 : memref<!tpu.dma_semaphore, #tpu.memory_space<semaphore_mem>>) src(%dma_wait3A_369 : memref<128x64xf32, #tpu.memory_space<vmem>>) dst(%dma_wait3A_375 : memref<25160x64xf32, #tpu.memory_space<vmem_shared>>)
      %dma_start3A_376 = arith.constant 8 : i32
      %dma_start3A_377 = arith.constant 2 : i32
      %dma_start3A_378 = arith.constant 0 : i32
      %dma_start3A_379 = arith.constant 0 : i32
      %dma_start3A_380 = tpu.memref_slice %arg9[%dma_start3A_377, %dma_start3A_378, %dma_start3A_379] : memref<3x128x64xf32, #tpu.memory_space<vmem>> -> memref<1x128x64xf32, #tpu.memory_space<vmem>>
      %dma_start3A_381 = tpu.memref_squeeze %dma_start3A_380 : memref<1x128x64xf32, #tpu.memory_space<vmem>> -> memref<128x64xf32, #tpu.memory_space<vmem>>
      %dma_start3A_382 = arith.constant 0 : i32
      %dma_start3A_383 = tpu.memref_slice %arg7[%dma_start3A_376, %dma_start3A_382] : memref<12x128xi32, #tpu.memory_space<vmem>> -> memref<1x128xi32, #tpu.memory_space<vmem>>
      %dma_start3A_384 = tpu.memref_squeeze %dma_start3A_383 : memref<1x128xi32, #tpu.memory_space<vmem>> -> memref<128xi32, #tpu.memory_space<vmem>>
      %dma_start3A_385 = arith.constant 0 : i32
      %dma_start3A_386 = arith.constant 0 : i32
      %dma_start3A_387 = tpu.memref_slice %arg2[%dma_start3A_385, %dma_start3A_386] : memref<50048x64xf32, #tpu.memory_space<hbm>> -> memref<50048x64xf32, #tpu.memory_space<hbm>>
      tpu.enqueue_indirect_dma source(%dma_start3A_387 : memref<50048x64xf32, #tpu.memory_space<hbm>>) target(%dma_start3A_381 : memref<128x64xf32, #tpu.memory_space<vmem>>) offsets(%dma_start3A_384 : memref<128xi32, #tpu.memory_space<vmem>>) semaphore(%arg11 : memref<!tpu.dma_semaphore, #tpu.memory_space<semaphore_mem>>)
      %dma_wait3A_388 = arith.constant 7 : i32
      %dma_wait3A_389 = arith.constant 1 : i32
      %dma_wait3A_390 = arith.constant 0 : i32
      %dma_wait3A_391 = arith.constant 0 : i32
      %dma_wait3A_392 = tpu.memref_slice %arg9[%dma_wait3A_389, %dma_wait3A_390, %dma_wait3A_391] : memref<3x128x64xf32, #tpu.memory_space<vmem>> -> memref<1x128x64xf32, #tpu.memory_space<vmem>>
      %dma_wait3A_393 = tpu.memref_squeeze %dma_wait3A_392 : memref<1x128x64xf32, #tpu.memory_space<vmem>> -> memref<128x64xf32, #tpu.memory_space<vmem>>
      %dma_wait3A_394 = arith.constant 0 : i32
      %dma_wait3A_395 = tpu.memref_slice %arg7[%dma_wait3A_388, %dma_wait3A_394] : memref<12x128xi32, #tpu.memory_space<vmem>> -> memref<1x128xi32, #tpu.memory_space<vmem>>
      %dma_wait3A_396 = tpu.memref_squeeze %dma_wait3A_395 : memref<1x128xi32, #tpu.memory_space<vmem>> -> memref<128xi32, #tpu.memory_space<vmem>>
      %dma_wait3A_397 = arith.constant 0 : i32
      %dma_wait3A_398 = arith.constant 0 : i32
      %dma_wait3A_399 = tpu.memref_slice %arg2[%dma_wait3A_397, %dma_wait3A_398] : memref<50048x64xf32, #tpu.memory_space<hbm>> -> memref<50048x64xf32, #tpu.memory_space<hbm>>
      tpu.wait_indirect_dma semaphore(%arg11 : memref<!tpu.dma_semaphore, #tpu.memory_space<semaphore_mem>>) src(%dma_wait3A_399 : memref<50048x64xf32, #tpu.memory_space<hbm>>) dst(%dma_wait3A_393 : memref<128x64xf32, #tpu.memory_space<vmem>>)
      %dma_start3A_400 = arith.constant 1 : i32
      %dma_start3A_401 = arith.constant 7 : i32
      %dma_start3A_402 = arith.constant 0 : i32
      %dma_start3A_403 = arith.constant 0 : i32
      %dma_start3A_404 = tpu.memref_slice %arg9[%dma_start3A_400, %dma_start3A_402, %dma_start3A_403] : memref<3x128x64xf32, #tpu.memory_space<vmem>> -> memref<1x128x64xf32, #tpu.memory_space<vmem>>
      %dma_start3A_405 = tpu.memref_squeeze %dma_start3A_404 : memref<1x128x64xf32, #tpu.memory_space<vmem>> -> memref<128x64xf32, #tpu.memory_space<vmem>>
      %dma_start3A_406 = arith.constant 0 : i32
      %dma_start3A_407 = tpu.memref_slice %arg8[%dma_start3A_401, %dma_start3A_406] : memref<12x128xi32, #tpu.memory_space<vmem>> -> memref<1x128xi32, #tpu.memory_space<vmem>>
      %dma_start3A_408 = tpu.memref_squeeze %dma_start3A_407 : memref<1x128xi32, #tpu.memory_space<vmem>> -> memref<128xi32, #tpu.memory_space<vmem>>
      %dma_start3A_409 = arith.constant 0 : i32
      %dma_start3A_410 = arith.constant 0 : i32
      %dma_start3A_411 = tpu.memref_slice %arg10[%dma_start3A_409, %dma_start3A_410] : memref<25160x64xf32, #tpu.memory_space<vmem_shared>> -> memref<25160x64xf32, #tpu.memory_space<vmem_shared>>
      tpu.enqueue_indirect_dma source(%dma_start3A_405 : memref<128x64xf32, #tpu.memory_space<vmem>>) target(%dma_start3A_411 : memref<25160x64xf32, #tpu.memory_space<vmem_shared>>) offsets(%dma_start3A_408 : memref<128xi32, #tpu.memory_space<vmem>>) semaphore(%arg12 : memref<!tpu.dma_semaphore, #tpu.memory_space<semaphore_mem>>) {add = true}
      %dma_wait3A_412 = arith.constant 0 : i32
      %dma_wait3A_413 = arith.constant 6 : i32
      %dma_wait3A_414 = arith.constant 0 : i32
      %dma_wait3A_415 = arith.constant 0 : i32
      %dma_wait3A_416 = tpu.memref_slice %arg9[%dma_wait3A_412, %dma_wait3A_414, %dma_wait3A_415] : memref<3x128x64xf32, #tpu.memory_space<vmem>> -> memref<1x128x64xf32, #tpu.memory_space<vmem>>
      %dma_wait3A_417 = tpu.memref_squeeze %dma_wait3A_416 : memref<1x128x64xf32, #tpu.memory_space<vmem>> -> memref<128x64xf32, #tpu.memory_space<vmem>>
      %dma_wait3A_418 = arith.constant 0 : i32
      %dma_wait3A_419 = tpu.memref_slice %arg8[%dma_wait3A_413, %dma_wait3A_418] : memref<12x128xi32, #tpu.memory_space<vmem>> -> memref<1x128xi32, #tpu.memory_space<vmem>>
      %dma_wait3A_420 = tpu.memref_squeeze %dma_wait3A_419 : memref<1x128xi32, #tpu.memory_space<vmem>> -> memref<128xi32, #tpu.memory_space<vmem>>
      %dma_wait3A_421 = arith.constant 0 : i32
      %dma_wait3A_422 = arith.constant 0 : i32
      %dma_wait3A_423 = tpu.memref_slice %arg10[%dma_wait3A_421, %dma_wait3A_422] : memref<25160x64xf32, #tpu.memory_space<vmem_shared>> -> memref<25160x64xf32, #tpu.memory_space<vmem_shared>>
      tpu.wait_indirect_dma semaphore(%arg12 : memref<!tpu.dma_semaphore, #tpu.memory_space<semaphore_mem>>) src(%dma_wait3A_417 : memref<128x64xf32, #tpu.memory_space<vmem>>) dst(%dma_wait3A_423 : memref<25160x64xf32, #tpu.memory_space<vmem_shared>>)
      %dma_start3A_424 = arith.constant 9 : i32
      %dma_start3A_425 = arith.constant 0 : i32
      %dma_start3A_426 = arith.constant 0 : i32
      %dma_start3A_427 = arith.constant 0 : i32
      %dma_start3A_428 = tpu.memref_slice %arg9[%dma_start3A_425, %dma_start3A_426, %dma_start3A_427] : memref<3x128x64xf32, #tpu.memory_space<vmem>> -> memref<1x128x64xf32, #tpu.memory_space<vmem>>
      %dma_start3A_429 = tpu.memref_squeeze %dma_start3A_428 : memref<1x128x64xf32, #tpu.memory_space<vmem>> -> memref<128x64xf32, #tpu.memory_space<vmem>>
      %dma_start3A_430 = arith.constant 0 : i32
      %dma_start3A_431 = tpu.memref_slice %arg7[%dma_start3A_424, %dma_start3A_430] : memref<12x128xi32, #tpu.memory_space<vmem>> -> memref<1x128xi32, #tpu.memory_space<vmem>>
      %dma_start3A_432 = tpu.memref_squeeze %dma_start3A_431 : memref<1x128xi32, #tpu.memory_space<vmem>> -> memref<128xi32, #tpu.memory_space<vmem>>
      %dma_start3A_433 = arith.constant 0 : i32
      %dma_start3A_434 = arith.constant 0 : i32
      %dma_start3A_435 = tpu.memref_slice %arg2[%dma_start3A_433, %dma_start3A_434] : memref<50048x64xf32, #tpu.memory_space<hbm>> -> memref<50048x64xf32, #tpu.memory_space<hbm>>
      tpu.enqueue_indirect_dma source(%dma_start3A_435 : memref<50048x64xf32, #tpu.memory_space<hbm>>) target(%dma_start3A_429 : memref<128x64xf32, #tpu.memory_space<vmem>>) offsets(%dma_start3A_432 : memref<128xi32, #tpu.memory_space<vmem>>) semaphore(%arg11 : memref<!tpu.dma_semaphore, #tpu.memory_space<semaphore_mem>>)
      %dma_wait3A_436 = arith.constant 8 : i32
      %dma_wait3A_437 = arith.constant 2 : i32
      %dma_wait3A_438 = arith.constant 0 : i32
      %dma_wait3A_439 = arith.constant 0 : i32
      %dma_wait3A_440 = tpu.memref_slice %arg9[%dma_wait3A_437, %dma_wait3A_438, %dma_wait3A_439] : memref<3x128x64xf32, #tpu.memory_space<vmem>> -> memref<1x128x64xf32, #tpu.memory_space<vmem>>
      %dma_wait3A_441 = tpu.memref_squeeze %dma_wait3A_440 : memref<1x128x64xf32, #tpu.memory_space<vmem>> -> memref<128x64xf32, #tpu.memory_space<vmem>>
      %dma_wait3A_442 = arith.constant 0 : i32
      %dma_wait3A_443 = tpu.memref_slice %arg7[%dma_wait3A_436, %dma_wait3A_442] : memref<12x128xi32, #tpu.memory_space<vmem>> -> memref<1x128xi32, #tpu.memory_space<vmem>>
      %dma_wait3A_444 = tpu.memref_squeeze %dma_wait3A_443 : memref<1x128xi32, #tpu.memory_space<vmem>> -> memref<128xi32, #tpu.memory_space<vmem>>
      %dma_wait3A_445 = arith.constant 0 : i32
      %dma_wait3A_446 = arith.constant 0 : i32
      %dma_wait3A_447 = tpu.memref_slice %arg2[%dma_wait3A_445, %dma_wait3A_446] : memref<50048x64xf32, #tpu.memory_space<hbm>> -> memref<50048x64xf32, #tpu.memory_space<hbm>>
      tpu.wait_indirect_dma semaphore(%arg11 : memref<!tpu.dma_semaphore, #tpu.memory_space<semaphore_mem>>) src(%dma_wait3A_447 : memref<50048x64xf32, #tpu.memory_space<hbm>>) dst(%dma_wait3A_441 : memref<128x64xf32, #tpu.memory_space<vmem>>)
      %dma_start3A_448 = arith.constant 2 : i32
      %dma_start3A_449 = arith.constant 8 : i32
      %dma_start3A_450 = arith.constant 0 : i32
      %dma_start3A_451 = arith.constant 0 : i32
      %dma_start3A_452 = tpu.memref_slice %arg9[%dma_start3A_448, %dma_start3A_450, %dma_start3A_451] : memref<3x128x64xf32, #tpu.memory_space<vmem>> -> memref<1x128x64xf32, #tpu.memory_space<vmem>>
      %dma_start3A_453 = tpu.memref_squeeze %dma_start3A_452 : memref<1x128x64xf32, #tpu.memory_space<vmem>> -> memref<128x64xf32, #tpu.memory_space<vmem>>
      %dma_start3A_454 = arith.constant 0 : i32
      %dma_start3A_455 = tpu.memref_slice %arg8[%dma_start3A_449, %dma_start3A_454] : memref<12x128xi32, #tpu.memory_space<vmem>> -> memref<1x128xi32, #tpu.memory_space<vmem>>
      %dma_start3A_456 = tpu.memref_squeeze %dma_start3A_455 : memref<1x128xi32, #tpu.memory_space<vmem>> -> memref<128xi32, #tpu.memory_space<vmem>>
      %dma_start3A_457 = arith.constant 0 : i32
      %dma_start3A_458 = arith.constant 0 : i32
      %dma_start3A_459 = tpu.memref_slice %arg10[%dma_start3A_457, %dma_start3A_458] : memref<25160x64xf32, #tpu.memory_space<vmem_shared>> -> memref<25160x64xf32, #tpu.memory_space<vmem_shared>>
      tpu.enqueue_indirect_dma source(%dma_start3A_453 : memref<128x64xf32, #tpu.memory_space<vmem>>) target(%dma_start3A_459 : memref<25160x64xf32, #tpu.memory_space<vmem_shared>>) offsets(%dma_start3A_456 : memref<128xi32, #tpu.memory_space<vmem>>) semaphore(%arg12 : memref<!tpu.dma_semaphore, #tpu.memory_space<semaphore_mem>>) {add = true}
      %dma_wait3A_460 = arith.constant 1 : i32
      %dma_wait3A_461 = arith.constant 7 : i32
      %dma_wait3A_462 = arith.constant 0 : i32
      %dma_wait3A_463 = arith.constant 0 : i32
      %dma_wait3A_464 = tpu.memref_slice %arg9[%dma_wait3A_460, %dma_wait3A_462, %dma_wait3A_463] : memref<3x128x64xf32, #tpu.memory_space<vmem>> -> memref<1x128x64xf32, #tpu.memory_space<vmem>>
      %dma_wait3A_465 = tpu.memref_squeeze %dma_wait3A_464 : memref<1x128x64xf32, #tpu.memory_space<vmem>> -> memref<128x64xf32, #tpu.memory_space<vmem>>
      %dma_wait3A_466 = arith.constant 0 : i32
      %dma_wait3A_467 = tpu.memref_slice %arg8[%dma_wait3A_461, %dma_wait3A_466] : memref<12x128xi32, #tpu.memory_space<vmem>> -> memref<1x128xi32, #tpu.memory_space<vmem>>
      %dma_wait3A_468 = tpu.memref_squeeze %dma_wait3A_467 : memref<1x128xi32, #tpu.memory_space<vmem>> -> memref<128xi32, #tpu.memory_space<vmem>>
      %dma_wait3A_469 = arith.constant 0 : i32
      %dma_wait3A_470 = arith.constant 0 : i32
      %dma_wait3A_471 = tpu.memref_slice %arg10[%dma_wait3A_469, %dma_wait3A_470] : memref<25160x64xf32, #tpu.memory_space<vmem_shared>> -> memref<25160x64xf32, #tpu.memory_space<vmem_shared>>
      tpu.wait_indirect_dma semaphore(%arg12 : memref<!tpu.dma_semaphore, #tpu.memory_space<semaphore_mem>>) src(%dma_wait3A_465 : memref<128x64xf32, #tpu.memory_space<vmem>>) dst(%dma_wait3A_471 : memref<25160x64xf32, #tpu.memory_space<vmem_shared>>)
      %dma_start3A_472 = arith.constant 10 : i32
      %dma_start3A_473 = arith.constant 1 : i32
      %dma_start3A_474 = arith.constant 0 : i32
      %dma_start3A_475 = arith.constant 0 : i32
      %dma_start3A_476 = tpu.memref_slice %arg9[%dma_start3A_473, %dma_start3A_474, %dma_start3A_475] : memref<3x128x64xf32, #tpu.memory_space<vmem>> -> memref<1x128x64xf32, #tpu.memory_space<vmem>>
      %dma_start3A_477 = tpu.memref_squeeze %dma_start3A_476 : memref<1x128x64xf32, #tpu.memory_space<vmem>> -> memref<128x64xf32, #tpu.memory_space<vmem>>
      %dma_start3A_478 = arith.constant 0 : i32
      %dma_start3A_479 = tpu.memref_slice %arg7[%dma_start3A_472, %dma_start3A_478] : memref<12x128xi32, #tpu.memory_space<vmem>> -> memref<1x128xi32, #tpu.memory_space<vmem>>
      %dma_start3A_480 = tpu.memref_squeeze %dma_start3A_479 : memref<1x128xi32, #tpu.memory_space<vmem>> -> memref<128xi32, #tpu.memory_space<vmem>>
      %dma_start3A_481 = arith.constant 0 : i32
      %dma_start3A_482 = arith.constant 0 : i32
      %dma_start3A_483 = tpu.memref_slice %arg2[%dma_start3A_481, %dma_start3A_482] : memref<50048x64xf32, #tpu.memory_space<hbm>> -> memref<50048x64xf32, #tpu.memory_space<hbm>>
      tpu.enqueue_indirect_dma source(%dma_start3A_483 : memref<50048x64xf32, #tpu.memory_space<hbm>>) target(%dma_start3A_477 : memref<128x64xf32, #tpu.memory_space<vmem>>) offsets(%dma_start3A_480 : memref<128xi32, #tpu.memory_space<vmem>>) semaphore(%arg11 : memref<!tpu.dma_semaphore, #tpu.memory_space<semaphore_mem>>)
      %dma_wait3A_484 = arith.constant 9 : i32
      %dma_wait3A_485 = arith.constant 0 : i32
      %dma_wait3A_486 = arith.constant 0 : i32
      %dma_wait3A_487 = arith.constant 0 : i32
      %dma_wait3A_488 = tpu.memref_slice %arg9[%dma_wait3A_485, %dma_wait3A_486, %dma_wait3A_487] : memref<3x128x64xf32, #tpu.memory_space<vmem>> -> memref<1x128x64xf32, #tpu.memory_space<vmem>>
      %dma_wait3A_489 = tpu.memref_squeeze %dma_wait3A_488 : memref<1x128x64xf32, #tpu.memory_space<vmem>> -> memref<128x64xf32, #tpu.memory_space<vmem>>
      %dma_wait3A_490 = arith.constant 0 : i32
      %dma_wait3A_491 = tpu.memref_slice %arg7[%dma_wait3A_484, %dma_wait3A_490] : memref<12x128xi32, #tpu.memory_space<vmem>> -> memref<1x128xi32, #tpu.memory_space<vmem>>
      %dma_wait3A_492 = tpu.memref_squeeze %dma_wait3A_491 : memref<1x128xi32, #tpu.memory_space<vmem>> -> memref<128xi32, #tpu.memory_space<vmem>>
      %dma_wait3A_493 = arith.constant 0 : i32
      %dma_wait3A_494 = arith.constant 0 : i32
      %dma_wait3A_495 = tpu.memref_slice %arg2[%dma_wait3A_493, %dma_wait3A_494] : memref<50048x64xf32, #tpu.memory_space<hbm>> -> memref<50048x64xf32, #tpu.memory_space<hbm>>
      tpu.wait_indirect_dma semaphore(%arg11 : memref<!tpu.dma_semaphore, #tpu.memory_space<semaphore_mem>>) src(%dma_wait3A_495 : memref<50048x64xf32, #tpu.memory_space<hbm>>) dst(%dma_wait3A_489 : memref<128x64xf32, #tpu.memory_space<vmem>>)
      %dma_start3A_496 = arith.constant 0 : i32
      %dma_start3A_497 = arith.constant 9 : i32
      %dma_start3A_498 = arith.constant 0 : i32
      %dma_start3A_499 = arith.constant 0 : i32
      %dma_start3A_500 = tpu.memref_slice %arg9[%dma_start3A_496, %dma_start3A_498, %dma_start3A_499] : memref<3x128x64xf32, #tpu.memory_space<vmem>> -> memref<1x128x64xf32, #tpu.memory_space<vmem>>
      %dma_start3A_501 = tpu.memref_squeeze %dma_start3A_500 : memref<1x128x64xf32, #tpu.memory_space<vmem>> -> memref<128x64xf32, #tpu.memory_space<vmem>>
      %dma_start3A_502 = arith.constant 0 : i32
      %dma_start3A_503 = tpu.memref_slice %arg8[%dma_start3A_497, %dma_start3A_502] : memref<12x128xi32, #tpu.memory_space<vmem>> -> memref<1x128xi32, #tpu.memory_space<vmem>>
      %dma_start3A_504 = tpu.memref_squeeze %dma_start3A_503 : memref<1x128xi32, #tpu.memory_space<vmem>> -> memref<128xi32, #tpu.memory_space<vmem>>
      %dma_start3A_505 = arith.constant 0 : i32
      %dma_start3A_506 = arith.constant 0 : i32
      %dma_start3A_507 = tpu.memref_slice %arg10[%dma_start3A_505, %dma_start3A_506] : memref<25160x64xf32, #tpu.memory_space<vmem_shared>> -> memref<25160x64xf32, #tpu.memory_space<vmem_shared>>
      tpu.enqueue_indirect_dma source(%dma_start3A_501 : memref<128x64xf32, #tpu.memory_space<vmem>>) target(%dma_start3A_507 : memref<25160x64xf32, #tpu.memory_space<vmem_shared>>) offsets(%dma_start3A_504 : memref<128xi32, #tpu.memory_space<vmem>>) semaphore(%arg12 : memref<!tpu.dma_semaphore, #tpu.memory_space<semaphore_mem>>) {add = true}
      %dma_wait3A_508 = arith.constant 2 : i32
      %dma_wait3A_509 = arith.constant 8 : i32
      %dma_wait3A_510 = arith.constant 0 : i32
      %dma_wait3A_511 = arith.constant 0 : i32
      %dma_wait3A_512 = tpu.memref_slice %arg9[%dma_wait3A_508, %dma_wait3A_510, %dma_wait3A_511] : memref<3x128x64xf32, #tpu.memory_space<vmem>> -> memref<1x128x64xf32, #tpu.memory_space<vmem>>
      %dma_wait3A_513 = tpu.memref_squeeze %dma_wait3A_512 : memref<1x128x64xf32, #tpu.memory_space<vmem>> -> memref<128x64xf32, #tpu.memory_space<vmem>>
      %dma_wait3A_514 = arith.constant 0 : i32
      %dma_wait3A_515 = tpu.memref_slice %arg8[%dma_wait3A_509, %dma_wait3A_514] : memref<12x128xi32, #tpu.memory_space<vmem>> -> memref<1x128xi32, #tpu.memory_space<vmem>>
      %dma_wait3A_516 = tpu.memref_squeeze %dma_wait3A_515 : memref<1x128xi32, #tpu.memory_space<vmem>> -> memref<128xi32, #tpu.memory_space<vmem>>
      %dma_wait3A_517 = arith.constant 0 : i32
      %dma_wait3A_518 = arith.constant 0 : i32
      %dma_wait3A_519 = tpu.memref_slice %arg10[%dma_wait3A_517, %dma_wait3A_518] : memref<25160x64xf32, #tpu.memory_space<vmem_shared>> -> memref<25160x64xf32, #tpu.memory_space<vmem_shared>>
      tpu.wait_indirect_dma semaphore(%arg12 : memref<!tpu.dma_semaphore, #tpu.memory_space<semaphore_mem>>) src(%dma_wait3A_513 : memref<128x64xf32, #tpu.memory_space<vmem>>) dst(%dma_wait3A_519 : memref<25160x64xf32, #tpu.memory_space<vmem_shared>>)
      %dma_start3A_520 = arith.constant 11 : i32
      %dma_start3A_521 = arith.constant 2 : i32
      %dma_start3A_522 = arith.constant 0 : i32
      %dma_start3A_523 = arith.constant 0 : i32
      %dma_start3A_524 = tpu.memref_slice %arg9[%dma_start3A_521, %dma_start3A_522, %dma_start3A_523] : memref<3x128x64xf32, #tpu.memory_space<vmem>> -> memref<1x128x64xf32, #tpu.memory_space<vmem>>
      %dma_start3A_525 = tpu.memref_squeeze %dma_start3A_524 : memref<1x128x64xf32, #tpu.memory_space<vmem>> -> memref<128x64xf32, #tpu.memory_space<vmem>>
      %dma_start3A_526 = arith.constant 0 : i32
      %dma_start3A_527 = tpu.memref_slice %arg7[%dma_start3A_520, %dma_start3A_526] : memref<12x128xi32, #tpu.memory_space<vmem>> -> memref<1x128xi32, #tpu.memory_space<vmem>>
      %dma_start3A_528 = tpu.memref_squeeze %dma_start3A_527 : memref<1x128xi32, #tpu.memory_space<vmem>> -> memref<128xi32, #tpu.memory_space<vmem>>
      %dma_start3A_529 = arith.constant 0 : i32
      %dma_start3A_530 = arith.constant 0 : i32
      %dma_start3A_531 = tpu.memref_slice %arg2[%dma_start3A_529, %dma_start3A_530] : memref<50048x64xf32, #tpu.memory_space<hbm>> -> memref<50048x64xf32, #tpu.memory_space<hbm>>
      tpu.enqueue_indirect_dma source(%dma_start3A_531 : memref<50048x64xf32, #tpu.memory_space<hbm>>) target(%dma_start3A_525 : memref<128x64xf32, #tpu.memory_space<vmem>>) offsets(%dma_start3A_528 : memref<128xi32, #tpu.memory_space<vmem>>) semaphore(%arg11 : memref<!tpu.dma_semaphore, #tpu.memory_space<semaphore_mem>>)
      %dma_wait3A_532 = arith.constant 10 : i32
      %dma_wait3A_533 = arith.constant 1 : i32
      %dma_wait3A_534 = arith.constant 0 : i32
      %dma_wait3A_535 = arith.constant 0 : i32
      %dma_wait3A_536 = tpu.memref_slice %arg9[%dma_wait3A_533, %dma_wait3A_534, %dma_wait3A_535] : memref<3x128x64xf32, #tpu.memory_space<vmem>> -> memref<1x128x64xf32, #tpu.memory_space<vmem>>
      %dma_wait3A_537 = tpu.memref_squeeze %dma_wait3A_536 : memref<1x128x64xf32, #tpu.memory_space<vmem>> -> memref<128x64xf32, #tpu.memory_space<vmem>>
      %dma_wait3A_538 = arith.constant 0 : i32
      %dma_wait3A_539 = tpu.memref_slice %arg7[%dma_wait3A_532, %dma_wait3A_538] : memref<12x128xi32, #tpu.memory_space<vmem>> -> memref<1x128xi32, #tpu.memory_space<vmem>>
      %dma_wait3A_540 = tpu.memref_squeeze %dma_wait3A_539 : memref<1x128xi32, #tpu.memory_space<vmem>> -> memref<128xi32, #tpu.memory_space<vmem>>
      %dma_wait3A_541 = arith.constant 0 : i32
      %dma_wait3A_542 = arith.constant 0 : i32
      %dma_wait3A_543 = tpu.memref_slice %arg2[%dma_wait3A_541, %dma_wait3A_542] : memref<50048x64xf32, #tpu.memory_space<hbm>> -> memref<50048x64xf32, #tpu.memory_space<hbm>>
      tpu.wait_indirect_dma semaphore(%arg11 : memref<!tpu.dma_semaphore, #tpu.memory_space<semaphore_mem>>) src(%dma_wait3A_543 : memref<50048x64xf32, #tpu.memory_space<hbm>>) dst(%dma_wait3A_537 : memref<128x64xf32, #tpu.memory_space<vmem>>)
      %dma_start3A_544 = arith.constant 1 : i32
      %dma_start3A_545 = arith.constant 10 : i32
      %dma_start3A_546 = arith.constant 0 : i32
      %dma_start3A_547 = arith.constant 0 : i32
      %dma_start3A_548 = tpu.memref_slice %arg9[%dma_start3A_544, %dma_start3A_546, %dma_start3A_547] : memref<3x128x64xf32, #tpu.memory_space<vmem>> -> memref<1x128x64xf32, #tpu.memory_space<vmem>>
      %dma_start3A_549 = tpu.memref_squeeze %dma_start3A_548 : memref<1x128x64xf32, #tpu.memory_space<vmem>> -> memref<128x64xf32, #tpu.memory_space<vmem>>
      %dma_start3A_550 = arith.constant 0 : i32
      %dma_start3A_551 = tpu.memref_slice %arg8[%dma_start3A_545, %dma_start3A_550] : memref<12x128xi32, #tpu.memory_space<vmem>> -> memref<1x128xi32, #tpu.memory_space<vmem>>
      %dma_start3A_552 = tpu.memref_squeeze %dma_start3A_551 : memref<1x128xi32, #tpu.memory_space<vmem>> -> memref<128xi32, #tpu.memory_space<vmem>>
      %dma_start3A_553 = arith.constant 0 : i32
      %dma_start3A_554 = arith.constant 0 : i32
      %dma_start3A_555 = tpu.memref_slice %arg10[%dma_start3A_553, %dma_start3A_554] : memref<25160x64xf32, #tpu.memory_space<vmem_shared>> -> memref<25160x64xf32, #tpu.memory_space<vmem_shared>>
      tpu.enqueue_indirect_dma source(%dma_start3A_549 : memref<128x64xf32, #tpu.memory_space<vmem>>) target(%dma_start3A_555 : memref<25160x64xf32, #tpu.memory_space<vmem_shared>>) offsets(%dma_start3A_552 : memref<128xi32, #tpu.memory_space<vmem>>) semaphore(%arg12 : memref<!tpu.dma_semaphore, #tpu.memory_space<semaphore_mem>>) {add = true}
      %dma_wait3A_556 = arith.constant 11 : i32
      %dma_wait3A_557 = arith.constant 2 : i32
      %dma_wait3A_558 = arith.constant 0 : i32
      %dma_wait3A_559 = arith.constant 0 : i32
      %dma_wait3A_560 = tpu.memref_slice %arg9[%dma_wait3A_557, %dma_wait3A_558, %dma_wait3A_559] : memref<3x128x64xf32, #tpu.memory_space<vmem>> -> memref<1x128x64xf32, #tpu.memory_space<vmem>>
      %dma_wait3A_561 = tpu.memref_squeeze %dma_wait3A_560 : memref<1x128x64xf32, #tpu.memory_space<vmem>> -> memref<128x64xf32, #tpu.memory_space<vmem>>
      %dma_wait3A_562 = arith.constant 0 : i32
      %dma_wait3A_563 = tpu.memref_slice %arg7[%dma_wait3A_556, %dma_wait3A_562] : memref<12x128xi32, #tpu.memory_space<vmem>> -> memref<1x128xi32, #tpu.memory_space<vmem>>
      %dma_wait3A_564 = tpu.memref_squeeze %dma_wait3A_563 : memref<1x128xi32, #tpu.memory_space<vmem>> -> memref<128xi32, #tpu.memory_space<vmem>>
      %dma_wait3A_565 = arith.constant 0 : i32
      %dma_wait3A_566 = arith.constant 0 : i32
      %dma_wait3A_567 = tpu.memref_slice %arg2[%dma_wait3A_565, %dma_wait3A_566] : memref<50048x64xf32, #tpu.memory_space<hbm>> -> memref<50048x64xf32, #tpu.memory_space<hbm>>
      tpu.wait_indirect_dma semaphore(%arg11 : memref<!tpu.dma_semaphore, #tpu.memory_space<semaphore_mem>>) src(%dma_wait3A_567 : memref<50048x64xf32, #tpu.memory_space<hbm>>) dst(%dma_wait3A_561 : memref<128x64xf32, #tpu.memory_space<vmem>>)
      %dma_start3A_568 = arith.constant 2 : i32
      %dma_start3A_569 = arith.constant 11 : i32
      %dma_start3A_570 = arith.constant 0 : i32
      %dma_start3A_571 = arith.constant 0 : i32
      %dma_start3A_572 = tpu.memref_slice %arg9[%dma_start3A_568, %dma_start3A_570, %dma_start3A_571] : memref<3x128x64xf32, #tpu.memory_space<vmem>> -> memref<1x128x64xf32, #tpu.memory_space<vmem>>
      %dma_start3A_573 = tpu.memref_squeeze %dma_start3A_572 : memref<1x128x64xf32, #tpu.memory_space<vmem>> -> memref<128x64xf32, #tpu.memory_space<vmem>>
      %dma_start3A_574 = arith.constant 0 : i32
      %dma_start3A_575 = tpu.memref_slice %arg8[%dma_start3A_569, %dma_start3A_574] : memref<12x128xi32, #tpu.memory_space<vmem>> -> memref<1x128xi32, #tpu.memory_space<vmem>>
      %dma_start3A_576 = tpu.memref_squeeze %dma_start3A_575 : memref<1x128xi32, #tpu.memory_space<vmem>> -> memref<128xi32, #tpu.memory_space<vmem>>
      %dma_start3A_577 = arith.constant 0 : i32
      %dma_start3A_578 = arith.constant 0 : i32
      %dma_start3A_579 = tpu.memref_slice %arg10[%dma_start3A_577, %dma_start3A_578] : memref<25160x64xf32, #tpu.memory_space<vmem_shared>> -> memref<25160x64xf32, #tpu.memory_space<vmem_shared>>
      tpu.enqueue_indirect_dma source(%dma_start3A_573 : memref<128x64xf32, #tpu.memory_space<vmem>>) target(%dma_start3A_579 : memref<25160x64xf32, #tpu.memory_space<vmem_shared>>) offsets(%dma_start3A_576 : memref<128xi32, #tpu.memory_space<vmem>>) semaphore(%arg12 : memref<!tpu.dma_semaphore, #tpu.memory_space<semaphore_mem>>) {add = true}
      %dma_wait3A_580 = arith.constant 0 : i32
      %dma_wait3A_581 = arith.constant 9 : i32
      %dma_wait3A_582 = arith.constant 0 : i32
      %dma_wait3A_583 = arith.constant 0 : i32
      %dma_wait3A_584 = tpu.memref_slice %arg9[%dma_wait3A_580, %dma_wait3A_582, %dma_wait3A_583] : memref<3x128x64xf32, #tpu.memory_space<vmem>> -> memref<1x128x64xf32, #tpu.memory_space<vmem>>
      %dma_wait3A_585 = tpu.memref_squeeze %dma_wait3A_584 : memref<1x128x64xf32, #tpu.memory_space<vmem>> -> memref<128x64xf32, #tpu.memory_space<vmem>>
      %dma_wait3A_586 = arith.constant 0 : i32
      %dma_wait3A_587 = tpu.memref_slice %arg8[%dma_wait3A_581, %dma_wait3A_586] : memref<12x128xi32, #tpu.memory_space<vmem>> -> memref<1x128xi32, #tpu.memory_space<vmem>>
      %dma_wait3A_588 = tpu.memref_squeeze %dma_wait3A_587 : memref<1x128xi32, #tpu.memory_space<vmem>> -> memref<128xi32, #tpu.memory_space<vmem>>
      %dma_wait3A_589 = arith.constant 0 : i32
      %dma_wait3A_590 = arith.constant 0 : i32
      %dma_wait3A_591 = tpu.memref_slice %arg10[%dma_wait3A_589, %dma_wait3A_590] : memref<25160x64xf32, #tpu.memory_space<vmem_shared>> -> memref<25160x64xf32, #tpu.memory_space<vmem_shared>>
      tpu.wait_indirect_dma semaphore(%arg12 : memref<!tpu.dma_semaphore, #tpu.memory_space<semaphore_mem>>) src(%dma_wait3A_585 : memref<128x64xf32, #tpu.memory_space<vmem>>) dst(%dma_wait3A_591 : memref<25160x64xf32, #tpu.memory_space<vmem_shared>>)
      %dma_wait3A_592 = arith.constant 1 : i32
      %dma_wait3A_593 = arith.constant 10 : i32
      %dma_wait3A_594 = arith.constant 0 : i32
      %dma_wait3A_595 = arith.constant 0 : i32
      %dma_wait3A_596 = tpu.memref_slice %arg9[%dma_wait3A_592, %dma_wait3A_594, %dma_wait3A_595] : memref<3x128x64xf32, #tpu.memory_space<vmem>> -> memref<1x128x64xf32, #tpu.memory_space<vmem>>
      %dma_wait3A_597 = tpu.memref_squeeze %dma_wait3A_596 : memref<1x128x64xf32, #tpu.memory_space<vmem>> -> memref<128x64xf32, #tpu.memory_space<vmem>>
      %dma_wait3A_598 = arith.constant 0 : i32
      %dma_wait3A_599 = tpu.memref_slice %arg8[%dma_wait3A_593, %dma_wait3A_598] : memref<12x128xi32, #tpu.memory_space<vmem>> -> memref<1x128xi32, #tpu.memory_space<vmem>>
      %dma_wait3A_600 = tpu.memref_squeeze %dma_wait3A_599 : memref<1x128xi32, #tpu.memory_space<vmem>> -> memref<128xi32, #tpu.memory_space<vmem>>
      %dma_wait3A_601 = arith.constant 0 : i32
      %dma_wait3A_602 = arith.constant 0 : i32
      %dma_wait3A_603 = tpu.memref_slice %arg10[%dma_wait3A_601, %dma_wait3A_602] : memref<25160x64xf32, #tpu.memory_space<vmem_shared>> -> memref<25160x64xf32, #tpu.memory_space<vmem_shared>>
      tpu.wait_indirect_dma semaphore(%arg12 : memref<!tpu.dma_semaphore, #tpu.memory_space<semaphore_mem>>) src(%dma_wait3A_597 : memref<128x64xf32, #tpu.memory_space<vmem>>) dst(%dma_wait3A_603 : memref<25160x64xf32, #tpu.memory_space<vmem_shared>>)
      %dma_wait3A_604 = arith.constant 2 : i32
      %dma_wait3A_605 = arith.constant 11 : i32
      %dma_wait3A_606 = arith.constant 0 : i32
      %dma_wait3A_607 = arith.constant 0 : i32
      %dma_wait3A_608 = tpu.memref_slice %arg9[%dma_wait3A_604, %dma_wait3A_606, %dma_wait3A_607] : memref<3x128x64xf32, #tpu.memory_space<vmem>> -> memref<1x128x64xf32, #tpu.memory_space<vmem>>
      %dma_wait3A_609 = tpu.memref_squeeze %dma_wait3A_608 : memref<1x128x64xf32, #tpu.memory_space<vmem>> -> memref<128x64xf32, #tpu.memory_space<vmem>>
      %dma_wait3A_610 = arith.constant 0 : i32
      %dma_wait3A_611 = tpu.memref_slice %arg8[%dma_wait3A_605, %dma_wait3A_610] : memref<12x128xi32, #tpu.memory_space<vmem>> -> memref<1x128xi32, #tpu.memory_space<vmem>>
      %dma_wait3A_612 = tpu.memref_squeeze %dma_wait3A_611 : memref<1x128xi32, #tpu.memory_space<vmem>> -> memref<128xi32, #tpu.memory_space<vmem>>
      %dma_wait3A_613 = arith.constant 0 : i32
      %dma_wait3A_614 = arith.constant 0 : i32
      %dma_wait3A_615 = tpu.memref_slice %arg10[%dma_wait3A_613, %dma_wait3A_614] : memref<25160x64xf32, #tpu.memory_space<vmem_shared>> -> memref<25160x64xf32, #tpu.memory_space<vmem_shared>>
      tpu.wait_indirect_dma semaphore(%arg12 : memref<!tpu.dma_semaphore, #tpu.memory_space<semaphore_mem>>) src(%dma_wait3A_609 : memref<128x64xf32, #tpu.memory_space<vmem>>) dst(%dma_wait3A_615 : memref<25160x64xf32, #tpu.memory_space<vmem_shared>>)
      %scan3A_616 = arith.constant 0 : i32
      scf.yield %scan3A_616 : i32
    }
    %scan3A_8 = arith.constant 33 : i32
    %barrier3A_9 = arith.constant 0 : index
    tpu.barrier barrier_id(%barrier3A_9)
    %lt3A = arith.constant 15 : i32
    %lt3A_10 = arith.cmpi slt, %arg1, %lt3A : i32
    %convert_element_type3A = arith.extui %lt3A_10 : i1 to i32
    %cond3A = arith.constant 0 : i32
    %cond3A_11 = arith.cmpi ne, %convert_element_type3A, %cond3A : i32
    scf.if %cond3A_11 {
      %mul3A_16 = arith.constant 1568 : i32
      %mul3A_17 = arith.muli %arg1, %mul3A_16 : i32
      %mul3A_18 = arith.constant 1568 : i32
      %mul3A_19 = arith.muli %arg1, %mul3A_18 : i32
      %add3A = arith.addi %mul3A_0, %mul3A_19 : i32
      "tpu.region"() ({
        %run_scoped3A = tpu.sem_alloc : memref<!tpu.dma_semaphore, #tpu.memory_space<semaphore_mem>>
        %dma_start3A = arith.constant 0 : i32
        %dma_start3A_20 = tpu.memref_slice %arg6[%add3A, %dma_start3A] : memref<50048x64xf32, #tpu.memory_space<hbm>> -> memref<1568x64xf32, #tpu.memory_space<hbm>>
        %dma_start3A_21 = arith.constant 0 : i32
        %dma_start3A_22 = tpu.memref_slice %arg10[%mul3A_17, %dma_start3A_21] : memref<25160x64xf32, #tpu.memory_space<vmem_shared>> -> memref<1568x64xf32, #tpu.memory_space<vmem_shared>>
        tpu.enqueue_dma source(%dma_start3A_22 : memref<1568x64xf32, #tpu.memory_space<vmem_shared>>) target(%dma_start3A_20 : memref<1568x64xf32, #tpu.memory_space<hbm>>) target_semaphore(%run_scoped3A : memref<!tpu.dma_semaphore, #tpu.memory_space<semaphore_mem>>)
        %dma_wait3A = arith.constant 0 : i32
        %dma_wait3A_23 = tpu.memref_slice %arg6[%add3A, %dma_wait3A] : memref<50048x64xf32, #tpu.memory_space<hbm>> -> memref<1568x64xf32, #tpu.memory_space<hbm>>
        %dma_wait3A_24 = arith.constant 0 : i32
        %dma_wait3A_25 = tpu.memref_slice %arg10[%mul3A_17, %dma_wait3A_24] : memref<25160x64xf32, #tpu.memory_space<vmem_shared>> -> memref<1568x64xf32, #tpu.memory_space<vmem_shared>>
        tpu.wait_dma2 semaphore(%run_scoped3A : memref<!tpu.dma_semaphore, #tpu.memory_space<semaphore_mem>>) src(%dma_wait3A_25 : memref<1568x64xf32, #tpu.memory_space<vmem_shared>>) dst(%dma_wait3A_23 : memref<1568x64xf32, #tpu.memory_space<hbm>>)
        tpu.yield
      }) : () -> ()
    } else {
    }
    %eq3A = arith.constant 15 : i32
    %eq3A_12 = arith.cmpi eq, %arg1, %eq3A : i32
    %convert_element_type3A_13 = arith.extui %eq3A_12 : i1 to i32
    %cond3A_14 = arith.constant 0 : i32
    %cond3A_15 = arith.cmpi ne, %convert_element_type3A_13, %cond3A_14 : i32
    scf.if %cond3A_15 {
      %add3A = arith.constant 23520 : i32
      %add3A_16 = arith.addi %mul3A_0, %add3A : i32
      "tpu.region"() ({
        %run_scoped3A = tpu.sem_alloc : memref<!tpu.dma_semaphore, #tpu.memory_space<semaphore_mem>>
        %dma_start3A = arith.constant 0 : i32
        %dma_start3A_17 = tpu.memref_slice %arg6[%add3A_16, %dma_start3A] : memref<50048x64xf32, #tpu.memory_space<hbm>> -> memref<1504x64xf32, #tpu.memory_space<hbm>>
        %dma_start3A_18 = arith.constant 23520 : i32
        %dma_start3A_19 = arith.constant 0 : i32
        %dma_start3A_20 = tpu.memref_slice %arg10[%dma_start3A_18, %dma_start3A_19] : memref<25160x64xf32, #tpu.memory_space<vmem_shared>> -> memref<1504x64xf32, #tpu.memory_space<vmem_shared>>
        tpu.enqueue_dma source(%dma_start3A_20 : memref<1504x64xf32, #tpu.memory_space<vmem_shared>>) target(%dma_start3A_17 : memref<1504x64xf32, #tpu.memory_space<hbm>>) target_semaphore(%run_scoped3A : memref<!tpu.dma_semaphore, #tpu.memory_space<semaphore_mem>>)
        %dma_wait3A = arith.constant 0 : i32
        %dma_wait3A_21 = tpu.memref_slice %arg6[%add3A_16, %dma_wait3A] : memref<50048x64xf32, #tpu.memory_space<hbm>> -> memref<1504x64xf32, #tpu.memory_space<hbm>>
        %dma_wait3A_22 = arith.constant 23520 : i32
        %dma_wait3A_23 = arith.constant 0 : i32
        %dma_wait3A_24 = tpu.memref_slice %arg10[%dma_wait3A_22, %dma_wait3A_23] : memref<25160x64xf32, #tpu.memory_space<vmem_shared>> -> memref<1504x64xf32, #tpu.memory_space<vmem_shared>>
        tpu.wait_dma2 semaphore(%run_scoped3A : memref<!tpu.dma_semaphore, #tpu.memory_space<semaphore_mem>>) src(%dma_wait3A_24 : memref<1504x64xf32, #tpu.memory_space<vmem_shared>>) dst(%dma_wait3A_21 : memref<1504x64xf32, #tpu.memory_space<hbm>>)
        tpu.yield
      }) : () -> ()
    } else {
    }
    return
  }
}

module attributes {stable_mosaic.version = 14 : i64} {
  func.func @_tc_dense1_body(%arg0: i32, %arg1: memref<3128x16xf32, #tpu.memory_space<vmem>>, %arg2: memref<16x64xf32, #tpu.memory_space<vmem>>, %arg3: memref<1x64xf32, #tpu.memory_space<vmem>>, %arg4: memref<1x64xf32, #tpu.memory_space<vmem>>, %arg5: memref<1x64xf32, #tpu.memory_space<vmem>>, %arg6: memref<3128x64xf32, #tpu.memory_space<vmem>>) attributes {dimension_semantics = [#tpu.dimension_semantics<arbitrary>], iteration_bounds = array<i64: 16>, scalar_prefetch = 0 : i64, scratch_operands = 0 : i64, tpu.core_type = #tpu.core_type<tc>, window_params = [{transform_indices = @transform_0, window_bounds = array<i64: 3128, 16>}, {pipeline_mode = #tpu.pipeline_mode<synchronous>, transform_indices = @transform_1, window_bounds = array<i64: 16, 64>}, {pipeline_mode = #tpu.pipeline_mode<synchronous>, transform_indices = @transform_2, window_bounds = array<i64: 1, 64>}, {pipeline_mode = #tpu.pipeline_mode<synchronous>, transform_indices = @transform_3, window_bounds = array<i64: 1, 64>}, {pipeline_mode = #tpu.pipeline_mode<synchronous>, transform_indices = @transform_4, window_bounds = array<i64: 1, 64>}, {transform_indices = @transform_5, window_bounds = array<i64: 3128, 64>}]} {
    %get3A = arith.constant 0 : index
    %get3A_0 = arith.constant 0 : index
    %get3A_1 = vector.load %arg1[%get3A, %get3A_0] : memref<3128x16xf32, #tpu.memory_space<vmem>>, vector<3128x16xf32>
    %get3A_2 = arith.constant 0 : index
    %get3A_3 = arith.constant 0 : index
    %get3A_4 = vector.load %arg2[%get3A_2, %get3A_3] : memref<16x64xf32, #tpu.memory_space<vmem>>, vector<16x64xf32>
    %dot_general3A = arith.constant dense<0.000000e+00> : vector<3128x64xf32>
    %dot_general3A_5 = tpu.matmul %get3A_1, %get3A_4, %dot_general3A {dimension_numbers = #tpu.dot_dimension_numbers<[1], [0], [0], [1], [0, 0, 1, 1], [], []>, transpose_lhs_hint = false} : vector<3128x16xf32>, vector<16x64xf32>, vector<3128x64xf32> -> vector<3128x64xf32>
    %get3A_6 = arith.constant 0 : index
    %get3A_7 = arith.constant 0 : index
    %get3A_8 = vector.load %arg3[%get3A_6, %get3A_7] : memref<1x64xf32, #tpu.memory_space<vmem>>, vector<1x64xf32>
    %add3A = vector.broadcast %get3A_8 : vector<1x64xf32> to vector<3128x64xf32>
    %add3A_9 = arith.addf %dot_general3A_5, %add3A : vector<3128x64xf32>
    %max3A = arith.constant 0.000000e+00 : f32
    %max3A_10 = vector.broadcast %max3A : f32 to vector<3128x64xf32>
    %max3A_11 = arith.maximumf %add3A_9, %max3A_10 : vector<3128x64xf32>
    %get3A_12 = arith.constant 0 : index
    %get3A_13 = arith.constant 0 : index
    %get3A_14 = vector.load %arg4[%get3A_12, %get3A_13] : memref<1x64xf32, #tpu.memory_space<vmem>>, vector<1x64xf32>
    %mul3A = vector.broadcast %get3A_14 : vector<1x64xf32> to vector<3128x64xf32>
    %mul3A_15 = arith.mulf %max3A_11, %mul3A : vector<3128x64xf32>
    %get3A_16 = arith.constant 0 : index
    %get3A_17 = arith.constant 0 : index
    %get3A_18 = vector.load %arg5[%get3A_16, %get3A_17] : memref<1x64xf32, #tpu.memory_space<vmem>>, vector<1x64xf32>
    %add3A_19 = vector.broadcast %get3A_18 : vector<1x64xf32> to vector<3128x64xf32>
    %add3A_20 = arith.addf %mul3A_15, %add3A_19 : vector<3128x64xf32>
    %swap3A = arith.constant 0 : index
    %swap3A_21 = arith.constant 0 : index
    %swap3A_22 = vector.load %arg6[%swap3A, %swap3A_21] : memref<3128x64xf32, #tpu.memory_space<vmem>>, vector<3128x64xf32>
    tpu.vector_store %arg6[%swap3A, %swap3A_21], %add3A_20 {strides = array<i32>} : memref<3128x64xf32, #tpu.memory_space<vmem>>, vector<3128x64xf32>,
    return
  }
  func.func @transform_0(%arg0: i32) -> (i32, i32) {
    %c0_i32 = arith.constant 0 : i32
    %c0_i32_0 = arith.constant 0 : i32
    return %arg0, %c0_i32 : i32, i32
  }
  func.func @transform_1(%arg0: i32) -> (i32, i32) {
    %c0_i32 = arith.constant 0 : i32
    %c0_i32_0 = arith.constant 0 : i32
    %c0_i32_1 = arith.constant 0 : i32
    return %c0_i32, %c0_i32_0 : i32, i32
  }
  func.func @transform_2(%arg0: i32) -> (i32, i32) {
    %c0_i32 = arith.constant 0 : i32
    %c0_i32_0 = arith.constant 0 : i32
    %c0_i32_1 = arith.constant 0 : i32
    return %c0_i32, %c0_i32_0 : i32, i32
  }
  func.func @transform_3(%arg0: i32) -> (i32, i32) {
    %c0_i32 = arith.constant 0 : i32
    %c0_i32_0 = arith.constant 0 : i32
    %c0_i32_1 = arith.constant 0 : i32
    return %c0_i32, %c0_i32_0 : i32, i32
  }
  func.func @transform_4(%arg0: i32) -> (i32, i32) {
    %c0_i32 = arith.constant 0 : i32
    %c0_i32_0 = arith.constant 0 : i32
    %c0_i32_1 = arith.constant 0 : i32
    return %c0_i32, %c0_i32_0 : i32, i32
  }
  func.func @transform_5(%arg0: i32) -> (i32, i32) {
    %c0_i32 = arith.constant 0 : i32
    %c0_i32_0 = arith.constant 0 : i32
    return %arg0, %c0_i32 : i32, i32
  }
}

module attributes {stable_mosaic.version = 14 : i64} {
  func.func @_tc_mid_body(%arg0: i32, %arg1: memref<3128x64xf32, #tpu.memory_space<vmem>>, %arg2: memref<3128x64xf32, #tpu.memory_space<vmem>>, %arg3: memref<3128x16xf32, #tpu.memory_space<vmem>>, %arg4: memref<64x64xf32, #tpu.memory_space<vmem>>, %arg5: memref<64x64xf32, #tpu.memory_space<vmem>>, %arg6: memref<1x64xf32, #tpu.memory_space<vmem>>, %arg7: memref<1x64xf32, #tpu.memory_space<vmem>>, %arg8: memref<1x64xf32, #tpu.memory_space<vmem>>, %arg9: memref<64x64xf32, #tpu.memory_space<vmem>>, %arg10: memref<1x64xf32, #tpu.memory_space<vmem>>, %arg11: memref<1x64xf32, #tpu.memory_space<vmem>>, %arg12: memref<1x64xf32, #tpu.memory_space<vmem>>, %arg13: memref<3128x64xf32, #tpu.memory_space<vmem>>) attributes {dimension_semantics = [#tpu.dimension_semantics<arbitrary>], iteration_bounds = array<i64: 16>, scalar_prefetch = 0 : i64, scratch_operands = 0 : i64, tpu.core_type = #tpu.core_type<tc>, window_params = [{transform_indices = @transform_0, window_bounds = array<i64: 3128, 64>}, {transform_indices = @transform_1, window_bounds = array<i64: 3128, 64>}, {transform_indices = @transform_2, window_bounds = array<i64: 3128, 16>}, {pipeline_mode = #tpu.pipeline_mode<synchronous>, transform_indices = @transform_3, window_bounds = array<i64: 64, 64>}, {pipeline_mode = #tpu.pipeline_mode<synchronous>, transform_indices = @transform_4, window_bounds = array<i64: 64, 64>}, {pipeline_mode = #tpu.pipeline_mode<synchronous>, transform_indices = @transform_5, window_bounds = array<i64: 1, 64>}, {pipeline_mode = #tpu.pipeline_mode<synchronous>, transform_indices = @transform_6, window_bounds = array<i64: 1, 64>}, {pipeline_mode = #tpu.pipeline_mode<synchronous>, transform_indices = @transform_7, window_bounds = array<i64: 1, 64>}, {pipeline_mode = #tpu.pipeline_mode<synchronous>, transform_indices = @transform_8, window_bounds = array<i64: 64, 64>}, {pipeline_mode = #tpu.pipeline_mode<synchronous>, transform_indices = @transform_9, window_bounds = array<i64: 1, 64>}, {pipeline_mode = #tpu.pipeline_mode<synchronous>, transform_indices = @transform_10, window_bounds = array<i64: 1, 64>}, {pipeline_mode = #tpu.pipeline_mode<synchronous>, transform_indices = @transform_11, window_bounds = array<i64: 1, 64>}, {transform_indices = @transform_12, window_bounds = array<i64: 3128, 64>}]} {
    %get3A = arith.constant 0 : index
    %get3A_0 = arith.constant 0 : index
    %get3A_1 = vector.load %arg1[%get3A, %get3A_0] : memref<3128x64xf32, #tpu.memory_space<vmem>>, vector<3128x64xf32>
    %get3A_2 = arith.constant 0 : index
    %get3A_3 = arith.constant 0 : index
    %get3A_4 = vector.load %arg3[%get3A_2, %get3A_3] : memref<3128x16xf32, #tpu.memory_space<vmem>>, vector<3128x16xf32>
    %slice3A = vector.extract_strided_slice %get3A_4 {offsets = [0, 0], sizes = [3128, 1], strides = [1, 1]} : vector<3128x16xf32> to vector<3128x1xf32>
    %mul3A = vector.broadcast %slice3A : vector<3128x1xf32> to vector<3128x64xf32>
    %mul3A_5 = arith.mulf %get3A_1, %mul3A : vector<3128x64xf32>
    %get3A_6 = arith.constant 0 : index
    %get3A_7 = arith.constant 0 : index
    %get3A_8 = vector.load %arg4[%get3A_6, %get3A_7] : memref<64x64xf32, #tpu.memory_space<vmem>>, vector<64x64xf32>
    %dot_general3A = arith.constant dense<0.000000e+00> : vector<3128x64xf32>
    %dot_general3A_9 = tpu.matmul %mul3A_5, %get3A_8, %dot_general3A {dimension_numbers = #tpu.dot_dimension_numbers<[1], [0], [0], [1], [0, 0, 1, 1], [], []>, transpose_lhs_hint = false} : vector<3128x64xf32>, vector<64x64xf32>, vector<3128x64xf32> -> vector<3128x64xf32>
    %get3A_10 = arith.constant 0 : index
    %get3A_11 = arith.constant 0 : index
    %get3A_12 = vector.load %arg2[%get3A_10, %get3A_11] : memref<3128x64xf32, #tpu.memory_space<vmem>>, vector<3128x64xf32>
    %get3A_13 = arith.constant 0 : index
    %get3A_14 = arith.constant 0 : index
    %get3A_15 = vector.load %arg5[%get3A_13, %get3A_14] : memref<64x64xf32, #tpu.memory_space<vmem>>, vector<64x64xf32>
    %dot_general3A_16 = arith.constant dense<0.000000e+00> : vector<3128x64xf32>
    %dot_general3A_17 = tpu.matmul %get3A_12, %get3A_15, %dot_general3A_16 {dimension_numbers = #tpu.dot_dimension_numbers<[1], [0], [0], [1], [0, 0, 1, 1], [], []>, transpose_lhs_hint = false} : vector<3128x64xf32>, vector<64x64xf32>, vector<3128x64xf32> -> vector<3128x64xf32>
    %add3A = arith.addf %dot_general3A_9, %dot_general3A_17 : vector<3128x64xf32>
    %get3A_18 = arith.constant 0 : index
    %get3A_19 = arith.constant 0 : index
    %get3A_20 = vector.load %arg6[%get3A_18, %get3A_19] : memref<1x64xf32, #tpu.memory_space<vmem>>, vector<1x64xf32>
    %add3A_21 = vector.broadcast %get3A_20 : vector<1x64xf32> to vector<3128x64xf32>
    %add3A_22 = arith.addf %add3A, %add3A_21 : vector<3128x64xf32>
    %max3A = arith.constant 0.000000e+00 : f32
    %max3A_23 = vector.broadcast %max3A : f32 to vector<3128x64xf32>
    %max3A_24 = arith.maximumf %add3A_22, %max3A_23 : vector<3128x64xf32>
    %get3A_25 = arith.constant 0 : index
    %get3A_26 = arith.constant 0 : index
    %get3A_27 = vector.load %arg7[%get3A_25, %get3A_26] : memref<1x64xf32, #tpu.memory_space<vmem>>, vector<1x64xf32>
    %mul3A_28 = vector.broadcast %get3A_27 : vector<1x64xf32> to vector<3128x64xf32>
    %mul3A_29 = arith.mulf %max3A_24, %mul3A_28 : vector<3128x64xf32>
    %get3A_30 = arith.constant 0 : index
    %get3A_31 = arith.constant 0 : index
    %get3A_32 = vector.load %arg8[%get3A_30, %get3A_31] : memref<1x64xf32, #tpu.memory_space<vmem>>, vector<1x64xf32>
    %add3A_33 = vector.broadcast %get3A_32 : vector<1x64xf32> to vector<3128x64xf32>
    %add3A_34 = arith.addf %mul3A_29, %add3A_33 : vector<3128x64xf32>
    %max3A_35 = arith.constant 0.000000e+00 : f32
    %max3A_36 = vector.broadcast %max3A_35 : f32 to vector<3128x64xf32>
    %max3A_37 = arith.maximumf %add3A_34, %max3A_36 : vector<3128x64xf32>
    %get3A_38 = arith.constant 0 : index
    %get3A_39 = arith.constant 0 : index
    %get3A_40 = vector.load %arg9[%get3A_38, %get3A_39] : memref<64x64xf32, #tpu.memory_space<vmem>>, vector<64x64xf32>
    %dot_general3A_41 = arith.constant dense<0.000000e+00> : vector<3128x64xf32>
    %dot_general3A_42 = tpu.matmul %max3A_37, %get3A_40, %dot_general3A_41 {dimension_numbers = #tpu.dot_dimension_numbers<[1], [0], [0], [1], [0, 0, 1, 1], [], []>, transpose_lhs_hint = false} : vector<3128x64xf32>, vector<64x64xf32>, vector<3128x64xf32> -> vector<3128x64xf32>
    %get3A_43 = arith.constant 0 : index
    %get3A_44 = arith.constant 0 : index
    %get3A_45 = vector.load %arg10[%get3A_43, %get3A_44] : memref<1x64xf32, #tpu.memory_space<vmem>>, vector<1x64xf32>
    %add3A_46 = vector.broadcast %get3A_45 : vector<1x64xf32> to vector<3128x64xf32>
    %add3A_47 = arith.addf %dot_general3A_42, %add3A_46 : vector<3128x64xf32>
    %max3A_48 = arith.constant 0.000000e+00 : f32
    %max3A_49 = vector.broadcast %max3A_48 : f32 to vector<3128x64xf32>
    %max3A_50 = arith.maximumf %add3A_47, %max3A_49 : vector<3128x64xf32>
    %get3A_51 = arith.constant 0 : index
    %get3A_52 = arith.constant 0 : index
    %get3A_53 = vector.load %arg11[%get3A_51, %get3A_52] : memref<1x64xf32, #tpu.memory_space<vmem>>, vector<1x64xf32>
    %mul3A_54 = vector.broadcast %get3A_53 : vector<1x64xf32> to vector<3128x64xf32>
    %mul3A_55 = arith.mulf %max3A_50, %mul3A_54 : vector<3128x64xf32>
    %get3A_56 = arith.constant 0 : index
    %get3A_57 = arith.constant 0 : index
    %get3A_58 = vector.load %arg12[%get3A_56, %get3A_57] : memref<1x64xf32, #tpu.memory_space<vmem>>, vector<1x64xf32>
    %add3A_59 = vector.broadcast %get3A_58 : vector<1x64xf32> to vector<3128x64xf32>
    %add3A_60 = arith.addf %mul3A_55, %add3A_59 : vector<3128x64xf32>
    %swap3A = arith.constant 0 : index
    %swap3A_61 = arith.constant 0 : index
    %swap3A_62 = vector.load %arg13[%swap3A, %swap3A_61] : memref<3128x64xf32, #tpu.memory_space<vmem>>, vector<3128x64xf32>
    tpu.vector_store %arg13[%swap3A, %swap3A_61], %add3A_60 {strides = array<i32>} : memref<3128x64xf32, #tpu.memory_space<vmem>>, vector<3128x64xf32>,
    return
  }
  func.func @transform_0(%arg0: i32) -> (i32, i32) {
    %c0_i32 = arith.constant 0 : i32
    %c0_i32_0 = arith.constant 0 : i32
    return %arg0, %c0_i32 : i32, i32
  }
  func.func @transform_1(%arg0: i32) -> (i32, i32) {
    %c0_i32 = arith.constant 0 : i32
    %c0_i32_0 = arith.constant 0 : i32
    return %arg0, %c0_i32 : i32, i32
  }
  func.func @transform_2(%arg0: i32) -> (i32, i32) {
    %c0_i32 = arith.constant 0 : i32
    %c0_i32_0 = arith.constant 0 : i32
    return %arg0, %c0_i32 : i32, i32
  }
  func.func @transform_3(%arg0: i32) -> (i32, i32) {
    %c0_i32 = arith.constant 0 : i32
    %c0_i32_0 = arith.constant 0 : i32
    %c0_i32_1 = arith.constant 0 : i32
    return %c0_i32, %c0_i32_0 : i32, i32
  }
  func.func @transform_4(%arg0: i32) -> (i32, i32) {
    %c0_i32 = arith.constant 0 : i32
    %c0_i32_0 = arith.constant 0 : i32
    %c0_i32_1 = arith.constant 0 : i32
    return %c0_i32, %c0_i32_0 : i32, i32
  }
  func.func @transform_5(%arg0: i32) -> (i32, i32) {
    %c0_i32 = arith.constant 0 : i32
    %c0_i32_0 = arith.constant 0 : i32
    %c0_i32_1 = arith.constant 0 : i32
    return %c0_i32, %c0_i32_0 : i32, i32
  }
  func.func @transform_6(%arg0: i32) -> (i32, i32) {
    %c0_i32 = arith.constant 0 : i32
    %c0_i32_0 = arith.constant 0 : i32
    %c0_i32_1 = arith.constant 0 : i32
    return %c0_i32, %c0_i32_0 : i32, i32
  }
  func.func @transform_7(%arg0: i32) -> (i32, i32) {
    %c0_i32 = arith.constant 0 : i32
    %c0_i32_0 = arith.constant 0 : i32
    %c0_i32_1 = arith.constant 0 : i32
    return %c0_i32, %c0_i32_0 : i32, i32
  }
  func.func @transform_8(%arg0: i32) -> (i32, i32) {
    %c0_i32 = arith.constant 0 : i32
    %c0_i32_0 = arith.constant 0 : i32
    %c0_i32_1 = arith.constant 0 : i32
    return %c0_i32, %c0_i32_0 : i32, i32
  }
  func.func @transform_9(%arg0: i32) -> (i32, i32) {
    %c0_i32 = arith.constant 0 : i32
    %c0_i32_0 = arith.constant 0 : i32
    %c0_i32_1 = arith.constant 0 : i32
    return %c0_i32, %c0_i32_0 : i32, i32
  }
  func.func @transform_10(%arg0: i32) -> (i32, i32) {
    %c0_i32 = arith.constant 0 : i32
    %c0_i32_0 = arith.constant 0 : i32
    %c0_i32_1 = arith.constant 0 : i32
    return %c0_i32, %c0_i32_0 : i32, i32
  }
  func.func @transform_11(%arg0: i32) -> (i32, i32) {
    %c0_i32 = arith.constant 0 : i32
    %c0_i32_0 = arith.constant 0 : i32
    %c0_i32_1 = arith.constant 0 : i32
    return %c0_i32, %c0_i32_0 : i32, i32
  }
  func.func @transform_12(%arg0: i32) -> (i32, i32) {
    %c0_i32 = arith.constant 0 : i32
    %c0_i32_0 = arith.constant 0 : i32
    return %arg0, %c0_i32 : i32, i32
  }
}

module attributes {stable_mosaic.version = 14 : i64} {
  func.func @_tc_final_body(%arg0: i32, %arg1: memref<3128x64xf32, #tpu.memory_space<vmem>>, %arg2: memref<3128x64xf32, #tpu.memory_space<vmem>>, %arg3: memref<3128x16xf32, #tpu.memory_space<vmem>>, %arg4: memref<3128x1xi32, #tpu.memory_space<vmem>>, %arg5: memref<64x64xf32, #tpu.memory_space<vmem>>, %arg6: memref<64x64xf32, #tpu.memory_space<vmem>>, %arg7: memref<1x64xf32, #tpu.memory_space<vmem>>, %arg8: memref<1x64xf32, #tpu.memory_space<vmem>>, %arg9: memref<1x64xf32, #tpu.memory_space<vmem>>, %arg10: memref<64x64xf32, #tpu.memory_space<vmem>>, %arg11: memref<1x64xf32, #tpu.memory_space<vmem>>, %arg12: memref<1x64xf32, #tpu.memory_space<vmem>>, %arg13: memref<1x64xf32, #tpu.memory_space<vmem>>, %arg14: memref<64x16xf32, #tpu.memory_space<vmem>>, %arg15: memref<1x16xf32, #tpu.memory_space<vmem>>, %arg16: memref<64x16xf32, #tpu.memory_space<vmem>>, %arg17: memref<64x64xf32, #tpu.memory_space<vmem>>, %arg18: memref<64x8xf32, #tpu.memory_space<vmem>>) attributes {dimension_semantics = [#tpu.dimension_semantics<arbitrary>], iteration_bounds = array<i64: 16>, scalar_prefetch = 0 : i64, scratch_operands = 2 : i64, tpu.core_type = #tpu.core_type<tc>, window_params = [{transform_indices = @transform_0, window_bounds = array<i64: 3128, 64>}, {transform_indices = @transform_1, window_bounds = array<i64: 3128, 64>}, {transform_indices = @transform_2, window_bounds = array<i64: 3128, 16>}, {transform_indices = @transform_3, window_bounds = array<i64: 3128, 1>}, {pipeline_mode = #tpu.pipeline_mode<synchronous>, transform_indices = @transform_4, window_bounds = array<i64: 64, 64>}, {pipeline_mode = #tpu.pipeline_mode<synchronous>, transform_indices = @transform_5, window_bounds = array<i64: 64, 64>}, {pipeline_mode = #tpu.pipeline_mode<synchronous>, transform_indices = @transform_6, window_bounds = array<i64: 1, 64>}, {pipeline_mode = #tpu.pipeline_mode<synchronous>, transform_indices = @transform_7, window_bounds = array<i64: 1, 64>}, {pipeline_mode = #tpu.pipeline_mode<synchronous>, transform_indices = @transform_8, window_bounds = array<i64: 1, 64>}, {pipeline_mode = #tpu.pipeline_mode<synchronous>, transform_indices = @transform_9, window_bounds = array<i64: 64, 64>}, {pipeline_mode = #tpu.pipeline_mode<synchronous>, transform_indices = @transform_10, window_bounds = array<i64: 1, 64>}, {pipeline_mode = #tpu.pipeline_mode<synchronous>, transform_indices = @transform_11, window_bounds = array<i64: 1, 64>}, {pipeline_mode = #tpu.pipeline_mode<synchronous>, transform_indices = @transform_12, window_bounds = array<i64: 1, 64>}, {pipeline_mode = #tpu.pipeline_mode<synchronous>, transform_indices = @transform_13, window_bounds = array<i64: 64, 16>}, {pipeline_mode = #tpu.pipeline_mode<synchronous>, transform_indices = @transform_14, window_bounds = array<i64: 1, 16>}, {pipeline_mode = #tpu.pipeline_mode<synchronous>, transform_indices = @transform_15, window_bounds = array<i64: 64, 16>}]} {
    %eq3A = arith.constant 0 : i32
    %eq3A_0 = arith.cmpi eq, %arg0, %eq3A : i32
    %convert_element_type3A = arith.extui %eq3A_0 : i1 to i32
    %cond3A = arith.constant 0 : i32
    %cond3A_1 = arith.cmpi ne, %convert_element_type3A, %cond3A : i32
    scf.if %cond3A_1 {
      %broadcast_in_dim3A_68 = arith.constant 0.000000e+00 : f32
      %broadcast_in_dim3A_69 = vector.broadcast %broadcast_in_dim3A_68 : f32 to vector<64x64xf32>
      %swap3A_70 = arith.constant 0 : index
      %swap3A_71 = arith.constant 0 : index
      %swap3A_72 = vector.load %arg17[%swap3A_70, %swap3A_71] : memref<64x64xf32, #tpu.memory_space<vmem>>, vector<64x64xf32>
      tpu.vector_store %arg17[%swap3A_70, %swap3A_71], %broadcast_in_dim3A_69 {strides = array<i32>} : memref<64x64xf32, #tpu.memory_space<vmem>>, vector<64x64xf32>,
      %broadcast_in_dim3A_73 = arith.constant 0.000000e+00 : f32
      %broadcast_in_dim3A_74 = vector.broadcast %broadcast_in_dim3A_73 : f32 to vector<64x8xf32>
      %swap3A_75 = arith.constant 0 : index
      %swap3A_76 = arith.constant 0 : index
      %swap3A_77 = vector.load %arg18[%swap3A_75, %swap3A_76] : memref<64x8xf32, #tpu.memory_space<vmem>>, vector<64x8xf32>
      tpu.vector_store %arg18[%swap3A_75, %swap3A_76], %broadcast_in_dim3A_74 {strides = array<i32>} : memref<64x8xf32, #tpu.memory_space<vmem>>, vector<64x8xf32>,
    } else {
    }
    %get3A = arith.constant 0 : index
    %get3A_2 = arith.constant 0 : index
    %get3A_3 = vector.load %arg1[%get3A, %get3A_2] : memref<3128x64xf32, #tpu.memory_space<vmem>>, vector<3128x64xf32>
    %get3A_4 = arith.constant 0 : index
    %get3A_5 = arith.constant 0 : index
    %get3A_6 = vector.load %arg3[%get3A_4, %get3A_5] : memref<3128x16xf32, #tpu.memory_space<vmem>>, vector<3128x16xf32>
    %slice3A = vector.extract_strided_slice %get3A_6 {offsets = [0, 0], sizes = [3128, 1], strides = [1, 1]} : vector<3128x16xf32> to vector<3128x1xf32>
    %mul3A = vector.broadcast %slice3A : vector<3128x1xf32> to vector<3128x64xf32>
    %mul3A_7 = arith.mulf %get3A_3, %mul3A : vector<3128x64xf32>
    %get3A_8 = arith.constant 0 : index
    %get3A_9 = arith.constant 0 : index
    %get3A_10 = vector.load %arg5[%get3A_8, %get3A_9] : memref<64x64xf32, #tpu.memory_space<vmem>>, vector<64x64xf32>
    %dot_general3A = arith.constant dense<0.000000e+00> : vector<3128x64xf32>
    %dot_general3A_11 = tpu.matmul %mul3A_7, %get3A_10, %dot_general3A {dimension_numbers = #tpu.dot_dimension_numbers<[1], [0], [0], [1], [0, 0, 1, 1], [], []>, transpose_lhs_hint = false} : vector<3128x64xf32>, vector<64x64xf32>, vector<3128x64xf32> -> vector<3128x64xf32>
    %get3A_12 = arith.constant 0 : index
    %get3A_13 = arith.constant 0 : index
    %get3A_14 = vector.load %arg2[%get3A_12, %get3A_13] : memref<3128x64xf32, #tpu.memory_space<vmem>>, vector<3128x64xf32>
    %get3A_15 = arith.constant 0 : index
    %get3A_16 = arith.constant 0 : index
    %get3A_17 = vector.load %arg6[%get3A_15, %get3A_16] : memref<64x64xf32, #tpu.memory_space<vmem>>, vector<64x64xf32>
    %dot_general3A_18 = arith.constant dense<0.000000e+00> : vector<3128x64xf32>
    %dot_general3A_19 = tpu.matmul %get3A_14, %get3A_17, %dot_general3A_18 {dimension_numbers = #tpu.dot_dimension_numbers<[1], [0], [0], [1], [0, 0, 1, 1], [], []>, transpose_lhs_hint = false} : vector<3128x64xf32>, vector<64x64xf32>, vector<3128x64xf32> -> vector<3128x64xf32>
    %add3A = arith.addf %dot_general3A_11, %dot_general3A_19 : vector<3128x64xf32>
    %get3A_20 = arith.constant 0 : index
    %get3A_21 = arith.constant 0 : index
    %get3A_22 = vector.load %arg7[%get3A_20, %get3A_21] : memref<1x64xf32, #tpu.memory_space<vmem>>, vector<1x64xf32>
    %add3A_23 = vector.broadcast %get3A_22 : vector<1x64xf32> to vector<3128x64xf32>
    %add3A_24 = arith.addf %add3A, %add3A_23 : vector<3128x64xf32>
    %max3A = arith.constant 0.000000e+00 : f32
    %max3A_25 = vector.broadcast %max3A : f32 to vector<3128x64xf32>
    %max3A_26 = arith.maximumf %add3A_24, %max3A_25 : vector<3128x64xf32>
    %get3A_27 = arith.constant 0 : index
    %get3A_28 = arith.constant 0 : index
    %get3A_29 = vector.load %arg8[%get3A_27, %get3A_28] : memref<1x64xf32, #tpu.memory_space<vmem>>, vector<1x64xf32>
    %mul3A_30 = vector.broadcast %get3A_29 : vector<1x64xf32> to vector<3128x64xf32>
    %mul3A_31 = arith.mulf %max3A_26, %mul3A_30 : vector<3128x64xf32>
    %get3A_32 = arith.constant 0 : index
    %get3A_33 = arith.constant 0 : index
    %get3A_34 = vector.load %arg9[%get3A_32, %get3A_33] : memref<1x64xf32, #tpu.memory_space<vmem>>, vector<1x64xf32>
    %add3A_35 = vector.broadcast %get3A_34 : vector<1x64xf32> to vector<3128x64xf32>
    %add3A_36 = arith.addf %mul3A_31, %add3A_35 : vector<3128x64xf32>
    %iota3A = tpu.iota {dimensions = array<i32: 1>} : vector<1x64xi32>
    %get3A_37 = arith.constant 0 : index
    %get3A_38 = arith.constant 0 : index
    %get3A_39 = vector.load %arg4[%get3A_37, %get3A_38] : memref<3128x1xi32, #tpu.memory_space<vmem>>, vector<3128x1xi32>
    %eq3A_40 = vector.broadcast %get3A_39 : vector<3128x1xi32> to vector<3128x64xi32>
    %eq3A_41 = vector.broadcast %iota3A : vector<1x64xi32> to vector<3128x64xi32>
    %eq3A_42 = arith.cmpi eq, %eq3A_40, %eq3A_41 : vector<3128x64xi32>
    %convert_element_type3A_43 = arith.extui %eq3A_42 : vector<3128x64xi1> to vector<3128x64xi32>
    %convert_element_type3A_44 = arith.sitofp %convert_element_type3A_43 : vector<3128x64xi32> to vector<3128x64xf32>
    %get3A_45 = arith.constant 0 : index
    %get3A_46 = arith.constant 0 : index
    %get3A_47 = vector.load %arg17[%get3A_45, %get3A_46] : memref<64x64xf32, #tpu.memory_space<vmem>>, vector<64x64xf32>
    %dot_general3A_48 = arith.constant dense<0.000000e+00> : vector<64x64xf32>
    %dot_general3A_49 = tpu.matmul %convert_element_type3A_44, %add3A_36, %dot_general3A_48 {dimension_numbers = #tpu.dot_dimension_numbers<[0], [0], [1], [1], [0, 1, 1, 1], [], []>, transpose_lhs_hint = false} : vector<3128x64xf32>, vector<3128x64xf32>, vector<64x64xf32> -> vector<64x64xf32>
    %add3A_50 = arith.addf %get3A_47, %dot_general3A_49 : vector<64x64xf32>
    %swap3A = arith.constant 0 : index
    %swap3A_51 = arith.constant 0 : index
    %swap3A_52 = vector.load %arg17[%swap3A, %swap3A_51] : memref<64x64xf32, #tpu.memory_space<vmem>>, vector<64x64xf32>
    tpu.vector_store %arg17[%swap3A, %swap3A_51], %add3A_50 {strides = array<i32>} : memref<64x64xf32, #tpu.memory_space<vmem>>, vector<64x64xf32>,
    %broadcast_in_dim3A = arith.constant 1.000000e+00 : f32
    %broadcast_in_dim3A_53 = vector.broadcast %broadcast_in_dim3A : f32 to vector<3128x8xf32>
    %get3A_54 = arith.constant 0 : index
    %get3A_55 = arith.constant 0 : index
    %get3A_56 = vector.load %arg18[%get3A_54, %get3A_55] : memref<64x8xf32, #tpu.memory_space<vmem>>, vector<64x8xf32>
    %dot_general3A_57 = arith.constant dense<0.000000e+00> : vector<64x8xf32>
    %dot_general3A_58 = tpu.matmul %convert_element_type3A_44, %broadcast_in_dim3A_53, %dot_general3A_57 {dimension_numbers = #tpu.dot_dimension_numbers<[0], [0], [1], [1], [0, 1, 1, 1], [], []>, transpose_lhs_hint = false} : vector<3128x64xf32>, vector<3128x8xf32>, vector<64x8xf32> -> vector<64x8xf32>
    %add3A_59 = arith.addf %get3A_56, %dot_general3A_58 : vector<64x8xf32>
    %swap3A_60 = arith.constant 0 : index
    %swap3A_61 = arith.constant 0 : index
    %swap3A_62 = vector.load %arg18[%swap3A_60, %swap3A_61] : memref<64x8xf32, #tpu.memory_space<vmem>>, vector<64x8xf32>
    tpu.vector_store %arg18[%swap3A_60, %swap3A_61], %add3A_59 {strides = array<i32>} : memref<64x8xf32, #tpu.memory_space<vmem>>, vector<64x8xf32>,
    %eq3A_63 = arith.constant 15 : i32
    %eq3A_64 = arith.cmpi eq, %arg0, %eq3A_63 : i32
    %convert_element_type3A_65 = arith.extui %eq3A_64 : i1 to i32
    %cond3A_66 = arith.constant 0 : i32
    %cond3A_67 = arith.cmpi ne, %convert_element_type3A_65, %cond3A_66 : i32
    scf.if %cond3A_67 {
      %get3A_68 = arith.constant 0 : index
      %get3A_69 = arith.constant 0 : index
      %get3A_70 = vector.load %arg18[%get3A_68, %get3A_69] : memref<64x8xf32, #tpu.memory_space<vmem>>, vector<64x8xf32>
      %slice3A_71 = vector.extract_strided_slice %get3A_70 {offsets = [0, 0], sizes = [64, 1], strides = [1, 1]} : vector<64x8xf32> to vector<64x1xf32>
      %max3A_72 = arith.constant 1.000000e+00 : f32
      %max3A_73 = vector.broadcast %max3A_72 : f32 to vector<64x1xf32>
      %max3A_74 = arith.maximumf %slice3A_71, %max3A_73 : vector<64x1xf32>
      %get3A_75 = arith.constant 0 : index
      %get3A_76 = arith.constant 0 : index
      %get3A_77 = vector.load %arg17[%get3A_75, %get3A_76] : memref<64x64xf32, #tpu.memory_space<vmem>>, vector<64x64xf32>
      %div3A = vector.broadcast %max3A_74 : vector<64x1xf32> to vector<64x64xf32>
      %div3A_78 = arith.divf %get3A_77, %div3A : vector<64x64xf32>
      %get3A_79 = arith.constant 0 : index
      %get3A_80 = arith.constant 0 : index
      %get3A_81 = vector.load %arg10[%get3A_79, %get3A_80] : memref<64x64xf32, #tpu.memory_space<vmem>>, vector<64x64xf32>
      %dot_general3A_82 = arith.constant dense<0.000000e+00> : vector<64x64xf32>
      %dot_general3A_83 = tpu.matmul %div3A_78, %get3A_81, %dot_general3A_82 {dimension_numbers = #tpu.dot_dimension_numbers<[1], [0], [0], [1], [0, 0, 1, 1], [], []>, transpose_lhs_hint = false} : vector<64x64xf32>, vector<64x64xf32>, vector<64x64xf32> -> vector<64x64xf32>
      %get3A_84 = arith.constant 0 : index
      %get3A_85 = arith.constant 0 : index
      %get3A_86 = vector.load %arg11[%get3A_84, %get3A_85] : memref<1x64xf32, #tpu.memory_space<vmem>>, vector<1x64xf32>
      %add3A_87 = vector.broadcast %get3A_86 : vector<1x64xf32> to vector<64x64xf32>
      %add3A_88 = arith.addf %dot_general3A_83, %add3A_87 : vector<64x64xf32>
      %max3A_89 = arith.constant 0.000000e+00 : f32
      %max3A_90 = vector.broadcast %max3A_89 : f32 to vector<64x64xf32>
      %max3A_91 = arith.maximumf %add3A_88, %max3A_90 : vector<64x64xf32>
      %get3A_92 = arith.constant 0 : index
      %get3A_93 = arith.constant 0 : index
      %get3A_94 = vector.load %arg12[%get3A_92, %get3A_93] : memref<1x64xf32, #tpu.memory_space<vmem>>, vector<1x64xf32>
      %mul3A_95 = vector.broadcast %get3A_94 : vector<1x64xf32> to vector<64x64xf32>
      %mul3A_96 = arith.mulf %max3A_91, %mul3A_95 : vector<64x64xf32>
      %get3A_97 = arith.constant 0 : index
      %get3A_98 = arith.constant 0 : index
      %get3A_99 = vector.load %arg13[%get3A_97, %get3A_98] : memref<1x64xf32, #tpu.memory_space<vmem>>, vector<1x64xf32>
      %add3A_100 = vector.broadcast %get3A_99 : vector<1x64xf32> to vector<64x64xf32>
      %add3A_101 = arith.addf %mul3A_96, %add3A_100 : vector<64x64xf32>
      %get3A_102 = arith.constant 0 : index
      %get3A_103 = arith.constant 0 : index
      %get3A_104 = vector.load %arg14[%get3A_102, %get3A_103] : memref<64x16xf32, #tpu.memory_space<vmem>>, vector<64x16xf32>
      %dot_general3A_105 = arith.constant dense<0.000000e+00> : vector<64x16xf32>
      %dot_general3A_106 = tpu.matmul %add3A_101, %get3A_104, %dot_general3A_105 {dimension_numbers = #tpu.dot_dimension_numbers<[1], [0], [0], [1], [0, 0, 1, 1], [], []>, transpose_lhs_hint = false} : vector<64x64xf32>, vector<64x16xf32>, vector<64x16xf32> -> vector<64x16xf32>
      %get3A_107 = arith.constant 0 : index
      %get3A_108 = arith.constant 0 : index
      %get3A_109 = vector.load %arg15[%get3A_107, %get3A_108] : memref<1x16xf32, #tpu.memory_space<vmem>>, vector<1x16xf32>
      %add3A_110 = vector.broadcast %get3A_109 : vector<1x16xf32> to vector<64x16xf32>
      %add3A_111 = arith.addf %dot_general3A_106, %add3A_110 : vector<64x16xf32>
      %reduce_max3A = arith.constant dense<0xFF800000> : vector<64xf32>
      %reduce_max3A_112 = vector.multi_reduction <maximumf>, %add3A_111, %reduce_max3A [1] : vector<64x16xf32> to vector<64xf32>
      %broadcast_in_dim3A_113 = vector.shape_cast %reduce_max3A_112 : vector<64xf32> to vector<64x1xf32>
      %sub3A = vector.broadcast %broadcast_in_dim3A_113 : vector<64x1xf32> to vector<64x16xf32>
      %sub3A_114 = arith.subf %add3A_111, %sub3A : vector<64x16xf32>
      %exp3A = math.exp %sub3A_114 : vector<64x16xf32>
      %reduce_sum3A = arith.constant dense<0.000000e+00> : vector<64xf32>
      %reduce_sum3A_115 = vector.multi_reduction <add>, %exp3A, %reduce_sum3A [1] : vector<64x16xf32> to vector<64xf32>
      %broadcast_in_dim3A_116 = vector.shape_cast %reduce_sum3A_115 : vector<64xf32> to vector<64x1xf32>
      %log3A = math.log %broadcast_in_dim3A_116 : vector<64x1xf32>
      %add3A_117 = arith.addf %broadcast_in_dim3A_113, %log3A : vector<64x1xf32>
      %sub3A_118 = vector.broadcast %add3A_117 : vector<64x1xf32> to vector<64x16xf32>
      %sub3A_119 = arith.subf %add3A_111, %sub3A_118 : vector<64x16xf32>
      %swap3A_120 = arith.constant 0 : index
      %swap3A_121 = arith.constant 0 : index
      %swap3A_122 = vector.load %arg16[%swap3A_120, %swap3A_121] : memref<64x16xf32, #tpu.memory_space<vmem>>, vector<64x16xf32>
      tpu.vector_store %arg16[%swap3A_120, %swap3A_121], %sub3A_119 {strides = array<i32>} : memref<64x16xf32, #tpu.memory_space<vmem>>, vector<64x16xf32>,
    } else {
    }
    return
  }
  func.func @transform_0(%arg0: i32) -> (i32, i32) {
    %c0_i32 = arith.constant 0 : i32
    %c0_i32_0 = arith.constant 0 : i32
    return %arg0, %c0_i32 : i32, i32
  }
  func.func @transform_1(%arg0: i32) -> (i32, i32) {
    %c0_i32 = arith.constant 0 : i32
    %c0_i32_0 = arith.constant 0 : i32
    return %arg0, %c0_i32 : i32, i32
  }
  func.func @transform_2(%arg0: i32) -> (i32, i32) {
    %c0_i32 = arith.constant 0 : i32
    %c0_i32_0 = arith.constant 0 : i32
    return %arg0, %c0_i32 : i32, i32
  }
  func.func @transform_3(%arg0: i32) -> (i32, i32) {
    %c0_i32 = arith.constant 0 : i32
    %c0_i32_0 = arith.constant 0 : i32
    return %arg0, %c0_i32 : i32, i32
  }
  func.func @transform_4(%arg0: i32) -> (i32, i32) {
    %c0_i32 = arith.constant 0 : i32
    %c0_i32_0 = arith.constant 0 : i32
    %c0_i32_1 = arith.constant 0 : i32
    return %c0_i32, %c0_i32_0 : i32, i32
  }
  func.func @transform_5(%arg0: i32) -> (i32, i32) {
    %c0_i32 = arith.constant 0 : i32
    %c0_i32_0 = arith.constant 0 : i32
    %c0_i32_1 = arith.constant 0 : i32
    return %c0_i32, %c0_i32_0 : i32, i32
  }
  func.func @transform_6(%arg0: i32) -> (i32, i32) {
    %c0_i32 = arith.constant 0 : i32
    %c0_i32_0 = arith.constant 0 : i32
    %c0_i32_1 = arith.constant 0 : i32
    return %c0_i32, %c0_i32_0 : i32, i32
  }
  func.func @transform_7(%arg0: i32) -> (i32, i32) {
    %c0_i32 = arith.constant 0 : i32
    %c0_i32_0 = arith.constant 0 : i32
    %c0_i32_1 = arith.constant 0 : i32
    return %c0_i32, %c0_i32_0 : i32, i32
  }
  func.func @transform_8(%arg0: i32) -> (i32, i32) {
    %c0_i32 = arith.constant 0 : i32
    %c0_i32_0 = arith.constant 0 : i32
    %c0_i32_1 = arith.constant 0 : i32
    return %c0_i32, %c0_i32_0 : i32, i32
  }
  func.func @transform_9(%arg0: i32) -> (i32, i32) {
    %c0_i32 = arith.constant 0 : i32
    %c0_i32_0 = arith.constant 0 : i32
    %c0_i32_1 = arith.constant 0 : i32
    return %c0_i32, %c0_i32_0 : i32, i32
  }
  func.func @transform_10(%arg0: i32) -> (i32, i32) {
    %c0_i32 = arith.constant 0 : i32
    %c0_i32_0 = arith.constant 0 : i32
    %c0_i32_1 = arith.constant 0 : i32
    return %c0_i32, %c0_i32_0 : i32, i32
  }
  func.func @transform_11(%arg0: i32) -> (i32, i32) {
    %c0_i32 = arith.constant 0 : i32
    %c0_i32_0 = arith.constant 0 : i32
    %c0_i32_1 = arith.constant 0 : i32
    return %c0_i32, %c0_i32_0 : i32, i32
  }
  func.func @transform_12(%arg0: i32) -> (i32, i32) {
    %c0_i32 = arith.constant 0 : i32
    %c0_i32_0 = arith.constant 0 : i32
    %c0_i32_1 = arith.constant 0 : i32
    return %c0_i32, %c0_i32_0 : i32, i32
  }
  func.func @transform_13(%arg0: i32) -> (i32, i32) {
    %c0_i32 = arith.constant 0 : i32
    %c0_i32_0 = arith.constant 0 : i32
    %c0_i32_1 = arith.constant 0 : i32
    return %c0_i32, %c0_i32_0 : i32, i32
  }
  func.func @transform_14(%arg0: i32) -> (i32, i32) {
    %c0_i32 = arith.constant 0 : i32
    %c0_i32_0 = arith.constant 0 : i32
    %c0_i32_1 = arith.constant 0 : i32
    return %c0_i32, %c0_i32_0 : i32, i32
  }
  func.func @transform_15(%arg0: i32) -> (i32, i32) {
    %c0_i32 = arith.constant 0 : i32
    %c0_i32_0 = arith.constant 0 : i32
    %c0_i32_1 = arith.constant 0 : i32
    return %c0_i32, %c0_i32_0 : i32, i32
  }
}

</mosaic_0001>

<sc_bundles>
// kernel: kernel.10.cloned.1.call-start
scs
__scs_entry_jumppad:
0x0: {  	(pc) =	sbr.rel $0x88, $3  }
0x1: {  	(tag) =	ssettag $0x0;
	lr =	simm.s32 $0x1  }
0x2: {  	[smem:$0x3F7F] =	sst lr;
	_ =	strace $0xD0000000  }
0x3: {  	_ = 	snop  }
0x4: {  	_ = 	snop  }
0x5: {  	_ = 	snop  }
0x6: {  	_ = 	snop  }
0x7: {  	_ = 	snop  }
__scs_overlays_trampoline_lowered:
0x8: {  	[smem:$0x3F8E] =	sst s0  }
0x9: {  	[smem:$0x3F8F] =	sst s1  }
0xa: {  	[smem:$0x3F90] =	sst s2  }
0xb: {  	[smem:$0x3F91] =	sst s3  }
0xc: {  	[smem:$0x3F92] =	sst s4  }
0xd: {  	[smem:$0x3F93] =	sst s5  }
0xe: {  	[smem:$0x3F94] =	sst s6  }
0xf: {  	[smem:$0x3F95] =	sst s7  }
0x10: {  	[smem:$0x3F96] =	sst s8  }
0x11: {  	[smem:$0x3F97] =	sst s9;
	s0 =	simm.s32 @!p0 $0x0  }
0x12: {  	s1 =	sld [smem:$0x3F7D];
	s0 =	simm.s32 @p0 $0x1  }
0x13: {  	[smem:$0x3F98] =	sst s0;
	s0 =	simm.s32 @!p1 $0x0  }
0x14: {  	s2 =	sld [smem:$0x3F7C];
	s0 =	simm.s32 @p1 $0x1  }
0x15: {  	[smem:$0x3F99] =	sst s0;
	s0 =	simm.s32 @!p2 $0x0  }
0x16: {  	s3 =	sld [smem:$0x3FDB];
	s0 =	simm.s32 @p2 $0x1  }
0x17: {  	s4 =	simm.s32 $0x1BF5;
	[smem:$0x3F9B] =	sst s0  }
0x18: {  	s0 =	sld [smem:$0x3F7E];
	_ =	swait.ge [sflag:s4], $0x0  }
0x19: {  	s7 =	sld [smem:$0x3F7F]  }
0x1a: {  	s8 =	sadd.s32 $0xFFFFE003, lr  }
0x1b: {  	s9 =	sadd.s32 $0xFFFFFEF7, lr;
	s5 =	simm.s32 $0xFFFFFFFF;
	p2 =	slt.u32 s8, $0xFFFFF086  }
0x1c: {  	p1 =	slt.u32 s9, $0xF7A;
	s5 =	simm.s32 @!p2 $0x0  }
0x1d: {  	s5 =	simm.s32 @p1 $0x1;
	p0 =	seq.s32 s7, s2  }
0x1e: {  	s7 =	smul.u32 @!p0 $0xF7A, s2;
	p2 =	seq.s32 @!p0 s5, $0x0  }
0x1f: {  	s9 =	smul.u32 $0xF7A, s1;
	s8 =	simm.s32 @!p0 $0x1BF5;
	p2 =	por !p2, p0  }
0x20: {  	[sflag:s8] =	ssyncset.s32 @!p0 $0xFFFFF086;
	s6 =	sadd.s32 @!p0 s3, s7;
	s7 =	simm.s32 @!p0 $0x108  }
0x21: {  	s3 =	sadd.s32 s3, s9;
	s6 =	sadd.s32 @!p0 $0x88, s6;
	s7 =	simm.s32 @p2 $0x1082  }
0x22: {  	[simem:s7], [sflag:s8] =	dma.local @!p0 [hbm:s6], $0xF7A  }
0x23: {  	s9 =	sor.u32 $0xD0000000, s2;
	s6 =	simm.s32 $0x108;
	_ =	swait.ge @!p0 [sflag:s8], $0x0  }
0x24: {  	s3 =	sadd.s32 $0x88, s3;
	s6 =	simm.s32 @!p1 $0x1082;
	[sflag:s4] =	ssyncset.s32 $0xFFFFF086  }
0x25: {  	[simem:s6], [sflag:s4] =	dma.local [hbm:s3], $0xF7A  }
0x26: {  	[smem:$0x3F7F] =	sst s1;
	(tag) =	ssettag s2;
	_ =	strace s9  }
0x27: {  	s1 =	sld [smem:$0x3F8F]  }
0x28: {  	s2 =	sld [smem:$0x3F90]  }
0x29: {  	s4 =	sld [smem:$0x3F92]  }
0x2a: {  	p0 =	seq.s32 s5, $0x0;
	s5 =	sld [smem:$0x3F93]  }
0x2b: {  	s6 =	sld [smem:$0x3F94]  }
0x2c: {  	s7 =	sld [smem:$0x3F95]  }
0x2d: {  	s3 =	simm.s32 $0x108;
	s8 =	sld [smem:$0x3F96]  }
0x2e: {  	s3 =	simm.s32 @!p0 $0x1082;
	s9 =	sld [smem:$0x3F97]  }
0x2f: {  	lr =	sadd.s32 s0, s3;
	s0 =	sld [smem:$0x3F8E]  }
0x30: {  	s3 =	sld [smem:$0x3F91]  }
0x31: {  	[smem:$0x3F9A] =	sst s10  }
0x32: {  	s10 =	sld [smem:$0x3F98];
	_ =	sdelay $0x3  }
0x33: {  	p0 =	seq.s32 s10, $0x1;
	s10 =	sld [smem:$0x3F9A];
	_ =	sdelay $0x3  }
0x34: {  	[smem:$0x3F9A] =	sst s10  }
0x35: {  	s10 =	sld [smem:$0x3F99];
	_ =	sdelay $0x3  }
0x36: {  	p1 =	seq.s32 s10, $0x1;
	s10 =	sld [smem:$0x3F9A];
	_ =	sdelay $0x3  }
0x37: {  	[smem:$0x3F9A] =	sst s10  }
0x38: {  	s10 =	sld [smem:$0x3F9B]  }
0x39: {  	_ = 	snop;
	(pc) =	sbr.ind lr, $3  }
0x3a: {  	_ = 	snop  }
0x3b: {  	_ = 	snop  }
0x3c: {  	p2 =	seq.s32 s10, $0x1;
	s10 =	sld [smem:$0x3F9A]  }
0x3d: {  	_ =	shalt  }
0x3e: {  	_ =	shalt  }
0x3f: {  	_ =	shalt  }
0x40: {  	_ =	shalt  }
0x41: {  	_ =	shalt  }
0x42: {  	_ =	shalt  }
0x43: {  	_ =	shalt  }
0x44: {  	_ =	shalt  }
0x45: {  	_ =	shalt  }
0x46: {  	_ =	shalt  }
0x47: {  	_ =	shalt  }
0x48: {  	_ =	shalt  }
0x49: {  	_ =	shalt  }
0x4a: {  	_ =	shalt  }
0x4b: {  	_ =	shalt  }
0x4c: {  	_ =	shalt  }
0x4d: {  	_ =	shalt  }
0x4e: {  	_ =	shalt  }
0x4f: {  	_ =	shalt  }
0x50: {  	_ =	shalt  }
0x51: {  	_ =	shalt  }
0x52: {  	_ =	shalt  }
0x53: {  	_ =	shalt  }
0x54: {  	_ =	shalt  }
0x55: {  	_ =	shalt  }
0x56: {  	_ =	shalt  }
0x57: {  	_ =	shalt  }
0x58: {  	_ =	shalt  }
0x59: {  	_ =	shalt  }
0x5a: {  	_ =	shalt  }
0x5b: {  	_ =	shalt  }
0x5c: {  	_ =	shalt  }
0x5d: {  	_ =	shalt  }
0x5e: {  	_ =	shalt  }
0x5f: {  	_ =	shalt  }
0x60: {  	_ =	shalt  }
0x61: {  	_ =	shalt  }
0x62: {  	_ =	shalt  }
0x63: {  	_ =	shalt  }
0x64: {  	_ =	shalt  }
0x65: {  	_ =	shalt  }
0x66: {  	_ =	shalt  }
0x67: {  	_ =	shalt  }
0x68: {  	_ =	shalt  }
0x69: {  	_ =	shalt  }
0x6a: {  	_ =	shalt  }
0x6b: {  	_ =	shalt  }
0x6c: {  	_ =	shalt  }
0x6d: {  	_ =	shalt  }
0x6e: {  	_ =	shalt  }
0x6f: {  	_ =	shalt  }
0x70: {  	_ =	shalt  }
0x71: {  	_ =	shalt  }
0x72: {  	_ =	shalt  }
0x73: {  	_ =	shalt  }
0x74: {  	_ =	shalt  }
0x75: {  	_ =	shalt  }
0x76: {  	_ =	shalt  }
0x77: {  	_ =	shalt  }
0x78: {  	_ =	shalt  }
0x79: {  	_ =	shalt  }
0x7a: {  	_ =	shalt  }
0x7b: {  	_ =	shalt  }
0x7c: {  	_ =	shalt  }
0x7d: {  	_ =	shalt  }
0x7e: {  	_ =	shalt  }
0x7f: {  	_ =	shalt  }
0x80: {  	_ =	shalt  }
0x81: {  	_ =	shalt  }
0x82: {  	_ =	shalt  }
0x83: {  	_ =	shalt  }
0x84: {  	_ =	shalt  }
0x85: {  	_ =	shalt  }
0x86: {  	_ =	shalt  }
0x87: {  	_ =	shalt  }
.Lfunc_end0:
.L_simem_size_0:
called_computation_lowered:
.L_overlay_start_0:
0x88: {  	s2 =	sld [smem:$0x3FD9]  }
0x89: {  	s3 =	sld [smem:$0x3FFE];
	_ =	sdelay $0x1  }
0x8a: {  	s1 =	srdreg.scid  }
0x8b: {  	s0 =	sand.u32 $0x1, s1  }
0x8c: {  	s17 =	sshll.u32 s0, $0xA;
	s2 =	sadd.s32 s3, s2  }
0x8d: {  	s2 =	sadd.s32 s2, s17  }
0x8e: {  	[smem:$0x3FA6] =	sst s2  }
0x8f: {  	_ = 	snop  }
0x90: {  	s2 =	sld [smem:$0x3FD0];
	(tm) =	ssettm $0x1  }
0x91: {  	s18 =	sld [smem:$0x3FFB];
	_ =	sdelay $0x3  }
0x92: {  	_ =	strace s18  }
0x93: {  	s3 =	sld [smem:$0x3FFC];
	_ =	sdelay $0x3  }
0x94: {  	_ =	strace s3  }
0x95: {  	s3 =	sld [smem:$0x3FFD];
	_ =	sdelay $0x3  }
0x96: {  	_ =	strace s3  }
0x97: {  	_ =	strace $0x8FFFFFFF  }
0x98: {  	s19 =	sld [smem:$0x3FDB];
	_ =	sdelay $0x1  }
0x99: {  	s4 =	simm.s32 $_scs_section_size  }
0x9a: {  	s5 =	simm.s32 $_size__tile_overlayer_lowered;
	s6 =	simm.s32 $_tile_overlayer_lowered  }
0x9b: {  	s22 =	simm.s32 $0x1BFF;
	s21 =	sshll.u32 s6, $0x1;
	s3 =	sadd.s32 s4, s19  }
0x9c: {  	s7 =	simm.s32 $0x0;
	s20 =	sshll.u32 s5, $0x1;
	s5 =	sadd.s32 s21, s3  }
0x9d: {  	[timem:s7], [sflag:s22] =	dma.local [hbm:s5], s20  }
0x9e: {  	_ =	swait.ge [sflag:s22], s20  }
0x9f: {  	s4 =	ssub.s32 $0x0, s20;
	[sflag:s22] =	ssyncset.done $0x0  }
0xa0: {  	[sflag:s22] =	ssyncadd.s32 s4;
	_ =	sdelay $0x1  }
0xa1: {  	s23 =	simm.s32 $0x1B8B  }
0xa2: {  	_ =	swait.ge [sflag:s23], $0x1  }
0xa3: {  	[sflag:s23] =	ssyncset.done $0x0  }
0xa4: {  	s25 =	simm.s32 $0x1B8E;
	s24 =	sld [smem:$0x3FFE];
	[sflag:s23] =	ssyncadd.s32 $0xFFFFFFFF  }
0xa5: {  	s26 =	simm.s32 $execute0_lowered;
	[smem:$0x3FD2] =	sst s25  }
0xa6: {  	s5 =	sshll.u32 s26, $0x1;
	_ =	strace $0x80000046;
	[dreg:$0x1] =	wrdreg $0xFFFFFFFF  }
0xa7: {  	s28 =	simm.s32 $_size_execute0_lowered;
	s3 =	sadd.s32 s3, s5;
	[dreg:$0x0] =	wrdreg $0x0  }
0xa8: {  	s5 =	sshll.u32 s28, $0x1;
	[dreg:$0x2] =	wrdreg s3  }
0xa9: {  	[dreg:$0x3] =	wrdreg s5  }
0xaa: {  	[dreg:$0x4] =	wrdreg $0xC0  }
0xab: {  	_ =	task [dreg:s7], $0x5FFFF  }
0xac: {  	[dreg:$0x1] =	wrdreg $0xFFFFFFFF  }
0xad: {  	[dreg:$0x0] =	wrdreg $0x60  }
0xae: {  	[dreg:$0x2] =	wrdreg s24  }
0xaf: {  	[dreg:$0x3] =	wrdreg s2  }
0xb0: {  	[dreg:$0x4] =	wrdreg $0xE000  }
0xb1: {  	[dreg:$0x5] =	wrdreg $0x9  }
0xb2: {  	_ =	task.clear_ibuf [dreg:s7], $0x6FFFF;
	_ =	strace $0x90000046  }
0xb3: {  	s29 =	simm.s32 $0x9;
	_ =	strace $0x80000048  }
0xb4: {  	_ =	swait.ge [sflag:s29], $0x1  }
0xb5: {  	[sflag:s29] =	ssyncadd.s32 $0xFFFFFFFF  }
0xb6: {  	_ =	strace $0x90000048  }
0xb7: {  	_ =	sfence  }
0xb8: {  	s30 =	sld [smem:$0x0];
	_ =	sdelay $0x2  }
0xb9: {  	s31 =	sshll.u32 s1, $0xD;
	s1 =	sshrl.u32 s1, $0x2  }
0xba: {  	s3 =	sand.u32 $0x4000, s31;
	s1 =	sadd.s32 s1, s30  }
0xbb: {  	s0 =	sor.u32 s3, s0;
	s1 =	sshll.u32 s1, $0x11  }
0xbc: {  	s0 =	sor.u32 s1, s0  }
0xbd: {  	s0 =	sadd.s32 $0x8F2B, s0  }
0xbe: {  	[sflag:s0] =	ssyncadd.remote.s32 $0x1  }
0xbf: {  	_ =	sfence.sel $0xFFFF  }
0xc0: {  	[dreg:$0x0] =	wrdreg $0xFFFFFFFF;
	(pc) =	sbr.abs _section_cstart, $3  }
0xc1: {  	[dreg:$0x1] =	wrdreg $0xFFFFFFFF  }
0xc2: {  	_ =	task.clear_ibuf [dreg:s7], $0x2FFFF;
	_ =	strace $0x9FFFFFFF  }
0xc3: {  	(tm) =	ssettm $0x7FFFFFFF  }
tec
execute0_lowered:
.L_overlay_start_1:
0x0: {  	(tag) =	ssettag $0x1  }
0x1: {  	s6 =	rddreg [dreg:$0x0]  }
0x2: {  	s2 =	rddreg [dreg:$0x1];
	s0 =	stileid.u32  }
0x3: {  	s1 =	srdreg.scid;
	s3 =	rddreg [dreg:$0x2]  }
0x4: {  	s4 =	simm.s32 $0x0;
	s16 =	simm.s32 $0x100;
	s5 =	smul.u32 $0x18C0, s0  }
0x5: {  	s17 =	simm.s32 $0x180;
	s18 =	simm.s32 $0x200;
	s9 =	smul.u32 $0xC600, s0  }
0x6: {  	s19 =	simm.s32 $0x280;
	s20 =	simm.s32 $0x300;
	s12 =	smul.u32 $0x18700, s0  }
0x7: {  	s30 =	simm.s32 $0x0;
	s7 =	sand.u32 $0x1, s1;
	s23 =	smul.u32 $0x620, s0  }
0x8: {  	[smem:$0x7FF] =	sst s4;
	s11 =	sadd.s32 $0x1F000, s6;
	s25 =	smul.u32 $0x18800, s0  }
0x9: {  	s26 =	sshll.u32 s0, $0x6;
	p0 =	seq.s32 s0, $0xF;
	s8 =	smul.u32 $0xC6000, s7  }
0xa: {  	_ =	strace $0x80000047;
	s28 =	smul.u32 $0x61C0, s7;
	s21 =	ssub.s32 $0x2, s7  }
0xb: {  	s7 =	smul.u32 $0x61C00, s7;
	s10 =	sadd.s32 s5, s6;
	s5 =	sadd.s32 $0x1E200, s6  }
0xc: {  	s22 =	sshrl.u32 s21, $0x1;
	s24 =	sshrl.u32 s12, $0x2;
	s12 =	sshrl.u32 s25, $0x2  }
0xd: {  	s25 =	simm.s32 $0x480;
	s8 =	sadd.s32 s9, s8;
	s9 =	ssub.s32 s21, s22  }
0xe: {  	s14 =	sadd.s32 s24, s3;
	s29 =	sadd.s32 $0x61C0, s28;
	s15 =	sshrl.u32 s7, $0x3  }
0xf: {  	s22 =	sadd.s32 $0x5BE00, s3;
	s10 =	sadd.s32 $0x5600, s10;
	s21 =	simm.s32 $0x380  }
0x10: {  	s24 =	simm.s32 $0x400;
	s8 =	sshrl.u32 s8, $0x3;
	s31 =	sadd.s32 s11, s15  }
0x11: {  	s9 =	smax.u32 s9, $0x1;
	s15 =	simm.s32 $0x80;
	s22 =	sshrl.u32 @p0 s22, $0x3  }
0x12: {  	v1 =	vmov s29;
	s29 =	simm.s32 $0x1;
	s13 =	sadd.s32 s8, s6;
	s6 =	sor.u32 $0x1C02, s26  }
0x13: {  	s8 =	sadd.s32 s23, s28;
	s23 =	sadd.s32 s12, s3;
	s12 =	sshrl.u32 s14, $0x3  }
0x14: {  	s14 =	simm.s32 $0x600;
	s26 =	simm.s32 $0x500;
	s8 =	sshll.u32 s8, $0x1  }
0x15: {  	v0 =	vmov s28;
	s28 =	simm.s32 $0x580;
	s23 =	sshrl.u32 @!p0 s23, $0x3;
	s7 =	sadd.s32 s11, s8  }
0x16: {  	s8 =	sadd.s32 $0xB7C0, s31;
	s11 =	sadd.s32 $0x37800, s13;
	s13 =	simm.s32 $0x2  }
.LBB2_1:
0x17: {  	[spmem:s12], [sflag:s6] =	dma.local [hbm:s5], $0xC38  }
0x18: {  	_ =	swait.ge [sflag:s13], $0xC38  }
0x19: {  	[sflag:s13] =	ssyncset.done $0x0  }
0x1a: {  	[sflag:s13] =	ssyncadd.s32 $0xFFFFF3C8  }
0x1b: {  	[tilespmem:s14], [sflag:$0x2] =	stream.linear.gather [hbm4b:s2+s4], $0x800, $0x38;
	[tilespmem:$0x7048] =	vst v63  }
0x1c: {  	_ =	swait.ge [sflag:s13], $0x800  }
0x1d: {  	[sflag:s13] =	ssyncset.done $0x0  }
0x1e: {  	[sflag:s13] =	ssyncadd.s32 $0xFFFFF800  }
0x1f: {  	s31 =	simm.s32 $0x0;
	[bflag:$0x0] =	sbarrier.arrive $0xFFFF  }
.LBB2_2:
0x20: {  	s1 =	sadd.s32 s31, s10  }
0x21: {  	[tilespmem:s4], [sflag:$0x2] =	stream.linear.gather [hbm4b:s1+s4], $0x600, $0x38;
	[tilespmem:$0x7048] =	vst v63  }
0x22: {  	_ =	swait.ge [sflag:s13], $0x600  }
0x23: {  	[sflag:s13] =	ssyncset.done $0x0  }
0x24: {  	[sflag:s13] =	ssyncadd.s32 $0xFFFFFA00  }
0x25: {  	v2 =	vld [tilespmem:$0x0]  }
0x26: {  	v3 =	vld [tilespmem:$0x10]  }
0x27: {  	v5 =	vld [tilespmem:$0x20]  }
0x28: {  	v7 =	vld [tilespmem:$0x30]  }
0x29: {  	v18 =	vld [tilespmem:$0x40]  }
0x2a: {  	v9 =	vld [tilespmem:$0x50]  }
0x2b: {  	v11 =	vld [tilespmem:$0x60];
	vm0 =	vge.s32 v2, v0;
	vm1 =	vlt.s32 v2, v1  }
0x2c: {  	v21 =	vld [tilespmem:$0x70];
	v4 =	vand.u32 $0x7F, v2;
	v2 =	vsub.s32 v2, v0;
	vm8 =	vge.s32 v3, v0  }
0x2d: {  	v12 =	vld [tilespmem:$0x80];
	vm2 =	vlt.s32 v3, v1;
	v6 =	vand.u32 $0x7F, v3;
	v8 =	vsub.s32 v3, v0  }
0x2e: {  	v14 =	vld [tilespmem:$0x90];
	vm9 =	vge.s32 v5, v0;
	vm10 =	vlt.s32 v5, v1;
	v19 =	vand.u32 $0x7F, v5  }
0x2f: {  	v24 =	vld [tilespmem:$0xA0];
	v5 =	vsub.s32 v5, v0;
	vm11 =	vge.s32 v7, v0;
	vm12 =	vlt.s32 v7, v1  }
0x30: {  	v15 =	vld [tilespmem:$0xB0];
	v20 =	vand.u32 $0x7F, v7;
	v7 =	vsub.s32 v7, v0;
	vm13 =	vge.s32 v18, v0  }
0x31: {  	v17 =	vld [tilespmem:$0xC0];
	vm3 =	vlt.s32 v18, v1;
	v10 =	vand.u32 $0x7F, v18;
	vm14 =	vge.s32 v9, v0  }
0x32: {  	vm15 =	vlt.s32 v9, v1;
	v22 =	vand.u32 $0x7F, v9;
	v9 =	vsub.s32 v9, v0  }
0x33: {  	vm4 =	vge.s32 v11, v0;
	vm5 =	vlt.s32 v11, v1;
	v23 =	vand.u32 $0x7F, v11  }
0x34: {  	v11 =	vsub.s32 v11, v0;
	vm6 =	vge.s32 v21, v0;
	vm7 =	vlt.s32 v21, v1  }
0x35: {  	v13 =	vand.u32 $0x7F, v21;
	v25 =	vand.u32 $0x7F, v12;
	v26 =	vand.u32 $0x7F, v14  }
0x36: {  	v16 =	vand.u32 $0x7F, v24;
	v28 =	vand.u32 $0x7F, v15;
	v29 =	vand.u32 $0x7F, v17  }
0x37: {  	vm0 =	vmand vm0, vm1;
	v4 =	vadd.s32 $0x61C0, v4;
	vm1 =	vmand vm8, vm2  }
0x38: {  	v6 =	vadd.s32 $0x61C0, v6;
	vm2 =	vmand vm13, vm3;
	v10 =	vadd.s32 $0x61C0, v10  }
0x39: {  	v27 =	vld [tilespmem:$0xD0];
	v13 =	vadd.s32 $0x61C0, v13;
	vm8 =	vge.s32 v12, v0;
	vm13 =	vlt.s32 v24, v1  }
0x3a: {  	v16 =	vadd.s32 $0x61C0, v16;
	v3 =	vsel vm0, v2, v4;
	v2 =	vsel vm1, v8, v6  }
0x3b: {  	vm0 =	vmand vm9, vm10;
	v6 =	vadd.s32 $0x61C0, v19;
	vm1 =	vmand vm11, vm12  }
0x3c: {  	v8 =	vadd.s32 $0x61C0, v20;
	v4 =	vsub.s32 v18, v0;
	vm9 =	vlt.s32 v12, v1  }
0x3d: {  	v12 =	vsub.s32 v12, v0;
	vm10 =	vge.s32 v14, v0;
	vm11 =	vlt.s32 v14, v1  }
0x3e: {  	v14 =	vsub.s32 v14, v0;
	vm12 =	vge.s32 v24, v0;
	v19 =	vand.u32 $0x7F, v27  }
0x3f: {  	v6 =	vsel vm0, v5, v6;
	v5 =	vsel vm1, v7, v8;
	v4 =	vsel vm2, v4, v10  }
0x40: {  	v30 =	vld [tilespmem:$0x100];
	vm0 =	vmand vm14, vm15;
	v8 =	vadd.s32 $0x61C0, v22;
	vm1 =	vmand vm4, vm5  }
0x41: {  	v10 =	vadd.s32 $0x61C0, v23;
	vm2 =	vmand vm6, vm7;
	v7 =	vsub.s32 v21, v0  }
0x42: {  	vm14 =	vge.s32 v15, v0;
	vm15 =	vlt.s32 v15, v1;
	v15 =	vsub.s32 v15, v0  }
0x43: {  	vm4 =	vge.s32 v17, v0;
	vm5 =	vlt.s32 v17, v1;
	v17 =	vsub.s32 v17, v0  }
0x44: {  	v33 =	vld [tilespmem:$0x130];
	vm6 =	vge.s32 v27, v0;
	vm7 =	vlt.s32 v27, v1;
	v19 =	vadd.s32 $0x61C0, v19  }
0x45: {  	v22 =	vand.u32 $0x7F, v30;
	v9 =	vsel vm0, v9, v8;
	v8 =	vsel vm1, v11, v10  }
0x46: {  	v7 =	vsel vm2, v7, v13;
	vm0 =	vmand vm8, vm9;
	v11 =	vadd.s32 $0x61C0, v25  }
0x47: {  	vm1 =	vmand vm10, vm11;
	v13 =	vadd.s32 $0x61C0, v26;
	vm2 =	vmand vm12, vm13  }
0x48: {  	v36 =	vld [tilespmem:$0x160];
	v10 =	vsub.s32 v24, v0;
	vm12 =	vge.s32 v30, v0;
	vm13 =	vlt.s32 v30, v1  }
0x49: {  	v22 =	vadd.s32 $0x61C0, v22;
	v25 =	vand.u32 $0x7F, v33;
	v12 =	vsel vm0, v12, v11  }
0x4a: {  	v11 =	vsel vm1, v14, v13;
	v10 =	vsel vm2, v10, v16;
	vm0 =	vmand vm14, vm15  }
0x4b: {  	v18 =	vld [tilespmem:$0xE0];
	v14 =	vadd.s32 $0x61C0, v28;
	vm1 =	vmand vm4, vm5;
	v16 =	vadd.s32 $0x61C0, v29  }
0x4c: {  	vm2 =	vmand vm6, vm7;
	v13 =	vsub.s32 v27, v0;
	vm6 =	vge.s32 v33, v0  }
0x4d: {  	v20 =	vld [tilespmem:$0xF0];
	vm7 =	vlt.s32 v33, v1;
	v25 =	vadd.s32 $0x61C0, v25;
	v28 =	vand.u32 $0x7F, v36  }
0x4e: {  	v15 =	vsel vm0, v15, v14;
	v14 =	vsel vm1, v17, v16;
	v13 =	vsel vm2, v13, v19  }
0x4f: {  	v39 =	vld [tilespmem:$0x190];
	vm2 =	vmand vm12, vm13;
	v16 =	vsub.s32 v30, v0;
	vm12 =	vge.s32 v36, v0  }
0x50: {  	vm13 =	vlt.s32 v36, v1;
	v28 =	vadd.s32 $0x61C0, v28;
	vm8 =	vge.s32 v18, v0  }
0x51: {  	v21 =	vld [tilespmem:$0x110];
	vm9 =	vlt.s32 v18, v1;
	v31 =	vand.u32 $0x7F, v18;
	v18 =	vsub.s32 v18, v0  }
0x52: {  	v23 =	vld [tilespmem:$0x120];
	vm10 =	vge.s32 v20, v0;
	vm11 =	vlt.s32 v20, v1;
	v32 =	vand.u32 $0x7F, v20  }
0x53: {  	v20 =	vsub.s32 v20, v0;
	v16 =	vsel vm2, v16, v22;
	vm2 =	vmand vm6, vm7  }
0x54: {  	vm6 =	vge.s32 v39, v0;
	vm7 =	vlt.s32 v39, v1;
	vm0 =	vmand vm8, vm9  }
0x55: {  	v17 =	vadd.s32 $0x61C0, v31;
	vm1 =	vmand vm10, vm11;
	v19 =	vadd.s32 $0x61C0, v32  }
0x56: {  	v24 =	vld [tilespmem:$0x140];
	vm14 =	vge.s32 v21, v0;
	vm15 =	vlt.s32 v21, v1;
	v34 =	vand.u32 $0x7F, v21  }
0x57: {  	v26 =	vld [tilespmem:$0x150];
	v21 =	vsub.s32 v21, v0;
	vm4 =	vge.s32 v23, v0;
	vm5 =	vlt.s32 v23, v1  }
0x58: {  	v35 =	vand.u32 $0x7F, v23;
	v23 =	vsub.s32 v23, v0;
	v31 =	vand.u32 $0x7F, v39  }
0x59: {  	v42 =	vld [tilespmem:$0x1C0];
	v18 =	vsel vm0, v18, v17;
	v17 =	vsel vm1, v20, v19;
	vm0 =	vmand vm14, vm15  }
0x5a: {  	v20 =	vadd.s32 $0x61C0, v34;
	vm1 =	vmand vm4, vm5;
	v22 =	vadd.s32 $0x61C0, v35  }
0x5b: {  	v19 =	vsub.s32 v33, v0;
	vm8 =	vge.s32 v24, v0;
	vm9 =	vlt.s32 v24, v1  }
0x5c: {  	v27 =	vld [tilespmem:$0x170];
	v37 =	vand.u32 $0x7F, v24;
	v24 =	vsub.s32 v24, v0;
	vm10 =	vge.s32 v26, v0  }
0x5d: {  	vm11 =	vlt.s32 v26, v1;
	v38 =	vand.u32 $0x7F, v26;
	v26 =	vsub.s32 v26, v0  }
0x5e: {  	v29 =	vld [tilespmem:$0x180];
	v31 =	vadd.s32 $0x61C0, v31;
	v34 =	vand.u32 $0x7F, v42;
	v21 =	vsel vm0, v21, v20  }
0x5f: {  	v20 =	vsel vm1, v23, v22;
	v19 =	vsel vm2, v19, v25;
	vm0 =	vmand vm8, vm9  }
0x60: {  	v45 =	vld [tilespmem:$0x1F0];
	v23 =	vadd.s32 $0x61C0, v37;
	vm1 =	vmand vm10, vm11;
	v25 =	vadd.s32 $0x61C0, v38  }
0x61: {  	vm2 =	vmand vm12, vm13;
	v22 =	vsub.s32 v36, v0;
	vm14 =	vge.s32 v27, v0  }
0x62: {  	vm15 =	vlt.s32 v27, v1;
	v40 =	vand.u32 $0x7F, v27;
	v27 =	vsub.s32 v27, v0  }
0x63: {  	v30 =	vld [tilespmem:$0x1A0];
	vm4 =	vge.s32 v29, v0;
	vm5 =	vlt.s32 v29, v1;
	v41 =	vand.u32 $0x7F, v29  }
0x64: {  	v29 =	vsub.s32 v29, v0;
	vm12 =	vge.s32 v42, v0;
	vm13 =	vlt.s32 v42, v1  }
0x65: {  	v34 =	vadd.s32 $0x61C0, v34;
	v37 =	vand.u32 $0x7F, v45;
	v24 =	vsel vm0, v24, v23  }
0x66: {  	v48 =	vld [tilespmem:$0x220];
	v23 =	vsel vm1, v26, v25;
	v22 =	vsel vm2, v22, v28;
	vm0 =	vmand vm14, vm15  }
0x67: {  	v26 =	vadd.s32 $0x61C0, v40;
	vm1 =	vmand vm4, vm5;
	v28 =	vadd.s32 $0x61C0, v41  }
0x68: {  	vm2 =	vmand vm6, vm7;
	v25 =	vsub.s32 v39, v0;
	vm8 =	vge.s32 v30, v0  }
0x69: {  	v51 =	vld [tilespmem:$0x250];
	vm9 =	vlt.s32 v30, v1;
	v43 =	vand.u32 $0x7F, v30;
	v30 =	vsub.s32 v30, v0  }
0x6a: {  	v32 =	vld [tilespmem:$0x1B0];
	vm6 =	vge.s32 v45, v0;
	vm7 =	vlt.s32 v45, v1;
	v37 =	vadd.s32 $0x61C0, v37  }
0x6b: {  	v40 =	vand.u32 $0x7F, v48;
	v27 =	vsel vm0, v27, v26;
	v26 =	vsel vm1, v29, v28  }
0x6c: {  	v25 =	vsel vm2, v25, v31;
	vm0 =	vmand vm8, vm9;
	v29 =	vadd.s32 $0x61C0, v43  }
0x6d: {  	vm2 =	vmand vm12, vm13;
	v28 =	vsub.s32 v42, v0;
	vm12 =	vge.s32 v48, v0  }
0x6e: {  	v33 =	vld [tilespmem:$0x1D0];
	vm13 =	vlt.s32 v48, v1;
	v40 =	vadd.s32 $0x61C0, v40;
	v43 =	vand.u32 $0x7F, v51  }
0x6f: {  	v35 =	vld [tilespmem:$0x1E0];
	vm10 =	vge.s32 v32, v0;
	vm11 =	vlt.s32 v32, v1;
	v44 =	vand.u32 $0x7F, v32  }
0x70: {  	v32 =	vsub.s32 v32, v0;
	v30 =	vsel vm0, v30, v29;
	v28 =	vsel vm2, v28, v34  }
0x71: {  	vm2 =	vmand vm6, vm7;
	vm6 =	vge.s32 v51, v0;
	vm7 =	vlt.s32 v51, v1  }
0x72: {  	v36 =	vld [tilespmem:$0x200];
	v43 =	vadd.s32 $0x61C0, v43;
	vm1 =	vmand vm10, vm11;
	v31 =	vadd.s32 $0x61C0, v44  }
0x73: {  	vm14 =	vge.s32 v33, v0;
	vm15 =	vlt.s32 v33, v1;
	v46 =	vand.u32 $0x7F, v33  }
0x74: {  	v38 =	vld [tilespmem:$0x210];
	v33 =	vsub.s32 v33, v0;
	vm4 =	vge.s32 v35, v0;
	vm5 =	vlt.s32 v35, v1  }
0x75: {  	v54 =	vld [tilespmem:$0x280];
	v47 =	vand.u32 $0x7F, v35;
	v35 =	vsub.s32 v35, v0;
	v29 =	vsel vm1, v32, v31  }
0x76: {  	vm0 =	vmand vm14, vm15;
	v32 =	vadd.s32 $0x61C0, v46;
	vm1 =	vmand vm4, vm5  }
0x77: {  	v34 =	vadd.s32 $0x61C0, v47;
	v31 =	vsub.s32 v45, v0;
	vm8 =	vge.s32 v36, v0  }
0x78: {  	v39 =	vld [tilespmem:$0x230];
	vm9 =	vlt.s32 v36, v1;
	v49 =	vand.u32 $0x7F, v36;
	v36 =	vsub.s32 v36, v0  }
0x79: {  	vm10 =	vge.s32 v38, v0;
	vm11 =	vlt.s32 v38, v1;
	v50 =	vand.u32 $0x7F, v38  }
0x7a: {  	v41 =	vld [tilespmem:$0x240];
	v38 =	vsub.s32 v38, v0;
	v46 =	vand.u32 $0x7F, v54;
	v33 =	vsel vm0, v33, v32  }
0x7b: {  	v57 =	vld [tilespmem:$0x2B0];
	v32 =	vsel vm1, v35, v34;
	v31 =	vsel vm2, v31, v37;
	vm0 =	vmand vm8, vm9  }
0x7c: {  	[tilespmem:$0x110] =	vst v21;
	v21 =	vld [tilespmem:$0x420];
	v35 =	vadd.s32 $0x61C0, v49;
	vm1 =	vmand vm10, vm11;
	v37 =	vadd.s32 $0x61C0, v50  }
0x7d: {  	vm2 =	vmand vm12, vm13;
	v34 =	vsub.s32 v48, v0;
	vm14 =	vge.s32 v39, v0  }
0x7e: {  	vm15 =	vlt.s32 v39, v1;
	v52 =	vand.u32 $0x7F, v39;
	v39 =	vsub.s32 v39, v0  }
0x7f: {  	vm4 =	vge.s32 v41, v0;
	vm5 =	vlt.s32 v41, v1;
	v53 =	vand.u32 $0x7F, v41  }
0x80: {  	v42 =	vld [tilespmem:$0x260];
	v41 =	vsub.s32 v41, v0;
	vm12 =	vge.s32 v54, v0;
	vm13 =	vlt.s32 v54, v1  }
0x81: {  	[tilespmem:$0xF0] =	vst v17;
	v46 =	vadd.s32 $0x61C0, v46;
	v49 =	vand.u32 $0x7F, v57;
	v17 =	vand.u32 $0x7F, v21  }
0x82: {  	v60 =	vld [tilespmem:$0x2E0];
	v36 =	vsel vm0, v36, v35;
	v35 =	vsel vm1, v38, v37;
	v34 =	vsel vm2, v34, v40  }
0x83: {  	vm0 =	vmand vm14, vm15;
	v38 =	vadd.s32 $0x61C0, v52;
	vm1 =	vmand vm4, vm5  }
0x84: {  	v40 =	vadd.s32 $0x61C0, v53;
	vm2 =	vmand vm6, vm7;
	v37 =	vsub.s32 v51, v0  }
0x85: {  	v63 =	vld [tilespmem:$0x310];
	vm8 =	vge.s32 v42, v0;
	vm9 =	vlt.s32 v42, v1;
	v55 =	vand.u32 $0x7F, v42  }
0x86: {  	v44 =	vld [tilespmem:$0x270];
	v42 =	vsub.s32 v42, v0;
	vm6 =	vge.s32 v57, v0;
	vm7 =	vlt.s32 v57, v1  }
0x87: {  	v49 =	vadd.s32 $0x61C0, v49;
	v52 =	vand.u32 $0x7F, v60;
	v17 =	vadd.s32 $0x61C0, v17  }
0x88: {  	v39 =	vsel vm0, v39, v38;
	v38 =	vsel vm1, v41, v40;
	v37 =	vsel vm2, v37, v43  }
0x89: {  	vm0 =	vmand vm8, vm9;
	v41 =	vadd.s32 $0x61C0, v55;
	vm2 =	vmand vm12, vm13  }
0x8a: {  	[tilespmem:$0x1A0] =	vst v30;
	v30 =	vld [tilespmem:$0x470];
	v40 =	vsub.s32 v54, v0;
	vm12 =	vge.s32 v60, v0;
	vm13 =	vlt.s32 v60, v1  }
0x8b: {  	v45 =	vld [tilespmem:$0x290];
	v52 =	vadd.s32 $0x61C0, v52;
	v55 =	vand.u32 $0x7F, v63;
	vm10 =	vge.s32 v44, v0  }
0x8c: {  	v47 =	vld [tilespmem:$0x2A0];
	vm11 =	vlt.s32 v44, v1;
	v56 =	vand.u32 $0x7F, v44;
	v44 =	vsub.s32 v44, v0  }
0x8d: {  	v42 =	vsel vm0, v42, v41;
	v40 =	vsel vm2, v40, v46;
	vm2 =	vmand vm6, vm7  }
0x8e: {  	[tilespmem:$0x130] =	vst v19;
	vm6 =	vge.s32 v63, v0;
	vm7 =	vlt.s32 v63, v1;
	v55 =	vadd.s32 $0x61C0, v55  }
0x8f: {  	[tilespmem:$0x200] =	vst v36;
	v36 =	vand.u32 $0x7F, v30;
	v19 =	vsub.s32 v30, v0;
	vm1 =	vmand vm10, vm11  }
0x90: {  	v48 =	vld [tilespmem:$0x2C0];
	v43 =	vadd.s32 $0x61C0, v56;
	vm14 =	vge.s32 v45, v0;
	vm15 =	vlt.s32 v45, v1  }
0x91: {  	v50 =	vld [tilespmem:$0x2D0];
	v58 =	vand.u32 $0x7F, v45;
	v45 =	vsub.s32 v45, v0;
	vm4 =	vge.s32 v47, v0  }
0x92: {  	vm5 =	vlt.s32 v47, v1;
	v59 =	vand.u32 $0x7F, v47;
	v47 =	vsub.s32 v47, v0  }
0x93: {  	v41 =	vsel vm1, v44, v43;
	vm0 =	vmand vm14, vm15;
	v44 =	vadd.s32 $0x61C0, v58  }
0x94: {  	vm1 =	vmand vm4, vm5;
	v46 =	vadd.s32 $0x61C0, v59;
	v43 =	vsub.s32 v57, v0  }
0x95: {  	v51 =	vld [tilespmem:$0x2F0];
	vm8 =	vge.s32 v48, v0;
	vm9 =	vlt.s32 v48, v1;
	v61 =	vand.u32 $0x7F, v48  }
0x96: {  	v48 =	vsub.s32 v48, v0;
	vm10 =	vge.s32 v50, v0;
	vm11 =	vlt.s32 v50, v1  }
0x97: {  	v53 =	vld [tilespmem:$0x300];
	v62 =	vand.u32 $0x7F, v50;
	v50 =	vsub.s32 v50, v0;
	v45 =	vsel vm0, v45, v44  }
0x98: {  	[tilespmem:$0x1D0] =	vst v33;
	v33 =	vld [tilespmem:$0x480];
	v44 =	vsel vm1, v47, v46;
	v43 =	vsel vm2, v43, v49;
	vm0 =	vmand vm8, vm9  }
0x99: {  	v47 =	vadd.s32 $0x61C0, v61;
	vm1 =	vmand vm10, vm11;
	v49 =	vadd.s32 $0x61C0, v62  }
0x9a: {  	vm2 =	vmand vm12, vm13;
	v46 =	vsub.s32 v60, v0;
	vm14 =	vge.s32 v51, v0  }
0x9b: {  	[tilespmem:$0x150] =	vst v23;
	vm15 =	vlt.s32 v51, v1;
	v58 =	vand.u32 $0x7F, v51;
	v51 =	vsub.s32 v51, v0  }
0x9c: {  	v54 =	vld [tilespmem:$0x320];
	[tilespmem:$0x210] =	vst v35;
	vm4 =	vge.s32 v53, v0;
	vm5 =	vlt.s32 v53, v1;
	v59 =	vand.u32 $0x7F, v53  }
0x9d: {  	v35 =	vld [tilespmem:$0x490];
	[tilespmem:$0x240] =	vst v38;
	v53 =	vsub.s32 v53, v0;
	v38 =	vsub.s32 v33, v0;
	v23 =	vand.u32 $0x7F, v33  }
0x9e: {  	[tilespmem:$0x250] =	vst v37;
	v37 =	vld [tilespmem:$0x4A0];
	v48 =	vsel vm0, v48, v47;
	v47 =	vsel vm1, v50, v49;
	v46 =	vsel vm2, v46, v52  }
0x9f: {  	[tilespmem:$0x230] =	vst v39;
	v39 =	vld [tilespmem:$0x4B0];
	vm0 =	vmand vm14, vm15;
	v50 =	vadd.s32 $0x61C0, v58;
	vm1 =	vmand vm4, vm5  }
0xa0: {  	v56 =	vld [tilespmem:$0x330];
	v52 =	vadd.s32 $0x61C0, v59;
	vm2 =	vmand vm6, vm7;
	v49 =	vsub.s32 v63, v0  }
0xa1: {  	[tilespmem:$0x260] =	vst v42;
	vm8 =	vge.s32 v54, v0;
	vm9 =	vlt.s32 v54, v1;
	v61 =	vand.u32 $0x7F, v54  }
0xa2: {  	v42 =	vld [tilespmem:$0x4C0];
	[tilespmem:$0x270] =	vst v41;
	v54 =	vsub.s32 v54, v0;
	v23 =	vadd.s32 $0x61C0, v23;
	v41 =	vsub.s32 v35, v0  }
0xa3: {  	[tilespmem:$0x140] =	vst v24;
	v51 =	vsel vm0, v51, v50;
	v50 =	vsel vm1, v53, v52;
	v49 =	vsel vm2, v49, v55  }
0xa4: {  	v57 =	vld [tilespmem:$0x350];
	[tilespmem:$0x2B0] =	vst v43;
	vm0 =	vmand vm8, vm9;
	v53 =	vadd.s32 $0x61C0, v61;
	v43 =	vand.u32 $0x7F, v37  }
0xa5: {  	v60 =	vld [tilespmem:$0x340];
	[tilespmem:$0x290] =	vst v45;
	v45 =	vsub.s32 v39, v0;
	v24 =	vand.u32 $0x7F, v39;
	vm10 =	vge.s32 v56, v0  }
0xa6: {  	[tilespmem:$0x180] =	vst v26;
	vm11 =	vlt.s32 v56, v1;
	v62 =	vand.u32 $0x7F, v56;
	v56 =	vsub.s32 v56, v0  }
0xa7: {  	v59 =	vld [tilespmem:$0x360];
	[tilespmem:$0x2E0] =	vst v46;
	v55 =	vsel vm0, v54, v53;
	v46 =	vand.u32 $0x7F, v42;
	v24 =	vadd.s32 $0x61C0, v24  }
0xa8: {  	[tilespmem:$0x2A0] =	vst v44;
	v44 =	vld [tilespmem:$0x4D0];
	v26 =	vsub.s32 v42, v0;
	vm1 =	vmand vm10, vm11;
	v58 =	vadd.s32 $0x61C0, v62  }
0xa9: {  	[tilespmem:$0x1C0] =	vst v28;
	vm14 =	vge.s32 v57, v0;
	vm15 =	vlt.s32 v57, v1;
	v28 =	vadd.s32 $0x61C0, v46  }
0xaa: {  	[tilespmem:$0x2D0] =	vst v47;
	v47 =	vld [tilespmem:$0x4E0];
	vm12 =	vge.s32 v60, v0;
	vm13 =	vlt.s32 v60, v1;
	v63 =	vand.u32 $0x7F, v60  }
0xab: {  	v62 =	vld [tilespmem:$0x3A0];
	v52 =	vsub.s32 v60, v0;
	v53 =	vsel vm1, v56, v58;
	vm0 =	vmand vm14, vm15  }
0xac: {  	[tilespmem:$0x190] =	vst v25;
	v46 =	vld [tilespmem:$0x5A0];
	vm2 =	vmand vm12, vm13;
	v60 =	vadd.s32 $0x61C0, v63;
	vm4 =	vge.s32 v59, v0  }
0xad: {  	[tilespmem:$0x2F0] =	vst v51;
	v56 =	vld [tilespmem:$0x370];
	vm5 =	vlt.s32 v59, v1;
	v51 =	vand.u32 $0x7F, v44;
	v25 =	vsub.s32 v44, v0  }
0xae: {  	[tilespmem:$0x170] =	vst v27;
	v52 =	vsel vm2, v52, v60;
	v60 =	vand.u32 $0x7F, v57;
	v57 =	vsub.s32 v57, v0  }
0xaf: {  	[tilespmem:$0x320] =	vst v55;
	v58 =	vld [tilespmem:$0x380];
	v27 =	vadd.s32 $0x61C0, v51;
	v55 =	vsub.s32 v47, v0;
	v54 =	vadd.s32 $0x61C0, v60  }
0xb0: {  	v54 =	vsel vm0, v57, v54;
	vm0 =	vmand vm4, vm5;
	v57 =	vsub.s32 v59, v0  }
0xb1: {  	v59 =	vand.u32 $0x7F, v59;
	vm13 =	vge.s32 v62, v0;
	vm14 =	vlt.s32 v62, v1  }
0xb2: {  	[tilespmem:$0x0] =	vst v3;
	v60 =	vld [tilespmem:$0x390];
	v51 =	vand.u32 $0x7F, v46;
	v59 =	vadd.s32 $0x61C0, v59;
	vm6 =	vge.s32 v56, v0  }
0xb3: {  	[tilespmem:$0x30] =	vst v5;
	vm7 =	vlt.s32 v56, v1;
	v61 =	vsub.s32 v56, v0;
	v56 =	vand.u32 $0x7F, v56  }
0xb4: {  	[tilespmem:$0x300] =	vst v50;
	v50 =	vld [tilespmem:$0x4F0];
	vm8 =	vge.s32 v58, v0;
	vm9 =	vlt.s32 v58, v1;
	v5 =	vsub.s32 v58, v0  }
0xb5: {  	[tilespmem:$0x10] =	vst v2;
	vm2 =	vmand vm13, vm14;
	vm1 =	vmand vm6, vm7;
	v56 =	vadd.s32 $0x61C0, v56  }
0xb6: {  	[tilespmem:$0x340] =	vst v52;
	v52 =	vld [tilespmem:$0x5D0];
	v3 =	vsel vm0, v57, v59;
	vm10 =	vmand vm8, vm9;
	v2 =	vsel vm1, v61, v56  }
0xb7: {  	[tilespmem:$0x20] =	vst v6;
	v59 =	vld [tilespmem:$0x3D0];
	v61 =	vand.u32 $0x7F, v58;
	vm11 =	vge.s32 v60, v0;
	vm12 =	vlt.s32 v60, v1  }
0xb8: {  	[tilespmem:$0x40] =	vst v4;
	v56 =	vld [tilespmem:$0x3B0];
	v6 =	vadd.s32 $0x61C0, v61;
	v4 =	vsub.s32 v60, v0;
	v63 =	vand.u32 $0x7F, v60  }
0xb9: {  	v58 =	vld [tilespmem:$0x3C0];
	v60 =	vand.u32 $0x7F, v62;
	[tilespmem:$0x370] =	vst v2;
	v2 =	vsub.s32 v50, v0;
	vm1 =	vmand vm11, vm12  }
0xba: {  	v61 =	vadd.s32 $0x61C0, v63;
	v63 =	vsub.s32 v62, v0;
	v57 =	vadd.s32 $0x61C0, v60  }
0xbb: {  	v6 =	vsel vm10, v5, v6;
	v5 =	vsel vm1, v4, v61;
	v4 =	vsel vm2, v63, v57  }
0xbc: {  	[tilespmem:$0x60] =	vst v8;
	vm7 =	vge.s32 v59, v0;
	vm8 =	vlt.s32 v59, v1;
	v8 =	vand.u32 $0x7F, v59  }
0xbd: {  	[tilespmem:$0x390] =	vst v5;
	v5 =	vand.u32 $0x7F, v52;
	vm15 =	vge.s32 v56, v0;
	vm4 =	vlt.s32 v56, v1  }
0xbe: {  	v62 =	vld [tilespmem:$0x3E0];
	v60 =	vand.u32 $0x7F, v56;
	v61 =	vsub.s32 v56, v0;
	vm5 =	vge.s32 v58, v0  }
0xbf: {  	vm6 =	vlt.s32 v58, v1;
	v63 =	vsub.s32 v58, v0;
	v56 =	vand.u32 $0x7F, v58  }
0xc0: {  	v57 =	vld [tilespmem:$0x3F0];
	vm1 =	vmand vm7, vm8;
	v58 =	vsub.s32 v59, v0;
	v8 =	vadd.s32 $0x61C0, v8  }
0xc1: {  	[tilespmem:$0x70] =	vst v7;
	vm7 =	vlt.s32 v21, v1;
	vm0 =	vmand vm15, vm4;
	v7 =	vadd.s32 $0x61C0, v60  }
0xc2: {  	[tilespmem:$0xA0] =	vst v10;
	v10 =	vadd.s32 $0x61C0, v56;
	v8 =	vsel vm1, v58, v8;
	v7 =	vsel vm0, v61, v7  }
0xc3: {  	vm0 =	vmand vm5, vm6;
	vm9 =	vge.s32 v62, v0;
	vm10 =	vlt.s32 v62, v1  }
0xc4: {  	[tilespmem:$0x90] =	vst v11;
	v59 =	vld [tilespmem:$0x400];
	v60 =	vand.u32 $0x7F, v62;
	v11 =	vsub.s32 v62, v0;
	vm6 =	vge.s32 v21, v0  }
0xc5: {  	[tilespmem:$0x50] =	vst v9;
	v9 =	vsel vm0, v63, v10;
	vm11 =	vmand vm9, vm10;
	vm12 =	vge.s32 v57, v0  }
0xc6: {  	v61 =	vld [tilespmem:$0x410];
	vm13 =	vlt.s32 v57, v1;
	v10 =	vadd.s32 $0x61C0, v60;
	v62 =	vsub.s32 v57, v0  }
0xc7: {  	[tilespmem:$0x80] =	vst v12;
	v12 =	vand.u32 $0x7F, v57;
	v60 =	vsub.s32 v21, v0;
	v21 =	vadd.s32 $0x61C0, v36  }
0xc8: {  	v57 =	vld [tilespmem:$0x430];
	vm1 =	vmand vm12, vm13;
	v56 =	vadd.s32 $0x61C0, v12;
	v12 =	vsel vm11, v11, v10  }
0xc9: {  	[tilespmem:$0xC0] =	vst v14;
	vm14 =	vge.s32 v59, v0;
	vm15 =	vlt.s32 v59, v1;
	v63 =	vand.u32 $0x7F, v59  }
0xca: {  	[tilespmem:$0x100] =	vst v16;
	v36 =	vld [tilespmem:$0x560];
	v14 =	vsub.s32 v59, v0;
	vm2 =	vmand vm14, vm15;
	v16 =	vadd.s32 $0x61C0, v63  }
0xcb: {  	v11 =	vsel vm1, v62, v56;
	v10 =	vsel vm2, v14, v16;
	vm4 =	vge.s32 v61, v0  }
0xcc: {  	[tilespmem:$0xD0] =	vst v13;
	vm5 =	vlt.s32 v61, v1;
	v58 =	vand.u32 $0x7F, v61;
	v13 =	vsub.s32 v61, v0  }
0xcd: {  	[tilespmem:$0xB0] =	vst v15;
	v59 =	vld [tilespmem:$0x440];
	vm0 =	vmand vm4, vm5;
	v15 =	vadd.s32 $0x61C0, v58;
	vm8 =	vge.s32 v57, v0  }
0xce: {  	[tilespmem:$0x330] =	vst v53;
	vm9 =	vlt.s32 v57, v1;
	v62 =	vsub.s32 v57, v0;
	v14 =	vand.u32 $0x7F, v57  }
0xcf: {  	v53 =	vld [tilespmem:$0x500];
	vm5 =	vge.s32 v39, v0;
	[tilespmem:$0x400] =	vst v10;
	v10 =	vsub.s32 v36, v0;
	v13 =	vsel vm0, v13, v15  }
0xd0: {  	v56 =	vld [tilespmem:$0x510];
	vm0 =	vmand vm6, vm7;
	vm1 =	vmand vm8, vm9;
	v14 =	vadd.s32 $0x61C0, v14  }
0xd1: {  	vm7 =	vge.s32 v30, v0;
	vm8 =	vlt.s32 v30, v1;
	vm9 =	vge.s32 v33, v0  }
0xd2: {  	v63 =	vld [tilespmem:$0x460];
	vm10 =	vge.s32 v59, v0;
	vm11 =	vlt.s32 v59, v1;
	v15 =	vsel vm0, v60, v17  }
0xd3: {  	[tilespmem:$0x1B0] =	vst v29;
	v14 =	vsel vm1, v62, v14;
	v29 =	vand.u32 $0x7F, v59;
	v16 =	vsub.s32 v59, v0  }
0xd4: {  	vm0 =	vmand vm7, vm8;
	vm7 =	vge.s32 v42, v0;
	vm8 =	vlt.s32 v42, v1  }
0xd5: {  	v61 =	vld [tilespmem:$0x450];
	v59 =	vand.u32 $0x7F, v53;
	v60 =	vsub.s32 v53, v0;
	v62 =	vsub.s32 v56, v0  }
0xd6: {  	[tilespmem:$0xE0] =	vst v18;
	v42 =	vand.u32 $0x7F, v36;
	vm12 =	vmand vm10, vm11;
	v17 =	vadd.s32 $0x61C0, v29  }
0xd7: {  	[tilespmem:$0x1E0] =	vst v32;
	vm15 =	vge.s32 v63, v0;
	vm6 =	vlt.s32 v63, v1;
	v32 =	vand.u32 $0x7F, v63  }
0xd8: {  	[tilespmem:$0x120] =	vst v20;
	v20 =	vsub.s32 v63, v0;
	v19 =	vsel vm0, v19, v21;
	vm10 =	vlt.s32 v33, v1  }
0xd9: {  	[tilespmem:$0x3A0] =	vst v4;
	vm11 =	vge.s32 v35, v0;
	v29 =	vand.u32 $0x7F, v47;
	v4 =	vadd.s32 $0x61C0, v59  }
0xda: {  	[tilespmem:$0x160] =	vst v22;
	v63 =	vand.u32 $0x7F, v56;
	vm13 =	vge.s32 v61, v0;
	vm14 =	vlt.s32 v61, v1  }
0xdb: {  	[tilespmem:$0x1F0] =	vst v31;
	v31 =	vsub.s32 v61, v0;
	v18 =	vand.u32 $0x7F, v61;
	vm2 =	vmand vm15, vm6  }
0xdc: {  	[tilespmem:$0x220] =	vst v34;
	v22 =	vadd.s32 $0x61C0, v32;
	vm0 =	vmand vm9, vm10;
	vm6 =	vlt.s32 v39, v1  }
0xdd: {  	[tilespmem:$0x360] =	vst v3;
	vm9 =	vge.s32 v44, v0;
	vm10 =	vlt.s32 v44, v1;
	v3 =	vadd.s32 $0x61C0, v29  }
0xde: {  	[tilespmem:$0x3D0] =	vst v8;
	v57 =	vld [tilespmem:$0x520];
	v8 =	vadd.s32 $0x61C0, v63;
	vm1 =	vmand vm13, vm14;
	v34 =	vadd.s32 $0x61C0, v18  }
0xdf: {  	v18 =	vsel vm12, v16, v17;
	v16 =	vsel vm2, v20, v22;
	vm12 =	vlt.s32 v35, v1  }
0xe0: {  	v20 =	vand.u32 $0x7F, v35;
	vm13 =	vge.s32 v37, v0;
	vm14 =	vlt.s32 v37, v1  }
0xe1: {  	v21 =	vsel vm0, v38, v23;
	v22 =	vsub.s32 v37, v0;
	v23 =	vadd.s32 $0x61C0, v43  }
0xe2: {  	vm2 =	vmand vm7, vm8;
	vm0 =	vmand vm9, vm10;
	vm8 =	vge.s32 v56, v0  }
0xe3: {  	v30 =	vld [tilespmem:$0x540];
	vm9 =	vlt.s32 v56, v1;
	vm10 =	vge.s32 v57, v0;
	v17 =	vsel vm1, v31, v34  }
0xe4: {  	vm1 =	vmand vm11, vm12;
	v20 =	vadd.s32 $0x61C0, v20;
	vm15 =	vmand vm13, vm14  }
0xe5: {  	[tilespmem:$0x310] =	vst v49;
	v49 =	vsel vm2, v26, v28;
	v25 =	vsel vm0, v25, v27;
	vm11 =	vge.s32 v47, v0  }
0xe6: {  	[tilespmem:$0x280] =	vst v40;
	vm12 =	vlt.s32 v47, v1;
	vm13 =	vge.s32 v50, v0;
	vm14 =	vlt.s32 v50, v1  }
0xe7: {  	[tilespmem:$0x2C0] =	vst v48;
	v26 =	vand.u32 $0x7F, v50;
	v28 =	vand.u32 $0x7F, v57;
	v31 =	vsub.s32 v57, v0  }
0xe8: {  	[tilespmem:$0x350] =	vst v54;
	v37 =	vsub.s32 v30, v0;
	v38 =	vand.u32 $0x7F, v30;
	v20 =	vsel vm1, v41, v20  }
0xe9: {  	[tilespmem:$0x380] =	vst v6;
	vm1 =	vmand vm5, vm6;
	v22 =	vsel vm15, v22, v23;
	vm0 =	vmand vm11, vm12  }
0xea: {  	[tilespmem:$0x3C0] =	vst v9;
	v58 =	vadd.s32 $0x61C0, v26;
	vm15 =	vge.s32 v53, v0;
	vm6 =	vlt.s32 v53, v1  }
0xeb: {  	[tilespmem:$0x3F0] =	vst v11;
	v61 =	vld [tilespmem:$0x530];
	vm11 =	vlt.s32 v57, v1;
	v9 =	vadd.s32 $0x61C0, v28;
	v11 =	vadd.s32 $0x61C0, v38  }
0xec: {  	[tilespmem:$0x3B0] =	vst v7;
	v39 =	vld [tilespmem:$0x570];
	v48 =	vsel vm1, v45, v24;
	vm1 =	vmand vm13, vm14;
	v3 =	vsel vm0, v55, v3  }
0xed: {  	[tilespmem:$0x3E0] =	vst v12;
	vm7 =	vmand vm15, vm6;
	vm2 =	vmand vm10, vm11;
	vm14 =	vge.s32 v30, v0  }
0xee: {  	[tilespmem:$0x410] =	vst v13;
	vm15 =	vlt.s32 v30, v1;
	vm6 =	vge.s32 v36, v0;
	v2 =	vsel vm1, v2, v58  }
0xef: {  	[tilespmem:$0x420] =	vst v15;
	v43 =	vld [tilespmem:$0x590];
	vm1 =	vmand vm8, vm9;
	v4 =	vsel vm7, v60, v4;
	v33 =	vsel vm2, v31, v9  }
0xf0: {  	[tilespmem:$0x430] =	vst v14;
	vm12 =	vge.s32 v61, v0;
	vm13 =	vlt.s32 v61, v1;
	v35 =	vand.u32 $0x7F, v61  }
0xf1: {  	[tilespmem:$0x470] =	vst v19;
	v34 =	vld [tilespmem:$0x550];
	v6 =	vsub.s32 v61, v0;
	vm7 =	vlt.s32 v36, v1;
	vm9 =	vge.s32 v39, v0  }
0xf2: {  	[tilespmem:$0x440] =	vst v18;
	vm10 =	vlt.s32 v39, v1;
	v44 =	vsub.s32 v39, v0;
	v12 =	vand.u32 $0x7F, v39  }
0xf3: {  	[tilespmem:$0x4E0] =	vst v3;
	v32 =	vsel vm1, v62, v8;
	vm0 =	vmand vm12, vm13;
	v9 =	vadd.s32 $0x61C0, v35  }
0xf4: {  	v50 =	vld [tilespmem:$0x5C0];
	vm8 =	vmand vm6, vm7;
	v12 =	vadd.s32 $0x61C0, v12;
	vm13 =	vge.s32 v43, v0;
	[tilespmem:$0x4F0] =	vst v2  }
0xf5: {  	v3 =	vand.u32 $0x7F, v43;
	v2 =	vsub.s32 v43, v0;
	[tilespmem:$0x500] =	vst v4;
	v4 =	vadd.s32 $0x61C0, v51  }
0xf6: {  	[tilespmem:$0x460] =	vst v16;
	v41 =	vld [tilespmem:$0x580];
	v6 =	vsel vm0, v6, v9;
	vm0 =	vmand vm14, vm15;
	vm4 =	vge.s32 v34, v0  }
0xf7: {  	[tilespmem:$0x480] =	vst v21;
	vm5 =	vlt.s32 v34, v1;
	v40 =	vsub.s32 v34, v0;
	v8 =	vand.u32 $0x7F, v34  }
0xf8: {  	[tilespmem:$0x4C0] =	vst v49;
	v49 =	vld [tilespmem:$0x5B0];
	vm14 =	vlt.s32 v43, v1;
	v3 =	vadd.s32 $0x61C0, v3;
	vm15 =	vge.s32 v46, v0  }
0xf9: {  	[tilespmem:$0x450] =	vst v17;
	v53 =	vld [tilespmem:$0x5E0];
	vm7 =	vge.s32 v50, v0;
	v57 =	vand.u32 $0x7F, v50;
	v59 =	vsub.s32 v50, v0  }
0xfa: {  	[tilespmem:$0x4D0] =	vst v25;
	vm1 =	vmand vm4, vm5;
	v8 =	vadd.s32 $0x61C0, v8;
	v9 =	vsel vm0, v37, v11  }
0xfb: {  	[tilespmem:$0x490] =	vst v20;
	v11 =	vadd.s32 $0x61C0, v42;
	vm11 =	vge.s32 v41, v0;
	vm12 =	vlt.s32 v41, v1  }
0xfc: {  	[tilespmem:$0x4A0] =	vst v22;
	v45 =	vand.u32 $0x7F, v41;
	v14 =	vsub.s32 v41, v0;
	vm0 =	vmand vm13, vm14  }
0xfd: {  	[tilespmem:$0x4B0] =	vst v48;
	vm4 =	vlt.s32 v46, v1;
	vm5 =	vge.s32 v49, v0;
	vm6 =	vlt.s32 v49, v1  }
0xfe: {  	[tilespmem:$0x530] =	vst v6;
	v54 =	vsub.s32 v49, v0;
	vm13 =	vlt.s32 v53, v1;
	v6 =	vadd.s32 $0x61C0, v57  }
0xff: {  	[tilespmem:$0x520] =	vst v33;
	v60 =	vand.u32 $0x7F, v53;
	v61 =	vsub.s32 v53, v0;
	v8 =	vsel vm1, v40, v8  }
0x100: {  	[tilespmem:$0x510] =	vst v32;
	vm1 =	vmand vm9, vm10;
	vm2 =	vmand vm11, vm12;
	v16 =	vadd.s32 $0x61C0, v45  }
0x101: {  	v58 =	vld [tilespmem:$0x5F0];
	v10 =	vsel vm8, v10, v11;
	v2 =	vsel vm0, v2, v3;
	vm0 =	vmand vm15, vm4;
	[tilespmem:$0x540] =	vst v9  }
0x102: {  	v3 =	vsub.s32 v46, v0;
	vm8 =	vlt.s32 v50, v1;
	vm10 =	vge.s32 v52, v0;
	[tilespmem:$0x550] =	vst v8  }
0x103: {  	vm11 =	vlt.s32 v52, v1;
	vm12 =	vge.s32 v53, v0;
	v62 =	vadd.s32 $0x61C0, v60;
	[tilespmem:$0x560] =	vst v10  }
0x104: {  	v47 =	vsel vm1, v44, v12;
	v48 =	vsel vm2, v14, v16;
	vm1 =	vmand vm5, vm6;
	[tilespmem:$0x590] =	vst v2  }
0x105: {  	v14 =	vand.u32 $0x7F, v49;
	v3 =	vsel vm0, v3, v4;
	vm9 =	vmand vm7, vm8;
	[tilespmem:$0x570] =	vst v47  }
0x106: {  	vm2 =	vmand vm12, vm13;
	v2 =	vsub.s32 v52, v0;
	vm14 =	vge.s32 v58, v0;
	[tilespmem:$0x580] =	vst v48  }
0x107: {  	vm15 =	vlt.s32 v58, v1;
	v55 =	vadd.s32 $0x61C0, v14;
	[tilespmem:$0x5A0] =	vst v3;
	v6 =	vsel vm9, v59, v6  }
0x108: {  	v3 =	vadd.s32 $0x61C0, v5;
	v56 =	vsel vm1, v54, v55;
	vm1 =	vmand vm10, vm11;
	[tilespmem:$0x5C0] =	vst v6  }
0x109: {  	v63 =	vand.u32 $0x7F, v58;
	vm0 =	vmand vm14, vm15;
	[tilespmem:$0x5B0] =	vst v56;
	v2 =	vsel vm1, v2, v3  }
0x10a: {  	v4 =	vadd.s32 $0x61C0, v63;
	v3 =	vsel vm2, v61, v62;
	[tilespmem:$0x5D0] =	vst v2;
	v2 =	vsub.s32 v58, v0  }
0x10b: {  	[tilespmem:$0x5E0] =	vst v3;
	v2 =	vsel vm0, v2, v4  }
0x10c: {  	s1 =	sadd.s32 s31, s11;
	[tilespmem:$0x5F0] =	vst v2  }
0x10d: {  	[hbm4b:s1+s4] =	stream.linear.scatter [tilespmem:s4], [sflag:$0x2], $0x600, $0x38;
	[tilespmem:$0x7048] =	vst v63  }
0x10e: {  	_ =	swait.ge [sflag:s13], $0x600  }
0x10f: {  	[sflag:s13] =	ssyncset.done $0x0  }
0x110: {  	[sflag:s13] =	ssyncadd.s32 $0xFFFFFA00  }
0x111: {  	[spmem:s3] =	stream.indirect.scatter.add.f32 [tilespmem:s14], [sflag:$0x1], $0x10, s4, s15, $0xb8;
	[tilespmem:$0x7048] =	vst v63  }
0x112: {  	_ = 	snop  }
0x113: {  	[spmem:s3] =	stream.indirect.scatter.add.f32 [tilespmem:s14], [sflag:$0x1], $0x10, s15, s15, $0xb8;
	[tilespmem:$0x7048] =	vst v63  }
0x114: {  	_ = 	snop  }
0x115: {  	[spmem:s3] =	stream.indirect.scatter.add.f32 [tilespmem:s14], [sflag:$0x1], $0x10, s16, s15, $0xb8;
	[tilespmem:$0x7048] =	vst v63  }
0x116: {  	_ = 	snop  }
0x117: {  	[spmem:s3] =	stream.indirect.scatter.add.f32 [tilespmem:s14], [sflag:$0x1], $0x10, s17, s15, $0xb8;
	[tilespmem:$0x7048] =	vst v63  }
0x118: {  	_ = 	snop  }
0x119: {  	[spmem:s3] =	stream.indirect.scatter.add.f32 [tilespmem:s14], [sflag:$0x1], $0x10, s18, s15, $0xb8;
	[tilespmem:$0x7048] =	vst v63  }
0x11a: {  	_ = 	snop  }
0x11b: {  	[spmem:s3] =	stream.indirect.scatter.add.f32 [tilespmem:s14], [sflag:$0x1], $0x10, s19, s15, $0xb8;
	[tilespmem:$0x7048] =	vst v63  }
0x11c: {  	_ = 	snop  }
0x11d: {  	[spmem:s3] =	stream.indirect.scatter.add.f32 [tilespmem:s14], [sflag:$0x1], $0x10, s20, s15, $0xb8;
	[tilespmem:$0x7048] =	vst v63  }
0x11e: {  	_ = 	snop  }
0x11f: {  	[spmem:s3] =	stream.indirect.scatter.add.f32 [tilespmem:s14], [sflag:$0x1], $0x10, s21, s15, $0xb8;
	[tilespmem:$0x7048] =	vst v63  }
0x120: {  	_ = 	snop  }
0x121: {  	[spmem:s3] =	stream.indirect.scatter.add.f32 [tilespmem:s14], [sflag:$0x1], $0x10, s24, s15, $0xb8;
	[tilespmem:$0x7048] =	vst v63  }
0x122: {  	_ = 	snop  }
0x123: {  	[spmem:s3] =	stream.indirect.scatter.add.f32 [tilespmem:s14], [sflag:$0x1], $0x10, s25, s15, $0xb8;
	[tilespmem:$0x7048] =	vst v63  }
0x124: {  	_ = 	snop  }
0x125: {  	[spmem:s3] =	stream.indirect.scatter.add.f32 [tilespmem:s14], [sflag:$0x1], $0x10, s26, s15, $0xb8;
	[tilespmem:$0x7048] =	vst v63  }
0x126: {  	_ = 	snop  }
0x127: {  	[spmem:s3] =	stream.indirect.scatter.add.f32 [tilespmem:s14], [sflag:$0x1], $0x10, s28, s15, $0xb8;
	[tilespmem:$0x7048] =	vst v63  }
0x128: {  	_ =	swait.ge [sflag:s29], $0x800  }
0x129: {  	[sflag:s29] =	ssyncset.done $0x0  }
0x12a: {  	[sflag:s29] =	ssyncadd.s32 $0xFFFFF800  }
0x12b: {  	_ =	swait.ge [sflag:s29], $0x800  }
0x12c: {  	[sflag:s29] =	ssyncset.done $0x0  }
0x12d: {  	[sflag:s29] =	ssyncadd.s32 $0xFFFFF800  }
0x12e: {  	_ =	swait.ge [sflag:s29], $0x800  }
0x12f: {  	[sflag:s29] =	ssyncset.done $0x0  }
0x130: {  	[sflag:s29] =	ssyncadd.s32 $0xFFFFF800  }
0x131: {  	_ =	swait.ge [sflag:s29], $0x800  }
0x132: {  	[sflag:s29] =	ssyncset.done $0x0  }
0x133: {  	[sflag:s29] =	ssyncadd.s32 $0xFFFFF800  }
0x134: {  	_ =	swait.ge [sflag:s29], $0x800  }
0x135: {  	[sflag:s29] =	ssyncset.done $0x0  }
0x136: {  	[sflag:s29] =	ssyncadd.s32 $0xFFFFF800  }
0x137: {  	_ =	swait.ge [sflag:s29], $0x800  }
0x138: {  	[sflag:s29] =	ssyncset.done $0x0  }
0x139: {  	[sflag:s29] =	ssyncadd.s32 $0xFFFFF800  }
0x13a: {  	_ =	swait.ge [sflag:s29], $0x800  }
0x13b: {  	[sflag:s29] =	ssyncset.done $0x0  }
0x13c: {  	[sflag:s29] =	ssyncadd.s32 $0xFFFFF800  }
0x13d: {  	_ =	swait.ge [sflag:s29], $0x800  }
0x13e: {  	[sflag:s29] =	ssyncset.done $0x0  }
0x13f: {  	[sflag:s29] =	ssyncadd.s32 $0xFFFFF800  }
0x140: {  	_ =	swait.ge [sflag:s29], $0x800  }
0x141: {  	[sflag:s29] =	ssyncset.done $0x0  }
0x142: {  	[sflag:s29] =	ssyncadd.s32 $0xFFFFF800  }
0x143: {  	_ =	swait.ge [sflag:s29], $0x800  }
0x144: {  	[sflag:s29] =	ssyncset.done $0x0  }
0x145: {  	[sflag:s29] =	ssyncadd.s32 $0xFFFFF800  }
0x146: {  	p1 =	sne.s32 s31, $0x1800;
	_ =	swait.ge [sflag:s29], $0x800  }
.Ltmp0:
0x147: {  	[sflag:s29] =	ssyncset.done $0x0;
	(pc) =	sbr.rel @p1 .LBB2_2-.Ltmp0, $4  }
0x148: {  	[sflag:s29] =	ssyncadd.s32 $0xFFFFF800  }
0x149: {  	_ =	swait.ge [sflag:s29], $0x800  }
0x14a: {  	[sflag:s29] =	ssyncset.done $0x0  }
0x14b: {  	s31 =	sadd.s32 $0xC0, s31;
	[sflag:s29] =	ssyncadd.s32 $0xFFFFF800  }
0x14c: {  	[bflag:$0x0] =	sbarrier.arrive $0xFFFF;
	s1 =	simm.s32 @p0 $0x2  }
0x14d: {  	[hbm:s8], [sflag:s6] =	dma.local @p0 [spmem:s22], $0xBC0  }
0x14e: {  	s30 =	sadd.s32 $0x1, s30;
	_ =	swait.ge @p0 [sflag:s1], $0xBC0  }
0x14f: {  	p1 =	sne.s32 s30, s9;
	[sflag:s1] =	ssyncset.done @p0 $0x0  }
.Ltmp1:
0x150: {  	[sflag:s1] =	ssyncadd.s32 @p0 $0xFFFFF440;
	s1 =	simm.s32 @!p0 $0x2;
	(pc) =	sbr.rel @p1 .LBB2_1-.Ltmp1, $4  }
0x151: {  	[hbm:s7], [sflag:s6] =	dma.local @!p0 [spmem:s23], $0xC40  }
0x152: {  	_ =	swait.ge @!p0 [sflag:s1], $0xC40  }
0x153: {  	[sflag:s1] =	ssyncset.done @!p0 $0x0  }
0x154: {  	[sflag:s1] =	ssyncadd.s32 @!p0 $0xFFFFF3C0  }
0x155: {  	_ =	sfence.sel $0x180000  }
0x156: {  	[bflag:$0x0] =	sbarrier.arrive $0xFFFF  }
0x157: {  	_ =	strace $0x90000047  }
0x158: {  	[bflag:$0x2] =	sbarrier.arrive $0xFFFF  }
0x159: {  	p0 =	sne.s32 s0, $0x0;
	s0 =	rddreg [dreg:$0x3]  }
0x15a: {  	s0 =	sadd.s32 @!p0 $0x100000, s0  }
0x15b: {  	[sflag:s0] =	ssyncadd.tile.s32 @!p0 $0x1;
	_ =	shalt  }
.Lfunc_end2:
_tile_overlayer_lowered:
.L_overlay_start_2:
0x15c: {  	(tag) =	ssettag $0x2  }
0x15d: {  	s0 =	rddreg [dreg:$0x0];
	s2 =	stileid.u32  }
0x15e: {  	s1 =	rddreg [dreg:$0x1];
	p0 =	sne.s32 s2, $0x0  }
0x15f: {  	s3 =	rddreg [dreg:$0x2];
	[bflag:$0x3] =	sbarrier.arrive $0xFFFF;
	s2 =	simm.s32 @!p0 $0x1C02  }
0x160: {  	[timem:s3], [sflag:s2] =	dma.local @!p0 [hbm:s0], s1  }
0x161: {  	s0 =	simm.s32 @!p0 $0x2  }
0x162: {  	_ =	swait.ge @!p0 [sflag:s0], s1  }
0x163: {  	s1 =	ssub.s32 @!p0 $0x0, s1;
	[sflag:s0] =	ssyncset.done @!p0 $0x0  }
0x164: {  	[sflag:s0] =	ssyncadd.s32 @!p0 s1  }
0x165: {  	[bflag:$0x3] =	sbarrier.arrive $0xFFFF  }
0x166: {  	_ =	shalt  }

// kernel: kernel.13.cloned.1.call-start
scs
__scs_entry_jumppad:
0x0: {  	(pc) =	sbr.rel $0x88, $3  }
0x1: {  	(tag) =	ssettag $0x0;
	lr =	simm.s32 $0x1  }
0x2: {  	[smem:$0x3F7F] =	sst lr;
	_ =	strace $0xD0000000  }
0x3: {  	_ = 	snop  }
0x4: {  	_ = 	snop  }
0x5: {  	_ = 	snop  }
0x6: {  	_ = 	snop  }
0x7: {  	_ = 	snop  }
__scs_overlays_trampoline_lowered:
0x8: {  	[smem:$0x3F8E] =	sst s0  }
0x9: {  	[smem:$0x3F8F] =	sst s1  }
0xa: {  	[smem:$0x3F90] =	sst s2  }
0xb: {  	[smem:$0x3F91] =	sst s3  }
0xc: {  	[smem:$0x3F92] =	sst s4  }
0xd: {  	[smem:$0x3F93] =	sst s5  }
0xe: {  	[smem:$0x3F94] =	sst s6  }
0xf: {  	[smem:$0x3F95] =	sst s7  }
0x10: {  	[smem:$0x3F96] =	sst s8  }
0x11: {  	[smem:$0x3F97] =	sst s9;
	s0 =	simm.s32 @!p0 $0x0  }
0x12: {  	s1 =	sld [smem:$0x3F7D];
	s0 =	simm.s32 @p0 $0x1  }
0x13: {  	[smem:$0x3F98] =	sst s0;
	s0 =	simm.s32 @!p1 $0x0  }
0x14: {  	s2 =	sld [smem:$0x3F7C];
	s0 =	simm.s32 @p1 $0x1  }
0x15: {  	[smem:$0x3F99] =	sst s0;
	s0 =	simm.s32 @!p2 $0x0  }
0x16: {  	s3 =	sld [smem:$0x3FDB];
	s0 =	simm.s32 @p2 $0x1  }
0x17: {  	s4 =	simm.s32 $0x1BF5;
	[smem:$0x3F9B] =	sst s0  }
0x18: {  	s0 =	sld [smem:$0x3F7E];
	_ =	swait.ge [sflag:s4], $0x0  }
0x19: {  	s7 =	sld [smem:$0x3F7F]  }
0x1a: {  	s8 =	sadd.s32 $0xFFFFE003, lr  }
0x1b: {  	s9 =	sadd.s32 $0xFFFFFEF7, lr;
	s5 =	simm.s32 $0xFFFFFFFF;
	p2 =	slt.u32 s8, $0xFFFFF086  }
0x1c: {  	p1 =	slt.u32 s9, $0xF7A;
	s5 =	simm.s32 @!p2 $0x0  }
0x1d: {  	s5 =	simm.s32 @p1 $0x1;
	p0 =	seq.s32 s7, s2  }
0x1e: {  	s7 =	smul.u32 @!p0 $0xF7A, s2;
	p2 =	seq.s32 @!p0 s5, $0x0  }
0x1f: {  	s9 =	smul.u32 $0xF7A, s1;
	s8 =	simm.s32 @!p0 $0x1BF5;
	p2 =	por !p2, p0  }
0x20: {  	[sflag:s8] =	ssyncset.s32 @!p0 $0xFFFFF086;
	s6 =	sadd.s32 @!p0 s3, s7;
	s7 =	simm.s32 @!p0 $0x108  }
0x21: {  	s3 =	sadd.s32 s3, s9;
	s6 =	sadd.s32 @!p0 $0x88, s6;
	s7 =	simm.s32 @p2 $0x1082  }
0x22: {  	[simem:s7], [sflag:s8] =	dma.local @!p0 [hbm:s6], $0xF7A  }
0x23: {  	s9 =	sor.u32 $0xD0000000, s2;
	s6 =	simm.s32 $0x108;
	_ =	swait.ge @!p0 [sflag:s8], $0x0  }
0x24: {  	s3 =	sadd.s32 $0x88, s3;
	s6 =	simm.s32 @!p1 $0x1082;
	[sflag:s4] =	ssyncset.s32 $0xFFFFF086  }
0x25: {  	[simem:s6], [sflag:s4] =	dma.local [hbm:s3], $0xF7A  }
0x26: {  	[smem:$0x3F7F] =	sst s1;
	(tag) =	ssettag s2;
	_ =	strace s9  }
0x27: {  	s1 =	sld [smem:$0x3F8F]  }
0x28: {  	s2 =	sld [smem:$0x3F90]  }
0x29: {  	s4 =	sld [smem:$0x3F92]  }
0x2a: {  	p0 =	seq.s32 s5, $0x0;
	s5 =	sld [smem:$0x3F93]  }
0x2b: {  	s6 =	sld [smem:$0x3F94]  }
0x2c: {  	s7 =	sld [smem:$0x3F95]  }
0x2d: {  	s3 =	simm.s32 $0x108;
	s8 =	sld [smem:$0x3F96]  }
0x2e: {  	s3 =	simm.s32 @!p0 $0x1082;
	s9 =	sld [smem:$0x3F97]  }
0x2f: {  	lr =	sadd.s32 s0, s3;
	s0 =	sld [smem:$0x3F8E]  }
0x30: {  	s3 =	sld [smem:$0x3F91]  }
0x31: {  	[smem:$0x3F9A] =	sst s10  }
0x32: {  	s10 =	sld [smem:$0x3F98];
	_ =	sdelay $0x3  }
0x33: {  	p0 =	seq.s32 s10, $0x1;
	s10 =	sld [smem:$0x3F9A];
	_ =	sdelay $0x3  }
0x34: {  	[smem:$0x3F9A] =	sst s10  }
0x35: {  	s10 =	sld [smem:$0x3F99];
	_ =	sdelay $0x3  }
0x36: {  	p1 =	seq.s32 s10, $0x1;
	s10 =	sld [smem:$0x3F9A];
	_ =	sdelay $0x3  }
0x37: {  	[smem:$0x3F9A] =	sst s10  }
0x38: {  	s10 =	sld [smem:$0x3F9B]  }
0x39: {  	_ = 	snop;
	(pc) =	sbr.ind lr, $3  }
0x3a: {  	_ = 	snop  }
0x3b: {  	_ = 	snop  }
0x3c: {  	p2 =	seq.s32 s10, $0x1;
	s10 =	sld [smem:$0x3F9A]  }
0x3d: {  	_ =	shalt  }
0x3e: {  	_ =	shalt  }
0x3f: {  	_ =	shalt  }
0x40: {  	_ =	shalt  }
0x41: {  	_ =	shalt  }
0x42: {  	_ =	shalt  }
0x43: {  	_ =	shalt  }
0x44: {  	_ =	shalt  }
0x45: {  	_ =	shalt  }
0x46: {  	_ =	shalt  }
0x47: {  	_ =	shalt  }
0x48: {  	_ =	shalt  }
0x49: {  	_ =	shalt  }
0x4a: {  	_ =	shalt  }
0x4b: {  	_ =	shalt  }
0x4c: {  	_ =	shalt  }
0x4d: {  	_ =	shalt  }
0x4e: {  	_ =	shalt  }
0x4f: {  	_ =	shalt  }
0x50: {  	_ =	shalt  }
0x51: {  	_ =	shalt  }
0x52: {  	_ =	shalt  }
0x53: {  	_ =	shalt  }
0x54: {  	_ =	shalt  }
0x55: {  	_ =	shalt  }
0x56: {  	_ =	shalt  }
0x57: {  	_ =	shalt  }
0x58: {  	_ =	shalt  }
0x59: {  	_ =	shalt  }
0x5a: {  	_ =	shalt  }
0x5b: {  	_ =	shalt  }
0x5c: {  	_ =	shalt  }
0x5d: {  	_ =	shalt  }
0x5e: {  	_ =	shalt  }
0x5f: {  	_ =	shalt  }
0x60: {  	_ =	shalt  }
0x61: {  	_ =	shalt  }
0x62: {  	_ =	shalt  }
0x63: {  	_ =	shalt  }
0x64: {  	_ =	shalt  }
0x65: {  	_ =	shalt  }
0x66: {  	_ =	shalt  }
0x67: {  	_ =	shalt  }
0x68: {  	_ =	shalt  }
0x69: {  	_ =	shalt  }
0x6a: {  	_ =	shalt  }
0x6b: {  	_ =	shalt  }
0x6c: {  	_ =	shalt  }
0x6d: {  	_ =	shalt  }
0x6e: {  	_ =	shalt  }
0x6f: {  	_ =	shalt  }
0x70: {  	_ =	shalt  }
0x71: {  	_ =	shalt  }
0x72: {  	_ =	shalt  }
0x73: {  	_ =	shalt  }
0x74: {  	_ =	shalt  }
0x75: {  	_ =	shalt  }
0x76: {  	_ =	shalt  }
0x77: {  	_ =	shalt  }
0x78: {  	_ =	shalt  }
0x79: {  	_ =	shalt  }
0x7a: {  	_ =	shalt  }
0x7b: {  	_ =	shalt  }
0x7c: {  	_ =	shalt  }
0x7d: {  	_ =	shalt  }
0x7e: {  	_ =	shalt  }
0x7f: {  	_ =	shalt  }
0x80: {  	_ =	shalt  }
0x81: {  	_ =	shalt  }
0x82: {  	_ =	shalt  }
0x83: {  	_ =	shalt  }
0x84: {  	_ =	shalt  }
0x85: {  	_ =	shalt  }
0x86: {  	_ =	shalt  }
0x87: {  	_ =	shalt  }
.Lfunc_end0:
.L_simem_size_0:
called_computation.1_lowered:
.L_overlay_start_0:
0x88: {  	s2 =	sld [smem:$0x3FD9]  }
0x89: {  	s3 =	sld [smem:$0x3FFE];
	_ =	sdelay $0x1  }
0x8a: {  	s1 =	srdreg.scid  }
0x8b: {  	s0 =	sand.u32 $0x1, s1  }
0x8c: {  	s16 =	sshll.u32 s0, $0xA;
	s2 =	sadd.s32 s3, s2  }
0x8d: {  	s2 =	sadd.s32 s2, s16  }
0x8e: {  	[smem:$0x3FA6] =	sst s2  }
0x8f: {  	_ = 	snop  }
0x90: {  	(tm) =	ssettm $0x1  }
0x91: {  	s17 =	sld [smem:$0x3FFB];
	_ =	sdelay $0x3  }
0x92: {  	_ =	strace s17  }
0x93: {  	s2 =	sld [smem:$0x3FFC];
	_ =	sdelay $0x3  }
0x94: {  	_ =	strace s2  }
0x95: {  	s2 =	sld [smem:$0x3FFD];
	_ =	sdelay $0x3  }
0x96: {  	_ =	strace s2  }
0x97: {  	_ =	strace $0x8FFFFFFF  }
0x98: {  	s18 =	sld [smem:$0x3FDB];
	_ =	sdelay $0x1  }
0x99: {  	s19 =	simm.s32 $_scs_section_size  }
0x9a: {  	s4 =	simm.s32 $_size__tile_overlayer_lowered;
	s5 =	simm.s32 $_tile_overlayer_lowered  }
0x9b: {  	s22 =	simm.s32 $0x1BFF;
	s21 =	sshll.u32 s5, $0x1;
	s2 =	sadd.s32 s19, s18  }
0x9c: {  	s6 =	simm.s32 $0x0;
	s20 =	sshll.u32 s4, $0x1;
	s4 =	sadd.s32 s21, s2  }
0x9d: {  	[timem:s6], [sflag:s22] =	dma.local [hbm:s4], s20  }
0x9e: {  	_ =	swait.ge [sflag:s22], s20  }
0x9f: {  	s3 =	ssub.s32 $0x0, s20;
	[sflag:s22] =	ssyncset.done $0x0  }
0xa0: {  	[sflag:s22] =	ssyncadd.s32 s3;
	_ =	sdelay $0x1  }
0xa1: {  	s23 =	simm.s32 $0x1B8B  }
0xa2: {  	_ =	swait.ge [sflag:s23], $0x1  }
0xa3: {  	[sflag:s23] =	ssyncset.done $0x0  }
0xa4: {  	s25 =	simm.s32 $0x1B8E;
	s24 =	sld [smem:$0x3FFE];
	[sflag:s23] =	ssyncadd.s32 $0xFFFFFFFF  }
0xa5: {  	s26 =	simm.s32 $execute0_lowered;
	[smem:$0x3FD2] =	sst s25  }
0xa6: {  	s4 =	sshll.u32 s26, $0x1;
	_ =	strace $0x80000049;
	[dreg:$0x1] =	wrdreg $0xFFFFFFFF  }
0xa7: {  	s28 =	simm.s32 $_size_execute0_lowered;
	s2 =	sadd.s32 s2, s4;
	[dreg:$0x0] =	wrdreg $0x0  }
0xa8: {  	s4 =	sshll.u32 s28, $0x1;
	[dreg:$0x2] =	wrdreg s2  }
0xa9: {  	[dreg:$0x3] =	wrdreg s4  }
0xaa: {  	[dreg:$0x4] =	wrdreg $0xC0  }
0xab: {  	_ =	task [dreg:s6], $0x5FFFF  }
0xac: {  	[dreg:$0x1] =	wrdreg $0xFFFFFFFF  }
0xad: {  	[dreg:$0x0] =	wrdreg $0x60  }
0xae: {  	[dreg:$0x2] =	wrdreg s24  }
0xaf: {  	[dreg:$0x3] =	wrdreg $0x6C000  }
0xb0: {  	[dreg:$0x4] =	wrdreg $0x9  }
0xb1: {  	_ =	task.clear_ibuf [dreg:s6], $0x5FFFF;
	_ =	strace $0x90000049  }
0xb2: {  	s29 =	simm.s32 $0x9;
	_ =	strace $0x8000004B  }
0xb3: {  	_ =	swait.ge [sflag:s29], $0x1  }
0xb4: {  	[sflag:s29] =	ssyncadd.s32 $0xFFFFFFFF  }
0xb5: {  	_ =	strace $0x9000004B  }
0xb6: {  	_ =	sfence  }
0xb7: {  	s30 =	sld [smem:$0x0];
	_ =	sdelay $0x2  }
0xb8: {  	s31 =	sshll.u32 s1, $0xD;
	s1 =	sshrl.u32 s1, $0x2  }
0xb9: {  	s3 =	sand.u32 $0x4000, s31;
	s1 =	sadd.s32 s1, s30  }
0xba: {  	s0 =	sor.u32 s3, s0;
	s1 =	sshll.u32 s1, $0x11  }
0xbb: {  	s0 =	sor.u32 s1, s0  }
0xbc: {  	s0 =	sadd.s32 $0x8F2B, s0  }
0xbd: {  	[sflag:s0] =	ssyncadd.remote.s32 $0x1  }
0xbe: {  	_ =	sfence.sel $0xFFFF  }
0xbf: {  	[dreg:$0x0] =	wrdreg $0xFFFFFFFF;
	(pc) =	sbr.abs _section_cstart, $3  }
0xc0: {  	[dreg:$0x1] =	wrdreg $0xFFFFFFFF  }
0xc1: {  	_ =	task.clear_ibuf [dreg:s6], $0x2FFFF;
	_ =	strace $0x9FFFFFFF  }
0xc2: {  	(tm) =	ssettm $0x7FFFFFFF  }
0xc3: {  	_ =	shalt  }
tec
execute0_lowered:
.L_overlay_start_1:
0x0: {  	(tag) =	ssettag $0x1  }
0x1: {  	s0 =	rddreg [dreg:$0x0];
	s1 =	srdreg.scid  }
0x2: {  	s2 =	rddreg [dreg:$0x1];
	s24 =	stileid.u32  }
0x3: {  	s3 =	simm.s32 $0x0;
	s21 =	simm.s32 $0x100;
	s22 =	simm.s32 $0x680  }
0x4: {  	s23 =	simm.s32 $0x180;
	s28 =	simm.s32 $0x380;
	s5 =	smul.u32 $0xC600, s24  }
0x5: {  	s29 =	simm.s32 $0x900;
	s30 =	simm.s32 $0x400;
	s6 =	smul.u32 $0x18C0, s24  }
0x6: {  	s31 =	simm.s32 $0x980;
	s1 =	sand.u32 $0x1, s1;
	s25 =	smul.u32 $0x61C00, s24  }
0x7: {  	[smem:$0x7FF] =	sst s3;
	s9 =	sadd.s32 $0x5600, s0;
	s10 =	smul.u32 $0x3100, s24  }
0x8: {  	s12 =	smul.u32 $0x62000, s24;
	s13 =	sshll.u32 s24, $0x6;
	p0 =	seq.s32 s24, $0xF  }
0x9: {  	s4 =	smul.u32 $0xC6000, s1;
	_ =	strace $0x8000004A;
	[dreg:$0x9] =	wrdreg s9  }
0xa: {  	s24 =	simm.s32 $0x0;
	s7 =	smul.u32 $0x30E00, s1;
	[dreg:$0x5] =	wrdreg s21  }
0xb: {  	s26 =	ssub.s32 $0x2, s1;
	s1 =	smul.u32 $0x187000, s1;
	[dreg:$0x6] =	wrdreg s22  }
0xc: {  	[dreg:$0x7] =	wrdreg s23;
	s21 =	simm.s32 $0x280;
	s22 =	simm.s32 $0x800  }
0xd: {  	s23 =	simm.s32 $0x300;
	s8 =	sadd.s32 s6, s0;
	s11 =	sshrl.u32 s26, $0x1  }
0xe: {  	s6 =	sshrl.u32 s25, $0x2;
	s25 =	sor.u32 $0x1C03, s13;
	s15 =	sshrl.u32 s12, $0x2  }
0xf: {  	s12 =	simm.s32 $0x600;
	s13 =	simm.s32 $0x1;
	s5 =	sadd.s32 s5, s4  }
0x10: {  	s4 =	sadd.s32 $0x69000, s0;
	s9 =	ssub.s32 s26, s11;
	s14 =	sadd.s32 s6, s2  }
0x11: {  	s7 =	sadd.s32 s10, s7;
	s1 =	sshrl.u32 s1, $0x3;
	s19 =	sadd.s32 $0xCAC00, s8  }
0x12: {  	s26 =	simm.s32 $0x700;
	s8 =	simm.s32 $0x580;
	s10 =	simm.s32 $0xB80  }
0x13: {  	[dreg:$0xa] =	wrdreg s25;
	s5 =	sshrl.u32 s5, $0x3;
	s18 =	smax.u32 s9, $0x1  }
0x14: {  	[dreg:$0x4] =	wrdreg s19;
	s20 =	sshrl.u32 s14, $0x3;
	s14 =	simm.s32 $0x80  }
0x15: {  	[dreg:$0x8] =	wrdreg s26;
	s19 =	simm.s32 $0x200;
	s26 =	simm.s32 $0x880  }
0x16: {  	s9 =	simm.s32 $0xB00;
	s5 =	sadd.s32 s5, s0;
	[dreg:$0xd] =	wrdreg s18  }
0x17: {  	s0 =	sadd.s32 $0x1F0000, s0;
	[dreg:$0xe] =	wrdreg s20;
	s18 =	simm.s32 $0x2  }
0x18: {  	s20 =	simm.s32 $0x780;
	s16 =	sadd.s32 s0, s7;
	s7 =	sadd.s32 s15, s2  }
0x19: {  	s0 =	sadd.s32 s0, s1;
	s17 =	sadd.s32 $0x37800, s5;
	s15 =	simm.s32 $0xC00  }
0x1a: {  	s1 =	simm.s32 $0xA00;
	[dreg:$0xb] =	wrdreg s16;
	s0 =	sadd.s32 $0x2DF00, s0  }
0x1b: {  	s5 =	simm.s32 $0x500;
	[dreg:$0xc] =	wrdreg s0;
	s0 =	sadd.s32 $0x16F800, s2  }
0x1c: {  	[dreg:$0x3] =	wrdreg s17;
	s16 =	simm.s32 $0x2C00;
	s0 =	sshrl.u32 @p0 s0, $0x3  }
0x1d: {  	s17 =	simm.s32 $0x4C00;
	[dreg:$0xf] =	wrdreg s0;
	s0 =	sshrl.u32 @!p0 s7, $0x3  }
0x1e: {  	s7 =	simm.s32 $0xA80;
	[dreg:$0x10] =	wrdreg s0;
	s0 =	simm.s32 $0x480  }
.LBB2_1:
0x1f: {  	[dreg:$0x11] =	wrdreg s24  }
0x20: {  	s6 =	rddreg [dreg:$0x9]  }
0x21: {  	s11 =	rddreg [dreg:$0xe]  }
0x22: {  	[spmem:s11], [sflag:s25] =	dma.local [hbm:s6], $0x30E0  }
0x23: {  	s25 =	simm.s32 $0x3  }
0x24: {  	_ =	swait.ge [sflag:s25], $0x30E0  }
0x25: {  	[sflag:s25] =	ssyncset.done $0x0  }
0x26: {  	[sflag:s25] =	ssyncadd.s32 $0xFFFFCF20  }
0x27: {  	[bflag:$0x0] =	sbarrier.arrive $0xFFFF  }
0x28: {  	s11 =	rddreg [dreg:$0x4]  }
0x29: {  	s24 =	rddreg [dreg:$0x3];
	s25 =	sadd.s32 $0x0, s11  }
0x2a: {  	[tilespmem:s3], [sflag:$0x1] =	stream.linear.gather [hbm4b:s25+s3], $0x600, $0x38;
	[tilespmem:$0x1F520] =	vst v63  }
0x2b: {  	s11 =	sadd.s32 $0x0, s24  }
0x2c: {  	[tilespmem:s12], [sflag:$0x1] =	stream.linear.gather [hbm4b:s11+s3], $0x600, $0x38;
	[tilespmem:$0x1F520] =	vst v63  }
0x2d: {  	_ =	swait.ge [sflag:s13], $0x600  }
0x2e: {  	[sflag:s13] =	ssyncset.done $0x0  }
0x2f: {  	[sflag:s13] =	ssyncadd.s32 $0xFFFFFA00  }
0x30: {  	_ =	swait.ge [sflag:s13], $0x600  }
0x31: {  	[sflag:s13] =	ssyncset.done $0x0  }
0x32: {  	[sflag:s13] =	ssyncadd.s32 $0xFFFFFA00  }
0x33: {  	[tilespmem:s15], [sflag:$0x1] =	stream.indirect.gather [hbm4b:s4+s14], $0x40, s3, s14, $0xb8;
	[tilespmem:$0x1F520] =	vst v63  }
0x34: {  	_ = 	snop  }
0x35: {  	[tilespmem:s16], [sflag:$0x1] =	stream.indirect.gather [hbm4b:s4+s14], $0x40, s14, s14, $0xb8;
	[tilespmem:$0x1F520] =	vst v63  }
0x36: {  	_ =	swait.ge [sflag:s13], $0x2000  }
0x37: {  	[sflag:s13] =	ssyncset.done $0x0  }
0x38: {  	[sflag:s13] =	ssyncadd.s32 $0xFFFFE000  }
0x39: {  	[spmem:s2] =	stream.indirect.scatter.add.f32 [tilespmem:s15], [sflag:$0x2], $0x40, s12, s14, $0xb8;
	[tilespmem:$0x1F520] =	vst v63  }
0x3a: {  	s25 =	rddreg [dreg:$0x5]  }
0x3b: {  	[tilespmem:s17], [sflag:$0x1] =	stream.indirect.gather [hbm4b:s4+s14], $0x40, s25, s14, $0xb8;
	[tilespmem:$0x1F520] =	vst v63  }
0x3c: {  	_ =	swait.ge [sflag:s13], $0x2000  }
0x3d: {  	[sflag:s13] =	ssyncset.done $0x0  }
0x3e: {  	s6 =	rddreg [dreg:$0x6];
	[sflag:s13] =	ssyncadd.s32 $0xFFFFE000  }
0x3f: {  	[spmem:s2] =	stream.indirect.scatter.add.f32 [tilespmem:s16], [sflag:$0x2], $0x40, s6, s14, $0xb8;
	[tilespmem:$0x1F520] =	vst v63  }
0x40: {  	_ =	swait.ge [sflag:s18], $0x2000  }
0x41: {  	[sflag:s18] =	ssyncset.done $0x0  }
0x42: {  	s24 =	rddreg [dreg:$0x7];
	[sflag:s18] =	ssyncadd.s32 $0xFFFFE000  }
0x43: {  	[tilespmem:s15], [sflag:$0x1] =	stream.indirect.gather [hbm4b:s4+s14], $0x40, s24, s14, $0xb8;
	[tilespmem:$0x1F520] =	vst v63  }
0x44: {  	_ =	swait.ge [sflag:s13], $0x2000  }
0x45: {  	[sflag:s13] =	ssyncset.done $0x0  }
0x46: {  	s25 =	rddreg [dreg:$0x8];
	[sflag:s13] =	ssyncadd.s32 $0xFFFFE000  }
0x47: {  	[spmem:s2] =	stream.indirect.scatter.add.f32 [tilespmem:s17], [sflag:$0x2], $0x40, s25, s14, $0xb8;
	[tilespmem:$0x1F520] =	vst v63  }
0x48: {  	_ =	swait.ge [sflag:s18], $0x2000  }
0x49: {  	[sflag:s18] =	ssyncset.done $0x0  }
0x4a: {  	[sflag:s18] =	ssyncadd.s32 $0xFFFFE000  }
0x4b: {  	[tilespmem:s16], [sflag:$0x1] =	stream.indirect.gather [hbm4b:s4+s14], $0x40, s19, s14, $0xb8;
	[tilespmem:$0x1F520] =	vst v63  }
0x4c: {  	_ =	swait.ge [sflag:s13], $0x2000  }
0x4d: {  	[sflag:s13] =	ssyncset.done $0x0  }
0x4e: {  	[sflag:s13] =	ssyncadd.s32 $0xFFFFE000  }
0x4f: {  	[spmem:s2] =	stream.indirect.scatter.add.f32 [tilespmem:s15], [sflag:$0x2], $0x40, s20, s14, $0xb8;
	[tilespmem:$0x1F520] =	vst v63  }
0x50: {  	_ =	swait.ge [sflag:s18], $0x2000  }
0x51: {  	[sflag:s18] =	ssyncset.done $0x0  }
0x52: {  	[sflag:s18] =	ssyncadd.s32 $0xFFFFE000  }
0x53: {  	[tilespmem:s17], [sflag:$0x1] =	stream.indirect.gather [hbm4b:s4+s14], $0x40, s21, s14, $0xb8;
	[tilespmem:$0x1F520] =	vst v63  }
0x54: {  	_ =	swait.ge [sflag:s13], $0x2000  }
0x55: {  	[sflag:s13] =	ssyncset.done $0x0  }
0x56: {  	[sflag:s13] =	ssyncadd.s32 $0xFFFFE000  }
0x57: {  	[spmem:s2] =	stream.indirect.scatter.add.f32 [tilespmem:s16], [sflag:$0x2], $0x40, s22, s14, $0xb8;
	[tilespmem:$0x1F520] =	vst v63  }
0x58: {  	_ =	swait.ge [sflag:s18], $0x2000  }
0x59: {  	[sflag:s18] =	ssyncset.done $0x0  }
0x5a: {  	[sflag:s18] =	ssyncadd.s32 $0xFFFFE000  }
0x5b: {  	[tilespmem:s15], [sflag:$0x1] =	stream.indirect.gather [hbm4b:s4+s14], $0x40, s23, s14, $0xb8;
	[tilespmem:$0x1F520] =	vst v63  }
0x5c: {  	_ =	swait.ge [sflag:s13], $0x2000  }
0x5d: {  	[sflag:s13] =	ssyncset.done $0x0  }
0x5e: {  	[sflag:s13] =	ssyncadd.s32 $0xFFFFE000  }
0x5f: {  	[spmem:s2] =	stream.indirect.scatter.add.f32 [tilespmem:s17], [sflag:$0x2], $0x40, s26, s14, $0xb8;
	[tilespmem:$0x1F520] =	vst v63  }
0x60: {  	_ =	swait.ge [sflag:s18], $0x2000  }
0x61: {  	[sflag:s18] =	ssyncset.done $0x0  }
0x62: {  	[sflag:s18] =	ssyncadd.s32 $0xFFFFE000  }
0x63: {  	[tilespmem:s16], [sflag:$0x1] =	stream.indirect.gather [hbm4b:s4+s14], $0x40, s28, s14, $0xb8;
	[tilespmem:$0x1F520] =	vst v63  }
0x64: {  	_ =	swait.ge [sflag:s13], $0x2000  }
0x65: {  	[sflag:s13] =	ssyncset.done $0x0  }
0x66: {  	[sflag:s13] =	ssyncadd.s32 $0xFFFFE000  }
0x67: {  	[spmem:s2] =	stream.indirect.scatter.add.f32 [tilespmem:s15], [sflag:$0x2], $0x40, s29, s14, $0xb8;
	[tilespmem:$0x1F520] =	vst v63  }
0x68: {  	_ =	swait.ge [sflag:s18], $0x2000  }
0x69: {  	[sflag:s18] =	ssyncset.done $0x0  }
0x6a: {  	[sflag:s18] =	ssyncadd.s32 $0xFFFFE000  }
0x6b: {  	[tilespmem:s17], [sflag:$0x1] =	stream.indirect.gather [hbm4b:s4+s14], $0x40, s30, s14, $0xb8;
	[tilespmem:$0x1F520] =	vst v63  }
0x6c: {  	_ =	swait.ge [sflag:s13], $0x2000  }
0x6d: {  	[sflag:s13] =	ssyncset.done $0x0  }
0x6e: {  	[sflag:s13] =	ssyncadd.s32 $0xFFFFE000  }
0x6f: {  	[spmem:s2] =	stream.indirect.scatter.add.f32 [tilespmem:s16], [sflag:$0x2], $0x40, s31, s14, $0xb8;
	[tilespmem:$0x1F520] =	vst v63  }
0x70: {  	_ =	swait.ge [sflag:s18], $0x2000  }
0x71: {  	[sflag:s18] =	ssyncset.done $0x0  }
0x72: {  	[sflag:s18] =	ssyncadd.s32 $0xFFFFE000  }
0x73: {  	[tilespmem:s15], [sflag:$0x1] =	stream.indirect.gather [hbm4b:s4+s14], $0x40, s0, s14, $0xb8;
	[tilespmem:$0x1F520] =	vst v63  }
0x74: {  	_ =	swait.ge [sflag:s13], $0x2000  }
0x75: {  	[sflag:s13] =	ssyncset.done $0x0  }
0x76: {  	[sflag:s13] =	ssyncadd.s32 $0xFFFFE000  }
0x77: {  	[spmem:s2] =	stream.indirect.scatter.add.f32 [tilespmem:s17], [sflag:$0x2], $0x40, s1, s14, $0xb8;
	[tilespmem:$0x1F520] =	vst v63  }
0x78: {  	_ =	swait.ge [sflag:s18], $0x2000  }
0x79: {  	[sflag:s18] =	ssyncset.done $0x0  }
0x7a: {  	[sflag:s18] =	ssyncadd.s32 $0xFFFFE000  }
0x7b: {  	[tilespmem:s16], [sflag:$0x1] =	stream.indirect.gather [hbm4b:s4+s14], $0x40, s5, s14, $0xb8;
	[tilespmem:$0x1F520] =	vst v63  }
0x7c: {  	_ =	swait.ge [sflag:s13], $0x2000  }
0x7d: {  	[sflag:s13] =	ssyncset.done $0x0  }
0x7e: {  	[sflag:s13] =	ssyncadd.s32 $0xFFFFE000  }
0x7f: {  	[spmem:s2] =	stream.indirect.scatter.add.f32 [tilespmem:s15], [sflag:$0x2], $0x40, s7, s14, $0xb8;
	[tilespmem:$0x1F520] =	vst v63  }
0x80: {  	_ =	swait.ge [sflag:s18], $0x2000  }
0x81: {  	[sflag:s18] =	ssyncset.done $0x0  }
0x82: {  	[sflag:s18] =	ssyncadd.s32 $0xFFFFE000  }
0x83: {  	[tilespmem:s17], [sflag:$0x1] =	stream.indirect.gather [hbm4b:s4+s14], $0x40, s8, s14, $0xb8;
	[tilespmem:$0x1F520] =	vst v63  }
0x84: {  	_ =	swait.ge [sflag:s13], $0x2000  }
0x85: {  	[sflag:s13] =	ssyncset.done $0x0  }
0x86: {  	[sflag:s13] =	ssyncadd.s32 $0xFFFFE000  }
0x87: {  	[spmem:s2] =	stream.indirect.scatter.add.f32 [tilespmem:s16], [sflag:$0x2], $0x40, s9, s14, $0xb8;
	[tilespmem:$0x1F520] =	vst v63  }
0x88: {  	_ =	swait.ge [sflag:s13], $0x2000  }
0x89: {  	[sflag:s13] =	ssyncset.done $0x0  }
0x8a: {  	[sflag:s13] =	ssyncadd.s32 $0xFFFFE000  }
0x8b: {  	[spmem:s2] =	stream.indirect.scatter.add.f32 [tilespmem:s17], [sflag:$0x2], $0x40, s10, s14, $0xb8;
	[tilespmem:$0x1F520] =	vst v63  }
0x8c: {  	_ =	swait.ge [sflag:s18], $0x2000  }
0x8d: {  	[sflag:s18] =	ssyncset.done $0x0  }
0x8e: {  	[sflag:s18] =	ssyncadd.s32 $0xFFFFE000  }
0x8f: {  	_ =	swait.ge [sflag:s18], $0x2000  }
0x90: {  	[sflag:s18] =	ssyncset.done $0x0  }
0x91: {  	[sflag:s18] =	ssyncadd.s32 $0xFFFFE000  }
0x92: {  	s25 =	simm.s32 $0xC0;
	_ =	swait.ge [sflag:s18], $0x2000  }
.LBB2_2:
0x93: {  	s11 =	rddreg [dreg:$0x4];
	s6 =	smov.u32 s25;
	[sflag:s18] =	ssyncset.done $0x0  }
0x94: {  	s24 =	rddreg [dreg:$0x3];
	s11 =	sadd.s32 s6, s11;
	[sflag:s18] =	ssyncadd.s32 $0xFFFFE000  }
0x95: {  	[tilespmem:s3], [sflag:$0x1] =	stream.linear.gather [hbm4b:s11+s3], $0x600, $0x38;
	[tilespmem:$0x1F520] =	vst v63  }
0x96: {  	s6 =	sadd.s32 s6, s24  }
0x97: {  	[tilespmem:s12], [sflag:$0x1] =	stream.linear.gather [hbm4b:s6+s3], $0x600, $0x38;
	[tilespmem:$0x1F520] =	vst v63  }
0x98: {  	_ =	swait.ge [sflag:s13], $0x600  }
0x99: {  	[sflag:s13] =	ssyncset.done $0x0  }
0x9a: {  	[sflag:s13] =	ssyncadd.s32 $0xFFFFFA00  }
0x9b: {  	_ =	swait.ge [sflag:s13], $0x600  }
0x9c: {  	[sflag:s13] =	ssyncset.done $0x0  }
0x9d: {  	[sflag:s13] =	ssyncadd.s32 $0xFFFFFA00  }
0x9e: {  	[tilespmem:s15], [sflag:$0x1] =	stream.indirect.gather [hbm4b:s4+s14], $0x40, s3, s14, $0xb8;
	[tilespmem:$0x1F520] =	vst v63  }
0x9f: {  	_ = 	snop  }
0xa0: {  	[tilespmem:s16], [sflag:$0x1] =	stream.indirect.gather [hbm4b:s4+s14], $0x40, s14, s14, $0xb8;
	[tilespmem:$0x1F520] =	vst v63  }
0xa1: {  	_ =	swait.ge [sflag:s13], $0x2000  }
0xa2: {  	[sflag:s13] =	ssyncset.done $0x0  }
0xa3: {  	[sflag:s13] =	ssyncadd.s32 $0xFFFFE000  }
0xa4: {  	[spmem:s2] =	stream.indirect.scatter.add.f32 [tilespmem:s15], [sflag:$0x2], $0x40, s12, s14, $0xb8;
	[tilespmem:$0x1F520] =	vst v63  }
0xa5: {  	s11 =	rddreg [dreg:$0x5]  }
0xa6: {  	[tilespmem:s17], [sflag:$0x1] =	stream.indirect.gather [hbm4b:s4+s14], $0x40, s11, s14, $0xb8;
	[tilespmem:$0x1F520] =	vst v63  }
0xa7: {  	_ =	swait.ge [sflag:s13], $0x2000  }
0xa8: {  	[sflag:s13] =	ssyncset.done $0x0  }
0xa9: {  	s24 =	rddreg [dreg:$0x6];
	[sflag:s13] =	ssyncadd.s32 $0xFFFFE000  }
0xaa: {  	[spmem:s2] =	stream.indirect.scatter.add.f32 [tilespmem:s16], [sflag:$0x2], $0x40, s24, s14, $0xb8;
	[tilespmem:$0x1F520] =	vst v63  }
0xab: {  	_ =	swait.ge [sflag:s18], $0x2000  }
0xac: {  	[sflag:s18] =	ssyncset.done $0x0  }
0xad: {  	s11 =	rddreg [dreg:$0x7];
	[sflag:s18] =	ssyncadd.s32 $0xFFFFE000  }
0xae: {  	[tilespmem:s15], [sflag:$0x1] =	stream.indirect.gather [hbm4b:s4+s14], $0x40, s11, s14, $0xb8;
	[tilespmem:$0x1F520] =	vst v63  }
0xaf: {  	_ =	swait.ge [sflag:s13], $0x2000  }
0xb0: {  	[sflag:s13] =	ssyncset.done $0x0  }
0xb1: {  	s24 =	rddreg [dreg:$0x8];
	[sflag:s13] =	ssyncadd.s32 $0xFFFFE000  }
0xb2: {  	[spmem:s2] =	stream.indirect.scatter.add.f32 [tilespmem:s17], [sflag:$0x2], $0x40, s24, s14, $0xb8;
	[tilespmem:$0x1F520] =	vst v63  }
0xb3: {  	_ =	swait.ge [sflag:s18], $0x2000  }
0xb4: {  	[sflag:s18] =	ssyncset.done $0x0  }
0xb5: {  	[sflag:s18] =	ssyncadd.s32 $0xFFFFE000  }
0xb6: {  	[tilespmem:s16], [sflag:$0x1] =	stream.indirect.gather [hbm4b:s4+s14], $0x40, s19, s14, $0xb8;
	[tilespmem:$0x1F520] =	vst v63  }
0xb7: {  	_ =	swait.ge [sflag:s13], $0x2000  }
0xb8: {  	[sflag:s13] =	ssyncset.done $0x0  }
0xb9: {  	[sflag:s13] =	ssyncadd.s32 $0xFFFFE000  }
0xba: {  	[spmem:s2] =	stream.indirect.scatter.add.f32 [tilespmem:s15], [sflag:$0x2], $0x40, s20, s14, $0xb8;
	[tilespmem:$0x1F520] =	vst v63  }
0xbb: {  	_ =	swait.ge [sflag:s18], $0x2000  }
0xbc: {  	[sflag:s18] =	ssyncset.done $0x0  }
0xbd: {  	[sflag:s18] =	ssyncadd.s32 $0xFFFFE000  }
0xbe: {  	[tilespmem:s17], [sflag:$0x1] =	stream.indirect.gather [hbm4b:s4+s14], $0x40, s21, s14, $0xb8;
	[tilespmem:$0x1F520] =	vst v63  }
0xbf: {  	_ =	swait.ge [sflag:s13], $0x2000  }
0xc0: {  	[sflag:s13] =	ssyncset.done $0x0  }
0xc1: {  	[sflag:s13] =	ssyncadd.s32 $0xFFFFE000  }
0xc2: {  	[spmem:s2] =	stream.indirect.scatter.add.f32 [tilespmem:s16], [sflag:$0x2], $0x40, s22, s14, $0xb8;
	[tilespmem:$0x1F520] =	vst v63  }
0xc3: {  	_ =	swait.ge [sflag:s18], $0x2000  }
0xc4: {  	[sflag:s18] =	ssyncset.done $0x0  }
0xc5: {  	[sflag:s18] =	ssyncadd.s32 $0xFFFFE000  }
0xc6: {  	[tilespmem:s15], [sflag:$0x1] =	stream.indirect.gather [hbm4b:s4+s14], $0x40, s23, s14, $0xb8;
	[tilespmem:$0x1F520] =	vst v63  }
0xc7: {  	_ =	swait.ge [sflag:s13], $0x2000  }
0xc8: {  	[sflag:s13] =	ssyncset.done $0x0  }
0xc9: {  	[sflag:s13] =	ssyncadd.s32 $0xFFFFE000  }
0xca: {  	[spmem:s2] =	stream.indirect.scatter.add.f32 [tilespmem:s17], [sflag:$0x2], $0x40, s26, s14, $0xb8;
	[tilespmem:$0x1F520] =	vst v63  }
0xcb: {  	_ =	swait.ge [sflag:s18], $0x2000  }
0xcc: {  	[sflag:s18] =	ssyncset.done $0x0  }
0xcd: {  	[sflag:s18] =	ssyncadd.s32 $0xFFFFE000  }
0xce: {  	[tilespmem:s16], [sflag:$0x1] =	stream.indirect.gather [hbm4b:s4+s14], $0x40, s28, s14, $0xb8;
	[tilespmem:$0x1F520] =	vst v63  }
0xcf: {  	_ =	swait.ge [sflag:s13], $0x2000  }
0xd0: {  	[sflag:s13] =	ssyncset.done $0x0  }
0xd1: {  	[sflag:s13] =	ssyncadd.s32 $0xFFFFE000  }
0xd2: {  	[spmem:s2] =	stream.indirect.scatter.add.f32 [tilespmem:s15], [sflag:$0x2], $0x40, s29, s14, $0xb8;
	[tilespmem:$0x1F520] =	vst v63  }
0xd3: {  	_ =	swait.ge [sflag:s18], $0x2000  }
0xd4: {  	[sflag:s18] =	ssyncset.done $0x0  }
0xd5: {  	[sflag:s18] =	ssyncadd.s32 $0xFFFFE000  }
0xd6: {  	[tilespmem:s17], [sflag:$0x1] =	stream.indirect.gather [hbm4b:s4+s14], $0x40, s30, s14, $0xb8;
	[tilespmem:$0x1F520] =	vst v63  }
0xd7: {  	_ =	swait.ge [sflag:s13], $0x2000  }
0xd8: {  	[sflag:s13] =	ssyncset.done $0x0  }
0xd9: {  	[sflag:s13] =	ssyncadd.s32 $0xFFFFE000  }
0xda: {  	[spmem:s2] =	stream.indirect.scatter.add.f32 [tilespmem:s16], [sflag:$0x2], $0x40, s31, s14, $0xb8;
	[tilespmem:$0x1F520] =	vst v63  }
0xdb: {  	_ =	swait.ge [sflag:s18], $0x2000  }
0xdc: {  	[sflag:s18] =	ssyncset.done $0x0  }
0xdd: {  	[sflag:s18] =	ssyncadd.s32 $0xFFFFE000  }
0xde: {  	[tilespmem:s15], [sflag:$0x1] =	stream.indirect.gather [hbm4b:s4+s14], $0x40, s0, s14, $0xb8;
	[tilespmem:$0x1F520] =	vst v63  }
0xdf: {  	_ =	swait.ge [sflag:s13], $0x2000  }
0xe0: {  	[sflag:s13] =	ssyncset.done $0x0  }
0xe1: {  	[sflag:s13] =	ssyncadd.s32 $0xFFFFE000  }
0xe2: {  	[spmem:s2] =	stream.indirect.scatter.add.f32 [tilespmem:s17], [sflag:$0x2], $0x40, s1, s14, $0xb8;
	[tilespmem:$0x1F520] =	vst v63  }
0xe3: {  	_ =	swait.ge [sflag:s18], $0x2000  }
0xe4: {  	[sflag:s18] =	ssyncset.done $0x0  }
0xe5: {  	[sflag:s18] =	ssyncadd.s32 $0xFFFFE000  }
0xe6: {  	[tilespmem:s16], [sflag:$0x1] =	stream.indirect.gather [hbm4b:s4+s14], $0x40, s5, s14, $0xb8;
	[tilespmem:$0x1F520] =	vst v63  }
0xe7: {  	_ =	swait.ge [sflag:s13], $0x2000  }
0xe8: {  	[sflag:s13] =	ssyncset.done $0x0  }
0xe9: {  	[sflag:s13] =	ssyncadd.s32 $0xFFFFE000  }
0xea: {  	[spmem:s2] =	stream.indirect.scatter.add.f32 [tilespmem:s15], [sflag:$0x2], $0x40, s7, s14, $0xb8;
	[tilespmem:$0x1F520] =	vst v63  }
0xeb: {  	_ =	swait.ge [sflag:s18], $0x2000  }
0xec: {  	[sflag:s18] =	ssyncset.done $0x0  }
0xed: {  	[sflag:s18] =	ssyncadd.s32 $0xFFFFE000  }
0xee: {  	[tilespmem:s17], [sflag:$0x1] =	stream.indirect.gather [hbm4b:s4+s14], $0x40, s8, s14, $0xb8;
	[tilespmem:$0x1F520] =	vst v63  }
0xef: {  	_ =	swait.ge [sflag:s13], $0x2000  }
0xf0: {  	[sflag:s13] =	ssyncset.done $0x0  }
0xf1: {  	[sflag:s13] =	ssyncadd.s32 $0xFFFFE000  }
0xf2: {  	[spmem:s2] =	stream.indirect.scatter.add.f32 [tilespmem:s16], [sflag:$0x2], $0x40, s9, s14, $0xb8;
	[tilespmem:$0x1F520] =	vst v63  }
0xf3: {  	_ =	swait.ge [sflag:s13], $0x2000  }
0xf4: {  	[sflag:s13] =	ssyncset.done $0x0  }
0xf5: {  	[sflag:s13] =	ssyncadd.s32 $0xFFFFE000  }
0xf6: {  	[spmem:s2] =	stream.indirect.scatter.add.f32 [tilespmem:s17], [sflag:$0x2], $0x40, s10, s14, $0xb8;
	[tilespmem:$0x1F520] =	vst v63  }
0xf7: {  	_ =	swait.ge [sflag:s18], $0x2000  }
0xf8: {  	p1 =	sne.s32 s25, $0x1800;
	[sflag:s18] =	ssyncset.done $0x0  }
.Ltmp0:
0xf9: {  	[sflag:s18] =	ssyncadd.s32 $0xFFFFE000;
	(pc) =	sbr.rel @p1 .LBB2_2-.Ltmp0, $4  }
0xfa: {  	_ =	swait.ge [sflag:s18], $0x2000  }
0xfb: {  	[sflag:s18] =	ssyncset.done $0x0  }
0xfc: {  	[sflag:s18] =	ssyncadd.s32 $0xFFFFE000  }
0xfd: {  	s25 =	sadd.s32 $0xC0, s25;
	_ =	swait.ge [sflag:s18], $0x2000  }
0xfe: {  	[sflag:s18] =	ssyncset.done $0x0  }
0xff: {  	[sflag:s18] =	ssyncadd.s32 $0xFFFFE000  }
0x100: {  	[bflag:$0x0] =	sbarrier.arrive $0xFFFF  }
0x101: {  	s25 =	rddreg [dreg:$0xa]  }
0x102: {  	s6 =	rddreg [dreg:$0xc]  }
0x103: {  	s11 =	rddreg [dreg:$0xf]  }
0x104: {  	[hbm:s6], [sflag:s25] =	dma.local @p0 [spmem:s11], $0x2F00  }
0x105: {  	s6 =	simm.s32 @p0 $0x3  }
0x106: {  	_ =	swait.ge @p0 [sflag:s6], $0x2F00  }
0x107: {  	[sflag:s6] =	ssyncset.done @p0 $0x0;
	s11 =	rddreg [dreg:$0x10]  }
0x108: {  	[sflag:s6] =	ssyncadd.s32 @p0 $0xFFFFD100;
	s6 =	rddreg [dreg:$0xb]  }
0x109: {  	[hbm:s6], [sflag:s25] =	dma.local @!p0 [spmem:s11], $0x3100  }
0x10a: {  	s6 =	simm.s32 @!p0 $0x3  }
0x10b: {  	_ =	swait.ge @!p0 [sflag:s6], $0x3100  }
0x10c: {  	s24 =	rddreg [dreg:$0x11]  }
0x10d: {  	s11 =	rddreg [dreg:$0xd];
	s24 =	sadd.s32 $0x1, s24  }
0x10e: {  	p1 =	sne.s32 s24, s11  }
.Ltmp1:
0x10f: {  	_ = 	snop;
	(pc) =	sbr.rel @p1 .LBB2_1-.Ltmp1, $3  }
0x110: {  	_ =	sdelay $0x1  }
0x111: {  	[sflag:s6] =	ssyncset.done @!p0 $0x0  }
0x112: {  	[sflag:s6] =	ssyncadd.s32 @!p0 $0xFFFFCF00  }
0x113: {  	_ =	sfence.sel $0x180000  }
0x114: {  	[bflag:$0x0] =	sbarrier.arrive $0xFFFF  }
0x115: {  	_ =	strace $0x9000004A  }
0x116: {  	s0 =	stileid.u32;
	[bflag:$0x2] =	sbarrier.arrive $0xFFFF  }
0x117: {  	p0 =	sne.s32 s0, $0x0;
	s0 =	rddreg [dreg:$0x2]  }
0x118: {  	s0 =	sadd.s32 @!p0 $0x100000, s0  }
0x119: {  	[sflag:s0] =	ssyncadd.tile.s32 @!p0 $0x1;
	_ =	shalt  }
.Lfunc_end2:
_tile_overlayer_lowered:
.L_overlay_start_2:
0x11a: {  	(tag) =	ssettag $0x2  }
0x11b: {  	s0 =	rddreg [dreg:$0x0];
	s2 =	stileid.u32  }
0x11c: {  	s1 =	rddreg [dreg:$0x1];
	p0 =	sne.s32 s2, $0x0  }
0x11d: {  	s3 =	rddreg [dreg:$0x2];
	[bflag:$0x3] =	sbarrier.arrive $0xFFFF;
	s2 =	simm.s32 @!p0 $0x1C03  }
0x11e: {  	[timem:s3], [sflag:s2] =	dma.local @!p0 [hbm:s0], s1  }
0x11f: {  	s0 =	simm.s32 @!p0 $0x3  }
0x120: {  	_ =	swait.ge @!p0 [sflag:s0], s1  }
0x121: {  	s1 =	ssub.s32 @!p0 $0x0, s1;
	[sflag:s0] =	ssyncset.done @!p0 $0x0  }
0x122: {  	[sflag:s0] =	ssyncadd.s32 @!p0 s1  }
0x123: {  	[bflag:$0x3] =	sbarrier.arrive $0xFFFF  }
0x124: {  	_ =	shalt  }

// kernel: kernel.16.cloned.1.call-start
scs
__scs_entry_jumppad:
0x0: {  	(pc) =	sbr.rel $0x88, $3  }
0x1: {  	(tag) =	ssettag $0x0;
	lr =	simm.s32 $0x1  }
0x2: {  	[smem:$0x3F7F] =	sst lr;
	_ =	strace $0xD0000000  }
0x3: {  	_ = 	snop  }
0x4: {  	_ = 	snop  }
0x5: {  	_ = 	snop  }
0x6: {  	_ = 	snop  }
0x7: {  	_ = 	snop  }
__scs_overlays_trampoline_lowered:
0x8: {  	[smem:$0x3F8E] =	sst s0  }
0x9: {  	[smem:$0x3F8F] =	sst s1  }
0xa: {  	[smem:$0x3F90] =	sst s2  }
0xb: {  	[smem:$0x3F91] =	sst s3  }
0xc: {  	[smem:$0x3F92] =	sst s4  }
0xd: {  	[smem:$0x3F93] =	sst s5  }
0xe: {  	[smem:$0x3F94] =	sst s6  }
0xf: {  	[smem:$0x3F95] =	sst s7  }
0x10: {  	[smem:$0x3F96] =	sst s8  }
0x11: {  	[smem:$0x3F97] =	sst s9;
	s0 =	simm.s32 @!p0 $0x0  }
0x12: {  	s1 =	sld [smem:$0x3F7D];
	s0 =	simm.s32 @p0 $0x1  }
0x13: {  	[smem:$0x3F98] =	sst s0;
	s0 =	simm.s32 @!p1 $0x0  }
0x14: {  	s2 =	sld [smem:$0x3F7C];
	s0 =	simm.s32 @p1 $0x1  }
0x15: {  	[smem:$0x3F99] =	sst s0;
	s0 =	simm.s32 @!p2 $0x0  }
0x16: {  	s3 =	sld [smem:$0x3FDB];
	s0 =	simm.s32 @p2 $0x1  }
0x17: {  	s4 =	simm.s32 $0x1BF5;
	[smem:$0x3F9B] =	sst s0  }
0x18: {  	s0 =	sld [smem:$0x3F7E];
	_ =	swait.ge [sflag:s4], $0x0  }
0x19: {  	s7 =	sld [smem:$0x3F7F]  }
0x1a: {  	s8 =	sadd.s32 $0xFFFFE003, lr  }
0x1b: {  	s9 =	sadd.s32 $0xFFFFFEF7, lr;
	s5 =	simm.s32 $0xFFFFFFFF;
	p2 =	slt.u32 s8, $0xFFFFF086  }
0x1c: {  	p1 =	slt.u32 s9, $0xF7A;
	s5 =	simm.s32 @!p2 $0x0  }
0x1d: {  	s5 =	simm.s32 @p1 $0x1;
	p0 =	seq.s32 s7, s2  }
0x1e: {  	s7 =	smul.u32 @!p0 $0xF7A, s2;
	p2 =	seq.s32 @!p0 s5, $0x0  }
0x1f: {  	s9 =	smul.u32 $0xF7A, s1;
	s8 =	simm.s32 @!p0 $0x1BF5;
	p2 =	por !p2, p0  }
0x20: {  	[sflag:s8] =	ssyncset.s32 @!p0 $0xFFFFF086;
	s6 =	sadd.s32 @!p0 s3, s7;
	s7 =	simm.s32 @!p0 $0x108  }
0x21: {  	s3 =	sadd.s32 s3, s9;
	s6 =	sadd.s32 @!p0 $0x88, s6;
	s7 =	simm.s32 @p2 $0x1082  }
0x22: {  	[simem:s7], [sflag:s8] =	dma.local @!p0 [hbm:s6], $0xF7A  }
0x23: {  	s9 =	sor.u32 $0xD0000000, s2;
	s6 =	simm.s32 $0x108;
	_ =	swait.ge @!p0 [sflag:s8], $0x0  }
0x24: {  	s3 =	sadd.s32 $0x88, s3;
	s6 =	simm.s32 @!p1 $0x1082;
	[sflag:s4] =	ssyncset.s32 $0xFFFFF086  }
0x25: {  	[simem:s6], [sflag:s4] =	dma.local [hbm:s3], $0xF7A  }
0x26: {  	[smem:$0x3F7F] =	sst s1;
	(tag) =	ssettag s2;
	_ =	strace s9  }
0x27: {  	s1 =	sld [smem:$0x3F8F]  }
0x28: {  	s2 =	sld [smem:$0x3F90]  }
0x29: {  	s4 =	sld [smem:$0x3F92]  }
0x2a: {  	p0 =	seq.s32 s5, $0x0;
	s5 =	sld [smem:$0x3F93]  }
0x2b: {  	s6 =	sld [smem:$0x3F94]  }
0x2c: {  	s7 =	sld [smem:$0x3F95]  }
0x2d: {  	s3 =	simm.s32 $0x108;
	s8 =	sld [smem:$0x3F96]  }
0x2e: {  	s3 =	simm.s32 @!p0 $0x1082;
	s9 =	sld [smem:$0x3F97]  }
0x2f: {  	lr =	sadd.s32 s0, s3;
	s0 =	sld [smem:$0x3F8E]  }
0x30: {  	s3 =	sld [smem:$0x3F91]  }
0x31: {  	[smem:$0x3F9A] =	sst s10  }
0x32: {  	s10 =	sld [smem:$0x3F98];
	_ =	sdelay $0x3  }
0x33: {  	p0 =	seq.s32 s10, $0x1;
	s10 =	sld [smem:$0x3F9A];
	_ =	sdelay $0x3  }
0x34: {  	[smem:$0x3F9A] =	sst s10  }
0x35: {  	s10 =	sld [smem:$0x3F99];
	_ =	sdelay $0x3  }
0x36: {  	p1 =	seq.s32 s10, $0x1;
	s10 =	sld [smem:$0x3F9A];
	_ =	sdelay $0x3  }
0x37: {  	[smem:$0x3F9A] =	sst s10  }
0x38: {  	s10 =	sld [smem:$0x3F9B]  }
0x39: {  	_ = 	snop;
	(pc) =	sbr.ind lr, $3  }
0x3a: {  	_ = 	snop  }
0x3b: {  	_ = 	snop  }
0x3c: {  	p2 =	seq.s32 s10, $0x1;
	s10 =	sld [smem:$0x3F9A]  }
0x3d: {  	_ =	shalt  }
0x3e: {  	_ =	shalt  }
0x3f: {  	_ =	shalt  }
0x40: {  	_ =	shalt  }
0x41: {  	_ =	shalt  }
0x42: {  	_ =	shalt  }
0x43: {  	_ =	shalt  }
0x44: {  	_ =	shalt  }
0x45: {  	_ =	shalt  }
0x46: {  	_ =	shalt  }
0x47: {  	_ =	shalt  }
0x48: {  	_ =	shalt  }
0x49: {  	_ =	shalt  }
0x4a: {  	_ =	shalt  }
0x4b: {  	_ =	shalt  }
0x4c: {  	_ =	shalt  }
0x4d: {  	_ =	shalt  }
0x4e: {  	_ =	shalt  }
0x4f: {  	_ =	shalt  }
0x50: {  	_ =	shalt  }
0x51: {  	_ =	shalt  }
0x52: {  	_ =	shalt  }
0x53: {  	_ =	shalt  }
0x54: {  	_ =	shalt  }
0x55: {  	_ =	shalt  }
0x56: {  	_ =	shalt  }
0x57: {  	_ =	shalt  }
0x58: {  	_ =	shalt  }
0x59: {  	_ =	shalt  }
0x5a: {  	_ =	shalt  }
0x5b: {  	_ =	shalt  }
0x5c: {  	_ =	shalt  }
0x5d: {  	_ =	shalt  }
0x5e: {  	_ =	shalt  }
0x5f: {  	_ =	shalt  }
0x60: {  	_ =	shalt  }
0x61: {  	_ =	shalt  }
0x62: {  	_ =	shalt  }
0x63: {  	_ =	shalt  }
0x64: {  	_ =	shalt  }
0x65: {  	_ =	shalt  }
0x66: {  	_ =	shalt  }
0x67: {  	_ =	shalt  }
0x68: {  	_ =	shalt  }
0x69: {  	_ =	shalt  }
0x6a: {  	_ =	shalt  }
0x6b: {  	_ =	shalt  }
0x6c: {  	_ =	shalt  }
0x6d: {  	_ =	shalt  }
0x6e: {  	_ =	shalt  }
0x6f: {  	_ =	shalt  }
0x70: {  	_ =	shalt  }
0x71: {  	_ =	shalt  }
0x72: {  	_ =	shalt  }
0x73: {  	_ =	shalt  }
0x74: {  	_ =	shalt  }
0x75: {  	_ =	shalt  }
0x76: {  	_ =	shalt  }
0x77: {  	_ =	shalt  }
0x78: {  	_ =	shalt  }
0x79: {  	_ =	shalt  }
0x7a: {  	_ =	shalt  }
0x7b: {  	_ =	shalt  }
0x7c: {  	_ =	shalt  }
0x7d: {  	_ =	shalt  }
0x7e: {  	_ =	shalt  }
0x7f: {  	_ =	shalt  }
0x80: {  	_ =	shalt  }
0x81: {  	_ =	shalt  }
0x82: {  	_ =	shalt  }
0x83: {  	_ =	shalt  }
0x84: {  	_ =	shalt  }
0x85: {  	_ =	shalt  }
0x86: {  	_ =	shalt  }
0x87: {  	_ =	shalt  }
.Lfunc_end0:
.L_simem_size_0:
called_computation.2_lowered:
.L_overlay_start_0:
0x88: {  	s2 =	sld [smem:$0x3FD9]  }
0x89: {  	s3 =	sld [smem:$0x3FFE];
	_ =	sdelay $0x1  }
0x8a: {  	s1 =	srdreg.scid  }
0x8b: {  	s0 =	sand.u32 $0x1, s1  }
0x8c: {  	s16 =	sshll.u32 s0, $0xA;
	s2 =	sadd.s32 s3, s2  }
0x8d: {  	s2 =	sadd.s32 s2, s16  }
0x8e: {  	[smem:$0x3FA6] =	sst s2  }
0x8f: {  	_ = 	snop  }
0x90: {  	(tm) =	ssettm $0x1  }
0x91: {  	s17 =	sld [smem:$0x3FFB];
	_ =	sdelay $0x3  }
0x92: {  	_ =	strace s17  }
0x93: {  	s2 =	sld [smem:$0x3FFC];
	_ =	sdelay $0x3  }
0x94: {  	_ =	strace s2  }
0x95: {  	s2 =	sld [smem:$0x3FFD];
	_ =	sdelay $0x3  }
0x96: {  	_ =	strace s2  }
0x97: {  	_ =	strace $0x8FFFFFFF  }
0x98: {  	s18 =	sld [smem:$0x3FDB];
	_ =	sdelay $0x1  }
0x99: {  	s19 =	simm.s32 $_scs_section_size  }
0x9a: {  	s4 =	simm.s32 $_size__tile_overlayer_lowered;
	s5 =	simm.s32 $_tile_overlayer_lowered  }
0x9b: {  	s22 =	simm.s32 $0x1BFF;
	s21 =	sshll.u32 s5, $0x1;
	s2 =	sadd.s32 s19, s18  }
0x9c: {  	s6 =	simm.s32 $0x0;
	s20 =	sshll.u32 s4, $0x1;
	s4 =	sadd.s32 s21, s2  }
0x9d: {  	[timem:s6], [sflag:s22] =	dma.local [hbm:s4], s20  }
0x9e: {  	_ =	swait.ge [sflag:s22], s20  }
0x9f: {  	s3 =	ssub.s32 $0x0, s20;
	[sflag:s22] =	ssyncset.done $0x0  }
0xa0: {  	[sflag:s22] =	ssyncadd.s32 s3;
	_ =	sdelay $0x1  }
0xa1: {  	s23 =	simm.s32 $0x1B8B  }
0xa2: {  	_ =	swait.ge [sflag:s23], $0x1  }
0xa3: {  	[sflag:s23] =	ssyncset.done $0x0  }
0xa4: {  	s25 =	simm.s32 $0x1B8E;
	s24 =	sld [smem:$0x3FFE];
	[sflag:s23] =	ssyncadd.s32 $0xFFFFFFFF  }
0xa5: {  	s26 =	simm.s32 $execute0_lowered;
	[smem:$0x3FD2] =	sst s25  }
0xa6: {  	s4 =	sshll.u32 s26, $0x1;
	_ =	strace $0x8000004C;
	[dreg:$0x1] =	wrdreg $0xFFFFFFFF  }
0xa7: {  	s28 =	simm.s32 $_size_execute0_lowered;
	s2 =	sadd.s32 s2, s4;
	[dreg:$0x0] =	wrdreg $0x0  }
0xa8: {  	s4 =	sshll.u32 s28, $0x1;
	[dreg:$0x2] =	wrdreg s2  }
0xa9: {  	[dreg:$0x3] =	wrdreg s4  }
0xaa: {  	[dreg:$0x4] =	wrdreg $0xC0  }
0xab: {  	_ =	task [dreg:s6], $0x5FFFF  }
0xac: {  	[dreg:$0x1] =	wrdreg $0xFFFFFFFF  }
0xad: {  	[dreg:$0x0] =	wrdreg $0x60  }
0xae: {  	[dreg:$0x2] =	wrdreg s24  }
0xaf: {  	[dreg:$0x3] =	wrdreg $0x6C000  }
0xb0: {  	[dreg:$0x4] =	wrdreg $0x9  }
0xb1: {  	_ =	task.clear_ibuf [dreg:s6], $0x5FFFF;
	_ =	strace $0x9000004C  }
0xb2: {  	s29 =	simm.s32 $0x9;
	_ =	strace $0x8000004E  }
0xb3: {  	_ =	swait.ge [sflag:s29], $0x1  }
0xb4: {  	[sflag:s29] =	ssyncadd.s32 $0xFFFFFFFF  }
0xb5: {  	_ =	strace $0x9000004E  }
0xb6: {  	_ =	sfence  }
0xb7: {  	s30 =	sld [smem:$0x0];
	_ =	sdelay $0x2  }
0xb8: {  	s31 =	sshll.u32 s1, $0xD;
	s1 =	sshrl.u32 s1, $0x2  }
0xb9: {  	s3 =	sand.u32 $0x4000, s31;
	s1 =	sadd.s32 s1, s30  }
0xba: {  	s0 =	sor.u32 s3, s0;
	s1 =	sshll.u32 s1, $0x11  }
0xbb: {  	s0 =	sor.u32 s1, s0  }
0xbc: {  	s0 =	sadd.s32 $0x8F2B, s0  }
0xbd: {  	[sflag:s0] =	ssyncadd.remote.s32 $0x1  }
0xbe: {  	_ =	sfence.sel $0xFFFF  }
0xbf: {  	[dreg:$0x0] =	wrdreg $0xFFFFFFFF;
	(pc) =	sbr.abs _section_cstart, $3  }
0xc0: {  	[dreg:$0x1] =	wrdreg $0xFFFFFFFF  }
0xc1: {  	_ =	task.clear_ibuf [dreg:s6], $0x2FFFF;
	_ =	strace $0x9FFFFFFF  }
0xc2: {  	(tm) =	ssettm $0x7FFFFFFF  }
0xc3: {  	_ =	shalt  }
tec
execute0_lowered:
.L_overlay_start_1:
0x0: {  	(tag) =	ssettag $0x1  }
0x1: {  	s0 =	rddreg [dreg:$0x0];
	s1 =	srdreg.scid  }
0x2: {  	s2 =	rddreg [dreg:$0x1];
	s24 =	stileid.u32  }
0x3: {  	s3 =	simm.s32 $0x0;
	s21 =	simm.s32 $0x100;
	s22 =	simm.s32 $0x680  }
0x4: {  	s23 =	simm.s32 $0x180;
	s28 =	simm.s32 $0x380;
	s5 =	smul.u32 $0xC600, s24  }
0x5: {  	s29 =	simm.s32 $0x900;
	s30 =	simm.s32 $0x400;
	s6 =	smul.u32 $0x18C0, s24  }
0x6: {  	s31 =	simm.s32 $0x980;
	s1 =	sand.u32 $0x1, s1;
	s25 =	smul.u32 $0x61C00, s24  }
0x7: {  	[smem:$0x7FF] =	sst s3;
	s9 =	sadd.s32 $0x5600, s0;
	s10 =	smul.u32 $0x3100, s24  }
0x8: {  	s12 =	smul.u32 $0x62000, s24;
	s13 =	sshll.u32 s24, $0x6;
	p0 =	seq.s32 s24, $0xF  }
0x9: {  	s4 =	smul.u32 $0xC6000, s1;
	_ =	strace $0x8000004D;
	[dreg:$0x9] =	wrdreg s9  }
0xa: {  	s24 =	simm.s32 $0x0;
	s7 =	smul.u32 $0x30E00, s1;
	[dreg:$0x5] =	wrdreg s21  }
0xb: {  	s26 =	ssub.s32 $0x2, s1;
	s1 =	smul.u32 $0x187000, s1;
	[dreg:$0x6] =	wrdreg s22  }
0xc: {  	[dreg:$0x7] =	wrdreg s23;
	s21 =	simm.s32 $0x280;
	s22 =	simm.s32 $0x800  }
0xd: {  	s23 =	simm.s32 $0x300;
	s8 =	sadd.s32 s6, s0;
	s11 =	sshrl.u32 s26, $0x1  }
0xe: {  	s6 =	sshrl.u32 s25, $0x2;
	s25 =	sor.u32 $0x1C03, s13;
	s15 =	sshrl.u32 s12, $0x2  }
0xf: {  	s12 =	simm.s32 $0x600;
	s13 =	simm.s32 $0x1;
	s5 =	sadd.s32 s5, s4  }
0x10: {  	s4 =	sadd.s32 $0x69000, s0;
	s9 =	ssub.s32 s26, s11;
	s14 =	sadd.s32 s6, s2  }
0x11: {  	s7 =	sadd.s32 s10, s7;
	s1 =	sshrl.u32 s1, $0x3;
	s19 =	sadd.s32 $0xCAC00, s8  }
0x12: {  	s26 =	simm.s32 $0x700;
	s8 =	simm.s32 $0x580;
	s10 =	simm.s32 $0xB80  }
0x13: {  	[dreg:$0xa] =	wrdreg s25;
	s5 =	sshrl.u32 s5, $0x3;
	s18 =	smax.u32 s9, $0x1  }
0x14: {  	[dreg:$0x4] =	wrdreg s19;
	s20 =	sshrl.u32 s14, $0x3;
	s14 =	simm.s32 $0x80  }
0x15: {  	[dreg:$0x8] =	wrdreg s26;
	s19 =	simm.s32 $0x200;
	s26 =	simm.s32 $0x880  }
0x16: {  	s9 =	simm.s32 $0xB00;
	s5 =	sadd.s32 s5, s0;
	[dreg:$0xd] =	wrdreg s18  }
0x17: {  	s0 =	sadd.s32 $0x315400, s0;
	[dreg:$0xe] =	wrdreg s20;
	s18 =	simm.s32 $0x2  }
0x18: {  	s20 =	simm.s32 $0x780;
	s16 =	sadd.s32 s0, s7;
	s7 =	sadd.s32 s15, s2  }
0x19: {  	s0 =	sadd.s32 s0, s1;
	s17 =	sadd.s32 $0x37800, s5;
	s15 =	simm.s32 $0xC00  }
0x1a: {  	s1 =	simm.s32 $0xA00;
	[dreg:$0xb] =	wrdreg s16;
	s0 =	sadd.s32 $0x2DF00, s0  }
0x1b: {  	s5 =	simm.s32 $0x500;
	[dreg:$0xc] =	wrdreg s0;
	s0 =	sadd.s32 $0x16F800, s2  }
0x1c: {  	[dreg:$0x3] =	wrdreg s17;
	s16 =	simm.s32 $0x2C00;
	s0 =	sshrl.u32 @p0 s0, $0x3  }
0x1d: {  	s17 =	simm.s32 $0x4C00;
	[dreg:$0xf] =	wrdreg s0;
	s0 =	sshrl.u32 @!p0 s7, $0x3  }
0x1e: {  	s7 =	simm.s32 $0xA80;
	[dreg:$0x10] =	wrdreg s0;
	s0 =	simm.s32 $0x480  }
.LBB2_1:
0x1f: {  	[dreg:$0x11] =	wrdreg s24  }
0x20: {  	s6 =	rddreg [dreg:$0x9]  }
0x21: {  	s11 =	rddreg [dreg:$0xe]  }
0x22: {  	[spmem:s11], [sflag:s25] =	dma.local [hbm:s6], $0x30E0  }
0x23: {  	s25 =	simm.s32 $0x3  }
0x24: {  	_ =	swait.ge [sflag:s25], $0x30E0  }
0x25: {  	[sflag:s25] =	ssyncset.done $0x0  }
0x26: {  	[sflag:s25] =	ssyncadd.s32 $0xFFFFCF20  }
0x27: {  	[bflag:$0x0] =	sbarrier.arrive $0xFFFF  }
0x28: {  	s11 =	rddreg [dreg:$0x4]  }
0x29: {  	s24 =	rddreg [dreg:$0x3];
	s25 =	sadd.s32 $0x0, s11  }
0x2a: {  	[tilespmem:s3], [sflag:$0x1] =	stream.linear.gather [hbm4b:s25+s3], $0x600, $0x38;
	[tilespmem:$0x1F520] =	vst v63  }
0x2b: {  	s11 =	sadd.s32 $0x0, s24  }
0x2c: {  	[tilespmem:s12], [sflag:$0x1] =	stream.linear.gather [hbm4b:s11+s3], $0x600, $0x38;
	[tilespmem:$0x1F520] =	vst v63  }
0x2d: {  	_ =	swait.ge [sflag:s13], $0x600  }
0x2e: {  	[sflag:s13] =	ssyncset.done $0x0  }
0x2f: {  	[sflag:s13] =	ssyncadd.s32 $0xFFFFFA00  }
0x30: {  	_ =	swait.ge [sflag:s13], $0x600  }
0x31: {  	[sflag:s13] =	ssyncset.done $0x0  }
0x32: {  	[sflag:s13] =	ssyncadd.s32 $0xFFFFFA00  }
0x33: {  	[tilespmem:s15], [sflag:$0x1] =	stream.indirect.gather [hbm4b:s4+s14], $0x40, s3, s14, $0xb8;
	[tilespmem:$0x1F520] =	vst v63  }
0x34: {  	_ = 	snop  }
0x35: {  	[tilespmem:s16], [sflag:$0x1] =	stream.indirect.gather [hbm4b:s4+s14], $0x40, s14, s14, $0xb8;
	[tilespmem:$0x1F520] =	vst v63  }
0x36: {  	_ =	swait.ge [sflag:s13], $0x2000  }
0x37: {  	[sflag:s13] =	ssyncset.done $0x0  }
0x38: {  	[sflag:s13] =	ssyncadd.s32 $0xFFFFE000  }
0x39: {  	[spmem:s2] =	stream.indirect.scatter.add.f32 [tilespmem:s15], [sflag:$0x2], $0x40, s12, s14, $0xb8;
	[tilespmem:$0x1F520] =	vst v63  }
0x3a: {  	s25 =	rddreg [dreg:$0x5]  }
0x3b: {  	[tilespmem:s17], [sflag:$0x1] =	stream.indirect.gather [hbm4b:s4+s14], $0x40, s25, s14, $0xb8;
	[tilespmem:$0x1F520] =	vst v63  }
0x3c: {  	_ =	swait.ge [sflag:s13], $0x2000  }
0x3d: {  	[sflag:s13] =	ssyncset.done $0x0  }
0x3e: {  	s6 =	rddreg [dreg:$0x6];
	[sflag:s13] =	ssyncadd.s32 $0xFFFFE000  }
0x3f: {  	[spmem:s2] =	stream.indirect.scatter.add.f32 [tilespmem:s16], [sflag:$0x2], $0x40, s6, s14, $0xb8;
	[tilespmem:$0x1F520] =	vst v63  }
0x40: {  	_ =	swait.ge [sflag:s18], $0x2000  }
0x41: {  	[sflag:s18] =	ssyncset.done $0x0  }
0x42: {  	s24 =	rddreg [dreg:$0x7];
	[sflag:s18] =	ssyncadd.s32 $0xFFFFE000  }
0x43: {  	[tilespmem:s15], [sflag:$0x1] =	stream.indirect.gather [hbm4b:s4+s14], $0x40, s24, s14, $0xb8;
	[tilespmem:$0x1F520] =	vst v63  }
0x44: {  	_ =	swait.ge [sflag:s13], $0x2000  }
0x45: {  	[sflag:s13] =	ssyncset.done $0x0  }
0x46: {  	s25 =	rddreg [dreg:$0x8];
	[sflag:s13] =	ssyncadd.s32 $0xFFFFE000  }
0x47: {  	[spmem:s2] =	stream.indirect.scatter.add.f32 [tilespmem:s17], [sflag:$0x2], $0x40, s25, s14, $0xb8;
	[tilespmem:$0x1F520] =	vst v63  }
0x48: {  	_ =	swait.ge [sflag:s18], $0x2000  }
0x49: {  	[sflag:s18] =	ssyncset.done $0x0  }
0x4a: {  	[sflag:s18] =	ssyncadd.s32 $0xFFFFE000  }
0x4b: {  	[tilespmem:s16], [sflag:$0x1] =	stream.indirect.gather [hbm4b:s4+s14], $0x40, s19, s14, $0xb8;
	[tilespmem:$0x1F520] =	vst v63  }
0x4c: {  	_ =	swait.ge [sflag:s13], $0x2000  }
0x4d: {  	[sflag:s13] =	ssyncset.done $0x0  }
0x4e: {  	[sflag:s13] =	ssyncadd.s32 $0xFFFFE000  }
0x4f: {  	[spmem:s2] =	stream.indirect.scatter.add.f32 [tilespmem:s15], [sflag:$0x2], $0x40, s20, s14, $0xb8;
	[tilespmem:$0x1F520] =	vst v63  }
0x50: {  	_ =	swait.ge [sflag:s18], $0x2000  }
0x51: {  	[sflag:s18] =	ssyncset.done $0x0  }
0x52: {  	[sflag:s18] =	ssyncadd.s32 $0xFFFFE000  }
0x53: {  	[tilespmem:s17], [sflag:$0x1] =	stream.indirect.gather [hbm4b:s4+s14], $0x40, s21, s14, $0xb8;
	[tilespmem:$0x1F520] =	vst v63  }
0x54: {  	_ =	swait.ge [sflag:s13], $0x2000  }
0x55: {  	[sflag:s13] =	ssyncset.done $0x0  }
0x56: {  	[sflag:s13] =	ssyncadd.s32 $0xFFFFE000  }
0x57: {  	[spmem:s2] =	stream.indirect.scatter.add.f32 [tilespmem:s16], [sflag:$0x2], $0x40, s22, s14, $0xb8;
	[tilespmem:$0x1F520] =	vst v63  }
0x58: {  	_ =	swait.ge [sflag:s18], $0x2000  }
0x59: {  	[sflag:s18] =	ssyncset.done $0x0  }
0x5a: {  	[sflag:s18] =	ssyncadd.s32 $0xFFFFE000  }
0x5b: {  	[tilespmem:s15], [sflag:$0x1] =	stream.indirect.gather [hbm4b:s4+s14], $0x40, s23, s14, $0xb8;
	[tilespmem:$0x1F520] =	vst v63  }
0x5c: {  	_ =	swait.ge [sflag:s13], $0x2000  }
0x5d: {  	[sflag:s13] =	ssyncset.done $0x0  }
0x5e: {  	[sflag:s13] =	ssyncadd.s32 $0xFFFFE000  }
0x5f: {  	[spmem:s2] =	stream.indirect.scatter.add.f32 [tilespmem:s17], [sflag:$0x2], $0x40, s26, s14, $0xb8;
	[tilespmem:$0x1F520] =	vst v63  }
0x60: {  	_ =	swait.ge [sflag:s18], $0x2000  }
0x61: {  	[sflag:s18] =	ssyncset.done $0x0  }
0x62: {  	[sflag:s18] =	ssyncadd.s32 $0xFFFFE000  }
0x63: {  	[tilespmem:s16], [sflag:$0x1] =	stream.indirect.gather [hbm4b:s4+s14], $0x40, s28, s14, $0xb8;
	[tilespmem:$0x1F520] =	vst v63  }
0x64: {  	_ =	swait.ge [sflag:s13], $0x2000  }
0x65: {  	[sflag:s13] =	ssyncset.done $0x0  }
0x66: {  	[sflag:s13] =	ssyncadd.s32 $0xFFFFE000  }
0x67: {  	[spmem:s2] =	stream.indirect.scatter.add.f32 [tilespmem:s15], [sflag:$0x2], $0x40, s29, s14, $0xb8;
	[tilespmem:$0x1F520] =	vst v63  }
0x68: {  	_ =	swait.ge [sflag:s18], $0x2000  }
0x69: {  	[sflag:s18] =	ssyncset.done $0x0  }
0x6a: {  	[sflag:s18] =	ssyncadd.s32 $0xFFFFE000  }
0x6b: {  	[tilespmem:s17], [sflag:$0x1] =	stream.indirect.gather [hbm4b:s4+s14], $0x40, s30, s14, $0xb8;
	[tilespmem:$0x1F520] =	vst v63  }
0x6c: {  	_ =	swait.ge [sflag:s13], $0x2000  }
0x6d: {  	[sflag:s13] =	ssyncset.done $0x0  }
0x6e: {  	[sflag:s13] =	ssyncadd.s32 $0xFFFFE000  }
0x6f: {  	[spmem:s2] =	stream.indirect.scatter.add.f32 [tilespmem:s16], [sflag:$0x2], $0x40, s31, s14, $0xb8;
	[tilespmem:$0x1F520] =	vst v63  }
0x70: {  	_ =	swait.ge [sflag:s18], $0x2000  }
0x71: {  	[sflag:s18] =	ssyncset.done $0x0  }
0x72: {  	[sflag:s18] =	ssyncadd.s32 $0xFFFFE000  }
0x73: {  	[tilespmem:s15], [sflag:$0x1] =	stream.indirect.gather [hbm4b:s4+s14], $0x40, s0, s14, $0xb8;
	[tilespmem:$0x1F520] =	vst v63  }
0x74: {  	_ =	swait.ge [sflag:s13], $0x2000  }
0x75: {  	[sflag:s13] =	ssyncset.done $0x0  }
0x76: {  	[sflag:s13] =	ssyncadd.s32 $0xFFFFE000  }
0x77: {  	[spmem:s2] =	stream.indirect.scatter.add.f32 [tilespmem:s17], [sflag:$0x2], $0x40, s1, s14, $0xb8;
	[tilespmem:$0x1F520] =	vst v63  }
0x78: {  	_ =	swait.ge [sflag:s18], $0x2000  }
0x79: {  	[sflag:s18] =	ssyncset.done $0x0  }
0x7a: {  	[sflag:s18] =	ssyncadd.s32 $0xFFFFE000  }
0x7b: {  	[tilespmem:s16], [sflag:$0x1] =	stream.indirect.gather [hbm4b:s4+s14], $0x40, s5, s14, $0xb8;
	[tilespmem:$0x1F520] =	vst v63  }
0x7c: {  	_ =	swait.ge [sflag:s13], $0x2000  }
0x7d: {  	[sflag:s13] =	ssyncset.done $0x0  }
0x7e: {  	[sflag:s13] =	ssyncadd.s32 $0xFFFFE000  }
0x7f: {  	[spmem:s2] =	stream.indirect.scatter.add.f32 [tilespmem:s15], [sflag:$0x2], $0x40, s7, s14, $0xb8;
	[tilespmem:$0x1F520] =	vst v63  }
0x80: {  	_ =	swait.ge [sflag:s18], $0x2000  }
0x81: {  	[sflag:s18] =	ssyncset.done $0x0  }
0x82: {  	[sflag:s18] =	ssyncadd.s32 $0xFFFFE000  }
0x83: {  	[tilespmem:s17], [sflag:$0x1] =	stream.indirect.gather [hbm4b:s4+s14], $0x40, s8, s14, $0xb8;
	[tilespmem:$0x1F520] =	vst v63  }
0x84: {  	_ =	swait.ge [sflag:s13], $0x2000  }
0x85: {  	[sflag:s13] =	ssyncset.done $0x0  }
0x86: {  	[sflag:s13] =	ssyncadd.s32 $0xFFFFE000  }
0x87: {  	[spmem:s2] =	stream.indirect.scatter.add.f32 [tilespmem:s16], [sflag:$0x2], $0x40, s9, s14, $0xb8;
	[tilespmem:$0x1F520] =	vst v63  }
0x88: {  	_ =	swait.ge [sflag:s13], $0x2000  }
0x89: {  	[sflag:s13] =	ssyncset.done $0x0  }
0x8a: {  	[sflag:s13] =	ssyncadd.s32 $0xFFFFE000  }
0x8b: {  	[spmem:s2] =	stream.indirect.scatter.add.f32 [tilespmem:s17], [sflag:$0x2], $0x40, s10, s14, $0xb8;
	[tilespmem:$0x1F520] =	vst v63  }
0x8c: {  	_ =	swait.ge [sflag:s18], $0x2000  }
0x8d: {  	[sflag:s18] =	ssyncset.done $0x0  }
0x8e: {  	[sflag:s18] =	ssyncadd.s32 $0xFFFFE000  }
0x8f: {  	_ =	swait.ge [sflag:s18], $0x2000  }
0x90: {  	[sflag:s18] =	ssyncset.done $0x0  }
0x91: {  	[sflag:s18] =	ssyncadd.s32 $0xFFFFE000  }
0x92: {  	s25 =	simm.s32 $0xC0;
	_ =	swait.ge [sflag:s18], $0x2000  }
.LBB2_2:
0x93: {  	s11 =	rddreg [dreg:$0x4];
	s6 =	smov.u32 s25;
	[sflag:s18] =	ssyncset.done $0x0  }
0x94: {  	s24 =	rddreg [dreg:$0x3];
	s11 =	sadd.s32 s6, s11;
	[sflag:s18] =	ssyncadd.s32 $0xFFFFE000  }
0x95: {  	[tilespmem:s3], [sflag:$0x1] =	stream.linear.gather [hbm4b:s11+s3], $0x600, $0x38;
	[tilespmem:$0x1F520] =	vst v63  }
0x96: {  	s6 =	sadd.s32 s6, s24  }
0x97: {  	[tilespmem:s12], [sflag:$0x1] =	stream.linear.gather [hbm4b:s6+s3], $0x600, $0x38;
	[tilespmem:$0x1F520] =	vst v63  }
0x98: {  	_ =	swait.ge [sflag:s13], $0x600  }
0x99: {  	[sflag:s13] =	ssyncset.done $0x0  }
0x9a: {  	[sflag:s13] =	ssyncadd.s32 $0xFFFFFA00  }
0x9b: {  	_ =	swait.ge [sflag:s13], $0x600  }
0x9c: {  	[sflag:s13] =	ssyncset.done $0x0  }
0x9d: {  	[sflag:s13] =	ssyncadd.s32 $0xFFFFFA00  }
0x9e: {  	[tilespmem:s15], [sflag:$0x1] =	stream.indirect.gather [hbm4b:s4+s14], $0x40, s3, s14, $0xb8;
	[tilespmem:$0x1F520] =	vst v63  }
0x9f: {  	_ = 	snop  }
0xa0: {  	[tilespmem:s16], [sflag:$0x1] =	stream.indirect.gather [hbm4b:s4+s14], $0x40, s14, s14, $0xb8;
	[tilespmem:$0x1F520] =	vst v63  }
0xa1: {  	_ =	swait.ge [sflag:s13], $0x2000  }
0xa2: {  	[sflag:s13] =	ssyncset.done $0x0  }
0xa3: {  	[sflag:s13] =	ssyncadd.s32 $0xFFFFE000  }
0xa4: {  	[spmem:s2] =	stream.indirect.scatter.add.f32 [tilespmem:s15], [sflag:$0x2], $0x40, s12, s14, $0xb8;
	[tilespmem:$0x1F520] =	vst v63  }
0xa5: {  	s11 =	rddreg [dreg:$0x5]  }
0xa6: {  	[tilespmem:s17], [sflag:$0x1] =	stream.indirect.gather [hbm4b:s4+s14], $0x40, s11, s14, $0xb8;
	[tilespmem:$0x1F520] =	vst v63  }
0xa7: {  	_ =	swait.ge [sflag:s13], $0x2000  }
0xa8: {  	[sflag:s13] =	ssyncset.done $0x0  }
0xa9: {  	s24 =	rddreg [dreg:$0x6];
	[sflag:s13] =	ssyncadd.s32 $0xFFFFE000  }
0xaa: {  	[spmem:s2] =	stream.indirect.scatter.add.f32 [tilespmem:s16], [sflag:$0x2], $0x40, s24, s14, $0xb8;
	[tilespmem:$0x1F520] =	vst v63  }
0xab: {  	_ =	swait.ge [sflag:s18], $0x2000  }
0xac: {  	[sflag:s18] =	ssyncset.done $0x0  }
0xad: {  	s11 =	rddreg [dreg:$0x7];
	[sflag:s18] =	ssyncadd.s32 $0xFFFFE000  }
0xae: {  	[tilespmem:s15], [sflag:$0x1] =	stream.indirect.gather [hbm4b:s4+s14], $0x40, s11, s14, $0xb8;
	[tilespmem:$0x1F520] =	vst v63  }
0xaf: {  	_ =	swait.ge [sflag:s13], $0x2000  }
0xb0: {  	[sflag:s13] =	ssyncset.done $0x0  }
0xb1: {  	s24 =	rddreg [dreg:$0x8];
	[sflag:s13] =	ssyncadd.s32 $0xFFFFE000  }
0xb2: {  	[spmem:s2] =	stream.indirect.scatter.add.f32 [tilespmem:s17], [sflag:$0x2], $0x40, s24, s14, $0xb8;
	[tilespmem:$0x1F520] =	vst v63  }
0xb3: {  	_ =	swait.ge [sflag:s18], $0x2000  }
0xb4: {  	[sflag:s18] =	ssyncset.done $0x0  }
0xb5: {  	[sflag:s18] =	ssyncadd.s32 $0xFFFFE000  }
0xb6: {  	[tilespmem:s16], [sflag:$0x1] =	stream.indirect.gather [hbm4b:s4+s14], $0x40, s19, s14, $0xb8;
	[tilespmem:$0x1F520] =	vst v63  }
0xb7: {  	_ =	swait.ge [sflag:s13], $0x2000  }
0xb8: {  	[sflag:s13] =	ssyncset.done $0x0  }
0xb9: {  	[sflag:s13] =	ssyncadd.s32 $0xFFFFE000  }
0xba: {  	[spmem:s2] =	stream.indirect.scatter.add.f32 [tilespmem:s15], [sflag:$0x2], $0x40, s20, s14, $0xb8;
	[tilespmem:$0x1F520] =	vst v63  }
0xbb: {  	_ =	swait.ge [sflag:s18], $0x2000  }
0xbc: {  	[sflag:s18] =	ssyncset.done $0x0  }
0xbd: {  	[sflag:s18] =	ssyncadd.s32 $0xFFFFE000  }
0xbe: {  	[tilespmem:s17], [sflag:$0x1] =	stream.indirect.gather [hbm4b:s4+s14], $0x40, s21, s14, $0xb8;
	[tilespmem:$0x1F520] =	vst v63  }
0xbf: {  	_ =	swait.ge [sflag:s13], $0x2000  }
0xc0: {  	[sflag:s13] =	ssyncset.done $0x0  }
0xc1: {  	[sflag:s13] =	ssyncadd.s32 $0xFFFFE000  }
0xc2: {  	[spmem:s2] =	stream.indirect.scatter.add.f32 [tilespmem:s16], [sflag:$0x2], $0x40, s22, s14, $0xb8;
	[tilespmem:$0x1F520] =	vst v63  }
0xc3: {  	_ =	swait.ge [sflag:s18], $0x2000  }
0xc4: {  	[sflag:s18] =	ssyncset.done $0x0  }
0xc5: {  	[sflag:s18] =	ssyncadd.s32 $0xFFFFE000  }
0xc6: {  	[tilespmem:s15], [sflag:$0x1] =	stream.indirect.gather [hbm4b:s4+s14], $0x40, s23, s14, $0xb8;
	[tilespmem:$0x1F520] =	vst v63  }
0xc7: {  	_ =	swait.ge [sflag:s13], $0x2000  }
0xc8: {  	[sflag:s13] =	ssyncset.done $0x0  }
0xc9: {  	[sflag:s13] =	ssyncadd.s32 $0xFFFFE000  }
0xca: {  	[spmem:s2] =	stream.indirect.scatter.add.f32 [tilespmem:s17], [sflag:$0x2], $0x40, s26, s14, $0xb8;
	[tilespmem:$0x1F520] =	vst v63  }
0xcb: {  	_ =	swait.ge [sflag:s18], $0x2000  }
0xcc: {  	[sflag:s18] =	ssyncset.done $0x0  }
0xcd: {  	[sflag:s18] =	ssyncadd.s32 $0xFFFFE000  }
0xce: {  	[tilespmem:s16], [sflag:$0x1] =	stream.indirect.gather [hbm4b:s4+s14], $0x40, s28, s14, $0xb8;
	[tilespmem:$0x1F520] =	vst v63  }
0xcf: {  	_ =	swait.ge [sflag:s13], $0x2000  }
0xd0: {  	[sflag:s13] =	ssyncset.done $0x0  }
0xd1: {  	[sflag:s13] =	ssyncadd.s32 $0xFFFFE000  }
0xd2: {  	[spmem:s2] =	stream.indirect.scatter.add.f32 [tilespmem:s15], [sflag:$0x2], $0x40, s29, s14, $0xb8;
	[tilespmem:$0x1F520] =	vst v63  }
0xd3: {  	_ =	swait.ge [sflag:s18], $0x2000  }
0xd4: {  	[sflag:s18] =	ssyncset.done $0x0  }
0xd5: {  	[sflag:s18] =	ssyncadd.s32 $0xFFFFE000  }
0xd6: {  	[tilespmem:s17], [sflag:$0x1] =	stream.indirect.gather [hbm4b:s4+s14], $0x40, s30, s14, $0xb8;
	[tilespmem:$0x1F520] =	vst v63  }
0xd7: {  	_ =	swait.ge [sflag:s13], $0x2000  }
0xd8: {  	[sflag:s13] =	ssyncset.done $0x0  }
0xd9: {  	[sflag:s13] =	ssyncadd.s32 $0xFFFFE000  }
0xda: {  	[spmem:s2] =	stream.indirect.scatter.add.f32 [tilespmem:s16], [sflag:$0x2], $0x40, s31, s14, $0xb8;
	[tilespmem:$0x1F520] =	vst v63  }
0xdb: {  	_ =	swait.ge [sflag:s18], $0x2000  }
0xdc: {  	[sflag:s18] =	ssyncset.done $0x0  }
0xdd: {  	[sflag:s18] =	ssyncadd.s32 $0xFFFFE000  }
0xde: {  	[tilespmem:s15], [sflag:$0x1] =	stream.indirect.gather [hbm4b:s4+s14], $0x40, s0, s14, $0xb8;
	[tilespmem:$0x1F520] =	vst v63  }
0xdf: {  	_ =	swait.ge [sflag:s13], $0x2000  }
0xe0: {  	[sflag:s13] =	ssyncset.done $0x0  }
0xe1: {  	[sflag:s13] =	ssyncadd.s32 $0xFFFFE000  }
0xe2: {  	[spmem:s2] =	stream.indirect.scatter.add.f32 [tilespmem:s17], [sflag:$0x2], $0x40, s1, s14, $0xb8;
	[tilespmem:$0x1F520] =	vst v63  }
0xe3: {  	_ =	swait.ge [sflag:s18], $0x2000  }
0xe4: {  	[sflag:s18] =	ssyncset.done $0x0  }
0xe5: {  	[sflag:s18] =	ssyncadd.s32 $0xFFFFE000  }
0xe6: {  	[tilespmem:s16], [sflag:$0x1] =	stream.indirect.gather [hbm4b:s4+s14], $0x40, s5, s14, $0xb8;
	[tilespmem:$0x1F520] =	vst v63  }
0xe7: {  	_ =	swait.ge [sflag:s13], $0x2000  }
0xe8: {  	[sflag:s13] =	ssyncset.done $0x0  }
0xe9: {  	[sflag:s13] =	ssyncadd.s32 $0xFFFFE000  }
0xea: {  	[spmem:s2] =	stream.indirect.scatter.add.f32 [tilespmem:s15], [sflag:$0x2], $0x40, s7, s14, $0xb8;
	[tilespmem:$0x1F520] =	vst v63  }
0xeb: {  	_ =	swait.ge [sflag:s18], $0x2000  }
0xec: {  	[sflag:s18] =	ssyncset.done $0x0  }
0xed: {  	[sflag:s18] =	ssyncadd.s32 $0xFFFFE000  }
0xee: {  	[tilespmem:s17], [sflag:$0x1] =	stream.indirect.gather [hbm4b:s4+s14], $0x40, s8, s14, $0xb8;
	[tilespmem:$0x1F520] =	vst v63  }
0xef: {  	_ =	swait.ge [sflag:s13], $0x2000  }
0xf0: {  	[sflag:s13] =	ssyncset.done $0x0  }
0xf1: {  	[sflag:s13] =	ssyncadd.s32 $0xFFFFE000  }
0xf2: {  	[spmem:s2] =	stream.indirect.scatter.add.f32 [tilespmem:s16], [sflag:$0x2], $0x40, s9, s14, $0xb8;
	[tilespmem:$0x1F520] =	vst v63  }
0xf3: {  	_ =	swait.ge [sflag:s13], $0x2000  }
0xf4: {  	[sflag:s13] =	ssyncset.done $0x0  }
0xf5: {  	[sflag:s13] =	ssyncadd.s32 $0xFFFFE000  }
0xf6: {  	[spmem:s2] =	stream.indirect.scatter.add.f32 [tilespmem:s17], [sflag:$0x2], $0x40, s10, s14, $0xb8;
	[tilespmem:$0x1F520] =	vst v63  }
0xf7: {  	_ =	swait.ge [sflag:s18], $0x2000  }
0xf8: {  	p1 =	sne.s32 s25, $0x1800;
	[sflag:s18] =	ssyncset.done $0x0  }
.Ltmp0:
0xf9: {  	[sflag:s18] =	ssyncadd.s32 $0xFFFFE000;
	(pc) =	sbr.rel @p1 .LBB2_2-.Ltmp0, $4  }
0xfa: {  	_ =	swait.ge [sflag:s18], $0x2000  }
0xfb: {  	[sflag:s18] =	ssyncset.done $0x0  }
0xfc: {  	[sflag:s18] =	ssyncadd.s32 $0xFFFFE000  }
0xfd: {  	s25 =	sadd.s32 $0xC0, s25;
	_ =	swait.ge [sflag:s18], $0x2000  }
0xfe: {  	[sflag:s18] =	ssyncset.done $0x0  }
0xff: {  	[sflag:s18] =	ssyncadd.s32 $0xFFFFE000  }
0x100: {  	[bflag:$0x0] =	sbarrier.arrive $0xFFFF  }
0x101: {  	s25 =	rddreg [dreg:$0xa]  }
0x102: {  	s6 =	rddreg [dreg:$0xc]  }
0x103: {  	s11 =	rddreg [dreg:$0xf]  }
0x104: {  	[hbm:s6], [sflag:s25] =	dma.local @p0 [spmem:s11], $0x2F00  }
0x105: {  	s6 =	simm.s32 @p0 $0x3  }
0x106: {  	_ =	swait.ge @p0 [sflag:s6], $0x2F00  }
0x107: {  	[sflag:s6] =	ssyncset.done @p0 $0x0;
	s11 =	rddreg [dreg:$0x10]  }
0x108: {  	[sflag:s6] =	ssyncadd.s32 @p0 $0xFFFFD100;
	s6 =	rddreg [dreg:$0xb]  }
0x109: {  	[hbm:s6], [sflag:s25] =	dma.local @!p0 [spmem:s11], $0x3100  }
0x10a: {  	s6 =	simm.s32 @!p0 $0x3  }
0x10b: {  	_ =	swait.ge @!p0 [sflag:s6], $0x3100  }
0x10c: {  	s24 =	rddreg [dreg:$0x11]  }
0x10d: {  	s11 =	rddreg [dreg:$0xd];
	s24 =	sadd.s32 $0x1, s24  }
0x10e: {  	p1 =	sne.s32 s24, s11  }
.Ltmp1:
0x10f: {  	_ = 	snop;
	(pc) =	sbr.rel @p1 .LBB2_1-.Ltmp1, $3  }
0x110: {  	_ =	sdelay $0x1  }
0x111: {  	[sflag:s6] =	ssyncset.done @!p0 $0x0  }
0x112: {  	[sflag:s6] =	ssyncadd.s32 @!p0 $0xFFFFCF00  }
0x113: {  	_ =	sfence.sel $0x180000  }
0x114: {  	[bflag:$0x0] =	sbarrier.arrive $0xFFFF  }
0x115: {  	_ =	strace $0x9000004D  }
0x116: {  	s0 =	stileid.u32;
	[bflag:$0x2] =	sbarrier.arrive $0xFFFF  }
0x117: {  	p0 =	sne.s32 s0, $0x0;
	s0 =	rddreg [dreg:$0x2]  }
0x118: {  	s0 =	sadd.s32 @!p0 $0x100000, s0  }
0x119: {  	[sflag:s0] =	ssyncadd.tile.s32 @!p0 $0x1;
	_ =	shalt  }
.Lfunc_end2:
_tile_overlayer_lowered:
.L_overlay_start_2:
0x11a: {  	(tag) =	ssettag $0x2  }
0x11b: {  	s0 =	rddreg [dreg:$0x0];
	s2 =	stileid.u32  }
0x11c: {  	s1 =	rddreg [dreg:$0x1];
	p0 =	sne.s32 s2, $0x0  }
0x11d: {  	s3 =	rddreg [dreg:$0x2];
	[bflag:$0x3] =	sbarrier.arrive $0xFFFF;
	s2 =	simm.s32 @!p0 $0x1C03  }
0x11e: {  	[timem:s3], [sflag:s2] =	dma.local @!p0 [hbm:s0], s1  }
0x11f: {  	s0 =	simm.s32 @!p0 $0x3  }
0x120: {  	_ =	swait.ge @!p0 [sflag:s0], s1  }
0x121: {  	s1 =	ssub.s32 @!p0 $0x0, s1;
	[sflag:s0] =	ssyncset.done @!p0 $0x0  }
0x122: {  	[sflag:s0] =	ssyncadd.s32 @!p0 s1  }
0x123: {  	[bflag:$0x3] =	sbarrier.arrive $0xFFFF  }
0x124: {  	_ =	shalt  }

// kernel: kernel.19.cloned.1.call-start
scs
__scs_entry_jumppad:
0x0: {  	(pc) =	sbr.rel $0x88, $3  }
0x1: {  	(tag) =	ssettag $0x0;
	lr =	simm.s32 $0x1  }
0x2: {  	[smem:$0x3F7F] =	sst lr;
	_ =	strace $0xD0000000  }
0x3: {  	_ = 	snop  }
0x4: {  	_ = 	snop  }
0x5: {  	_ = 	snop  }
0x6: {  	_ = 	snop  }
0x7: {  	_ = 	snop  }
__scs_overlays_trampoline_lowered:
0x8: {  	[smem:$0x3F8E] =	sst s0  }
0x9: {  	[smem:$0x3F8F] =	sst s1  }
0xa: {  	[smem:$0x3F90] =	sst s2  }
0xb: {  	[smem:$0x3F91] =	sst s3  }
0xc: {  	[smem:$0x3F92] =	sst s4  }
0xd: {  	[smem:$0x3F93] =	sst s5  }
0xe: {  	[smem:$0x3F94] =	sst s6  }
0xf: {  	[smem:$0x3F95] =	sst s7  }
0x10: {  	[smem:$0x3F96] =	sst s8  }
0x11: {  	[smem:$0x3F97] =	sst s9;
	s0 =	simm.s32 @!p0 $0x0  }
0x12: {  	s1 =	sld [smem:$0x3F7D];
	s0 =	simm.s32 @p0 $0x1  }
0x13: {  	[smem:$0x3F98] =	sst s0;
	s0 =	simm.s32 @!p1 $0x0  }
0x14: {  	s2 =	sld [smem:$0x3F7C];
	s0 =	simm.s32 @p1 $0x1  }
0x15: {  	[smem:$0x3F99] =	sst s0;
	s0 =	simm.s32 @!p2 $0x0  }
0x16: {  	s3 =	sld [smem:$0x3FDB];
	s0 =	simm.s32 @p2 $0x1  }
0x17: {  	s4 =	simm.s32 $0x1BF5;
	[smem:$0x3F9B] =	sst s0  }
0x18: {  	s0 =	sld [smem:$0x3F7E];
	_ =	swait.ge [sflag:s4], $0x0  }
0x19: {  	s7 =	sld [smem:$0x3F7F]  }
0x1a: {  	s8 =	sadd.s32 $0xFFFFE003, lr  }
0x1b: {  	s9 =	sadd.s32 $0xFFFFFEF7, lr;
	s5 =	simm.s32 $0xFFFFFFFF;
	p2 =	slt.u32 s8, $0xFFFFF086  }
0x1c: {  	p1 =	slt.u32 s9, $0xF7A;
	s5 =	simm.s32 @!p2 $0x0  }
0x1d: {  	s5 =	simm.s32 @p1 $0x1;
	p0 =	seq.s32 s7, s2  }
0x1e: {  	s7 =	smul.u32 @!p0 $0xF7A, s2;
	p2 =	seq.s32 @!p0 s5, $0x0  }
0x1f: {  	s9 =	smul.u32 $0xF7A, s1;
	s8 =	simm.s32 @!p0 $0x1BF5;
	p2 =	por !p2, p0  }
0x20: {  	[sflag:s8] =	ssyncset.s32 @!p0 $0xFFFFF086;
	s6 =	sadd.s32 @!p0 s3, s7;
	s7 =	simm.s32 @!p0 $0x108  }
0x21: {  	s3 =	sadd.s32 s3, s9;
	s6 =	sadd.s32 @!p0 $0x88, s6;
	s7 =	simm.s32 @p2 $0x1082  }
0x22: {  	[simem:s7], [sflag:s8] =	dma.local @!p0 [hbm:s6], $0xF7A  }
0x23: {  	s9 =	sor.u32 $0xD0000000, s2;
	s6 =	simm.s32 $0x108;
	_ =	swait.ge @!p0 [sflag:s8], $0x0  }
0x24: {  	s3 =	sadd.s32 $0x88, s3;
	s6 =	simm.s32 @!p1 $0x1082;
	[sflag:s4] =	ssyncset.s32 $0xFFFFF086  }
0x25: {  	[simem:s6], [sflag:s4] =	dma.local [hbm:s3], $0xF7A  }
0x26: {  	[smem:$0x3F7F] =	sst s1;
	(tag) =	ssettag s2;
	_ =	strace s9  }
0x27: {  	s1 =	sld [smem:$0x3F8F]  }
0x28: {  	s2 =	sld [smem:$0x3F90]  }
0x29: {  	s4 =	sld [smem:$0x3F92]  }
0x2a: {  	p0 =	seq.s32 s5, $0x0;
	s5 =	sld [smem:$0x3F93]  }
0x2b: {  	s6 =	sld [smem:$0x3F94]  }
0x2c: {  	s7 =	sld [smem:$0x3F95]  }
0x2d: {  	s3 =	simm.s32 $0x108;
	s8 =	sld [smem:$0x3F96]  }
0x2e: {  	s3 =	simm.s32 @!p0 $0x1082;
	s9 =	sld [smem:$0x3F97]  }
0x2f: {  	lr =	sadd.s32 s0, s3;
	s0 =	sld [smem:$0x3F8E]  }
0x30: {  	s3 =	sld [smem:$0x3F91]  }
0x31: {  	[smem:$0x3F9A] =	sst s10  }
0x32: {  	s10 =	sld [smem:$0x3F98];
	_ =	sdelay $0x3  }
0x33: {  	p0 =	seq.s32 s10, $0x1;
	s10 =	sld [smem:$0x3F9A];
	_ =	sdelay $0x3  }
0x34: {  	[smem:$0x3F9A] =	sst s10  }
0x35: {  	s10 =	sld [smem:$0x3F99];
	_ =	sdelay $0x3  }
0x36: {  	p1 =	seq.s32 s10, $0x1;
	s10 =	sld [smem:$0x3F9A];
	_ =	sdelay $0x3  }
0x37: {  	[smem:$0x3F9A] =	sst s10  }
0x38: {  	s10 =	sld [smem:$0x3F9B]  }
0x39: {  	_ = 	snop;
	(pc) =	sbr.ind lr, $3  }
0x3a: {  	_ = 	snop  }
0x3b: {  	_ = 	snop  }
0x3c: {  	p2 =	seq.s32 s10, $0x1;
	s10 =	sld [smem:$0x3F9A]  }
0x3d: {  	_ =	shalt  }
0x3e: {  	_ =	shalt  }
0x3f: {  	_ =	shalt  }
0x40: {  	_ =	shalt  }
0x41: {  	_ =	shalt  }
0x42: {  	_ =	shalt  }
0x43: {  	_ =	shalt  }
0x44: {  	_ =	shalt  }
0x45: {  	_ =	shalt  }
0x46: {  	_ =	shalt  }
0x47: {  	_ =	shalt  }
0x48: {  	_ =	shalt  }
0x49: {  	_ =	shalt  }
0x4a: {  	_ =	shalt  }
0x4b: {  	_ =	shalt  }
0x4c: {  	_ =	shalt  }
0x4d: {  	_ =	shalt  }
0x4e: {  	_ =	shalt  }
0x4f: {  	_ =	shalt  }
0x50: {  	_ =	shalt  }
0x51: {  	_ =	shalt  }
0x52: {  	_ =	shalt  }
0x53: {  	_ =	shalt  }
0x54: {  	_ =	shalt  }
0x55: {  	_ =	shalt  }
0x56: {  	_ =	shalt  }
0x57: {  	_ =	shalt  }
0x58: {  	_ =	shalt  }
0x59: {  	_ =	shalt  }
0x5a: {  	_ =	shalt  }
0x5b: {  	_ =	shalt  }
0x5c: {  	_ =	shalt  }
0x5d: {  	_ =	shalt  }
0x5e: {  	_ =	shalt  }
0x5f: {  	_ =	shalt  }
0x60: {  	_ =	shalt  }
0x61: {  	_ =	shalt  }
0x62: {  	_ =	shalt  }
0x63: {  	_ =	shalt  }
0x64: {  	_ =	shalt  }
0x65: {  	_ =	shalt  }
0x66: {  	_ =	shalt  }
0x67: {  	_ =	shalt  }
0x68: {  	_ =	shalt  }
0x69: {  	_ =	shalt  }
0x6a: {  	_ =	shalt  }
0x6b: {  	_ =	shalt  }
0x6c: {  	_ =	shalt  }
0x6d: {  	_ =	shalt  }
0x6e: {  	_ =	shalt  }
0x6f: {  	_ =	shalt  }
0x70: {  	_ =	shalt  }
0x71: {  	_ =	shalt  }
0x72: {  	_ =	shalt  }
0x73: {  	_ =	shalt  }
0x74: {  	_ =	shalt  }
0x75: {  	_ =	shalt  }
0x76: {  	_ =	shalt  }
0x77: {  	_ =	shalt  }
0x78: {  	_ =	shalt  }
0x79: {  	_ =	shalt  }
0x7a: {  	_ =	shalt  }
0x7b: {  	_ =	shalt  }
0x7c: {  	_ =	shalt  }
0x7d: {  	_ =	shalt  }
0x7e: {  	_ =	shalt  }
0x7f: {  	_ =	shalt  }
0x80: {  	_ =	shalt  }
0x81: {  	_ =	shalt  }
0x82: {  	_ =	shalt  }
0x83: {  	_ =	shalt  }
0x84: {  	_ =	shalt  }
0x85: {  	_ =	shalt  }
0x86: {  	_ =	shalt  }
0x87: {  	_ =	shalt  }
.Lfunc_end0:
.L_simem_size_0:
called_computation.3_lowered:
.L_overlay_start_0:
0x88: {  	s2 =	sld [smem:$0x3FD9]  }
0x89: {  	s3 =	sld [smem:$0x3FFE];
	_ =	sdelay $0x1  }
0x8a: {  	s1 =	srdreg.scid  }
0x8b: {  	s0 =	sand.u32 $0x1, s1  }
0x8c: {  	s16 =	sshll.u32 s0, $0xA;
	s2 =	sadd.s32 s3, s2  }
0x8d: {  	s2 =	sadd.s32 s2, s16  }
0x8e: {  	[smem:$0x3FA6] =	sst s2  }
0x8f: {  	_ = 	snop  }
0x90: {  	(tm) =	ssettm $0x1  }
0x91: {  	s17 =	sld [smem:$0x3FFB];
	_ =	sdelay $0x3  }
0x92: {  	_ =	strace s17  }
0x93: {  	s2 =	sld [smem:$0x3FFC];
	_ =	sdelay $0x3  }
0x94: {  	_ =	strace s2  }
0x95: {  	s2 =	sld [smem:$0x3FFD];
	_ =	sdelay $0x3  }
0x96: {  	_ =	strace s2  }
0x97: {  	_ =	strace $0x8FFFFFFF  }
0x98: {  	s18 =	sld [smem:$0x3FDB];
	_ =	sdelay $0x1  }
0x99: {  	s19 =	simm.s32 $_scs_section_size  }
0x9a: {  	s4 =	simm.s32 $_size__tile_overlayer_lowered;
	s5 =	simm.s32 $_tile_overlayer_lowered  }
0x9b: {  	s22 =	simm.s32 $0x1BFF;
	s21 =	sshll.u32 s5, $0x1;
	s2 =	sadd.s32 s19, s18  }
0x9c: {  	s6 =	simm.s32 $0x0;
	s20 =	sshll.u32 s4, $0x1;
	s4 =	sadd.s32 s21, s2  }
0x9d: {  	[timem:s6], [sflag:s22] =	dma.local [hbm:s4], s20  }
0x9e: {  	_ =	swait.ge [sflag:s22], s20  }
0x9f: {  	s3 =	ssub.s32 $0x0, s20;
	[sflag:s22] =	ssyncset.done $0x0  }
0xa0: {  	[sflag:s22] =	ssyncadd.s32 s3;
	_ =	sdelay $0x1  }
0xa1: {  	s23 =	simm.s32 $0x1B8B  }
0xa2: {  	_ =	swait.ge [sflag:s23], $0x1  }
0xa3: {  	[sflag:s23] =	ssyncset.done $0x0  }
0xa4: {  	s25 =	simm.s32 $0x1B8E;
	s24 =	sld [smem:$0x3FFE];
	[sflag:s23] =	ssyncadd.s32 $0xFFFFFFFF  }
0xa5: {  	s26 =	simm.s32 $execute0_lowered;
	[smem:$0x3FD2] =	sst s25  }
0xa6: {  	s4 =	sshll.u32 s26, $0x1;
	_ =	strace $0x8000004F;
	[dreg:$0x1] =	wrdreg $0xFFFFFFFF  }
0xa7: {  	s28 =	simm.s32 $_size_execute0_lowered;
	s2 =	sadd.s32 s2, s4;
	[dreg:$0x0] =	wrdreg $0x0  }
0xa8: {  	s4 =	sshll.u32 s28, $0x1;
	[dreg:$0x2] =	wrdreg s2  }
0xa9: {  	[dreg:$0x3] =	wrdreg s4  }
0xaa: {  	[dreg:$0x4] =	wrdreg $0xC0  }
0xab: {  	_ =	task [dreg:s6], $0x5FFFF  }
0xac: {  	[dreg:$0x1] =	wrdreg $0xFFFFFFFF  }
0xad: {  	[dreg:$0x0] =	wrdreg $0x60  }
0xae: {  	[dreg:$0x2] =	wrdreg s24  }
0xaf: {  	[dreg:$0x3] =	wrdreg $0x6C000  }
0xb0: {  	[dreg:$0x4] =	wrdreg $0x9  }
0xb1: {  	_ =	task.clear_ibuf [dreg:s6], $0x5FFFF;
	_ =	strace $0x9000004F  }
0xb2: {  	s29 =	simm.s32 $0x9;
	_ =	strace $0x80000051  }
0xb3: {  	_ =	swait.ge [sflag:s29], $0x1  }
0xb4: {  	[sflag:s29] =	ssyncadd.s32 $0xFFFFFFFF  }
0xb5: {  	_ =	strace $0x90000051  }
0xb6: {  	_ =	sfence  }
0xb7: {  	s30 =	sld [smem:$0x0];
	_ =	sdelay $0x2  }
0xb8: {  	s31 =	sshll.u32 s1, $0xD;
	s1 =	sshrl.u32 s1, $0x2  }
0xb9: {  	s3 =	sand.u32 $0x4000, s31;
	s1 =	sadd.s32 s1, s30  }
0xba: {  	s0 =	sor.u32 s3, s0;
	s1 =	sshll.u32 s1, $0x11  }
0xbb: {  	s0 =	sor.u32 s1, s0  }
0xbc: {  	s0 =	sadd.s32 $0x8F2B, s0  }
0xbd: {  	[sflag:s0] =	ssyncadd.remote.s32 $0x1  }
0xbe: {  	_ =	sfence.sel $0xFFFF  }
0xbf: {  	[dreg:$0x0] =	wrdreg $0xFFFFFFFF;
	(pc) =	sbr.abs _section_cstart, $3  }
0xc0: {  	[dreg:$0x1] =	wrdreg $0xFFFFFFFF  }
0xc1: {  	_ =	task.clear_ibuf [dreg:s6], $0x2FFFF;
	_ =	strace $0x9FFFFFFF  }
0xc2: {  	(tm) =	ssettm $0x7FFFFFFF  }
0xc3: {  	_ =	shalt  }
tec
execute0_lowered:
.L_overlay_start_1:
0x0: {  	(tag) =	ssettag $0x1  }
0x1: {  	s0 =	rddreg [dreg:$0x0];
	s1 =	srdreg.scid  }
0x2: {  	s2 =	rddreg [dreg:$0x1];
	s24 =	stileid.u32  }
0x3: {  	s3 =	simm.s32 $0x0;
	s21 =	simm.s32 $0x100;
	s22 =	simm.s32 $0x680  }
0x4: {  	s23 =	simm.s32 $0x180;
	s28 =	simm.s32 $0x380;
	s5 =	smul.u32 $0xC600, s24  }
0x5: {  	s29 =	simm.s32 $0x900;
	s30 =	simm.s32 $0x400;
	s6 =	smul.u32 $0x18C0, s24  }
0x6: {  	s31 =	simm.s32 $0x980;
	s1 =	sand.u32 $0x1, s1;
	s25 =	smul.u32 $0x61C00, s24  }
0x7: {  	[smem:$0x7FF] =	sst s3;
	s9 =	sadd.s32 $0x5600, s0;
	s10 =	smul.u32 $0x3100, s24  }
0x8: {  	s12 =	smul.u32 $0x62000, s24;
	s13 =	sshll.u32 s24, $0x6;
	p0 =	seq.s32 s24, $0xF  }
0x9: {  	s4 =	smul.u32 $0xC6000, s1;
	_ =	strace $0x80000050;
	[dreg:$0x9] =	wrdreg s9  }
0xa: {  	s24 =	simm.s32 $0x0;
	s7 =	smul.u32 $0x30E00, s1;
	[dreg:$0x5] =	wrdreg s21  }
0xb: {  	s26 =	ssub.s32 $0x2, s1;
	s1 =	smul.u32 $0x187000, s1;
	[dreg:$0x6] =	wrdreg s22  }
0xc: {  	[dreg:$0x7] =	wrdreg s23;
	s21 =	simm.s32 $0x280;
	s22 =	simm.s32 $0x800  }
0xd: {  	s23 =	simm.s32 $0x300;
	s8 =	sadd.s32 s6, s0;
	s11 =	sshrl.u32 s26, $0x1  }
0xe: {  	s6 =	sshrl.u32 s25, $0x2;
	s25 =	sor.u32 $0x1C03, s13;
	s15 =	sshrl.u32 s12, $0x2  }
0xf: {  	s12 =	simm.s32 $0x600;
	s13 =	simm.s32 $0x1;
	s5 =	sadd.s32 s5, s4  }
0x10: {  	s4 =	sadd.s32 $0x69000, s0;
	s9 =	ssub.s32 s26, s11;
	s14 =	sadd.s32 s6, s2  }
0x11: {  	s7 =	sadd.s32 s10, s7;
	s1 =	sshrl.u32 s1, $0x3;
	s19 =	sadd.s32 $0xCAC00, s8  }
0x12: {  	s26 =	simm.s32 $0x700;
	s8 =	simm.s32 $0x580;
	s10 =	simm.s32 $0xB80  }
0x13: {  	[dreg:$0xa] =	wrdreg s25;
	s5 =	sshrl.u32 s5, $0x3;
	s18 =	smax.u32 s9, $0x1  }
0x14: {  	[dreg:$0x4] =	wrdreg s19;
	s20 =	sshrl.u32 s14, $0x3;
	s14 =	simm.s32 $0x80  }
0x15: {  	[dreg:$0x8] =	wrdreg s26;
	s19 =	simm.s32 $0x200;
	s26 =	simm.s32 $0x880  }
0x16: {  	s9 =	simm.s32 $0xB00;
	s5 =	sadd.s32 s5, s0;
	[dreg:$0xd] =	wrdreg s18  }
0x17: {  	s0 =	sadd.s32 $0xE3800, s0;
	[dreg:$0xe] =	wrdreg s20;
	s18 =	simm.s32 $0x2  }
0x18: {  	s20 =	simm.s32 $0x780;
	s16 =	sadd.s32 s0, s7;
	s7 =	sadd.s32 s15, s2  }
0x19: {  	s0 =	sadd.s32 s0, s1;
	s17 =	sadd.s32 $0x37800, s5;
	s15 =	simm.s32 $0xC00  }
0x1a: {  	s1 =	simm.s32 $0xA00;
	[dreg:$0xb] =	wrdreg s16;
	s0 =	sadd.s32 $0x2DF00, s0  }
0x1b: {  	s5 =	simm.s32 $0x500;
	[dreg:$0xc] =	wrdreg s0;
	s0 =	sadd.s32 $0x16F800, s2  }
0x1c: {  	[dreg:$0x3] =	wrdreg s17;
	s16 =	simm.s32 $0x2C00;
	s0 =	sshrl.u32 @p0 s0, $0x3  }
0x1d: {  	s17 =	simm.s32 $0x4C00;
	[dreg:$0xf] =	wrdreg s0;
	s0 =	sshrl.u32 @!p0 s7, $0x3  }
0x1e: {  	s7 =	simm.s32 $0xA80;
	[dreg:$0x10] =	wrdreg s0;
	s0 =	simm.s32 $0x480  }
.LBB2_1:
0x1f: {  	[dreg:$0x11] =	wrdreg s24  }
0x20: {  	s6 =	rddreg [dreg:$0x9]  }
0x21: {  	s11 =	rddreg [dreg:$0xe]  }
0x22: {  	[spmem:s11], [sflag:s25] =	dma.local [hbm:s6], $0x30E0  }
0x23: {  	s25 =	simm.s32 $0x3  }
0x24: {  	_ =	swait.ge [sflag:s25], $0x30E0  }
0x25: {  	[sflag:s25] =	ssyncset.done $0x0  }
0x26: {  	[sflag:s25] =	ssyncadd.s32 $0xFFFFCF20  }
0x27: {  	[bflag:$0x0] =	sbarrier.arrive $0xFFFF  }
0x28: {  	s11 =	rddreg [dreg:$0x4]  }
0x29: {  	s24 =	rddreg [dreg:$0x3];
	s25 =	sadd.s32 $0x0, s11  }
0x2a: {  	[tilespmem:s3], [sflag:$0x1] =	stream.linear.gather [hbm4b:s25+s3], $0x600, $0x38;
	[tilespmem:$0x1F520] =	vst v63  }
0x2b: {  	s11 =	sadd.s32 $0x0, s24  }
0x2c: {  	[tilespmem:s12], [sflag:$0x1] =	stream.linear.gather [hbm4b:s11+s3], $0x600, $0x38;
	[tilespmem:$0x1F520] =	vst v63  }
0x2d: {  	_ =	swait.ge [sflag:s13], $0x600  }
0x2e: {  	[sflag:s13] =	ssyncset.done $0x0  }
0x2f: {  	[sflag:s13] =	ssyncadd.s32 $0xFFFFFA00  }
0x30: {  	_ =	swait.ge [sflag:s13], $0x600  }
0x31: {  	[sflag:s13] =	ssyncset.done $0x0  }
0x32: {  	[sflag:s13] =	ssyncadd.s32 $0xFFFFFA00  }
0x33: {  	[tilespmem:s15], [sflag:$0x1] =	stream.indirect.gather [hbm4b:s4+s14], $0x40, s3, s14, $0xb8;
	[tilespmem:$0x1F520] =	vst v63  }
0x34: {  	_ = 	snop  }
0x35: {  	[tilespmem:s16], [sflag:$0x1] =	stream.indirect.gather [hbm4b:s4+s14], $0x40, s14, s14, $0xb8;
	[tilespmem:$0x1F520] =	vst v63  }
0x36: {  	_ =	swait.ge [sflag:s13], $0x2000  }
0x37: {  	[sflag:s13] =	ssyncset.done $0x0  }
0x38: {  	[sflag:s13] =	ssyncadd.s32 $0xFFFFE000  }
0x39: {  	[spmem:s2] =	stream.indirect.scatter.add.f32 [tilespmem:s15], [sflag:$0x2], $0x40, s12, s14, $0xb8;
	[tilespmem:$0x1F520] =	vst v63  }
0x3a: {  	s25 =	rddreg [dreg:$0x5]  }
0x3b: {  	[tilespmem:s17], [sflag:$0x1] =	stream.indirect.gather [hbm4b:s4+s14], $0x40, s25, s14, $0xb8;
	[tilespmem:$0x1F520] =	vst v63  }
0x3c: {  	_ =	swait.ge [sflag:s13], $0x2000  }
0x3d: {  	[sflag:s13] =	ssyncset.done $0x0  }
0x3e: {  	s6 =	rddreg [dreg:$0x6];
	[sflag:s13] =	ssyncadd.s32 $0xFFFFE000  }
0x3f: {  	[spmem:s2] =	stream.indirect.scatter.add.f32 [tilespmem:s16], [sflag:$0x2], $0x40, s6, s14, $0xb8;
	[tilespmem:$0x1F520] =	vst v63  }
0x40: {  	_ =	swait.ge [sflag:s18], $0x2000  }
0x41: {  	[sflag:s18] =	ssyncset.done $0x0  }
0x42: {  	s24 =	rddreg [dreg:$0x7];
	[sflag:s18] =	ssyncadd.s32 $0xFFFFE000  }
0x43: {  	[tilespmem:s15], [sflag:$0x1] =	stream.indirect.gather [hbm4b:s4+s14], $0x40, s24, s14, $0xb8;
	[tilespmem:$0x1F520] =	vst v63  }
0x44: {  	_ =	swait.ge [sflag:s13], $0x2000  }
0x45: {  	[sflag:s13] =	ssyncset.done $0x0  }
0x46: {  	s25 =	rddreg [dreg:$0x8];
	[sflag:s13] =	ssyncadd.s32 $0xFFFFE000  }
0x47: {  	[spmem:s2] =	stream.indirect.scatter.add.f32 [tilespmem:s17], [sflag:$0x2], $0x40, s25, s14, $0xb8;
	[tilespmem:$0x1F520] =	vst v63  }
0x48: {  	_ =	swait.ge [sflag:s18], $0x2000  }
0x49: {  	[sflag:s18] =	ssyncset.done $0x0  }
0x4a: {  	[sflag:s18] =	ssyncadd.s32 $0xFFFFE000  }
0x4b: {  	[tilespmem:s16], [sflag:$0x1] =	stream.indirect.gather [hbm4b:s4+s14], $0x40, s19, s14, $0xb8;
	[tilespmem:$0x1F520] =	vst v63  }
0x4c: {  	_ =	swait.ge [sflag:s13], $0x2000  }
0x4d: {  	[sflag:s13] =	ssyncset.done $0x0  }
0x4e: {  	[sflag:s13] =	ssyncadd.s32 $0xFFFFE000  }
0x4f: {  	[spmem:s2] =	stream.indirect.scatter.add.f32 [tilespmem:s15], [sflag:$0x2], $0x40, s20, s14, $0xb8;
	[tilespmem:$0x1F520] =	vst v63  }
0x50: {  	_ =	swait.ge [sflag:s18], $0x2000  }
0x51: {  	[sflag:s18] =	ssyncset.done $0x0  }
0x52: {  	[sflag:s18] =	ssyncadd.s32 $0xFFFFE000  }
0x53: {  	[tilespmem:s17], [sflag:$0x1] =	stream.indirect.gather [hbm4b:s4+s14], $0x40, s21, s14, $0xb8;
	[tilespmem:$0x1F520] =	vst v63  }
0x54: {  	_ =	swait.ge [sflag:s13], $0x2000  }
0x55: {  	[sflag:s13] =	ssyncset.done $0x0  }
0x56: {  	[sflag:s13] =	ssyncadd.s32 $0xFFFFE000  }
0x57: {  	[spmem:s2] =	stream.indirect.scatter.add.f32 [tilespmem:s16], [sflag:$0x2], $0x40, s22, s14, $0xb8;
	[tilespmem:$0x1F520] =	vst v63  }
0x58: {  	_ =	swait.ge [sflag:s18], $0x2000  }
0x59: {  	[sflag:s18] =	ssyncset.done $0x0  }
0x5a: {  	[sflag:s18] =	ssyncadd.s32 $0xFFFFE000  }
0x5b: {  	[tilespmem:s15], [sflag:$0x1] =	stream.indirect.gather [hbm4b:s4+s14], $0x40, s23, s14, $0xb8;
	[tilespmem:$0x1F520] =	vst v63  }
0x5c: {  	_ =	swait.ge [sflag:s13], $0x2000  }
0x5d: {  	[sflag:s13] =	ssyncset.done $0x0  }
0x5e: {  	[sflag:s13] =	ssyncadd.s32 $0xFFFFE000  }
0x5f: {  	[spmem:s2] =	stream.indirect.scatter.add.f32 [tilespmem:s17], [sflag:$0x2], $0x40, s26, s14, $0xb8;
	[tilespmem:$0x1F520] =	vst v63  }
0x60: {  	_ =	swait.ge [sflag:s18], $0x2000  }
0x61: {  	[sflag:s18] =	ssyncset.done $0x0  }
0x62: {  	[sflag:s18] =	ssyncadd.s32 $0xFFFFE000  }
0x63: {  	[tilespmem:s16], [sflag:$0x1] =	stream.indirect.gather [hbm4b:s4+s14], $0x40, s28, s14, $0xb8;
	[tilespmem:$0x1F520] =	vst v63  }
0x64: {  	_ =	swait.ge [sflag:s13], $0x2000  }
0x65: {  	[sflag:s13] =	ssyncset.done $0x0  }
0x66: {  	[sflag:s13] =	ssyncadd.s32 $0xFFFFE000  }
0x67: {  	[spmem:s2] =	stream.indirect.scatter.add.f32 [tilespmem:s15], [sflag:$0x2], $0x40, s29, s14, $0xb8;
	[tilespmem:$0x1F520] =	vst v63  }
0x68: {  	_ =	swait.ge [sflag:s18], $0x2000  }
0x69: {  	[sflag:s18] =	ssyncset.done $0x0  }
0x6a: {  	[sflag:s18] =	ssyncadd.s32 $0xFFFFE000  }
0x6b: {  	[tilespmem:s17], [sflag:$0x1] =	stream.indirect.gather [hbm4b:s4+s14], $0x40, s30, s14, $0xb8;
	[tilespmem:$0x1F520] =	vst v63  }
0x6c: {  	_ =	swait.ge [sflag:s13], $0x2000  }
0x6d: {  	[sflag:s13] =	ssyncset.done $0x0  }
0x6e: {  	[sflag:s13] =	ssyncadd.s32 $0xFFFFE000  }
0x6f: {  	[spmem:s2] =	stream.indirect.scatter.add.f32 [tilespmem:s16], [sflag:$0x2], $0x40, s31, s14, $0xb8;
	[tilespmem:$0x1F520] =	vst v63  }
0x70: {  	_ =	swait.ge [sflag:s18], $0x2000  }
0x71: {  	[sflag:s18] =	ssyncset.done $0x0  }
0x72: {  	[sflag:s18] =	ssyncadd.s32 $0xFFFFE000  }
0x73: {  	[tilespmem:s15], [sflag:$0x1] =	stream.indirect.gather [hbm4b:s4+s14], $0x40, s0, s14, $0xb8;
	[tilespmem:$0x1F520] =	vst v63  }
0x74: {  	_ =	swait.ge [sflag:s13], $0x2000  }
0x75: {  	[sflag:s13] =	ssyncset.done $0x0  }
0x76: {  	[sflag:s13] =	ssyncadd.s32 $0xFFFFE000  }
0x77: {  	[spmem:s2] =	stream.indirect.scatter.add.f32 [tilespmem:s17], [sflag:$0x2], $0x40, s1, s14, $0xb8;
	[tilespmem:$0x1F520] =	vst v63  }
0x78: {  	_ =	swait.ge [sflag:s18], $0x2000  }
0x79: {  	[sflag:s18] =	ssyncset.done $0x0  }
0x7a: {  	[sflag:s18] =	ssyncadd.s32 $0xFFFFE000  }
0x7b: {  	[tilespmem:s16], [sflag:$0x1] =	stream.indirect.gather [hbm4b:s4+s14], $0x40, s5, s14, $0xb8;
	[tilespmem:$0x1F520] =	vst v63  }
0x7c: {  	_ =	swait.ge [sflag:s13], $0x2000  }
0x7d: {  	[sflag:s13] =	ssyncset.done $0x0  }
0x7e: {  	[sflag:s13] =	ssyncadd.s32 $0xFFFFE000  }
0x7f: {  	[spmem:s2] =	stream.indirect.scatter.add.f32 [tilespmem:s15], [sflag:$0x2], $0x40, s7, s14, $0xb8;
	[tilespmem:$0x1F520] =	vst v63  }
0x80: {  	_ =	swait.ge [sflag:s18], $0x2000  }
0x81: {  	[sflag:s18] =	ssyncset.done $0x0  }
0x82: {  	[sflag:s18] =	ssyncadd.s32 $0xFFFFE000  }
0x83: {  	[tilespmem:s17], [sflag:$0x1] =	stream.indirect.gather [hbm4b:s4+s14], $0x40, s8, s14, $0xb8;
	[tilespmem:$0x1F520] =	vst v63  }
0x84: {  	_ =	swait.ge [sflag:s13], $0x2000  }
0x85: {  	[sflag:s13] =	ssyncset.done $0x0  }
0x86: {  	[sflag:s13] =	ssyncadd.s32 $0xFFFFE000  }
0x87: {  	[spmem:s2] =	stream.indirect.scatter.add.f32 [tilespmem:s16], [sflag:$0x2], $0x40, s9, s14, $0xb8;
	[tilespmem:$0x1F520] =	vst v63  }
0x88: {  	_ =	swait.ge [sflag:s13], $0x2000  }
0x89: {  	[sflag:s13] =	ssyncset.done $0x0  }
0x8a: {  	[sflag:s13] =	ssyncadd.s32 $0xFFFFE000  }
0x8b: {  	[spmem:s2] =	stream.indirect.scatter.add.f32 [tilespmem:s17], [sflag:$0x2], $0x40, s10, s14, $0xb8;
	[tilespmem:$0x1F520] =	vst v63  }
0x8c: {  	_ =	swait.ge [sflag:s18], $0x2000  }
0x8d: {  	[sflag:s18] =	ssyncset.done $0x0  }
0x8e: {  	[sflag:s18] =	ssyncadd.s32 $0xFFFFE000  }
0x8f: {  	_ =	swait.ge [sflag:s18], $0x2000  }
0x90: {  	[sflag:s18] =	ssyncset.done $0x0  }
0x91: {  	[sflag:s18] =	ssyncadd.s32 $0xFFFFE000  }
0x92: {  	s25 =	simm.s32 $0xC0;
	_ =	swait.ge [sflag:s18], $0x2000  }
.LBB2_2:
0x93: {  	s11 =	rddreg [dreg:$0x4];
	s6 =	smov.u32 s25;
	[sflag:s18] =	ssyncset.done $0x0  }
0x94: {  	s24 =	rddreg [dreg:$0x3];
	s11 =	sadd.s32 s6, s11;
	[sflag:s18] =	ssyncadd.s32 $0xFFFFE000  }
0x95: {  	[tilespmem:s3], [sflag:$0x1] =	stream.linear.gather [hbm4b:s11+s3], $0x600, $0x38;
	[tilespmem:$0x1F520] =	vst v63  }
0x96: {  	s6 =	sadd.s32 s6, s24  }
0x97: {  	[tilespmem:s12], [sflag:$0x1] =	stream.linear.gather [hbm4b:s6+s3], $0x600, $0x38;
	[tilespmem:$0x1F520] =	vst v63  }
0x98: {  	_ =	swait.ge [sflag:s13], $0x600  }
0x99: {  	[sflag:s13] =	ssyncset.done $0x0  }
0x9a: {  	[sflag:s13] =	ssyncadd.s32 $0xFFFFFA00  }
0x9b: {  	_ =	swait.ge [sflag:s13], $0x600  }
0x9c: {  	[sflag:s13] =	ssyncset.done $0x0  }
0x9d: {  	[sflag:s13] =	ssyncadd.s32 $0xFFFFFA00  }
0x9e: {  	[tilespmem:s15], [sflag:$0x1] =	stream.indirect.gather [hbm4b:s4+s14], $0x40, s3, s14, $0xb8;
	[tilespmem:$0x1F520] =	vst v63  }
0x9f: {  	_ = 	snop  }
0xa0: {  	[tilespmem:s16], [sflag:$0x1] =	stream.indirect.gather [hbm4b:s4+s14], $0x40, s14, s14, $0xb8;
	[tilespmem:$0x1F520] =	vst v63  }
0xa1: {  	_ =	swait.ge [sflag:s13], $0x2000  }
0xa2: {  	[sflag:s13] =	ssyncset.done $0x0  }
0xa3: {  	[sflag:s13] =	ssyncadd.s32 $0xFFFFE000  }
0xa4: {  	[spmem:s2] =	stream.indirect.scatter.add.f32 [tilespmem:s15], [sflag:$0x2], $0x40, s12, s14, $0xb8;
	[tilespmem:$0x1F520] =	vst v63  }
0xa5: {  	s11 =	rddreg [dreg:$0x5]  }
0xa6: {  	[tilespmem:s17], [sflag:$0x1] =	stream.indirect.gather [hbm4b:s4+s14], $0x40, s11, s14, $0xb8;
	[tilespmem:$0x1F520] =	vst v63  }
0xa7: {  	_ =	swait.ge [sflag:s13], $0x2000  }
0xa8: {  	[sflag:s13] =	ssyncset.done $0x0  }
0xa9: {  	s24 =	rddreg [dreg:$0x6];
	[sflag:s13] =	ssyncadd.s32 $0xFFFFE000  }
0xaa: {  	[spmem:s2] =	stream.indirect.scatter.add.f32 [tilespmem:s16], [sflag:$0x2], $0x40, s24, s14, $0xb8;
	[tilespmem:$0x1F520] =	vst v63  }
0xab: {  	_ =	swait.ge [sflag:s18], $0x2000  }
0xac: {  	[sflag:s18] =	ssyncset.done $0x0  }
0xad: {  	s11 =	rddreg [dreg:$0x7];
	[sflag:s18] =	ssyncadd.s32 $0xFFFFE000  }
0xae: {  	[tilespmem:s15], [sflag:$0x1] =	stream.indirect.gather [hbm4b:s4+s14], $0x40, s11, s14, $0xb8;
	[tilespmem:$0x1F520] =	vst v63  }
0xaf: {  	_ =	swait.ge [sflag:s13], $0x2000  }
0xb0: {  	[sflag:s13] =	ssyncset.done $0x0  }
0xb1: {  	s24 =	rddreg [dreg:$0x8];
	[sflag:s13] =	ssyncadd.s32 $0xFFFFE000  }
0xb2: {  	[spmem:s2] =	stream.indirect.scatter.add.f32 [tilespmem:s17], [sflag:$0x2], $0x40, s24, s14, $0xb8;
	[tilespmem:$0x1F520] =	vst v63  }
0xb3: {  	_ =	swait.ge [sflag:s18], $0x2000  }
0xb4: {  	[sflag:s18] =	ssyncset.done $0x0  }
0xb5: {  	[sflag:s18] =	ssyncadd.s32 $0xFFFFE000  }
0xb6: {  	[tilespmem:s16], [sflag:$0x1] =	stream.indirect.gather [hbm4b:s4+s14], $0x40, s19, s14, $0xb8;
	[tilespmem:$0x1F520] =	vst v63  }
0xb7: {  	_ =	swait.ge [sflag:s13], $0x2000  }
0xb8: {  	[sflag:s13] =	ssyncset.done $0x0  }
0xb9: {  	[sflag:s13] =	ssyncadd.s32 $0xFFFFE000  }
0xba: {  	[spmem:s2] =	stream.indirect.scatter.add.f32 [tilespmem:s15], [sflag:$0x2], $0x40, s20, s14, $0xb8;
	[tilespmem:$0x1F520] =	vst v63  }
0xbb: {  	_ =	swait.ge [sflag:s18], $0x2000  }
0xbc: {  	[sflag:s18] =	ssyncset.done $0x0  }
0xbd: {  	[sflag:s18] =	ssyncadd.s32 $0xFFFFE000  }
0xbe: {  	[tilespmem:s17], [sflag:$0x1] =	stream.indirect.gather [hbm4b:s4+s14], $0x40, s21, s14, $0xb8;
	[tilespmem:$0x1F520] =	vst v63  }
0xbf: {  	_ =	swait.ge [sflag:s13], $0x2000  }
0xc0: {  	[sflag:s13] =	ssyncset.done $0x0  }
0xc1: {  	[sflag:s13] =	ssyncadd.s32 $0xFFFFE000  }
0xc2: {  	[spmem:s2] =	stream.indirect.scatter.add.f32 [tilespmem:s16], [sflag:$0x2], $0x40, s22, s14, $0xb8;
	[tilespmem:$0x1F520] =	vst v63  }
0xc3: {  	_ =	swait.ge [sflag:s18], $0x2000  }
0xc4: {  	[sflag:s18] =	ssyncset.done $0x0  }
0xc5: {  	[sflag:s18] =	ssyncadd.s32 $0xFFFFE000  }
0xc6: {  	[tilespmem:s15], [sflag:$0x1] =	stream.indirect.gather [hbm4b:s4+s14], $0x40, s23, s14, $0xb8;
	[tilespmem:$0x1F520] =	vst v63  }
0xc7: {  	_ =	swait.ge [sflag:s13], $0x2000  }
0xc8: {  	[sflag:s13] =	ssyncset.done $0x0  }
0xc9: {  	[sflag:s13] =	ssyncadd.s32 $0xFFFFE000  }
0xca: {  	[spmem:s2] =	stream.indirect.scatter.add.f32 [tilespmem:s17], [sflag:$0x2], $0x40, s26, s14, $0xb8;
	[tilespmem:$0x1F520] =	vst v63  }
0xcb: {  	_ =	swait.ge [sflag:s18], $0x2000  }
0xcc: {  	[sflag:s18] =	ssyncset.done $0x0  }
0xcd: {  	[sflag:s18] =	ssyncadd.s32 $0xFFFFE000  }
0xce: {  	[tilespmem:s16], [sflag:$0x1] =	stream.indirect.gather [hbm4b:s4+s14], $0x40, s28, s14, $0xb8;
	[tilespmem:$0x1F520] =	vst v63  }
0xcf: {  	_ =	swait.ge [sflag:s13], $0x2000  }
0xd0: {  	[sflag:s13] =	ssyncset.done $0x0  }
0xd1: {  	[sflag:s13] =	ssyncadd.s32 $0xFFFFE000  }
0xd2: {  	[spmem:s2] =	stream.indirect.scatter.add.f32 [tilespmem:s15], [sflag:$0x2], $0x40, s29, s14, $0xb8;
	[tilespmem:$0x1F520] =	vst v63  }
0xd3: {  	_ =	swait.ge [sflag:s18], $0x2000  }
0xd4: {  	[sflag:s18] =	ssyncset.done $0x0  }
0xd5: {  	[sflag:s18] =	ssyncadd.s32 $0xFFFFE000  }
0xd6: {  	[tilespmem:s17], [sflag:$0x1] =	stream.indirect.gather [hbm4b:s4+s14], $0x40, s30, s14, $0xb8;
	[tilespmem:$0x1F520] =	vst v63  }
0xd7: {  	_ =	swait.ge [sflag:s13], $0x2000  }
0xd8: {  	[sflag:s13] =	ssyncset.done $0x0  }
0xd9: {  	[sflag:s13] =	ssyncadd.s32 $0xFFFFE000  }
0xda: {  	[spmem:s2] =	stream.indirect.scatter.add.f32 [tilespmem:s16], [sflag:$0x2], $0x40, s31, s14, $0xb8;
	[tilespmem:$0x1F520] =	vst v63  }
0xdb: {  	_ =	swait.ge [sflag:s18], $0x2000  }
0xdc: {  	[sflag:s18] =	ssyncset.done $0x0  }
0xdd: {  	[sflag:s18] =	ssyncadd.s32 $0xFFFFE000  }
0xde: {  	[tilespmem:s15], [sflag:$0x1] =	stream.indirect.gather [hbm4b:s4+s14], $0x40, s0, s14, $0xb8;
	[tilespmem:$0x1F520] =	vst v63  }
0xdf: {  	_ =	swait.ge [sflag:s13], $0x2000  }
0xe0: {  	[sflag:s13] =	ssyncset.done $0x0  }
0xe1: {  	[sflag:s13] =	ssyncadd.s32 $0xFFFFE000  }
0xe2: {  	[spmem:s2] =	stream.indirect.scatter.add.f32 [tilespmem:s17], [sflag:$0x2], $0x40, s1, s14, $0xb8;
	[tilespmem:$0x1F520] =	vst v63  }
0xe3: {  	_ =	swait.ge [sflag:s18], $0x2000  }
0xe4: {  	[sflag:s18] =	ssyncset.done $0x0  }
0xe5: {  	[sflag:s18] =	ssyncadd.s32 $0xFFFFE000  }
0xe6: {  	[tilespmem:s16], [sflag:$0x1] =	stream.indirect.gather [hbm4b:s4+s14], $0x40, s5, s14, $0xb8;
	[tilespmem:$0x1F520] =	vst v63  }
0xe7: {  	_ =	swait.ge [sflag:s13], $0x2000  }
0xe8: {  	[sflag:s13] =	ssyncset.done $0x0  }
0xe9: {  	[sflag:s13] =	ssyncadd.s32 $0xFFFFE000  }
0xea: {  	[spmem:s2] =	stream.indirect.scatter.add.f32 [tilespmem:s15], [sflag:$0x2], $0x40, s7, s14, $0xb8;
	[tilespmem:$0x1F520] =	vst v63  }
0xeb: {  	_ =	swait.ge [sflag:s18], $0x2000  }
0xec: {  	[sflag:s18] =	ssyncset.done $0x0  }
0xed: {  	[sflag:s18] =	ssyncadd.s32 $0xFFFFE000  }
0xee: {  	[tilespmem:s17], [sflag:$0x1] =	stream.indirect.gather [hbm4b:s4+s14], $0x40, s8, s14, $0xb8;
	[tilespmem:$0x1F520] =	vst v63  }
0xef: {  	_ =	swait.ge [sflag:s13], $0x2000  }
0xf0: {  	[sflag:s13] =	ssyncset.done $0x0  }
0xf1: {  	[sflag:s13] =	ssyncadd.s32 $0xFFFFE000  }
0xf2: {  	[spmem:s2] =	stream.indirect.scatter.add.f32 [tilespmem:s16], [sflag:$0x2], $0x40, s9, s14, $0xb8;
	[tilespmem:$0x1F520] =	vst v63  }
0xf3: {  	_ =	swait.ge [sflag:s13], $0x2000  }
0xf4: {  	[sflag:s13] =	ssyncset.done $0x0  }
0xf5: {  	[sflag:s13] =	ssyncadd.s32 $0xFFFFE000  }
0xf6: {  	[spmem:s2] =	stream.indirect.scatter.add.f32 [tilespmem:s17], [sflag:$0x2], $0x40, s10, s14, $0xb8;
	[tilespmem:$0x1F520] =	vst v63  }
0xf7: {  	_ =	swait.ge [sflag:s18], $0x2000  }
0xf8: {  	p1 =	sne.s32 s25, $0x1800;
	[sflag:s18] =	ssyncset.done $0x0  }
.Ltmp0:
0xf9: {  	[sflag:s18] =	ssyncadd.s32 $0xFFFFE000;
	(pc) =	sbr.rel @p1 .LBB2_2-.Ltmp0, $4  }
0xfa: {  	_ =	swait.ge [sflag:s18], $0x2000  }
0xfb: {  	[sflag:s18] =	ssyncset.done $0x0  }
0xfc: {  	[sflag:s18] =	ssyncadd.s32 $0xFFFFE000  }
0xfd: {  	s25 =	sadd.s32 $0xC0, s25;
	_ =	swait.ge [sflag:s18], $0x2000  }
0xfe: {  	[sflag:s18] =	ssyncset.done $0x0  }
0xff: {  	[sflag:s18] =	ssyncadd.s32 $0xFFFFE000  }
0x100: {  	[bflag:$0x0] =	sbarrier.arrive $0xFFFF  }
0x101: {  	s25 =	rddreg [dreg:$0xa]  }
0x102: {  	s6 =	rddreg [dreg:$0xc]  }
0x103: {  	s11 =	rddreg [dreg:$0xf]  }
0x104: {  	[hbm:s6], [sflag:s25] =	dma.local @p0 [spmem:s11], $0x2F00  }
0x105: {  	s6 =	simm.s32 @p0 $0x3  }
0x106: {  	_ =	swait.ge @p0 [sflag:s6], $0x2F00  }
0x107: {  	[sflag:s6] =	ssyncset.done @p0 $0x0;
	s11 =	rddreg [dreg:$0x10]  }
0x108: {  	[sflag:s6] =	ssyncadd.s32 @p0 $0xFFFFD100;
	s6 =	rddreg [dreg:$0xb]  }
0x109: {  	[hbm:s6], [sflag:s25] =	dma.local @!p0 [spmem:s11], $0x3100  }
0x10a: {  	s6 =	simm.s32 @!p0 $0x3  }
0x10b: {  	_ =	swait.ge @!p0 [sflag:s6], $0x3100  }
0x10c: {  	s24 =	rddreg [dreg:$0x11]  }
0x10d: {  	s11 =	rddreg [dreg:$0xd];
	s24 =	sadd.s32 $0x1, s24  }
0x10e: {  	p1 =	sne.s32 s24, s11  }
.Ltmp1:
0x10f: {  	_ = 	snop;
	(pc) =	sbr.rel @p1 .LBB2_1-.Ltmp1, $3  }
0x110: {  	_ =	sdelay $0x1  }
0x111: {  	[sflag:s6] =	ssyncset.done @!p0 $0x0  }
0x112: {  	[sflag:s6] =	ssyncadd.s32 @!p0 $0xFFFFCF00  }
0x113: {  	_ =	sfence.sel $0x180000  }
0x114: {  	[bflag:$0x0] =	sbarrier.arrive $0xFFFF  }
0x115: {  	_ =	strace $0x90000050  }
0x116: {  	s0 =	stileid.u32;
	[bflag:$0x2] =	sbarrier.arrive $0xFFFF  }
0x117: {  	p0 =	sne.s32 s0, $0x0;
	s0 =	rddreg [dreg:$0x2]  }
0x118: {  	s0 =	sadd.s32 @!p0 $0x100000, s0  }
0x119: {  	[sflag:s0] =	ssyncadd.tile.s32 @!p0 $0x1;
	_ =	shalt  }
.Lfunc_end2:
_tile_overlayer_lowered:
.L_overlay_start_2:
0x11a: {  	(tag) =	ssettag $0x2  }
0x11b: {  	s0 =	rddreg [dreg:$0x0];
	s2 =	stileid.u32  }
0x11c: {  	s1 =	rddreg [dreg:$0x1];
	p0 =	sne.s32 s2, $0x0  }
0x11d: {  	s3 =	rddreg [dreg:$0x2];
	[bflag:$0x3] =	sbarrier.arrive $0xFFFF;
	s2 =	simm.s32 @!p0 $0x1C03  }
0x11e: {  	[timem:s3], [sflag:s2] =	dma.local @!p0 [hbm:s0], s1  }
0x11f: {  	s0 =	simm.s32 @!p0 $0x3  }
0x120: {  	_ =	swait.ge @!p0 [sflag:s0], s1  }
0x121: {  	s1 =	ssub.s32 @!p0 $0x0, s1;
	[sflag:s0] =	ssyncset.done @!p0 $0x0  }
0x122: {  	[sflag:s0] =	ssyncadd.s32 @!p0 s1  }
0x123: {  	[bflag:$0x3] =	sbarrier.arrive $0xFFFF  }
0x124: {  	_ =	shalt  }

</sc_bundles>
